<compile_context>
chip_gen: v7x
topology: tpu7x:2x2x1
jax: 0.10.2.dev20260603
libtpu: 0.0.44.dev20260713+nightly
codegen_flags: <defaults>
</compile_context>

<pallas_src>
import functools

import jax
import jax.numpy as jnp
from jax import lax
from jax.experimental import pallas as pl
from jax.experimental.pallas import tpu as pltpu
from jax.experimental.pallas import tpu_sc as plsc

N = 100000
E = 1600000
HID = 32
NR = N // 4
BLK = 1000
NB = NR // BLK
GBLK = 4 * BLK

SC_NC = 2
SC_NS = 16
SUB = 128
JJ = 8
CHUNK = JJ * SUB
KK = 98
EPT = KK * CHUNK
EPAD = SC_NS * EPT
ACC_R = 100096
ZCH = ACC_R // SC_NS
DCH = N // SC_NS


@functools.lru_cache(maxsize=None)
def _make_sc_scatter(halves):
    mesh = plsc.VectorSubcoreMesh(core_axis_name="c", subcore_axis_name="s",
                                  num_cores=SC_NC, num_subcores=SC_NS)

    @functools.partial(
        pl.kernel,
        out_type=jax.ShapeDtypeStruct((N, 2, 16), jnp.float32),
        mesh=mesh,
        scratch_types=[
            pltpu.VMEM_SHARED((ACC_R, 16), jnp.float32),
            pltpu.VMEM((JJ, SUB), jnp.int32),
            pltpu.VMEM((JJ, SUB), jnp.int32),
            pltpu.VMEM((CHUNK, 16), jnp.float32),
            pltpu.SemaphoreType.DMA,
        ],
        compiler_params=pltpu.CompilerParams(use_tc_tiling_on_sc=False),
    )
    def sc_scatter(h2, src2, dst2, zrows, out, acc, idx_v, dst_v, rows_v,
                   gsem):
        c = lax.axis_index("c")
        s = lax.axis_index("s")

        pltpu.sync_copy(zrows, acc.at[pl.ds(s * ZCH, ZCH)])
        plsc.subcore_barrier()

        hview = h2.at[pl.ds(0 if halves == 1 else c, 2 * N - 1)]

        def make_chunk_body(base):
            def chunk_body(k, _):
                row0 = base + k * JJ
                pltpu.sync_copy(src2.at[pl.ds(row0, JJ)], idx_v)
                pltpu.sync_copy(dst2.at[pl.ds(row0, JJ)], dst_v)
                descs = [
                    pltpu.async_copy(hview.at[idx_v.at[j]],
                                     rows_v.at[pl.ds(j * SUB, SUB)], gsem)
                    for j in range(JJ)
                ]
                for j in range(JJ):
                    descs[j].wait()
                    pltpu.sync_copy(rows_v.at[pl.ds(j * SUB, SUB)],
                                    acc.at[dst_v.at[j]], add=True)
                return 0
            return chunk_body

        if halves == 1:
            w = c * SC_NS + s
            lax.fori_loop(0, KK // 2,
                          make_chunk_body(w * (KK // 2 * JJ)), 0)
        else:
            lax.fori_loop(0, KK, make_chunk_body(s * (KK * JJ)), 0)

        plsc.subcore_barrier()
        pltpu.sync_copy(acc.at[pl.ds(s * DCH, DCH)],
                        out.at[pl.ds(s * DCH, DCH), c])

    return sc_scatter


def _form_m(a_ref, h_ref, agg_ref, l1):
    agg = agg_ref[...]
    if l1:
        pieces = []
        for g in range(4):
            p0 = agg[:, 32 * g:32 * g + 16]
            p1 = agg[:, 32 * g + 16:32 * g + 32]
            pieces += [p0 + p1, jnp.zeros_like(p1)]
        agg = jnp.concatenate(pieces, axis=1)
    return a_ref[0, 0] * h_ref[...] + agg


def _stats_body(l1, a_ref, h_ref, agg_ref, sum_out, m2_out, acc_sum, acc_m2):
    i = pl.program_id(0)

    @pl.when(i == 0)
    def _():
        acc_sum[...] = jnp.zeros_like(acc_sum)
        acc_m2[...] = jnp.zeros_like(acc_m2)

    m = _form_m(a_ref, h_ref, agg_ref, l1)
    acc_sum[...] += jnp.sum(m, axis=0, keepdims=True)
    acc_m2[...] += lax.dot_general(m, m, (((0,), (0,)), ((), ())),
                                   preferred_element_type=jnp.float32)

    @pl.when(i == NB - 1)
    def _():
        sum_out[...] = acc_sum[...]
        m2_out[...] = acc_m2[...]


def _stats_pass(a, h, agg, l1=False):
    return pl.pallas_call(
        functools.partial(_stats_body, l1),
        grid=(NB,),
        in_specs=[
            pl.BlockSpec(memory_space=pltpu.SMEM),
            pl.BlockSpec((BLK, 128), lambda i: (i, 0)),
            pl.BlockSpec((BLK, 128), lambda i: (i, 0)),
        ],
        out_specs=[
            pl.BlockSpec((1, 128), lambda i: (0, 0)),
            pl.BlockSpec((128, 128), lambda i: (0, 0)),
        ],
        out_shape=[
            jax.ShapeDtypeStruct((1, 128), jnp.float32),
            jax.ShapeDtypeStruct((128, 128), jnp.float32),
        ],
        scratch_shapes=[
            pltpu.VMEM((1, 128), jnp.float32),
            pltpu.VMEM((128, 128), jnp.float32),
        ],
    )(a, h, agg)


def _mlp_body(l1, a_ref, h_ref, agg_ref, w1_ref, b1_ref, w2_ref, b2_ref,
              y2_out, s_out, ss_out, acc_s, acc_ss):
    i = pl.program_id(0)

    @pl.when(i == 0)
    def _():
        acc_s[...] = jnp.zeros_like(acc_s)
        acc_ss[...] = jnp.zeros_like(acc_ss)

    m = _form_m(a_ref, h_ref, agg_ref, l1)
    y1 = jnp.dot(m, w1_ref[...], preferred_element_type=jnp.float32) + b1_ref[...]
    z = jnp.maximum(y1, 0.0)
    y2 = jnp.dot(z, w2_ref[...], preferred_element_type=jnp.float32) + b2_ref[...]
    y2_out[...] = y2
    acc_s[...] += jnp.sum(y2, axis=0, keepdims=True)
    acc_ss[...] += jnp.sum(y2 * y2, axis=0, keepdims=True)

    @pl.when(i == NB - 1)
    def _():
        s_out[...] = acc_s[...]
        ss_out[...] = acc_ss[...]


def _mlp_pass(a, h, agg, w1p, b1p, w2, b2, l1=False):
    return pl.pallas_call(
        functools.partial(_mlp_body, l1),
        grid=(NB,),
        in_specs=[
            pl.BlockSpec(memory_space=pltpu.SMEM),
            pl.BlockSpec((BLK, 128), lambda i: (i, 0)),
            pl.BlockSpec((BLK, 128), lambda i: (i, 0)),
            pl.BlockSpec((128, 128), lambda i: (0, 0)),
            pl.BlockSpec((1, 128), lambda i: (0, 0)),
            pl.BlockSpec((128, 128), lambda i: (0, 0)),
            pl.BlockSpec((1, 128), lambda i: (0, 0)),
        ],
        out_specs=[
            pl.BlockSpec((BLK, 128), lambda i: (i, 0)),
            pl.BlockSpec((1, 128), lambda i: (0, 0)),
            pl.BlockSpec((1, 128), lambda i: (0, 0)),
        ],
        out_shape=[
            jax.ShapeDtypeStruct((NR, 128), jnp.float32),
            jax.ShapeDtypeStruct((1, 128), jnp.float32),
            jax.ShapeDtypeStruct((1, 128), jnp.float32),
        ],
        scratch_shapes=[
            pltpu.VMEM((1, 128), jnp.float32),
            pltpu.VMEM((1, 128), jnp.float32),
        ],
    )(a, h, agg, w1p, b1p, w2, b2)


def _norm_body(y2_ref, sc_ref, bi_ref, wf_ref, accin_ref, h_out, acc_out):
    y2 = y2_ref[...]
    h = jnp.maximum(y2 * sc_ref[...] + bi_ref[...], 0.0)
    h_out[...] = h
    acc_out[...] = accin_ref[...] + jnp.dot(
        h, wf_ref[...], preferred_element_type=jnp.float32)


def _norm_pass(y2, scale, bias, wfp, accin):
    return pl.pallas_call(
        _norm_body,
        grid=(NB,),
        in_specs=[
            pl.BlockSpec((BLK, 128), lambda i: (i, 0)),
            pl.BlockSpec((1, 128), lambda i: (0, 0)),
            pl.BlockSpec((1, 128), lambda i: (0, 0)),
            pl.BlockSpec((128, 128), lambda i: (0, 0)),
            pl.BlockSpec((BLK, 128), lambda i: (i, 0)),
        ],
        out_specs=[
            pl.BlockSpec((BLK, 128), lambda i: (i, 0)),
            pl.BlockSpec((BLK, 128), lambda i: (i, 0)),
        ],
        out_shape=[
            jax.ShapeDtypeStruct((NR, 128), jnp.float32),
            jax.ShapeDtypeStruct((NR, 128), jnp.float32),
        ],
        input_output_aliases={4: 1},
    )(y2, scale, bias, wfp, accin)


def _build_body(t_ref, x0, x1, x2, x3, h_out):
    t = t_ref[0, 0]
    cols = []
    for xg in (x0, x1, x2, x3):
        xv = xg[...]
        pad = jnp.zeros((BLK, 20), jnp.float32)
        grp = jnp.concatenate([xv, pad], axis=1)
        col = lax.broadcasted_iota(jnp.int32, grp.shape, 1)
        grp = jnp.where(col == 12, t, grp)
        cols.append(grp)
    h_out[...] = jnp.concatenate(cols, axis=1)


def _build_pass(t, xs4):
    return pl.pallas_call(
        _build_body,
        grid=(NB,),
        in_specs=[pl.BlockSpec(memory_space=pltpu.SMEM)] + [
            pl.BlockSpec((BLK, 12), lambda i: (i, 0)) for _ in range(4)
        ],
        out_specs=pl.BlockSpec((BLK, 128), lambda i: (i, 0)),
        out_shape=jax.ShapeDtypeStruct((NR, 128), jnp.float32),
    )(t, *xs4)


def _final_body(ond_ref, oed_ref, bf_ref, acc_ref,
                x0, x1, x2, x3, m0, m1, m2, m3, o0, o1, o2, o3):
    acc = acc_ref[...]
    bf = bf_ref[...]
    xs = (x0, x1, x2, x3)
    ms = (m0, m1, m2, m3)
    outs = (o0, o1, o2, o3)
    for g in range(4):
        newx = acc[:, 32 * g:32 * g + 12] + bf
        x = xs[g][...]
        mc = ms[g][...]
        col = lax.broadcasted_iota(jnp.int32, x.shape, 1)
        incol1 = (col >= 1) & (col < ond_ref[0, 0] + 1)
        incol2 = (col >= 1) & (col < oed_ref[0, 0] + 1)
        nm = ((mc & 1) > 0) & incol1
        em = ((mc & 2) > 0) & incol2
        out = jnp.where(nm, newx, x)
        outs[g][...] = jnp.where(em, newx, out)


def _final_pass(ond, oed, bf, acc, xs4, ms4):
    outs = pl.pallas_call(
        _final_body,
        grid=(NB,),
        in_specs=[
            pl.BlockSpec(memory_space=pltpu.SMEM),
            pl.BlockSpec(memory_space=pltpu.SMEM),
            pl.BlockSpec((1, 12), lambda i: (0, 0)),
            pl.BlockSpec((BLK, 128), lambda i: (i, 0)),
        ] + [pl.BlockSpec((BLK, 12), lambda i: (i, 0)) for _ in range(4)]
          + [pl.BlockSpec((BLK, 1), lambda i: (i, 0)) for _ in range(4)],
        out_specs=[pl.BlockSpec((BLK, 12), lambda i: (i, 0)) for _ in range(4)],
        out_shape=[jax.ShapeDtypeStruct((NR, 12), jnp.float32)] * 4,
    )(ond, oed, bf, acc, *xs4, *ms4)
    return jnp.concatenate(outs, axis=0)


def _fold_bn1(sum128, m2128, w1, b1, g1, be1):
    sum_m = sum128.reshape(4, HID).sum(axis=0, keepdims=True)
    m2 = (m2128[0:32, 0:32] + m2128[32:64, 32:64]
          + m2128[64:96, 64:96] + m2128[96:128, 96:128])
    mu_m = sum_m / N
    cov = m2 / N - mu_m.T @ mu_m
    mu1 = mu_m @ w1 + b1
    var1 = jnp.sum(w1 * (cov @ w1), axis=0, keepdims=True)
    scale = g1 / jnp.sqrt(var1 + 1e-5)
    w1p = w1 * scale
    b1p = (b1 - mu1) * scale + be1
    return w1p, b1p


def _fold_bn2(s128, ss128, gn, bn):
    s = s128.reshape(4, HID).sum(axis=0, keepdims=True)
    ss = ss128.reshape(4, HID).sum(axis=0, keepdims=True)
    mu = s / N
    var = ss / N - mu * mu
    scale = gn / jnp.sqrt(var + 1e-5)
    bias = bn - mu * scale
    return scale, bias


def _blockdiag(w):
    return jnp.kron(jnp.eye(4, dtype=jnp.float32), w)


def kernel(x, t, edge_index, node_mask, edge_mask, ond, oed, params):
    layer_params, (wf, bf) = params
    src = edge_index[0]
    dst = edge_index[1]

    npad = EPAD - E
    qsrc = 2 * ((src % NR) * 4 + src // NR)
    qdst = (dst % NR) * 4 + dst // NR
    src2 = jnp.concatenate([qsrc, jnp.zeros((npad,), jnp.int32)]
                           ).reshape(-1, SUB)
    dst2 = jnp.concatenate([qdst, jnp.full((npad,), N, jnp.int32)]
                           ).reshape(-1, SUB)
    zrows = jnp.zeros((ZCH, 16), jnp.float32)

    xs4 = [x[g * NR:(g + 1) * NR] for g in range(4)]
    h = _build_pass(t.reshape(1, 1), xs4)

    acc = jnp.zeros((NR, 128), jnp.float32)
    for l, (eps, w1, b1, g1, be1, w2, b2, gn, bn) in enumerate(layer_params):
        if l == 0:
            w1 = jnp.concatenate([w1, jnp.zeros((HID - 13, HID), jnp.float32)], 0)
        a = (1.0 + eps).reshape(1, 1)
        sc_fn = _make_sc_scatter(1 if l == 0 else 2)
        agg = sc_fn(h.reshape(2 * N, 16), src2, dst2, zrows).reshape(NR, 128)
        sum128, m2128 = _stats_pass(a, h, agg, l1=(l == 0))
        w1p, b1p = _fold_bn1(sum128, m2128, w1, b1.reshape(1, -1),
                             g1.reshape(1, -1), be1.reshape(1, -1))
        y2, s128, ss128 = _mlp_pass(a, h, agg, _blockdiag(w1p),
                                    jnp.tile(b1p, (1, 4)), _blockdiag(w2),
                                    jnp.tile(b2.reshape(1, -1), (1, 4)),
                                    l1=(l == 0))
        scale2, bias2 = _fold_bn2(s128, ss128, gn.reshape(1, -1),
                                  bn.reshape(1, -1))
        wfp = jnp.pad(wf[l * HID:(l + 1) * HID], ((0, 0), (0, 20)))
        h, acc = _norm_pass(y2, jnp.tile(scale2, (1, 4)),
                            jnp.tile(bias2, (1, 4)), _blockdiag(wfp), acc)

    mcode = (node_mask.astype(jnp.int32)
             + 2 * edge_mask.astype(jnp.int32)).reshape(N, 1)
    ms4 = [mcode[g * NR:(g + 1) * NR] for g in range(4)]
    ondp = jnp.asarray(ond, jnp.int32).reshape(1, 1)
    oedp = jnp.asarray(oed, jnp.int32).reshape(1, 1)
    return _final_pass(ondp, oedp, bf.reshape(1, -1), acc, xs4, ms4)

# --- scband reference (transcript-rebuilt; emitter-appended) ---
"""Pipeline reference for scband-graph-reconstruction-gin-14035953123811 (READ-ONLY COPY).

The authoritative reference and input builder live on the scoring server;
editing this copy changes nothing except your own understanding.
"""

import jax, jax.numpy as jnp
import numpy as np

N = 100000
E = 1600000
NODE_DIM = 12
TIME_DIM = 1
HID = 32
LAYERS = 4


def _bn(x, g, b, eps=1e-5):
    m = jnp.mean(x, axis=0, keepdims=True)
    v = jnp.var(x, axis=0, keepdims=True)
    return (x - m) / jnp.sqrt(v + eps) * g + b


def setup_inputs(seed: int = 0):
    key = jax.random.key(seed)
    ks = jax.random.split(key, 32)
    x = jax.random.normal(ks[0], (N, NODE_DIM), dtype=jnp.float32)
    edge_index = jax.random.randint(ks[1], (2, E), 0, N)
    t = jax.random.uniform(ks[2], (1,), dtype=jnp.float32)
    node_mask = jax.random.bernoulli(ks[3], 0.5, (N,))
    edge_mask = jnp.logical_and(jax.random.bernoulli(ks[4], 0.5, (N,)), jnp.logical_not(node_mask))

    def glorot(k, shape):
        return jax.random.normal(k, shape, dtype=jnp.float32) * (1.0 / np.sqrt(shape[0]))

    layer_params = []
    kidx = 5
    in_dim = NODE_DIM + TIME_DIM
    for l in range(LAYERS):
        W1 = glorot(ks[kidx], (in_dim, HID)); kidx += 1
        b1 = jnp.zeros((HID,), jnp.float32)
        g1 = jnp.ones((HID,), jnp.float32)
        be1 = jnp.zeros((HID,), jnp.float32)
        W2 = glorot(ks[kidx], (HID, HID)); kidx += 1
        b2 = jnp.zeros((HID,), jnp.float32)
        eps = jnp.zeros((), jnp.float32)  # train_eps=True, init 0
        gn = jnp.ones((HID,), jnp.float32)
        bn = jnp.zeros((HID,), jnp.float32)
        layer_params.append((eps, W1, b1, g1, be1, W2, b2, gn, bn))
        in_dim = HID
    Wf = glorot(ks[kidx], (LAYERS * HID, NODE_DIM)); kidx += 1
    bf = jnp.zeros((NODE_DIM,), jnp.float32)
    params = (tuple(layer_params), (Wf, bf))
    return {"x": x, "t": t, "edge_index": edge_index, "node_mask": node_mask,
            "edge_mask": edge_mask, "ond": 5, "oed": 4, "params": params}


def _gnn(x_in, edge_index, params):
    layer_params, (Wf, bf) = params
    src = edge_index[0]
    dst = edge_index[1]
    h = x_in
    xs = []
    for (eps, W1, b1, g1, be1, W2, b2, gn, bn) in layer_params:
        # GINConv: nn((1+eps)*x + sum_{j in N(i)} x_j)
        agg = jnp.zeros_like(h).at[dst].add(h[src])
        m = (1.0 + eps) * h + agg
        # inner MLP [in, hid, hid]: lin -> BN -> ReLU -> lin (plain last)
        m = m @ W1 + b1
        m = _bn(m, g1, be1)
        m = jax.nn.relu(m)
        m = m @ W2 + b2
        # BasicGNN inter-layer: BatchNorm + ReLU (dropout: eval/identity)
        h = _bn(m, gn, bn)
        h = jax.nn.relu(h)
        xs.append(h)
    # jk='cat' then final linear to out_channels
    xcat = jnp.concatenate(xs, axis=1)
    return xcat @ Wf + bf


def reference(x, t, edge_index, node_mask, edge_mask, ond, oed, params):
    tcol = jnp.ones((x.shape[0], 1), dtype=x.dtype) * t[0]
    x_in = jnp.concatenate([x, tcol], axis=1)
    new_x = _gnn(x_in, edge_index, params)
    col = jnp.arange(x.shape[1])
    nm = node_mask[:, None] & (col >= 1) & (col < ond + 1)
    em = edge_mask[:, None] & (col >= 1) & (col < oed + 1)
    out = jnp.where(nm, new_x, x)
    out = jnp.where(em, new_x, out)
    return out

if __name__ == "__main__":
    import jax
    _d = setup_inputs()
    print(jax.jit(kernel)(*tuple(_d.values())))

</pallas_src>

<mosaic_0001>
#map = affine_map<(d0, d1) -> (0, 0)>
#map1 = affine_map<(d0, d1) -> (0, 0, 0)>
module attributes {stable_mosaic.version = 14 : i64} {
  func.func @sc_scatter(%arg0: i32, %arg1: i32, %arg2: memref<200000x16xf32, #tpu.memory_space<hbm>>, %arg3: memref<12544x128xi32, #tpu.memory_space<hbm>>, %arg4: memref<12544x128xi32, #tpu.memory_space<hbm>>, %arg5: memref<6256x16xf32, #tpu.memory_space<hbm>>, %arg6: memref<100000x2x16xf32, #tpu.memory_space<hbm>>, %arg7: memref<100096x16xf32, #tpu.memory_space<vmem_shared>>, %arg8: memref<8x128xi32, #tpu.memory_space<vmem>>, %arg9: memref<8x128xi32, #tpu.memory_space<vmem>>, %arg10: memref<1024x16xf32, #tpu.memory_space<vmem>>, %arg11: memref<!tpu.dma_semaphore, #tpu.memory_space<semaphore_mem>>) attributes {dimension_semantics = [#tpu.dimension_semantics<core_parallel>, #tpu.dimension_semantics<subcore_parallel>], iteration_bounds = array<i64: 2, 16>, scalar_prefetch = 0 : i64, scratch_operands = 5 : i64, tpu.core_type = #tpu.core_type<sc_vector_subcore>, window_params = [{transform_indices = #map}, {transform_indices = #map}, {transform_indices = #map}, {transform_indices = #map}, {transform_indices = #map1}]} {
    %mul3A = arith.constant 6256 : i32
    %mul3A_0 = arith.muli %arg1, %mul3A : i32
    "tpu.region"() ({
      %run_scoped3A = tpu.sem_alloc : memref<!tpu.dma_semaphore, #tpu.memory_space<semaphore_mem>>
      %dma_start3A = arith.constant 0 : i32
      %dma_start3A_14 = tpu.memref_slice %arg7[%mul3A_0, %dma_start3A] : memref<100096x16xf32, #tpu.memory_space<vmem_shared>> -> memref<6256x16xf32, #tpu.memory_space<vmem_shared>>
      tpu.enqueue_dma source(%arg5 : memref<6256x16xf32, #tpu.memory_space<hbm>>) target(%dma_start3A_14 : memref<6256x16xf32, #tpu.memory_space<vmem_shared>>) target_semaphore(%run_scoped3A : memref<!tpu.dma_semaphore, #tpu.memory_space<semaphore_mem>>)
      %dma_wait3A = arith.constant 0 : i32
      %dma_wait3A_15 = tpu.memref_slice %arg7[%mul3A_0, %dma_wait3A] : memref<100096x16xf32, #tpu.memory_space<vmem_shared>> -> memref<6256x16xf32, #tpu.memory_space<vmem_shared>>
      tpu.wait_dma2 semaphore(%run_scoped3A : memref<!tpu.dma_semaphore, #tpu.memory_space<semaphore_mem>>) src(%arg5 : memref<6256x16xf32, #tpu.memory_space<hbm>>) dst(%dma_wait3A_15 : memref<6256x16xf32, #tpu.memory_space<vmem_shared>>)
      tpu.yield
    }) : () -> ()
    %barrier3A = arith.constant 0 : index
    tpu.barrier barrier_id(%barrier3A)
    %mul3A_1 = arith.constant 784 : i32
    %mul3A_2 = arith.muli %arg1, %mul3A_1 : i32
    %scan3A = arith.constant 0 : i32
    %scan3A_3 = arith.constant 0 : i32
    %scan3A_4 = arith.constant 98 : i32
    %scan3A_5 = arith.addi %scan3A_3, %scan3A_4 : i32
    %scan3A_6 = arith.constant 1 : i32
    %scan3A_7 = scf.for %scan3A_14 = %scan3A_3 to %scan3A_5 step %scan3A_6 iter_args(%scan3A_15 = %scan3A) -> (i32)  : i32 {
      %mul3A_16 = arith.constant 8 : i32
      %mul3A_17 = arith.muli %scan3A_14, %mul3A_16 : i32
      %add3A = arith.addi %mul3A_2, %mul3A_17 : i32
      "tpu.region"() ({
        %run_scoped3A_216 = tpu.sem_alloc : memref<!tpu.dma_semaphore, #tpu.memory_space<semaphore_mem>>
        %dma_start3A_217 = arith.constant 0 : i32
        %dma_start3A_218 = tpu.memref_slice %arg3[%add3A, %dma_start3A_217] : memref<12544x128xi32, #tpu.memory_space<hbm>> -> memref<8x128xi32, #tpu.memory_space<hbm>>
        %dma_start3A_219 = arith.constant 0 : i32
        %dma_start3A_220 = tpu.memref_slice %arg3[%add3A, %dma_start3A_219] : memref<12544x128xi32, #tpu.memory_space<hbm>> -> memref<8x128xi32, #tpu.memory_space<hbm>>
        tpu.enqueue_dma source(%dma_start3A_220 : memref<8x128xi32, #tpu.memory_space<hbm>>) target(%arg8 : memref<8x128xi32, #tpu.memory_space<vmem>>) target_semaphore(%run_scoped3A_216 : memref<!tpu.dma_semaphore, #tpu.memory_space<semaphore_mem>>)
        %dma_wait3A_221 = arith.constant 0 : i32
        %dma_wait3A_222 = tpu.memref_slice %arg3[%add3A, %dma_wait3A_221] : memref<12544x128xi32, #tpu.memory_space<hbm>> -> memref<8x128xi32, #tpu.memory_space<hbm>>
        %dma_wait3A_223 = arith.constant 0 : i32
        %dma_wait3A_224 = tpu.memref_slice %arg3[%add3A, %dma_wait3A_223] : memref<12544x128xi32, #tpu.memory_space<hbm>> -> memref<8x128xi32, #tpu.memory_space<hbm>>
        tpu.wait_dma2 semaphore(%run_scoped3A_216 : memref<!tpu.dma_semaphore, #tpu.memory_space<semaphore_mem>>) src(%dma_wait3A_224 : memref<8x128xi32, #tpu.memory_space<hbm>>) dst(%arg8 : memref<8x128xi32, #tpu.memory_space<vmem>>)
        tpu.yield
      }) : () -> ()
      "tpu.region"() ({
        %run_scoped3A_216 = tpu.sem_alloc : memref<!tpu.dma_semaphore, #tpu.memory_space<semaphore_mem>>
        %dma_start3A_217 = arith.constant 0 : i32
        %dma_start3A_218 = tpu.memref_slice %arg4[%add3A, %dma_start3A_217] : memref<12544x128xi32, #tpu.memory_space<hbm>> -> memref<8x128xi32, #tpu.memory_space<hbm>>
        %dma_start3A_219 = arith.constant 0 : i32
        %dma_start3A_220 = tpu.memref_slice %arg4[%add3A, %dma_start3A_219] : memref<12544x128xi32, #tpu.memory_space<hbm>> -> memref<8x128xi32, #tpu.memory_space<hbm>>
        tpu.enqueue_dma source(%dma_start3A_220 : memref<8x128xi32, #tpu.memory_space<hbm>>) target(%arg9 : memref<8x128xi32, #tpu.memory_space<vmem>>) target_semaphore(%run_scoped3A_216 : memref<!tpu.dma_semaphore, #tpu.memory_space<semaphore_mem>>)
        %dma_wait3A_221 = arith.constant 0 : i32
        %dma_wait3A_222 = tpu.memref_slice %arg4[%add3A, %dma_wait3A_221] : memref<12544x128xi32, #tpu.memory_space<hbm>> -> memref<8x128xi32, #tpu.memory_space<hbm>>
        %dma_wait3A_223 = arith.constant 0 : i32
        %dma_wait3A_224 = tpu.memref_slice %arg4[%add3A, %dma_wait3A_223] : memref<12544x128xi32, #tpu.memory_space<hbm>> -> memref<8x128xi32, #tpu.memory_space<hbm>>
        tpu.wait_dma2 semaphore(%run_scoped3A_216 : memref<!tpu.dma_semaphore, #tpu.memory_space<semaphore_mem>>) src(%dma_wait3A_224 : memref<8x128xi32, #tpu.memory_space<hbm>>) dst(%arg9 : memref<8x128xi32, #tpu.memory_space<vmem>>)
        tpu.yield
      }) : () -> ()
      %dma_start3A = arith.constant 0 : i32
      %dma_start3A_18 = arith.constant 0 : i32
      %dma_start3A_19 = arith.constant 0 : i32
      %dma_start3A_20 = tpu.memref_slice %arg10[%dma_start3A_18, %dma_start3A_19] : memref<1024x16xf32, #tpu.memory_space<vmem>> -> memref<128x16xf32, #tpu.memory_space<vmem>>
      %dma_start3A_21 = arith.constant 0 : i32
      %dma_start3A_22 = tpu.memref_slice %arg8[%dma_start3A, %dma_start3A_21] : memref<8x128xi32, #tpu.memory_space<vmem>> -> memref<1x128xi32, #tpu.memory_space<vmem>>
      %dma_start3A_23 = tpu.memref_squeeze %dma_start3A_22 : memref<1x128xi32, #tpu.memory_space<vmem>> -> memref<128xi32, #tpu.memory_space<vmem>>
      %dma_start3A_24 = arith.constant 0 : i32
      %dma_start3A_25 = tpu.memref_slice %arg2[%arg0, %dma_start3A_24] : memref<200000x16xf32, #tpu.memory_space<hbm>> -> memref<199999x16xf32, #tpu.memory_space<hbm>>
      %dma_start3A_26 = arith.constant 0 : i32
      %dma_start3A_27 = arith.constant 0 : i32
      %dma_start3A_28 = tpu.memref_slice %dma_start3A_25[%dma_start3A_26, %dma_start3A_27] : memref<199999x16xf32, #tpu.memory_space<hbm>> -> memref<199999x16xf32, #tpu.memory_space<hbm>>
      tpu.enqueue_indirect_dma source(%dma_start3A_28 : memref<199999x16xf32, #tpu.memory_space<hbm>>) target(%dma_start3A_20 : memref<128x16xf32, #tpu.memory_space<vmem>>) offsets(%dma_start3A_23 : memref<128xi32, #tpu.memory_space<vmem>>) semaphore(%arg11 : memref<!tpu.dma_semaphore, #tpu.memory_space<semaphore_mem>>)
      %dma_start3A_29 = arith.constant 1 : i32
      %dma_start3A_30 = arith.constant 128 : i32
      %dma_start3A_31 = arith.constant 0 : i32
      %dma_start3A_32 = tpu.memref_slice %arg10[%dma_start3A_30, %dma_start3A_31] : memref<1024x16xf32, #tpu.memory_space<vmem>> -> memref<128x16xf32, #tpu.memory_space<vmem>>
      %dma_start3A_33 = arith.constant 0 : i32
      %dma_start3A_34 = tpu.memref_slice %arg8[%dma_start3A_29, %dma_start3A_33] : memref<8x128xi32, #tpu.memory_space<vmem>> -> memref<1x128xi32, #tpu.memory_space<vmem>>
      %dma_start3A_35 = tpu.memref_squeeze %dma_start3A_34 : memref<1x128xi32, #tpu.memory_space<vmem>> -> memref<128xi32, #tpu.memory_space<vmem>>
      %dma_start3A_36 = arith.constant 0 : i32
      %dma_start3A_37 = tpu.memref_slice %arg2[%arg0, %dma_start3A_36] : memref<200000x16xf32, #tpu.memory_space<hbm>> -> memref<199999x16xf32, #tpu.memory_space<hbm>>
      %dma_start3A_38 = arith.constant 0 : i32
      %dma_start3A_39 = arith.constant 0 : i32
      %dma_start3A_40 = tpu.memref_slice %dma_start3A_37[%dma_start3A_38, %dma_start3A_39] : memref<199999x16xf32, #tpu.memory_space<hbm>> -> memref<199999x16xf32, #tpu.memory_space<hbm>>
      tpu.enqueue_indirect_dma source(%dma_start3A_40 : memref<199999x16xf32, #tpu.memory_space<hbm>>) target(%dma_start3A_32 : memref<128x16xf32, #tpu.memory_space<vmem>>) offsets(%dma_start3A_35 : memref<128xi32, #tpu.memory_space<vmem>>) semaphore(%arg11 : memref<!tpu.dma_semaphore, #tpu.memory_space<semaphore_mem>>)
      %dma_start3A_41 = arith.constant 2 : i32
      %dma_start3A_42 = arith.constant 256 : i32
      %dma_start3A_43 = arith.constant 0 : i32
      %dma_start3A_44 = tpu.memref_slice %arg10[%dma_start3A_42, %dma_start3A_43] : memref<1024x16xf32, #tpu.memory_space<vmem>> -> memref<128x16xf32, #tpu.memory_space<vmem>>
      %dma_start3A_45 = arith.constant 0 : i32
      %dma_start3A_46 = tpu.memref_slice %arg8[%dma_start3A_41, %dma_start3A_45] : memref<8x128xi32, #tpu.memory_space<vmem>> -> memref<1x128xi32, #tpu.memory_space<vmem>>
      %dma_start3A_47 = tpu.memref_squeeze %dma_start3A_46 : memref<1x128xi32, #tpu.memory_space<vmem>> -> memref<128xi32, #tpu.memory_space<vmem>>
      %dma_start3A_48 = arith.constant 0 : i32
      %dma_start3A_49 = tpu.memref_slice %arg2[%arg0, %dma_start3A_48] : memref<200000x16xf32, #tpu.memory_space<hbm>> -> memref<199999x16xf32, #tpu.memory_space<hbm>>
      %dma_start3A_50 = arith.constant 0 : i32
      %dma_start3A_51 = arith.constant 0 : i32
      %dma_start3A_52 = tpu.memref_slice %dma_start3A_49[%dma_start3A_50, %dma_start3A_51] : memref<199999x16xf32, #tpu.memory_space<hbm>> -> memref<199999x16xf32, #tpu.memory_space<hbm>>
      tpu.enqueue_indirect_dma source(%dma_start3A_52 : memref<199999x16xf32, #tpu.memory_space<hbm>>) target(%dma_start3A_44 : memref<128x16xf32, #tpu.memory_space<vmem>>) offsets(%dma_start3A_47 : memref<128xi32, #tpu.memory_space<vmem>>) semaphore(%arg11 : memref<!tpu.dma_semaphore, #tpu.memory_space<semaphore_mem>>)
      %dma_start3A_53 = arith.constant 3 : i32
      %dma_start3A_54 = arith.constant 384 : i32
      %dma_start3A_55 = arith.constant 0 : i32
      %dma_start3A_56 = tpu.memref_slice %arg10[%dma_start3A_54, %dma_start3A_55] : memref<1024x16xf32, #tpu.memory_space<vmem>> -> memref<128x16xf32, #tpu.memory_space<vmem>>
      %dma_start3A_57 = arith.constant 0 : i32
      %dma_start3A_58 = tpu.memref_slice %arg8[%dma_start3A_53, %dma_start3A_57] : memref<8x128xi32, #tpu.memory_space<vmem>> -> memref<1x128xi32, #tpu.memory_space<vmem>>
      %dma_start3A_59 = tpu.memref_squeeze %dma_start3A_58 : memref<1x128xi32, #tpu.memory_space<vmem>> -> memref<128xi32, #tpu.memory_space<vmem>>
      %dma_start3A_60 = arith.constant 0 : i32
      %dma_start3A_61 = tpu.memref_slice %arg2[%arg0, %dma_start3A_60] : memref<200000x16xf32, #tpu.memory_space<hbm>> -> memref<199999x16xf32, #tpu.memory_space<hbm>>
      %dma_start3A_62 = arith.constant 0 : i32
      %dma_start3A_63 = arith.constant 0 : i32
      %dma_start3A_64 = tpu.memref_slice %dma_start3A_61[%dma_start3A_62, %dma_start3A_63] : memref<199999x16xf32, #tpu.memory_space<hbm>> -> memref<199999x16xf32, #tpu.memory_space<hbm>>
      tpu.enqueue_indirect_dma source(%dma_start3A_64 : memref<199999x16xf32, #tpu.memory_space<hbm>>) target(%dma_start3A_56 : memref<128x16xf32, #tpu.memory_space<vmem>>) offsets(%dma_start3A_59 : memref<128xi32, #tpu.memory_space<vmem>>) semaphore(%arg11 : memref<!tpu.dma_semaphore, #tpu.memory_space<semaphore_mem>>)
      %dma_start3A_65 = arith.constant 4 : i32
      %dma_start3A_66 = arith.constant 512 : i32
      %dma_start3A_67 = arith.constant 0 : i32
      %dma_start3A_68 = tpu.memref_slice %arg10[%dma_start3A_66, %dma_start3A_67] : memref<1024x16xf32, #tpu.memory_space<vmem>> -> memref<128x16xf32, #tpu.memory_space<vmem>>
      %dma_start3A_69 = arith.constant 0 : i32
      %dma_start3A_70 = tpu.memref_slice %arg8[%dma_start3A_65, %dma_start3A_69] : memref<8x128xi32, #tpu.memory_space<vmem>> -> memref<1x128xi32, #tpu.memory_space<vmem>>
      %dma_start3A_71 = tpu.memref_squeeze %dma_start3A_70 : memref<1x128xi32, #tpu.memory_space<vmem>> -> memref<128xi32, #tpu.memory_space<vmem>>
      %dma_start3A_72 = arith.constant 0 : i32
      %dma_start3A_73 = tpu.memref_slice %arg2[%arg0, %dma_start3A_72] : memref<200000x16xf32, #tpu.memory_space<hbm>> -> memref<199999x16xf32, #tpu.memory_space<hbm>>
      %dma_start3A_74 = arith.constant 0 : i32
      %dma_start3A_75 = arith.constant 0 : i32
      %dma_start3A_76 = tpu.memref_slice %dma_start3A_73[%dma_start3A_74, %dma_start3A_75] : memref<199999x16xf32, #tpu.memory_space<hbm>> -> memref<199999x16xf32, #tpu.memory_space<hbm>>
      tpu.enqueue_indirect_dma source(%dma_start3A_76 : memref<199999x16xf32, #tpu.memory_space<hbm>>) target(%dma_start3A_68 : memref<128x16xf32, #tpu.memory_space<vmem>>) offsets(%dma_start3A_71 : memref<128xi32, #tpu.memory_space<vmem>>) semaphore(%arg11 : memref<!tpu.dma_semaphore, #tpu.memory_space<semaphore_mem>>)
      %dma_start3A_77 = arith.constant 5 : i32
      %dma_start3A_78 = arith.constant 640 : i32
      %dma_start3A_79 = arith.constant 0 : i32
      %dma_start3A_80 = tpu.memref_slice %arg10[%dma_start3A_78, %dma_start3A_79] : memref<1024x16xf32, #tpu.memory_space<vmem>> -> memref<128x16xf32, #tpu.memory_space<vmem>>
      %dma_start3A_81 = arith.constant 0 : i32
      %dma_start3A_82 = tpu.memref_slice %arg8[%dma_start3A_77, %dma_start3A_81] : memref<8x128xi32, #tpu.memory_space<vmem>> -> memref<1x128xi32, #tpu.memory_space<vmem>>
      %dma_start3A_83 = tpu.memref_squeeze %dma_start3A_82 : memref<1x128xi32, #tpu.memory_space<vmem>> -> memref<128xi32, #tpu.memory_space<vmem>>
      %dma_start3A_84 = arith.constant 0 : i32
      %dma_start3A_85 = tpu.memref_slice %arg2[%arg0, %dma_start3A_84] : memref<200000x16xf32, #tpu.memory_space<hbm>> -> memref<199999x16xf32, #tpu.memory_space<hbm>>
      %dma_start3A_86 = arith.constant 0 : i32
      %dma_start3A_87 = arith.constant 0 : i32
      %dma_start3A_88 = tpu.memref_slice %dma_start3A_85[%dma_start3A_86, %dma_start3A_87] : memref<199999x16xf32, #tpu.memory_space<hbm>> -> memref<199999x16xf32, #tpu.memory_space<hbm>>
      tpu.enqueue_indirect_dma source(%dma_start3A_88 : memref<199999x16xf32, #tpu.memory_space<hbm>>) target(%dma_start3A_80 : memref<128x16xf32, #tpu.memory_space<vmem>>) offsets(%dma_start3A_83 : memref<128xi32, #tpu.memory_space<vmem>>) semaphore(%arg11 : memref<!tpu.dma_semaphore, #tpu.memory_space<semaphore_mem>>)
      %dma_start3A_89 = arith.constant 6 : i32
      %dma_start3A_90 = arith.constant 768 : i32
      %dma_start3A_91 = arith.constant 0 : i32
      %dma_start3A_92 = tpu.memref_slice %arg10[%dma_start3A_90, %dma_start3A_91] : memref<1024x16xf32, #tpu.memory_space<vmem>> -> memref<128x16xf32, #tpu.memory_space<vmem>>
      %dma_start3A_93 = arith.constant 0 : i32
      %dma_start3A_94 = tpu.memref_slice %arg8[%dma_start3A_89, %dma_start3A_93] : memref<8x128xi32, #tpu.memory_space<vmem>> -> memref<1x128xi32, #tpu.memory_space<vmem>>
      %dma_start3A_95 = tpu.memref_squeeze %dma_start3A_94 : memref<1x128xi32, #tpu.memory_space<vmem>> -> memref<128xi32, #tpu.memory_space<vmem>>
      %dma_start3A_96 = arith.constant 0 : i32
      %dma_start3A_97 = tpu.memref_slice %arg2[%arg0, %dma_start3A_96] : memref<200000x16xf32, #tpu.memory_space<hbm>> -> memref<199999x16xf32, #tpu.memory_space<hbm>>
      %dma_start3A_98 = arith.constant 0 : i32
      %dma_start3A_99 = arith.constant 0 : i32
      %dma_start3A_100 = tpu.memref_slice %dma_start3A_97[%dma_start3A_98, %dma_start3A_99] : memref<199999x16xf32, #tpu.memory_space<hbm>> -> memref<199999x16xf32, #tpu.memory_space<hbm>>
      tpu.enqueue_indirect_dma source(%dma_start3A_100 : memref<199999x16xf32, #tpu.memory_space<hbm>>) target(%dma_start3A_92 : memref<128x16xf32, #tpu.memory_space<vmem>>) offsets(%dma_start3A_95 : memref<128xi32, #tpu.memory_space<vmem>>) semaphore(%arg11 : memref<!tpu.dma_semaphore, #tpu.memory_space<semaphore_mem>>)
      %dma_start3A_101 = arith.constant 7 : i32
      %dma_start3A_102 = arith.constant 896 : i32
      %dma_start3A_103 = arith.constant 0 : i32
      %dma_start3A_104 = tpu.memref_slice %arg10[%dma_start3A_102, %dma_start3A_103] : memref<1024x16xf32, #tpu.memory_space<vmem>> -> memref<128x16xf32, #tpu.memory_space<vmem>>
      %dma_start3A_105 = arith.constant 0 : i32
      %dma_start3A_106 = tpu.memref_slice %arg8[%dma_start3A_101, %dma_start3A_105] : memref<8x128xi32, #tpu.memory_space<vmem>> -> memref<1x128xi32, #tpu.memory_space<vmem>>
      %dma_start3A_107 = tpu.memref_squeeze %dma_start3A_106 : memref<1x128xi32, #tpu.memory_space<vmem>> -> memref<128xi32, #tpu.memory_space<vmem>>
      %dma_start3A_108 = arith.constant 0 : i32
      %dma_start3A_109 = tpu.memref_slice %arg2[%arg0, %dma_start3A_108] : memref<200000x16xf32, #tpu.memory_space<hbm>> -> memref<199999x16xf32, #tpu.memory_space<hbm>>
      %dma_start3A_110 = arith.constant 0 : i32
      %dma_start3A_111 = arith.constant 0 : i32
      %dma_start3A_112 = tpu.memref_slice %dma_start3A_109[%dma_start3A_110, %dma_start3A_111] : memref<199999x16xf32, #tpu.memory_space<hbm>> -> memref<199999x16xf32, #tpu.memory_space<hbm>>
      tpu.enqueue_indirect_dma source(%dma_start3A_112 : memref<199999x16xf32, #tpu.memory_space<hbm>>) target(%dma_start3A_104 : memref<128x16xf32, #tpu.memory_space<vmem>>) offsets(%dma_start3A_107 : memref<128xi32, #tpu.memory_space<vmem>>) semaphore(%arg11 : memref<!tpu.dma_semaphore, #tpu.memory_space<semaphore_mem>>)
      %dma_wait3A = arith.constant 0 : i32
      %dma_wait3A_113 = arith.constant 0 : i32
      %dma_wait3A_114 = arith.constant 0 : i32
      %dma_wait3A_115 = tpu.memref_slice %arg10[%dma_wait3A_113, %dma_wait3A_114] : memref<1024x16xf32, #tpu.memory_space<vmem>> -> memref<128x16xf32, #tpu.memory_space<vmem>>
      %dma_wait3A_116 = arith.constant 0 : i32
      %dma_wait3A_117 = tpu.memref_slice %arg8[%dma_wait3A, %dma_wait3A_116] : memref<8x128xi32, #tpu.memory_space<vmem>> -> memref<1x128xi32, #tpu.memory_space<vmem>>
      %dma_wait3A_118 = tpu.memref_squeeze %dma_wait3A_117 : memref<1x128xi32, #tpu.memory_space<vmem>> -> memref<128xi32, #tpu.memory_space<vmem>>
      %dma_wait3A_119 = arith.constant 0 : i32
      %dma_wait3A_120 = tpu.memref_slice %arg2[%arg0, %dma_wait3A_119] : memref<200000x16xf32, #tpu.memory_space<hbm>> -> memref<199999x16xf32, #tpu.memory_space<hbm>>
      %dma_wait3A_121 = arith.constant 0 : i32
      %dma_wait3A_122 = arith.constant 0 : i32
      %dma_wait3A_123 = tpu.memref_slice %dma_wait3A_120[%dma_wait3A_121, %dma_wait3A_122] : memref<199999x16xf32, #tpu.memory_space<hbm>> -> memref<199999x16xf32, #tpu.memory_space<hbm>>
      tpu.wait_indirect_dma semaphore(%arg11 : memref<!tpu.dma_semaphore, #tpu.memory_space<semaphore_mem>>) src(%dma_wait3A_123 : memref<199999x16xf32, #tpu.memory_space<hbm>>) dst(%dma_wait3A_115 : memref<128x16xf32, #tpu.memory_space<vmem>>)
      %run_scoped3A = arith.constant 0 : i32
      "tpu.region"() ({
        %run_scoped3A_216 = tpu.sem_alloc : memref<!tpu.dma_semaphore, #tpu.memory_space<semaphore_mem>>
        %dma_start3A_217 = arith.constant 0 : i32
        %dma_start3A_218 = arith.constant 0 : i32
        %dma_start3A_219 = tpu.memref_slice %arg10[%dma_start3A_217, %dma_start3A_218] : memref<1024x16xf32, #tpu.memory_space<vmem>> -> memref<128x16xf32, #tpu.memory_space<vmem>>
        %dma_start3A_220 = arith.constant 0 : i32
        %dma_start3A_221 = tpu.memref_slice %arg9[%run_scoped3A, %dma_start3A_220] : memref<8x128xi32, #tpu.memory_space<vmem>> -> memref<1x128xi32, #tpu.memory_space<vmem>>
        %dma_start3A_222 = tpu.memref_squeeze %dma_start3A_221 : memref<1x128xi32, #tpu.memory_space<vmem>> -> memref<128xi32, #tpu.memory_space<vmem>>
        %dma_start3A_223 = arith.constant 0 : i32
        %dma_start3A_224 = arith.constant 0 : i32
        %dma_start3A_225 = tpu.memref_slice %arg7[%dma_start3A_223, %dma_start3A_224] : memref<100096x16xf32, #tpu.memory_space<vmem_shared>> -> memref<100096x16xf32, #tpu.memory_space<vmem_shared>>
        tpu.enqueue_indirect_dma source(%dma_start3A_219 : memref<128x16xf32, #tpu.memory_space<vmem>>) target(%dma_start3A_225 : memref<100096x16xf32, #tpu.memory_space<vmem_shared>>) offsets(%dma_start3A_222 : memref<128xi32, #tpu.memory_space<vmem>>) semaphore(%run_scoped3A_216 : memref<!tpu.dma_semaphore, #tpu.memory_space<semaphore_mem>>) {add = true}
        %dma_wait3A_226 = arith.constant 0 : i32
        %dma_wait3A_227 = arith.constant 0 : i32
        %dma_wait3A_228 = tpu.memref_slice %arg10[%dma_wait3A_226, %dma_wait3A_227] : memref<1024x16xf32, #tpu.memory_space<vmem>> -> memref<128x16xf32, #tpu.memory_space<vmem>>
        %dma_wait3A_229 = arith.constant 0 : i32
        %dma_wait3A_230 = tpu.memref_slice %arg9[%run_scoped3A, %dma_wait3A_229] : memref<8x128xi32, #tpu.memory_space<vmem>> -> memref<1x128xi32, #tpu.memory_space<vmem>>
        %dma_wait3A_231 = tpu.memref_squeeze %dma_wait3A_230 : memref<1x128xi32, #tpu.memory_space<vmem>> -> memref<128xi32, #tpu.memory_space<vmem>>
        %dma_wait3A_232 = arith.constant 0 : i32
        %dma_wait3A_233 = arith.constant 0 : i32
        %dma_wait3A_234 = tpu.memref_slice %arg7[%dma_wait3A_232, %dma_wait3A_233] : memref<100096x16xf32, #tpu.memory_space<vmem_shared>> -> memref<100096x16xf32, #tpu.memory_space<vmem_shared>>
        tpu.wait_indirect_dma semaphore(%run_scoped3A_216 : memref<!tpu.dma_semaphore, #tpu.memory_space<semaphore_mem>>) src(%dma_wait3A_228 : memref<128x16xf32, #tpu.memory_space<vmem>>) dst(%dma_wait3A_234 : memref<100096x16xf32, #tpu.memory_space<vmem_shared>>)
        tpu.yield
      }) : () -> ()
      %dma_wait3A_124 = arith.constant 1 : i32
      %dma_wait3A_125 = arith.constant 128 : i32
      %dma_wait3A_126 = arith.constant 0 : i32
      %dma_wait3A_127 = tpu.memref_slice %arg10[%dma_wait3A_125, %dma_wait3A_126] : memref<1024x16xf32, #tpu.memory_space<vmem>> -> memref<128x16xf32, #tpu.memory_space<vmem>>
      %dma_wait3A_128 = arith.constant 0 : i32
      %dma_wait3A_129 = tpu.memref_slice %arg8[%dma_wait3A_124, %dma_wait3A_128] : memref<8x128xi32, #tpu.memory_space<vmem>> -> memref<1x128xi32, #tpu.memory_space<vmem>>
      %dma_wait3A_130 = tpu.memref_squeeze %dma_wait3A_129 : memref<1x128xi32, #tpu.memory_space<vmem>> -> memref<128xi32, #tpu.memory_space<vmem>>
      %dma_wait3A_131 = arith.constant 0 : i32
      %dma_wait3A_132 = tpu.memref_slice %arg2[%arg0, %dma_wait3A_131] : memref<200000x16xf32, #tpu.memory_space<hbm>> -> memref<199999x16xf32, #tpu.memory_space<hbm>>
      %dma_wait3A_133 = arith.constant 0 : i32
      %dma_wait3A_134 = arith.constant 0 : i32
      %dma_wait3A_135 = tpu.memref_slice %dma_wait3A_132[%dma_wait3A_133, %dma_wait3A_134] : memref<199999x16xf32, #tpu.memory_space<hbm>> -> memref<199999x16xf32, #tpu.memory_space<hbm>>
      tpu.wait_indirect_dma semaphore(%arg11 : memref<!tpu.dma_semaphore, #tpu.memory_space<semaphore_mem>>) src(%dma_wait3A_135 : memref<199999x16xf32, #tpu.memory_space<hbm>>) dst(%dma_wait3A_127 : memref<128x16xf32, #tpu.memory_space<vmem>>)
      %run_scoped3A_136 = arith.constant 1 : i32
      "tpu.region"() ({
        %run_scoped3A_216 = tpu.sem_alloc : memref<!tpu.dma_semaphore, #tpu.memory_space<semaphore_mem>>
        %dma_start3A_217 = arith.constant 128 : i32
        %dma_start3A_218 = arith.constant 0 : i32
        %dma_start3A_219 = tpu.memref_slice %arg10[%dma_start3A_217, %dma_start3A_218] : memref<1024x16xf32, #tpu.memory_space<vmem>> -> memref<128x16xf32, #tpu.memory_space<vmem>>
        %dma_start3A_220 = arith.constant 0 : i32
        %dma_start3A_221 = tpu.memref_slice %arg9[%run_scoped3A_136, %dma_start3A_220] : memref<8x128xi32, #tpu.memory_space<vmem>> -> memref<1x128xi32, #tpu.memory_space<vmem>>
        %dma_start3A_222 = tpu.memref_squeeze %dma_start3A_221 : memref<1x128xi32, #tpu.memory_space<vmem>> -> memref<128xi32, #tpu.memory_space<vmem>>
        %dma_start3A_223 = arith.constant 0 : i32
        %dma_start3A_224 = arith.constant 0 : i32
        %dma_start3A_225 = tpu.memref_slice %arg7[%dma_start3A_223, %dma_start3A_224] : memref<100096x16xf32, #tpu.memory_space<vmem_shared>> -> memref<100096x16xf32, #tpu.memory_space<vmem_shared>>
        tpu.enqueue_indirect_dma source(%dma_start3A_219 : memref<128x16xf32, #tpu.memory_space<vmem>>) target(%dma_start3A_225 : memref<100096x16xf32, #tpu.memory_space<vmem_shared>>) offsets(%dma_start3A_222 : memref<128xi32, #tpu.memory_space<vmem>>) semaphore(%run_scoped3A_216 : memref<!tpu.dma_semaphore, #tpu.memory_space<semaphore_mem>>) {add = true}
        %dma_wait3A_226 = arith.constant 128 : i32
        %dma_wait3A_227 = arith.constant 0 : i32
        %dma_wait3A_228 = tpu.memref_slice %arg10[%dma_wait3A_226, %dma_wait3A_227] : memref<1024x16xf32, #tpu.memory_space<vmem>> -> memref<128x16xf32, #tpu.memory_space<vmem>>
        %dma_wait3A_229 = arith.constant 0 : i32
        %dma_wait3A_230 = tpu.memref_slice %arg9[%run_scoped3A_136, %dma_wait3A_229] : memref<8x128xi32, #tpu.memory_space<vmem>> -> memref<1x128xi32, #tpu.memory_space<vmem>>
        %dma_wait3A_231 = tpu.memref_squeeze %dma_wait3A_230 : memref<1x128xi32, #tpu.memory_space<vmem>> -> memref<128xi32, #tpu.memory_space<vmem>>
        %dma_wait3A_232 = arith.constant 0 : i32
        %dma_wait3A_233 = arith.constant 0 : i32
        %dma_wait3A_234 = tpu.memref_slice %arg7[%dma_wait3A_232, %dma_wait3A_233] : memref<100096x16xf32, #tpu.memory_space<vmem_shared>> -> memref<100096x16xf32, #tpu.memory_space<vmem_shared>>
        tpu.wait_indirect_dma semaphore(%run_scoped3A_216 : memref<!tpu.dma_semaphore, #tpu.memory_space<semaphore_mem>>) src(%dma_wait3A_228 : memref<128x16xf32, #tpu.memory_space<vmem>>) dst(%dma_wait3A_234 : memref<100096x16xf32, #tpu.memory_space<vmem_shared>>)
        tpu.yield
      }) : () -> ()
      %dma_wait3A_137 = arith.constant 2 : i32
      %dma_wait3A_138 = arith.constant 256 : i32
      %dma_wait3A_139 = arith.constant 0 : i32
      %dma_wait3A_140 = tpu.memref_slice %arg10[%dma_wait3A_138, %dma_wait3A_139] : memref<1024x16xf32, #tpu.memory_space<vmem>> -> memref<128x16xf32, #tpu.memory_space<vmem>>
      %dma_wait3A_141 = arith.constant 0 : i32
      %dma_wait3A_142 = tpu.memref_slice %arg8[%dma_wait3A_137, %dma_wait3A_141] : memref<8x128xi32, #tpu.memory_space<vmem>> -> memref<1x128xi32, #tpu.memory_space<vmem>>
      %dma_wait3A_143 = tpu.memref_squeeze %dma_wait3A_142 : memref<1x128xi32, #tpu.memory_space<vmem>> -> memref<128xi32, #tpu.memory_space<vmem>>
      %dma_wait3A_144 = arith.constant 0 : i32
      %dma_wait3A_145 = tpu.memref_slice %arg2[%arg0, %dma_wait3A_144] : memref<200000x16xf32, #tpu.memory_space<hbm>> -> memref<199999x16xf32, #tpu.memory_space<hbm>>
      %dma_wait3A_146 = arith.constant 0 : i32
      %dma_wait3A_147 = arith.constant 0 : i32
      %dma_wait3A_148 = tpu.memref_slice %dma_wait3A_145[%dma_wait3A_146, %dma_wait3A_147] : memref<199999x16xf32, #tpu.memory_space<hbm>> -> memref<199999x16xf32, #tpu.memory_space<hbm>>
      tpu.wait_indirect_dma semaphore(%arg11 : memref<!tpu.dma_semaphore, #tpu.memory_space<semaphore_mem>>) src(%dma_wait3A_148 : memref<199999x16xf32, #tpu.memory_space<hbm>>) dst(%dma_wait3A_140 : memref<128x16xf32, #tpu.memory_space<vmem>>)
      %run_scoped3A_149 = arith.constant 2 : i32
      "tpu.region"() ({
        %run_scoped3A_216 = tpu.sem_alloc : memref<!tpu.dma_semaphore, #tpu.memory_space<semaphore_mem>>
        %dma_start3A_217 = arith.constant 256 : i32
        %dma_start3A_218 = arith.constant 0 : i32
        %dma_start3A_219 = tpu.memref_slice %arg10[%dma_start3A_217, %dma_start3A_218] : memref<1024x16xf32, #tpu.memory_space<vmem>> -> memref<128x16xf32, #tpu.memory_space<vmem>>
        %dma_start3A_220 = arith.constant 0 : i32
        %dma_start3A_221 = tpu.memref_slice %arg9[%run_scoped3A_149, %dma_start3A_220] : memref<8x128xi32, #tpu.memory_space<vmem>> -> memref<1x128xi32, #tpu.memory_space<vmem>>
        %dma_start3A_222 = tpu.memref_squeeze %dma_start3A_221 : memref<1x128xi32, #tpu.memory_space<vmem>> -> memref<128xi32, #tpu.memory_space<vmem>>
        %dma_start3A_223 = arith.constant 0 : i32
        %dma_start3A_224 = arith.constant 0 : i32
        %dma_start3A_225 = tpu.memref_slice %arg7[%dma_start3A_223, %dma_start3A_224] : memref<100096x16xf32, #tpu.memory_space<vmem_shared>> -> memref<100096x16xf32, #tpu.memory_space<vmem_shared>>
        tpu.enqueue_indirect_dma source(%dma_start3A_219 : memref<128x16xf32, #tpu.memory_space<vmem>>) target(%dma_start3A_225 : memref<100096x16xf32, #tpu.memory_space<vmem_shared>>) offsets(%dma_start3A_222 : memref<128xi32, #tpu.memory_space<vmem>>) semaphore(%run_scoped3A_216 : memref<!tpu.dma_semaphore, #tpu.memory_space<semaphore_mem>>) {add = true}
        %dma_wait3A_226 = arith.constant 256 : i32
        %dma_wait3A_227 = arith.constant 0 : i32
        %dma_wait3A_228 = tpu.memref_slice %arg10[%dma_wait3A_226, %dma_wait3A_227] : memref<1024x16xf32, #tpu.memory_space<vmem>> -> memref<128x16xf32, #tpu.memory_space<vmem>>
        %dma_wait3A_229 = arith.constant 0 : i32
        %dma_wait3A_230 = tpu.memref_slice %arg9[%run_scoped3A_149, %dma_wait3A_229] : memref<8x128xi32, #tpu.memory_space<vmem>> -> memref<1x128xi32, #tpu.memory_space<vmem>>
        %dma_wait3A_231 = tpu.memref_squeeze %dma_wait3A_230 : memref<1x128xi32, #tpu.memory_space<vmem>> -> memref<128xi32, #tpu.memory_space<vmem>>
        %dma_wait3A_232 = arith.constant 0 : i32
        %dma_wait3A_233 = arith.constant 0 : i32
        %dma_wait3A_234 = tpu.memref_slice %arg7[%dma_wait3A_232, %dma_wait3A_233] : memref<100096x16xf32, #tpu.memory_space<vmem_shared>> -> memref<100096x16xf32, #tpu.memory_space<vmem_shared>>
        tpu.wait_indirect_dma semaphore(%run_scoped3A_216 : memref<!tpu.dma_semaphore, #tpu.memory_space<semaphore_mem>>) src(%dma_wait3A_228 : memref<128x16xf32, #tpu.memory_space<vmem>>) dst(%dma_wait3A_234 : memref<100096x16xf32, #tpu.memory_space<vmem_shared>>)
        tpu.yield
      }) : () -> ()
      %dma_wait3A_150 = arith.constant 3 : i32
      %dma_wait3A_151 = arith.constant 384 : i32
      %dma_wait3A_152 = arith.constant 0 : i32
      %dma_wait3A_153 = tpu.memref_slice %arg10[%dma_wait3A_151, %dma_wait3A_152] : memref<1024x16xf32, #tpu.memory_space<vmem>> -> memref<128x16xf32, #tpu.memory_space<vmem>>
      %dma_wait3A_154 = arith.constant 0 : i32
      %dma_wait3A_155 = tpu.memref_slice %arg8[%dma_wait3A_150, %dma_wait3A_154] : memref<8x128xi32, #tpu.memory_space<vmem>> -> memref<1x128xi32, #tpu.memory_space<vmem>>
      %dma_wait3A_156 = tpu.memref_squeeze %dma_wait3A_155 : memref<1x128xi32, #tpu.memory_space<vmem>> -> memref<128xi32, #tpu.memory_space<vmem>>
      %dma_wait3A_157 = arith.constant 0 : i32
      %dma_wait3A_158 = tpu.memref_slice %arg2[%arg0, %dma_wait3A_157] : memref<200000x16xf32, #tpu.memory_space<hbm>> -> memref<199999x16xf32, #tpu.memory_space<hbm>>
      %dma_wait3A_159 = arith.constant 0 : i32
      %dma_wait3A_160 = arith.constant 0 : i32
      %dma_wait3A_161 = tpu.memref_slice %dma_wait3A_158[%dma_wait3A_159, %dma_wait3A_160] : memref<199999x16xf32, #tpu.memory_space<hbm>> -> memref<199999x16xf32, #tpu.memory_space<hbm>>
      tpu.wait_indirect_dma semaphore(%arg11 : memref<!tpu.dma_semaphore, #tpu.memory_space<semaphore_mem>>) src(%dma_wait3A_161 : memref<199999x16xf32, #tpu.memory_space<hbm>>) dst(%dma_wait3A_153 : memref<128x16xf32, #tpu.memory_space<vmem>>)
      %run_scoped3A_162 = arith.constant 3 : i32
      "tpu.region"() ({
        %run_scoped3A_216 = tpu.sem_alloc : memref<!tpu.dma_semaphore, #tpu.memory_space<semaphore_mem>>
        %dma_start3A_217 = arith.constant 384 : i32
        %dma_start3A_218 = arith.constant 0 : i32
        %dma_start3A_219 = tpu.memref_slice %arg10[%dma_start3A_217, %dma_start3A_218] : memref<1024x16xf32, #tpu.memory_space<vmem>> -> memref<128x16xf32, #tpu.memory_space<vmem>>
        %dma_start3A_220 = arith.constant 0 : i32
        %dma_start3A_221 = tpu.memref_slice %arg9[%run_scoped3A_162, %dma_start3A_220] : memref<8x128xi32, #tpu.memory_space<vmem>> -> memref<1x128xi32, #tpu.memory_space<vmem>>
        %dma_start3A_222 = tpu.memref_squeeze %dma_start3A_221 : memref<1x128xi32, #tpu.memory_space<vmem>> -> memref<128xi32, #tpu.memory_space<vmem>>
        %dma_start3A_223 = arith.constant 0 : i32
        %dma_start3A_224 = arith.constant 0 : i32
        %dma_start3A_225 = tpu.memref_slice %arg7[%dma_start3A_223, %dma_start3A_224] : memref<100096x16xf32, #tpu.memory_space<vmem_shared>> -> memref<100096x16xf32, #tpu.memory_space<vmem_shared>>
        tpu.enqueue_indirect_dma source(%dma_start3A_219 : memref<128x16xf32, #tpu.memory_space<vmem>>) target(%dma_start3A_225 : memref<100096x16xf32, #tpu.memory_space<vmem_shared>>) offsets(%dma_start3A_222 : memref<128xi32, #tpu.memory_space<vmem>>) semaphore(%run_scoped3A_216 : memref<!tpu.dma_semaphore, #tpu.memory_space<semaphore_mem>>) {add = true}
        %dma_wait3A_226 = arith.constant 384 : i32
        %dma_wait3A_227 = arith.constant 0 : i32
        %dma_wait3A_228 = tpu.memref_slice %arg10[%dma_wait3A_226, %dma_wait3A_227] : memref<1024x16xf32, #tpu.memory_space<vmem>> -> memref<128x16xf32, #tpu.memory_space<vmem>>
        %dma_wait3A_229 = arith.constant 0 : i32
        %dma_wait3A_230 = tpu.memref_slice %arg9[%run_scoped3A_162, %dma_wait3A_229] : memref<8x128xi32, #tpu.memory_space<vmem>> -> memref<1x128xi32, #tpu.memory_space<vmem>>
        %dma_wait3A_231 = tpu.memref_squeeze %dma_wait3A_230 : memref<1x128xi32, #tpu.memory_space<vmem>> -> memref<128xi32, #tpu.memory_space<vmem>>
        %dma_wait3A_232 = arith.constant 0 : i32
        %dma_wait3A_233 = arith.constant 0 : i32
        %dma_wait3A_234 = tpu.memref_slice %arg7[%dma_wait3A_232, %dma_wait3A_233] : memref<100096x16xf32, #tpu.memory_space<vmem_shared>> -> memref<100096x16xf32, #tpu.memory_space<vmem_shared>>
        tpu.wait_indirect_dma semaphore(%run_scoped3A_216 : memref<!tpu.dma_semaphore, #tpu.memory_space<semaphore_mem>>) src(%dma_wait3A_228 : memref<128x16xf32, #tpu.memory_space<vmem>>) dst(%dma_wait3A_234 : memref<100096x16xf32, #tpu.memory_space<vmem_shared>>)
        tpu.yield
      }) : () -> ()
      %dma_wait3A_163 = arith.constant 4 : i32
      %dma_wait3A_164 = arith.constant 512 : i32
      %dma_wait3A_165 = arith.constant 0 : i32
      %dma_wait3A_166 = tpu.memref_slice %arg10[%dma_wait3A_164, %dma_wait3A_165] : memref<1024x16xf32, #tpu.memory_space<vmem>> -> memref<128x16xf32, #tpu.memory_space<vmem>>
      %dma_wait3A_167 = arith.constant 0 : i32
      %dma_wait3A_168 = tpu.memref_slice %arg8[%dma_wait3A_163, %dma_wait3A_167] : memref<8x128xi32, #tpu.memory_space<vmem>> -> memref<1x128xi32, #tpu.memory_space<vmem>>
      %dma_wait3A_169 = tpu.memref_squeeze %dma_wait3A_168 : memref<1x128xi32, #tpu.memory_space<vmem>> -> memref<128xi32, #tpu.memory_space<vmem>>
      %dma_wait3A_170 = arith.constant 0 : i32
      %dma_wait3A_171 = tpu.memref_slice %arg2[%arg0, %dma_wait3A_170] : memref<200000x16xf32, #tpu.memory_space<hbm>> -> memref<199999x16xf32, #tpu.memory_space<hbm>>
      %dma_wait3A_172 = arith.constant 0 : i32
      %dma_wait3A_173 = arith.constant 0 : i32
      %dma_wait3A_174 = tpu.memref_slice %dma_wait3A_171[%dma_wait3A_172, %dma_wait3A_173] : memref<199999x16xf32, #tpu.memory_space<hbm>> -> memref<199999x16xf32, #tpu.memory_space<hbm>>
      tpu.wait_indirect_dma semaphore(%arg11 : memref<!tpu.dma_semaphore, #tpu.memory_space<semaphore_mem>>) src(%dma_wait3A_174 : memref<199999x16xf32, #tpu.memory_space<hbm>>) dst(%dma_wait3A_166 : memref<128x16xf32, #tpu.memory_space<vmem>>)
      %run_scoped3A_175 = arith.constant 4 : i32
      "tpu.region"() ({
        %run_scoped3A_216 = tpu.sem_alloc : memref<!tpu.dma_semaphore, #tpu.memory_space<semaphore_mem>>
        %dma_start3A_217 = arith.constant 512 : i32
        %dma_start3A_218 = arith.constant 0 : i32
        %dma_start3A_219 = tpu.memref_slice %arg10[%dma_start3A_217, %dma_start3A_218] : memref<1024x16xf32, #tpu.memory_space<vmem>> -> memref<128x16xf32, #tpu.memory_space<vmem>>
        %dma_start3A_220 = arith.constant 0 : i32
        %dma_start3A_221 = tpu.memref_slice %arg9[%run_scoped3A_175, %dma_start3A_220] : memref<8x128xi32, #tpu.memory_space<vmem>> -> memref<1x128xi32, #tpu.memory_space<vmem>>
        %dma_start3A_222 = tpu.memref_squeeze %dma_start3A_221 : memref<1x128xi32, #tpu.memory_space<vmem>> -> memref<128xi32, #tpu.memory_space<vmem>>
        %dma_start3A_223 = arith.constant 0 : i32
        %dma_start3A_224 = arith.constant 0 : i32
        %dma_start3A_225 = tpu.memref_slice %arg7[%dma_start3A_223, %dma_start3A_224] : memref<100096x16xf32, #tpu.memory_space<vmem_shared>> -> memref<100096x16xf32, #tpu.memory_space<vmem_shared>>
        tpu.enqueue_indirect_dma source(%dma_start3A_219 : memref<128x16xf32, #tpu.memory_space<vmem>>) target(%dma_start3A_225 : memref<100096x16xf32, #tpu.memory_space<vmem_shared>>) offsets(%dma_start3A_222 : memref<128xi32, #tpu.memory_space<vmem>>) semaphore(%run_scoped3A_216 : memref<!tpu.dma_semaphore, #tpu.memory_space<semaphore_mem>>) {add = true}
        %dma_wait3A_226 = arith.constant 512 : i32
        %dma_wait3A_227 = arith.constant 0 : i32
        %dma_wait3A_228 = tpu.memref_slice %arg10[%dma_wait3A_226, %dma_wait3A_227] : memref<1024x16xf32, #tpu.memory_space<vmem>> -> memref<128x16xf32, #tpu.memory_space<vmem>>
        %dma_wait3A_229 = arith.constant 0 : i32
        %dma_wait3A_230 = tpu.memref_slice %arg9[%run_scoped3A_175, %dma_wait3A_229] : memref<8x128xi32, #tpu.memory_space<vmem>> -> memref<1x128xi32, #tpu.memory_space<vmem>>
        %dma_wait3A_231 = tpu.memref_squeeze %dma_wait3A_230 : memref<1x128xi32, #tpu.memory_space<vmem>> -> memref<128xi32, #tpu.memory_space<vmem>>
        %dma_wait3A_232 = arith.constant 0 : i32
        %dma_wait3A_233 = arith.constant 0 : i32
        %dma_wait3A_234 = tpu.memref_slice %arg7[%dma_wait3A_232, %dma_wait3A_233] : memref<100096x16xf32, #tpu.memory_space<vmem_shared>> -> memref<100096x16xf32, #tpu.memory_space<vmem_shared>>
        tpu.wait_indirect_dma semaphore(%run_scoped3A_216 : memref<!tpu.dma_semaphore, #tpu.memory_space<semaphore_mem>>) src(%dma_wait3A_228 : memref<128x16xf32, #tpu.memory_space<vmem>>) dst(%dma_wait3A_234 : memref<100096x16xf32, #tpu.memory_space<vmem_shared>>)
        tpu.yield
      }) : () -> ()
      %dma_wait3A_176 = arith.constant 5 : i32
      %dma_wait3A_177 = arith.constant 640 : i32
      %dma_wait3A_178 = arith.constant 0 : i32
      %dma_wait3A_179 = tpu.memref_slice %arg10[%dma_wait3A_177, %dma_wait3A_178] : memref<1024x16xf32, #tpu.memory_space<vmem>> -> memref<128x16xf32, #tpu.memory_space<vmem>>
      %dma_wait3A_180 = arith.constant 0 : i32
      %dma_wait3A_181 = tpu.memref_slice %arg8[%dma_wait3A_176, %dma_wait3A_180] : memref<8x128xi32, #tpu.memory_space<vmem>> -> memref<1x128xi32, #tpu.memory_space<vmem>>
      %dma_wait3A_182 = tpu.memref_squeeze %dma_wait3A_181 : memref<1x128xi32, #tpu.memory_space<vmem>> -> memref<128xi32, #tpu.memory_space<vmem>>
      %dma_wait3A_183 = arith.constant 0 : i32
      %dma_wait3A_184 = tpu.memref_slice %arg2[%arg0, %dma_wait3A_183] : memref<200000x16xf32, #tpu.memory_space<hbm>> -> memref<199999x16xf32, #tpu.memory_space<hbm>>
      %dma_wait3A_185 = arith.constant 0 : i32
      %dma_wait3A_186 = arith.constant 0 : i32
      %dma_wait3A_187 = tpu.memref_slice %dma_wait3A_184[%dma_wait3A_185, %dma_wait3A_186] : memref<199999x16xf32, #tpu.memory_space<hbm>> -> memref<199999x16xf32, #tpu.memory_space<hbm>>
      tpu.wait_indirect_dma semaphore(%arg11 : memref<!tpu.dma_semaphore, #tpu.memory_space<semaphore_mem>>) src(%dma_wait3A_187 : memref<199999x16xf32, #tpu.memory_space<hbm>>) dst(%dma_wait3A_179 : memref<128x16xf32, #tpu.memory_space<vmem>>)
      %run_scoped3A_188 = arith.constant 5 : i32
      "tpu.region"() ({
        %run_scoped3A_216 = tpu.sem_alloc : memref<!tpu.dma_semaphore, #tpu.memory_space<semaphore_mem>>
        %dma_start3A_217 = arith.constant 640 : i32
        %dma_start3A_218 = arith.constant 0 : i32
        %dma_start3A_219 = tpu.memref_slice %arg10[%dma_start3A_217, %dma_start3A_218] : memref<1024x16xf32, #tpu.memory_space<vmem>> -> memref<128x16xf32, #tpu.memory_space<vmem>>
        %dma_start3A_220 = arith.constant 0 : i32
        %dma_start3A_221 = tpu.memref_slice %arg9[%run_scoped3A_188, %dma_start3A_220] : memref<8x128xi32, #tpu.memory_space<vmem>> -> memref<1x128xi32, #tpu.memory_space<vmem>>
        %dma_start3A_222 = tpu.memref_squeeze %dma_start3A_221 : memref<1x128xi32, #tpu.memory_space<vmem>> -> memref<128xi32, #tpu.memory_space<vmem>>
        %dma_start3A_223 = arith.constant 0 : i32
        %dma_start3A_224 = arith.constant 0 : i32
        %dma_start3A_225 = tpu.memref_slice %arg7[%dma_start3A_223, %dma_start3A_224] : memref<100096x16xf32, #tpu.memory_space<vmem_shared>> -> memref<100096x16xf32, #tpu.memory_space<vmem_shared>>
        tpu.enqueue_indirect_dma source(%dma_start3A_219 : memref<128x16xf32, #tpu.memory_space<vmem>>) target(%dma_start3A_225 : memref<100096x16xf32, #tpu.memory_space<vmem_shared>>) offsets(%dma_start3A_222 : memref<128xi32, #tpu.memory_space<vmem>>) semaphore(%run_scoped3A_216 : memref<!tpu.dma_semaphore, #tpu.memory_space<semaphore_mem>>) {add = true}
        %dma_wait3A_226 = arith.constant 640 : i32
        %dma_wait3A_227 = arith.constant 0 : i32
        %dma_wait3A_228 = tpu.memref_slice %arg10[%dma_wait3A_226, %dma_wait3A_227] : memref<1024x16xf32, #tpu.memory_space<vmem>> -> memref<128x16xf32, #tpu.memory_space<vmem>>
        %dma_wait3A_229 = arith.constant 0 : i32
        %dma_wait3A_230 = tpu.memref_slice %arg9[%run_scoped3A_188, %dma_wait3A_229] : memref<8x128xi32, #tpu.memory_space<vmem>> -> memref<1x128xi32, #tpu.memory_space<vmem>>
        %dma_wait3A_231 = tpu.memref_squeeze %dma_wait3A_230 : memref<1x128xi32, #tpu.memory_space<vmem>> -> memref<128xi32, #tpu.memory_space<vmem>>
        %dma_wait3A_232 = arith.constant 0 : i32
        %dma_wait3A_233 = arith.constant 0 : i32
        %dma_wait3A_234 = tpu.memref_slice %arg7[%dma_wait3A_232, %dma_wait3A_233] : memref<100096x16xf32, #tpu.memory_space<vmem_shared>> -> memref<100096x16xf32, #tpu.memory_space<vmem_shared>>
        tpu.wait_indirect_dma semaphore(%run_scoped3A_216 : memref<!tpu.dma_semaphore, #tpu.memory_space<semaphore_mem>>) src(%dma_wait3A_228 : memref<128x16xf32, #tpu.memory_space<vmem>>) dst(%dma_wait3A_234 : memref<100096x16xf32, #tpu.memory_space<vmem_shared>>)
        tpu.yield
      }) : () -> ()
      %dma_wait3A_189 = arith.constant 6 : i32
      %dma_wait3A_190 = arith.constant 768 : i32
      %dma_wait3A_191 = arith.constant 0 : i32
      %dma_wait3A_192 = tpu.memref_slice %arg10[%dma_wait3A_190, %dma_wait3A_191] : memref<1024x16xf32, #tpu.memory_space<vmem>> -> memref<128x16xf32, #tpu.memory_space<vmem>>
      %dma_wait3A_193 = arith.constant 0 : i32
      %dma_wait3A_194 = tpu.memref_slice %arg8[%dma_wait3A_189, %dma_wait3A_193] : memref<8x128xi32, #tpu.memory_space<vmem>> -> memref<1x128xi32, #tpu.memory_space<vmem>>
      %dma_wait3A_195 = tpu.memref_squeeze %dma_wait3A_194 : memref<1x128xi32, #tpu.memory_space<vmem>> -> memref<128xi32, #tpu.memory_space<vmem>>
      %dma_wait3A_196 = arith.constant 0 : i32
      %dma_wait3A_197 = tpu.memref_slice %arg2[%arg0, %dma_wait3A_196] : memref<200000x16xf32, #tpu.memory_space<hbm>> -> memref<199999x16xf32, #tpu.memory_space<hbm>>
      %dma_wait3A_198 = arith.constant 0 : i32
      %dma_wait3A_199 = arith.constant 0 : i32
      %dma_wait3A_200 = tpu.memref_slice %dma_wait3A_197[%dma_wait3A_198, %dma_wait3A_199] : memref<199999x16xf32, #tpu.memory_space<hbm>> -> memref<199999x16xf32, #tpu.memory_space<hbm>>
      tpu.wait_indirect_dma semaphore(%arg11 : memref<!tpu.dma_semaphore, #tpu.memory_space<semaphore_mem>>) src(%dma_wait3A_200 : memref<199999x16xf32, #tpu.memory_space<hbm>>) dst(%dma_wait3A_192 : memref<128x16xf32, #tpu.memory_space<vmem>>)
      %run_scoped3A_201 = arith.constant 6 : i32
      "tpu.region"() ({
        %run_scoped3A_216 = tpu.sem_alloc : memref<!tpu.dma_semaphore, #tpu.memory_space<semaphore_mem>>
        %dma_start3A_217 = arith.constant 768 : i32
        %dma_start3A_218 = arith.constant 0 : i32
        %dma_start3A_219 = tpu.memref_slice %arg10[%dma_start3A_217, %dma_start3A_218] : memref<1024x16xf32, #tpu.memory_space<vmem>> -> memref<128x16xf32, #tpu.memory_space<vmem>>
        %dma_start3A_220 = arith.constant 0 : i32
        %dma_start3A_221 = tpu.memref_slice %arg9[%run_scoped3A_201, %dma_start3A_220] : memref<8x128xi32, #tpu.memory_space<vmem>> -> memref<1x128xi32, #tpu.memory_space<vmem>>
        %dma_start3A_222 = tpu.memref_squeeze %dma_start3A_221 : memref<1x128xi32, #tpu.memory_space<vmem>> -> memref<128xi32, #tpu.memory_space<vmem>>
        %dma_start3A_223 = arith.constant 0 : i32
        %dma_start3A_224 = arith.constant 0 : i32
        %dma_start3A_225 = tpu.memref_slice %arg7[%dma_start3A_223, %dma_start3A_224] : memref<100096x16xf32, #tpu.memory_space<vmem_shared>> -> memref<100096x16xf32, #tpu.memory_space<vmem_shared>>
        tpu.enqueue_indirect_dma source(%dma_start3A_219 : memref<128x16xf32, #tpu.memory_space<vmem>>) target(%dma_start3A_225 : memref<100096x16xf32, #tpu.memory_space<vmem_shared>>) offsets(%dma_start3A_222 : memref<128xi32, #tpu.memory_space<vmem>>) semaphore(%run_scoped3A_216 : memref<!tpu.dma_semaphore, #tpu.memory_space<semaphore_mem>>) {add = true}
        %dma_wait3A_226 = arith.constant 768 : i32
        %dma_wait3A_227 = arith.constant 0 : i32
        %dma_wait3A_228 = tpu.memref_slice %arg10[%dma_wait3A_226, %dma_wait3A_227] : memref<1024x16xf32, #tpu.memory_space<vmem>> -> memref<128x16xf32, #tpu.memory_space<vmem>>
        %dma_wait3A_229 = arith.constant 0 : i32
        %dma_wait3A_230 = tpu.memref_slice %arg9[%run_scoped3A_201, %dma_wait3A_229] : memref<8x128xi32, #tpu.memory_space<vmem>> -> memref<1x128xi32, #tpu.memory_space<vmem>>
        %dma_wait3A_231 = tpu.memref_squeeze %dma_wait3A_230 : memref<1x128xi32, #tpu.memory_space<vmem>> -> memref<128xi32, #tpu.memory_space<vmem>>
        %dma_wait3A_232 = arith.constant 0 : i32
        %dma_wait3A_233 = arith.constant 0 : i32
        %dma_wait3A_234 = tpu.memref_slice %arg7[%dma_wait3A_232, %dma_wait3A_233] : memref<100096x16xf32, #tpu.memory_space<vmem_shared>> -> memref<100096x16xf32, #tpu.memory_space<vmem_shared>>
        tpu.wait_indirect_dma semaphore(%run_scoped3A_216 : memref<!tpu.dma_semaphore, #tpu.memory_space<semaphore_mem>>) src(%dma_wait3A_228 : memref<128x16xf32, #tpu.memory_space<vmem>>) dst(%dma_wait3A_234 : memref<100096x16xf32, #tpu.memory_space<vmem_shared>>)
        tpu.yield
      }) : () -> ()
      %dma_wait3A_202 = arith.constant 7 : i32
      %dma_wait3A_203 = arith.constant 896 : i32
      %dma_wait3A_204 = arith.constant 0 : i32
      %dma_wait3A_205 = tpu.memref_slice %arg10[%dma_wait3A_203, %dma_wait3A_204] : memref<1024x16xf32, #tpu.memory_space<vmem>> -> memref<128x16xf32, #tpu.memory_space<vmem>>
      %dma_wait3A_206 = arith.constant 0 : i32
      %dma_wait3A_207 = tpu.memref_slice %arg8[%dma_wait3A_202, %dma_wait3A_206] : memref<8x128xi32, #tpu.memory_space<vmem>> -> memref<1x128xi32, #tpu.memory_space<vmem>>
      %dma_wait3A_208 = tpu.memref_squeeze %dma_wait3A_207 : memref<1x128xi32, #tpu.memory_space<vmem>> -> memref<128xi32, #tpu.memory_space<vmem>>
      %dma_wait3A_209 = arith.constant 0 : i32
      %dma_wait3A_210 = tpu.memref_slice %arg2[%arg0, %dma_wait3A_209] : memref<200000x16xf32, #tpu.memory_space<hbm>> -> memref<199999x16xf32, #tpu.memory_space<hbm>>
      %dma_wait3A_211 = arith.constant 0 : i32
      %dma_wait3A_212 = arith.constant 0 : i32
      %dma_wait3A_213 = tpu.memref_slice %dma_wait3A_210[%dma_wait3A_211, %dma_wait3A_212] : memref<199999x16xf32, #tpu.memory_space<hbm>> -> memref<199999x16xf32, #tpu.memory_space<hbm>>
      tpu.wait_indirect_dma semaphore(%arg11 : memref<!tpu.dma_semaphore, #tpu.memory_space<semaphore_mem>>) src(%dma_wait3A_213 : memref<199999x16xf32, #tpu.memory_space<hbm>>) dst(%dma_wait3A_205 : memref<128x16xf32, #tpu.memory_space<vmem>>)
      %run_scoped3A_214 = arith.constant 7 : i32
      "tpu.region"() ({
        %run_scoped3A_216 = tpu.sem_alloc : memref<!tpu.dma_semaphore, #tpu.memory_space<semaphore_mem>>
        %dma_start3A_217 = arith.constant 896 : i32
        %dma_start3A_218 = arith.constant 0 : i32
        %dma_start3A_219 = tpu.memref_slice %arg10[%dma_start3A_217, %dma_start3A_218] : memref<1024x16xf32, #tpu.memory_space<vmem>> -> memref<128x16xf32, #tpu.memory_space<vmem>>
        %dma_start3A_220 = arith.constant 0 : i32
        %dma_start3A_221 = tpu.memref_slice %arg9[%run_scoped3A_214, %dma_start3A_220] : memref<8x128xi32, #tpu.memory_space<vmem>> -> memref<1x128xi32, #tpu.memory_space<vmem>>
        %dma_start3A_222 = tpu.memref_squeeze %dma_start3A_221 : memref<1x128xi32, #tpu.memory_space<vmem>> -> memref<128xi32, #tpu.memory_space<vmem>>
        %dma_start3A_223 = arith.constant 0 : i32
        %dma_start3A_224 = arith.constant 0 : i32
        %dma_start3A_225 = tpu.memref_slice %arg7[%dma_start3A_223, %dma_start3A_224] : memref<100096x16xf32, #tpu.memory_space<vmem_shared>> -> memref<100096x16xf32, #tpu.memory_space<vmem_shared>>
        tpu.enqueue_indirect_dma source(%dma_start3A_219 : memref<128x16xf32, #tpu.memory_space<vmem>>) target(%dma_start3A_225 : memref<100096x16xf32, #tpu.memory_space<vmem_shared>>) offsets(%dma_start3A_222 : memref<128xi32, #tpu.memory_space<vmem>>) semaphore(%run_scoped3A_216 : memref<!tpu.dma_semaphore, #tpu.memory_space<semaphore_mem>>) {add = true}
        %dma_wait3A_226 = arith.constant 896 : i32
        %dma_wait3A_227 = arith.constant 0 : i32
        %dma_wait3A_228 = tpu.memref_slice %arg10[%dma_wait3A_226, %dma_wait3A_227] : memref<1024x16xf32, #tpu.memory_space<vmem>> -> memref<128x16xf32, #tpu.memory_space<vmem>>
        %dma_wait3A_229 = arith.constant 0 : i32
        %dma_wait3A_230 = tpu.memref_slice %arg9[%run_scoped3A_214, %dma_wait3A_229] : memref<8x128xi32, #tpu.memory_space<vmem>> -> memref<1x128xi32, #tpu.memory_space<vmem>>
        %dma_wait3A_231 = tpu.memref_squeeze %dma_wait3A_230 : memref<1x128xi32, #tpu.memory_space<vmem>> -> memref<128xi32, #tpu.memory_space<vmem>>
        %dma_wait3A_232 = arith.constant 0 : i32
        %dma_wait3A_233 = arith.constant 0 : i32
        %dma_wait3A_234 = tpu.memref_slice %arg7[%dma_wait3A_232, %dma_wait3A_233] : memref<100096x16xf32, #tpu.memory_space<vmem_shared>> -> memref<100096x16xf32, #tpu.memory_space<vmem_shared>>
        tpu.wait_indirect_dma semaphore(%run_scoped3A_216 : memref<!tpu.dma_semaphore, #tpu.memory_space<semaphore_mem>>) src(%dma_wait3A_228 : memref<128x16xf32, #tpu.memory_space<vmem>>) dst(%dma_wait3A_234 : memref<100096x16xf32, #tpu.memory_space<vmem_shared>>)
        tpu.yield
      }) : () -> ()
      %scan3A_215 = arith.constant 0 : i32
      scf.yield %scan3A_215 : i32
    }
    %scan3A_8 = arith.constant 98 : i32
    %barrier3A_9 = arith.constant 0 : index
    tpu.barrier barrier_id(%barrier3A_9)
    %mul3A_10 = arith.constant 6250 : i32
    %mul3A_11 = arith.muli %arg1, %mul3A_10 : i32
    %mul3A_12 = arith.constant 6250 : i32
    %mul3A_13 = arith.muli %arg1, %mul3A_12 : i32
    "tpu.region"() ({
      %run_scoped3A = tpu.sem_alloc : memref<!tpu.dma_semaphore, #tpu.memory_space<semaphore_mem>>
      %dma_start3A = arith.constant 0 : i32
      %dma_start3A_14 = tpu.memref_slice %arg6[%mul3A_13, %arg0, %dma_start3A] : memref<100000x2x16xf32, #tpu.memory_space<hbm>> -> memref<6250x1x16xf32, #tpu.memory_space<hbm>>
      %dma_start3A_15 = tpu.memref_squeeze %dma_start3A_14 : memref<6250x1x16xf32, #tpu.memory_space<hbm>> -> memref<6250x16xf32, #tpu.memory_space<hbm>>
      %dma_start3A_16 = arith.constant 0 : i32
      %dma_start3A_17 = tpu.memref_slice %arg7[%mul3A_11, %dma_start3A_16] : memref<100096x16xf32, #tpu.memory_space<vmem_shared>> -> memref<6250x16xf32, #tpu.memory_space<vmem_shared>>
      tpu.enqueue_dma source(%dma_start3A_17 : memref<6250x16xf32, #tpu.memory_space<vmem_shared>>) target(%dma_start3A_15 : memref<6250x16xf32, #tpu.memory_space<hbm>>) target_semaphore(%run_scoped3A : memref<!tpu.dma_semaphore, #tpu.memory_space<semaphore_mem>>)
      %dma_wait3A = arith.constant 0 : i32
      %dma_wait3A_18 = tpu.memref_slice %arg6[%mul3A_13, %arg0, %dma_wait3A] : memref<100000x2x16xf32, #tpu.memory_space<hbm>> -> memref<6250x1x16xf32, #tpu.memory_space<hbm>>
      %dma_wait3A_19 = tpu.memref_squeeze %dma_wait3A_18 : memref<6250x1x16xf32, #tpu.memory_space<hbm>> -> memref<6250x16xf32, #tpu.memory_space<hbm>>
      %dma_wait3A_20 = arith.constant 0 : i32
      %dma_wait3A_21 = tpu.memref_slice %arg7[%mul3A_11, %dma_wait3A_20] : memref<100096x16xf32, #tpu.memory_space<vmem_shared>> -> memref<6250x16xf32, #tpu.memory_space<vmem_shared>>
      tpu.wait_dma2 semaphore(%run_scoped3A : memref<!tpu.dma_semaphore, #tpu.memory_space<semaphore_mem>>) src(%dma_wait3A_21 : memref<6250x16xf32, #tpu.memory_space<vmem_shared>>) dst(%dma_wait3A_19 : memref<6250x16xf32, #tpu.memory_space<hbm>>)
      tpu.yield
    }) : () -> ()
    return
  }
}

#map = affine_map<(d0, d1) -> (0, 0)>
#map1 = affine_map<(d0, d1) -> (0, 0, 0)>
module attributes {stable_mosaic.version = 14 : i64} {
  func.func @sc_scatter(%arg0: i32, %arg1: i32, %arg2: memref<200000x16xf32, #tpu.memory_space<hbm>>, %arg3: memref<12544x128xi32, #tpu.memory_space<hbm>>, %arg4: memref<12544x128xi32, #tpu.memory_space<hbm>>, %arg5: memref<6256x16xf32, #tpu.memory_space<hbm>>, %arg6: memref<100000x2x16xf32, #tpu.memory_space<hbm>>, %arg7: memref<100096x16xf32, #tpu.memory_space<vmem_shared>>, %arg8: memref<8x128xi32, #tpu.memory_space<vmem>>, %arg9: memref<8x128xi32, #tpu.memory_space<vmem>>, %arg10: memref<1024x16xf32, #tpu.memory_space<vmem>>, %arg11: memref<!tpu.dma_semaphore, #tpu.memory_space<semaphore_mem>>) attributes {dimension_semantics = [#tpu.dimension_semantics<core_parallel>, #tpu.dimension_semantics<subcore_parallel>], iteration_bounds = array<i64: 2, 16>, scalar_prefetch = 0 : i64, scratch_operands = 5 : i64, tpu.core_type = #tpu.core_type<sc_vector_subcore>, window_params = [{transform_indices = #map}, {transform_indices = #map}, {transform_indices = #map}, {transform_indices = #map}, {transform_indices = #map1}]} {
    %mul3A = arith.constant 6256 : i32
    %mul3A_0 = arith.muli %arg1, %mul3A : i32
    "tpu.region"() ({
      %run_scoped3A = tpu.sem_alloc : memref<!tpu.dma_semaphore, #tpu.memory_space<semaphore_mem>>
      %dma_start3A = arith.constant 0 : i32
      %dma_start3A_14 = tpu.memref_slice %arg7[%mul3A_0, %dma_start3A] : memref<100096x16xf32, #tpu.memory_space<vmem_shared>> -> memref<6256x16xf32, #tpu.memory_space<vmem_shared>>
      tpu.enqueue_dma source(%arg5 : memref<6256x16xf32, #tpu.memory_space<hbm>>) target(%dma_start3A_14 : memref<6256x16xf32, #tpu.memory_space<vmem_shared>>) target_semaphore(%run_scoped3A : memref<!tpu.dma_semaphore, #tpu.memory_space<semaphore_mem>>)
      %dma_wait3A = arith.constant 0 : i32
      %dma_wait3A_15 = tpu.memref_slice %arg7[%mul3A_0, %dma_wait3A] : memref<100096x16xf32, #tpu.memory_space<vmem_shared>> -> memref<6256x16xf32, #tpu.memory_space<vmem_shared>>
      tpu.wait_dma2 semaphore(%run_scoped3A : memref<!tpu.dma_semaphore, #tpu.memory_space<semaphore_mem>>) src(%arg5 : memref<6256x16xf32, #tpu.memory_space<hbm>>) dst(%dma_wait3A_15 : memref<6256x16xf32, #tpu.memory_space<vmem_shared>>)
      tpu.yield
    }) : () -> ()
    %barrier3A = arith.constant 0 : index
    tpu.barrier barrier_id(%barrier3A)
    %mul3A_1 = arith.constant 784 : i32
    %mul3A_2 = arith.muli %arg1, %mul3A_1 : i32
    %scan3A = arith.constant 0 : i32
    %scan3A_3 = arith.constant 0 : i32
    %scan3A_4 = arith.constant 98 : i32
    %scan3A_5 = arith.addi %scan3A_3, %scan3A_4 : i32
    %scan3A_6 = arith.constant 1 : i32
    %scan3A_7 = scf.for %scan3A_14 = %scan3A_3 to %scan3A_5 step %scan3A_6 iter_args(%scan3A_15 = %scan3A) -> (i32)  : i32 {
      %mul3A_16 = arith.constant 8 : i32
      %mul3A_17 = arith.muli %scan3A_14, %mul3A_16 : i32
      %add3A = arith.addi %mul3A_2, %mul3A_17 : i32
      "tpu.region"() ({
        %run_scoped3A_216 = tpu.sem_alloc : memref<!tpu.dma_semaphore, #tpu.memory_space<semaphore_mem>>
        %dma_start3A_217 = arith.constant 0 : i32
        %dma_start3A_218 = tpu.memref_slice %arg3[%add3A, %dma_start3A_217] : memref<12544x128xi32, #tpu.memory_space<hbm>> -> memref<8x128xi32, #tpu.memory_space<hbm>>
        %dma_start3A_219 = arith.constant 0 : i32
        %dma_start3A_220 = tpu.memref_slice %arg3[%add3A, %dma_start3A_219] : memref<12544x128xi32, #tpu.memory_space<hbm>> -> memref<8x128xi32, #tpu.memory_space<hbm>>
        tpu.enqueue_dma source(%dma_start3A_220 : memref<8x128xi32, #tpu.memory_space<hbm>>) target(%arg8 : memref<8x128xi32, #tpu.memory_space<vmem>>) target_semaphore(%run_scoped3A_216 : memref<!tpu.dma_semaphore, #tpu.memory_space<semaphore_mem>>)
        %dma_wait3A_221 = arith.constant 0 : i32
        %dma_wait3A_222 = tpu.memref_slice %arg3[%add3A, %dma_wait3A_221] : memref<12544x128xi32, #tpu.memory_space<hbm>> -> memref<8x128xi32, #tpu.memory_space<hbm>>
        %dma_wait3A_223 = arith.constant 0 : i32
        %dma_wait3A_224 = tpu.memref_slice %arg3[%add3A, %dma_wait3A_223] : memref<12544x128xi32, #tpu.memory_space<hbm>> -> memref<8x128xi32, #tpu.memory_space<hbm>>
        tpu.wait_dma2 semaphore(%run_scoped3A_216 : memref<!tpu.dma_semaphore, #tpu.memory_space<semaphore_mem>>) src(%dma_wait3A_224 : memref<8x128xi32, #tpu.memory_space<hbm>>) dst(%arg8 : memref<8x128xi32, #tpu.memory_space<vmem>>)
        tpu.yield
      }) : () -> ()
      "tpu.region"() ({
        %run_scoped3A_216 = tpu.sem_alloc : memref<!tpu.dma_semaphore, #tpu.memory_space<semaphore_mem>>
        %dma_start3A_217 = arith.constant 0 : i32
        %dma_start3A_218 = tpu.memref_slice %arg4[%add3A, %dma_start3A_217] : memref<12544x128xi32, #tpu.memory_space<hbm>> -> memref<8x128xi32, #tpu.memory_space<hbm>>
        %dma_start3A_219 = arith.constant 0 : i32
        %dma_start3A_220 = tpu.memref_slice %arg4[%add3A, %dma_start3A_219] : memref<12544x128xi32, #tpu.memory_space<hbm>> -> memref<8x128xi32, #tpu.memory_space<hbm>>
        tpu.enqueue_dma source(%dma_start3A_220 : memref<8x128xi32, #tpu.memory_space<hbm>>) target(%arg9 : memref<8x128xi32, #tpu.memory_space<vmem>>) target_semaphore(%run_scoped3A_216 : memref<!tpu.dma_semaphore, #tpu.memory_space<semaphore_mem>>)
        %dma_wait3A_221 = arith.constant 0 : i32
        %dma_wait3A_222 = tpu.memref_slice %arg4[%add3A, %dma_wait3A_221] : memref<12544x128xi32, #tpu.memory_space<hbm>> -> memref<8x128xi32, #tpu.memory_space<hbm>>
        %dma_wait3A_223 = arith.constant 0 : i32
        %dma_wait3A_224 = tpu.memref_slice %arg4[%add3A, %dma_wait3A_223] : memref<12544x128xi32, #tpu.memory_space<hbm>> -> memref<8x128xi32, #tpu.memory_space<hbm>>
        tpu.wait_dma2 semaphore(%run_scoped3A_216 : memref<!tpu.dma_semaphore, #tpu.memory_space<semaphore_mem>>) src(%dma_wait3A_224 : memref<8x128xi32, #tpu.memory_space<hbm>>) dst(%arg9 : memref<8x128xi32, #tpu.memory_space<vmem>>)
        tpu.yield
      }) : () -> ()
      %dma_start3A = arith.constant 0 : i32
      %dma_start3A_18 = arith.constant 0 : i32
      %dma_start3A_19 = arith.constant 0 : i32
      %dma_start3A_20 = tpu.memref_slice %arg10[%dma_start3A_18, %dma_start3A_19] : memref<1024x16xf32, #tpu.memory_space<vmem>> -> memref<128x16xf32, #tpu.memory_space<vmem>>
      %dma_start3A_21 = arith.constant 0 : i32
      %dma_start3A_22 = tpu.memref_slice %arg8[%dma_start3A, %dma_start3A_21] : memref<8x128xi32, #tpu.memory_space<vmem>> -> memref<1x128xi32, #tpu.memory_space<vmem>>
      %dma_start3A_23 = tpu.memref_squeeze %dma_start3A_22 : memref<1x128xi32, #tpu.memory_space<vmem>> -> memref<128xi32, #tpu.memory_space<vmem>>
      %dma_start3A_24 = arith.constant 0 : i32
      %dma_start3A_25 = tpu.memref_slice %arg2[%arg0, %dma_start3A_24] : memref<200000x16xf32, #tpu.memory_space<hbm>> -> memref<199999x16xf32, #tpu.memory_space<hbm>>
      %dma_start3A_26 = arith.constant 0 : i32
      %dma_start3A_27 = arith.constant 0 : i32
      %dma_start3A_28 = tpu.memref_slice %dma_start3A_25[%dma_start3A_26, %dma_start3A_27] : memref<199999x16xf32, #tpu.memory_space<hbm>> -> memref<199999x16xf32, #tpu.memory_space<hbm>>
      tpu.enqueue_indirect_dma source(%dma_start3A_28 : memref<199999x16xf32, #tpu.memory_space<hbm>>) target(%dma_start3A_20 : memref<128x16xf32, #tpu.memory_space<vmem>>) offsets(%dma_start3A_23 : memref<128xi32, #tpu.memory_space<vmem>>) semaphore(%arg11 : memref<!tpu.dma_semaphore, #tpu.memory_space<semaphore_mem>>)
      %dma_start3A_29 = arith.constant 1 : i32
      %dma_start3A_30 = arith.constant 128 : i32
      %dma_start3A_31 = arith.constant 0 : i32
      %dma_start3A_32 = tpu.memref_slice %arg10[%dma_start3A_30, %dma_start3A_31] : memref<1024x16xf32, #tpu.memory_space<vmem>> -> memref<128x16xf32, #tpu.memory_space<vmem>>
      %dma_start3A_33 = arith.constant 0 : i32
      %dma_start3A_34 = tpu.memref_slice %arg8[%dma_start3A_29, %dma_start3A_33] : memref<8x128xi32, #tpu.memory_space<vmem>> -> memref<1x128xi32, #tpu.memory_space<vmem>>
      %dma_start3A_35 = tpu.memref_squeeze %dma_start3A_34 : memref<1x128xi32, #tpu.memory_space<vmem>> -> memref<128xi32, #tpu.memory_space<vmem>>
      %dma_start3A_36 = arith.constant 0 : i32
      %dma_start3A_37 = tpu.memref_slice %arg2[%arg0, %dma_start3A_36] : memref<200000x16xf32, #tpu.memory_space<hbm>> -> memref<199999x16xf32, #tpu.memory_space<hbm>>
      %dma_start3A_38 = arith.constant 0 : i32
      %dma_start3A_39 = arith.constant 0 : i32
      %dma_start3A_40 = tpu.memref_slice %dma_start3A_37[%dma_start3A_38, %dma_start3A_39] : memref<199999x16xf32, #tpu.memory_space<hbm>> -> memref<199999x16xf32, #tpu.memory_space<hbm>>
      tpu.enqueue_indirect_dma source(%dma_start3A_40 : memref<199999x16xf32, #tpu.memory_space<hbm>>) target(%dma_start3A_32 : memref<128x16xf32, #tpu.memory_space<vmem>>) offsets(%dma_start3A_35 : memref<128xi32, #tpu.memory_space<vmem>>) semaphore(%arg11 : memref<!tpu.dma_semaphore, #tpu.memory_space<semaphore_mem>>)
      %dma_start3A_41 = arith.constant 2 : i32
      %dma_start3A_42 = arith.constant 256 : i32
      %dma_start3A_43 = arith.constant 0 : i32
      %dma_start3A_44 = tpu.memref_slice %arg10[%dma_start3A_42, %dma_start3A_43] : memref<1024x16xf32, #tpu.memory_space<vmem>> -> memref<128x16xf32, #tpu.memory_space<vmem>>
      %dma_start3A_45 = arith.constant 0 : i32
      %dma_start3A_46 = tpu.memref_slice %arg8[%dma_start3A_41, %dma_start3A_45] : memref<8x128xi32, #tpu.memory_space<vmem>> -> memref<1x128xi32, #tpu.memory_space<vmem>>
      %dma_start3A_47 = tpu.memref_squeeze %dma_start3A_46 : memref<1x128xi32, #tpu.memory_space<vmem>> -> memref<128xi32, #tpu.memory_space<vmem>>
      %dma_start3A_48 = arith.constant 0 : i32
      %dma_start3A_49 = tpu.memref_slice %arg2[%arg0, %dma_start3A_48] : memref<200000x16xf32, #tpu.memory_space<hbm>> -> memref<199999x16xf32, #tpu.memory_space<hbm>>
      %dma_start3A_50 = arith.constant 0 : i32
      %dma_start3A_51 = arith.constant 0 : i32
      %dma_start3A_52 = tpu.memref_slice %dma_start3A_49[%dma_start3A_50, %dma_start3A_51] : memref<199999x16xf32, #tpu.memory_space<hbm>> -> memref<199999x16xf32, #tpu.memory_space<hbm>>
      tpu.enqueue_indirect_dma source(%dma_start3A_52 : memref<199999x16xf32, #tpu.memory_space<hbm>>) target(%dma_start3A_44 : memref<128x16xf32, #tpu.memory_space<vmem>>) offsets(%dma_start3A_47 : memref<128xi32, #tpu.memory_space<vmem>>) semaphore(%arg11 : memref<!tpu.dma_semaphore, #tpu.memory_space<semaphore_mem>>)
      %dma_start3A_53 = arith.constant 3 : i32
      %dma_start3A_54 = arith.constant 384 : i32
      %dma_start3A_55 = arith.constant 0 : i32
      %dma_start3A_56 = tpu.memref_slice %arg10[%dma_start3A_54, %dma_start3A_55] : memref<1024x16xf32, #tpu.memory_space<vmem>> -> memref<128x16xf32, #tpu.memory_space<vmem>>
      %dma_start3A_57 = arith.constant 0 : i32
      %dma_start3A_58 = tpu.memref_slice %arg8[%dma_start3A_53, %dma_start3A_57] : memref<8x128xi32, #tpu.memory_space<vmem>> -> memref<1x128xi32, #tpu.memory_space<vmem>>
      %dma_start3A_59 = tpu.memref_squeeze %dma_start3A_58 : memref<1x128xi32, #tpu.memory_space<vmem>> -> memref<128xi32, #tpu.memory_space<vmem>>
      %dma_start3A_60 = arith.constant 0 : i32
      %dma_start3A_61 = tpu.memref_slice %arg2[%arg0, %dma_start3A_60] : memref<200000x16xf32, #tpu.memory_space<hbm>> -> memref<199999x16xf32, #tpu.memory_space<hbm>>
      %dma_start3A_62 = arith.constant 0 : i32
      %dma_start3A_63 = arith.constant 0 : i32
      %dma_start3A_64 = tpu.memref_slice %dma_start3A_61[%dma_start3A_62, %dma_start3A_63] : memref<199999x16xf32, #tpu.memory_space<hbm>> -> memref<199999x16xf32, #tpu.memory_space<hbm>>
      tpu.enqueue_indirect_dma source(%dma_start3A_64 : memref<199999x16xf32, #tpu.memory_space<hbm>>) target(%dma_start3A_56 : memref<128x16xf32, #tpu.memory_space<vmem>>) offsets(%dma_start3A_59 : memref<128xi32, #tpu.memory_space<vmem>>) semaphore(%arg11 : memref<!tpu.dma_semaphore, #tpu.memory_space<semaphore_mem>>)
      %dma_start3A_65 = arith.constant 4 : i32
      %dma_start3A_66 = arith.constant 512 : i32
      %dma_start3A_67 = arith.constant 0 : i32
      %dma_start3A_68 = tpu.memref_slice %arg10[%dma_start3A_66, %dma_start3A_67] : memref<1024x16xf32, #tpu.memory_space<vmem>> -> memref<128x16xf32, #tpu.memory_space<vmem>>
      %dma_start3A_69 = arith.constant 0 : i32
      %dma_start3A_70 = tpu.memref_slice %arg8[%dma_start3A_65, %dma_start3A_69] : memref<8x128xi32, #tpu.memory_space<vmem>> -> memref<1x128xi32, #tpu.memory_space<vmem>>
      %dma_start3A_71 = tpu.memref_squeeze %dma_start3A_70 : memref<1x128xi32, #tpu.memory_space<vmem>> -> memref<128xi32, #tpu.memory_space<vmem>>
      %dma_start3A_72 = arith.constant 0 : i32
      %dma_start3A_73 = tpu.memref_slice %arg2[%arg0, %dma_start3A_72] : memref<200000x16xf32, #tpu.memory_space<hbm>> -> memref<199999x16xf32, #tpu.memory_space<hbm>>
      %dma_start3A_74 = arith.constant 0 : i32
      %dma_start3A_75 = arith.constant 0 : i32
      %dma_start3A_76 = tpu.memref_slice %dma_start3A_73[%dma_start3A_74, %dma_start3A_75] : memref<199999x16xf32, #tpu.memory_space<hbm>> -> memref<199999x16xf32, #tpu.memory_space<hbm>>
      tpu.enqueue_indirect_dma source(%dma_start3A_76 : memref<199999x16xf32, #tpu.memory_space<hbm>>) target(%dma_start3A_68 : memref<128x16xf32, #tpu.memory_space<vmem>>) offsets(%dma_start3A_71 : memref<128xi32, #tpu.memory_space<vmem>>) semaphore(%arg11 : memref<!tpu.dma_semaphore, #tpu.memory_space<semaphore_mem>>)
      %dma_start3A_77 = arith.constant 5 : i32
      %dma_start3A_78 = arith.constant 640 : i32
      %dma_start3A_79 = arith.constant 0 : i32
      %dma_start3A_80 = tpu.memref_slice %arg10[%dma_start3A_78, %dma_start3A_79] : memref<1024x16xf32, #tpu.memory_space<vmem>> -> memref<128x16xf32, #tpu.memory_space<vmem>>
      %dma_start3A_81 = arith.constant 0 : i32
      %dma_start3A_82 = tpu.memref_slice %arg8[%dma_start3A_77, %dma_start3A_81] : memref<8x128xi32, #tpu.memory_space<vmem>> -> memref<1x128xi32, #tpu.memory_space<vmem>>
      %dma_start3A_83 = tpu.memref_squeeze %dma_start3A_82 : memref<1x128xi32, #tpu.memory_space<vmem>> -> memref<128xi32, #tpu.memory_space<vmem>>
      %dma_start3A_84 = arith.constant 0 : i32
      %dma_start3A_85 = tpu.memref_slice %arg2[%arg0, %dma_start3A_84] : memref<200000x16xf32, #tpu.memory_space<hbm>> -> memref<199999x16xf32, #tpu.memory_space<hbm>>
      %dma_start3A_86 = arith.constant 0 : i32
      %dma_start3A_87 = arith.constant 0 : i32
      %dma_start3A_88 = tpu.memref_slice %dma_start3A_85[%dma_start3A_86, %dma_start3A_87] : memref<199999x16xf32, #tpu.memory_space<hbm>> -> memref<199999x16xf32, #tpu.memory_space<hbm>>
      tpu.enqueue_indirect_dma source(%dma_start3A_88 : memref<199999x16xf32, #tpu.memory_space<hbm>>) target(%dma_start3A_80 : memref<128x16xf32, #tpu.memory_space<vmem>>) offsets(%dma_start3A_83 : memref<128xi32, #tpu.memory_space<vmem>>) semaphore(%arg11 : memref<!tpu.dma_semaphore, #tpu.memory_space<semaphore_mem>>)
      %dma_start3A_89 = arith.constant 6 : i32
      %dma_start3A_90 = arith.constant 768 : i32
      %dma_start3A_91 = arith.constant 0 : i32
      %dma_start3A_92 = tpu.memref_slice %arg10[%dma_start3A_90, %dma_start3A_91] : memref<1024x16xf32, #tpu.memory_space<vmem>> -> memref<128x16xf32, #tpu.memory_space<vmem>>
      %dma_start3A_93 = arith.constant 0 : i32
      %dma_start3A_94 = tpu.memref_slice %arg8[%dma_start3A_89, %dma_start3A_93] : memref<8x128xi32, #tpu.memory_space<vmem>> -> memref<1x128xi32, #tpu.memory_space<vmem>>
      %dma_start3A_95 = tpu.memref_squeeze %dma_start3A_94 : memref<1x128xi32, #tpu.memory_space<vmem>> -> memref<128xi32, #tpu.memory_space<vmem>>
      %dma_start3A_96 = arith.constant 0 : i32
      %dma_start3A_97 = tpu.memref_slice %arg2[%arg0, %dma_start3A_96] : memref<200000x16xf32, #tpu.memory_space<hbm>> -> memref<199999x16xf32, #tpu.memory_space<hbm>>
      %dma_start3A_98 = arith.constant 0 : i32
      %dma_start3A_99 = arith.constant 0 : i32
      %dma_start3A_100 = tpu.memref_slice %dma_start3A_97[%dma_start3A_98, %dma_start3A_99] : memref<199999x16xf32, #tpu.memory_space<hbm>> -> memref<199999x16xf32, #tpu.memory_space<hbm>>
      tpu.enqueue_indirect_dma source(%dma_start3A_100 : memref<199999x16xf32, #tpu.memory_space<hbm>>) target(%dma_start3A_92 : memref<128x16xf32, #tpu.memory_space<vmem>>) offsets(%dma_start3A_95 : memref<128xi32, #tpu.memory_space<vmem>>) semaphore(%arg11 : memref<!tpu.dma_semaphore, #tpu.memory_space<semaphore_mem>>)
      %dma_start3A_101 = arith.constant 7 : i32
      %dma_start3A_102 = arith.constant 896 : i32
      %dma_start3A_103 = arith.constant 0 : i32
      %dma_start3A_104 = tpu.memref_slice %arg10[%dma_start3A_102, %dma_start3A_103] : memref<1024x16xf32, #tpu.memory_space<vmem>> -> memref<128x16xf32, #tpu.memory_space<vmem>>
      %dma_start3A_105 = arith.constant 0 : i32
      %dma_start3A_106 = tpu.memref_slice %arg8[%dma_start3A_101, %dma_start3A_105] : memref<8x128xi32, #tpu.memory_space<vmem>> -> memref<1x128xi32, #tpu.memory_space<vmem>>
      %dma_start3A_107 = tpu.memref_squeeze %dma_start3A_106 : memref<1x128xi32, #tpu.memory_space<vmem>> -> memref<128xi32, #tpu.memory_space<vmem>>
      %dma_start3A_108 = arith.constant 0 : i32
      %dma_start3A_109 = tpu.memref_slice %arg2[%arg0, %dma_start3A_108] : memref<200000x16xf32, #tpu.memory_space<hbm>> -> memref<199999x16xf32, #tpu.memory_space<hbm>>
      %dma_start3A_110 = arith.constant 0 : i32
      %dma_start3A_111 = arith.constant 0 : i32
      %dma_start3A_112 = tpu.memref_slice %dma_start3A_109[%dma_start3A_110, %dma_start3A_111] : memref<199999x16xf32, #tpu.memory_space<hbm>> -> memref<199999x16xf32, #tpu.memory_space<hbm>>
      tpu.enqueue_indirect_dma source(%dma_start3A_112 : memref<199999x16xf32, #tpu.memory_space<hbm>>) target(%dma_start3A_104 : memref<128x16xf32, #tpu.memory_space<vmem>>) offsets(%dma_start3A_107 : memref<128xi32, #tpu.memory_space<vmem>>) semaphore(%arg11 : memref<!tpu.dma_semaphore, #tpu.memory_space<semaphore_mem>>)
      %dma_wait3A = arith.constant 0 : i32
      %dma_wait3A_113 = arith.constant 0 : i32
      %dma_wait3A_114 = arith.constant 0 : i32
      %dma_wait3A_115 = tpu.memref_slice %arg10[%dma_wait3A_113, %dma_wait3A_114] : memref<1024x16xf32, #tpu.memory_space<vmem>> -> memref<128x16xf32, #tpu.memory_space<vmem>>
      %dma_wait3A_116 = arith.constant 0 : i32
      %dma_wait3A_117 = tpu.memref_slice %arg8[%dma_wait3A, %dma_wait3A_116] : memref<8x128xi32, #tpu.memory_space<vmem>> -> memref<1x128xi32, #tpu.memory_space<vmem>>
      %dma_wait3A_118 = tpu.memref_squeeze %dma_wait3A_117 : memref<1x128xi32, #tpu.memory_space<vmem>> -> memref<128xi32, #tpu.memory_space<vmem>>
      %dma_wait3A_119 = arith.constant 0 : i32
      %dma_wait3A_120 = tpu.memref_slice %arg2[%arg0, %dma_wait3A_119] : memref<200000x16xf32, #tpu.memory_space<hbm>> -> memref<199999x16xf32, #tpu.memory_space<hbm>>
      %dma_wait3A_121 = arith.constant 0 : i32
      %dma_wait3A_122 = arith.constant 0 : i32
      %dma_wait3A_123 = tpu.memref_slice %dma_wait3A_120[%dma_wait3A_121, %dma_wait3A_122] : memref<199999x16xf32, #tpu.memory_space<hbm>> -> memref<199999x16xf32, #tpu.memory_space<hbm>>
      tpu.wait_indirect_dma semaphore(%arg11 : memref<!tpu.dma_semaphore, #tpu.memory_space<semaphore_mem>>) src(%dma_wait3A_123 : memref<199999x16xf32, #tpu.memory_space<hbm>>) dst(%dma_wait3A_115 : memref<128x16xf32, #tpu.memory_space<vmem>>)
      %run_scoped3A = arith.constant 0 : i32
      "tpu.region"() ({
        %run_scoped3A_216 = tpu.sem_alloc : memref<!tpu.dma_semaphore, #tpu.memory_space<semaphore_mem>>
        %dma_start3A_217 = arith.constant 0 : i32
        %dma_start3A_218 = arith.constant 0 : i32
        %dma_start3A_219 = tpu.memref_slice %arg10[%dma_start3A_217, %dma_start3A_218] : memref<1024x16xf32, #tpu.memory_space<vmem>> -> memref<128x16xf32, #tpu.memory_space<vmem>>
        %dma_start3A_220 = arith.constant 0 : i32
        %dma_start3A_221 = tpu.memref_slice %arg9[%run_scoped3A, %dma_start3A_220] : memref<8x128xi32, #tpu.memory_space<vmem>> -> memref<1x128xi32, #tpu.memory_space<vmem>>
        %dma_start3A_222 = tpu.memref_squeeze %dma_start3A_221 : memref<1x128xi32, #tpu.memory_space<vmem>> -> memref<128xi32, #tpu.memory_space<vmem>>
        %dma_start3A_223 = arith.constant 0 : i32
        %dma_start3A_224 = arith.constant 0 : i32
        %dma_start3A_225 = tpu.memref_slice %arg7[%dma_start3A_223, %dma_start3A_224] : memref<100096x16xf32, #tpu.memory_space<vmem_shared>> -> memref<100096x16xf32, #tpu.memory_space<vmem_shared>>
        tpu.enqueue_indirect_dma source(%dma_start3A_219 : memref<128x16xf32, #tpu.memory_space<vmem>>) target(%dma_start3A_225 : memref<100096x16xf32, #tpu.memory_space<vmem_shared>>) offsets(%dma_start3A_222 : memref<128xi32, #tpu.memory_space<vmem>>) semaphore(%run_scoped3A_216 : memref<!tpu.dma_semaphore, #tpu.memory_space<semaphore_mem>>) {add = true}
        %dma_wait3A_226 = arith.constant 0 : i32
        %dma_wait3A_227 = arith.constant 0 : i32
        %dma_wait3A_228 = tpu.memref_slice %arg10[%dma_wait3A_226, %dma_wait3A_227] : memref<1024x16xf32, #tpu.memory_space<vmem>> -> memref<128x16xf32, #tpu.memory_space<vmem>>
        %dma_wait3A_229 = arith.constant 0 : i32
        %dma_wait3A_230 = tpu.memref_slice %arg9[%run_scoped3A, %dma_wait3A_229] : memref<8x128xi32, #tpu.memory_space<vmem>> -> memref<1x128xi32, #tpu.memory_space<vmem>>
        %dma_wait3A_231 = tpu.memref_squeeze %dma_wait3A_230 : memref<1x128xi32, #tpu.memory_space<vmem>> -> memref<128xi32, #tpu.memory_space<vmem>>
        %dma_wait3A_232 = arith.constant 0 : i32
        %dma_wait3A_233 = arith.constant 0 : i32
        %dma_wait3A_234 = tpu.memref_slice %arg7[%dma_wait3A_232, %dma_wait3A_233] : memref<100096x16xf32, #tpu.memory_space<vmem_shared>> -> memref<100096x16xf32, #tpu.memory_space<vmem_shared>>
        tpu.wait_indirect_dma semaphore(%run_scoped3A_216 : memref<!tpu.dma_semaphore, #tpu.memory_space<semaphore_mem>>) src(%dma_wait3A_228 : memref<128x16xf32, #tpu.memory_space<vmem>>) dst(%dma_wait3A_234 : memref<100096x16xf32, #tpu.memory_space<vmem_shared>>)
        tpu.yield
      }) : () -> ()
      %dma_wait3A_124 = arith.constant 1 : i32
      %dma_wait3A_125 = arith.constant 128 : i32
      %dma_wait3A_126 = arith.constant 0 : i32
      %dma_wait3A_127 = tpu.memref_slice %arg10[%dma_wait3A_125, %dma_wait3A_126] : memref<1024x16xf32, #tpu.memory_space<vmem>> -> memref<128x16xf32, #tpu.memory_space<vmem>>
      %dma_wait3A_128 = arith.constant 0 : i32
      %dma_wait3A_129 = tpu.memref_slice %arg8[%dma_wait3A_124, %dma_wait3A_128] : memref<8x128xi32, #tpu.memory_space<vmem>> -> memref<1x128xi32, #tpu.memory_space<vmem>>
      %dma_wait3A_130 = tpu.memref_squeeze %dma_wait3A_129 : memref<1x128xi32, #tpu.memory_space<vmem>> -> memref<128xi32, #tpu.memory_space<vmem>>
      %dma_wait3A_131 = arith.constant 0 : i32
      %dma_wait3A_132 = tpu.memref_slice %arg2[%arg0, %dma_wait3A_131] : memref<200000x16xf32, #tpu.memory_space<hbm>> -> memref<199999x16xf32, #tpu.memory_space<hbm>>
      %dma_wait3A_133 = arith.constant 0 : i32
      %dma_wait3A_134 = arith.constant 0 : i32
      %dma_wait3A_135 = tpu.memref_slice %dma_wait3A_132[%dma_wait3A_133, %dma_wait3A_134] : memref<199999x16xf32, #tpu.memory_space<hbm>> -> memref<199999x16xf32, #tpu.memory_space<hbm>>
      tpu.wait_indirect_dma semaphore(%arg11 : memref<!tpu.dma_semaphore, #tpu.memory_space<semaphore_mem>>) src(%dma_wait3A_135 : memref<199999x16xf32, #tpu.memory_space<hbm>>) dst(%dma_wait3A_127 : memref<128x16xf32, #tpu.memory_space<vmem>>)
      %run_scoped3A_136 = arith.constant 1 : i32
      "tpu.region"() ({
        %run_scoped3A_216 = tpu.sem_alloc : memref<!tpu.dma_semaphore, #tpu.memory_space<semaphore_mem>>
        %dma_start3A_217 = arith.constant 128 : i32
        %dma_start3A_218 = arith.constant 0 : i32
        %dma_start3A_219 = tpu.memref_slice %arg10[%dma_start3A_217, %dma_start3A_218] : memref<1024x16xf32, #tpu.memory_space<vmem>> -> memref<128x16xf32, #tpu.memory_space<vmem>>
        %dma_start3A_220 = arith.constant 0 : i32
        %dma_start3A_221 = tpu.memref_slice %arg9[%run_scoped3A_136, %dma_start3A_220] : memref<8x128xi32, #tpu.memory_space<vmem>> -> memref<1x128xi32, #tpu.memory_space<vmem>>
        %dma_start3A_222 = tpu.memref_squeeze %dma_start3A_221 : memref<1x128xi32, #tpu.memory_space<vmem>> -> memref<128xi32, #tpu.memory_space<vmem>>
        %dma_start3A_223 = arith.constant 0 : i32
        %dma_start3A_224 = arith.constant 0 : i32
        %dma_start3A_225 = tpu.memref_slice %arg7[%dma_start3A_223, %dma_start3A_224] : memref<100096x16xf32, #tpu.memory_space<vmem_shared>> -> memref<100096x16xf32, #tpu.memory_space<vmem_shared>>
        tpu.enqueue_indirect_dma source(%dma_start3A_219 : memref<128x16xf32, #tpu.memory_space<vmem>>) target(%dma_start3A_225 : memref<100096x16xf32, #tpu.memory_space<vmem_shared>>) offsets(%dma_start3A_222 : memref<128xi32, #tpu.memory_space<vmem>>) semaphore(%run_scoped3A_216 : memref<!tpu.dma_semaphore, #tpu.memory_space<semaphore_mem>>) {add = true}
        %dma_wait3A_226 = arith.constant 128 : i32
        %dma_wait3A_227 = arith.constant 0 : i32
        %dma_wait3A_228 = tpu.memref_slice %arg10[%dma_wait3A_226, %dma_wait3A_227] : memref<1024x16xf32, #tpu.memory_space<vmem>> -> memref<128x16xf32, #tpu.memory_space<vmem>>
        %dma_wait3A_229 = arith.constant 0 : i32
        %dma_wait3A_230 = tpu.memref_slice %arg9[%run_scoped3A_136, %dma_wait3A_229] : memref<8x128xi32, #tpu.memory_space<vmem>> -> memref<1x128xi32, #tpu.memory_space<vmem>>
        %dma_wait3A_231 = tpu.memref_squeeze %dma_wait3A_230 : memref<1x128xi32, #tpu.memory_space<vmem>> -> memref<128xi32, #tpu.memory_space<vmem>>
        %dma_wait3A_232 = arith.constant 0 : i32
        %dma_wait3A_233 = arith.constant 0 : i32
        %dma_wait3A_234 = tpu.memref_slice %arg7[%dma_wait3A_232, %dma_wait3A_233] : memref<100096x16xf32, #tpu.memory_space<vmem_shared>> -> memref<100096x16xf32, #tpu.memory_space<vmem_shared>>
        tpu.wait_indirect_dma semaphore(%run_scoped3A_216 : memref<!tpu.dma_semaphore, #tpu.memory_space<semaphore_mem>>) src(%dma_wait3A_228 : memref<128x16xf32, #tpu.memory_space<vmem>>) dst(%dma_wait3A_234 : memref<100096x16xf32, #tpu.memory_space<vmem_shared>>)
        tpu.yield
      }) : () -> ()
      %dma_wait3A_137 = arith.constant 2 : i32
      %dma_wait3A_138 = arith.constant 256 : i32
      %dma_wait3A_139 = arith.constant 0 : i32
      %dma_wait3A_140 = tpu.memref_slice %arg10[%dma_wait3A_138, %dma_wait3A_139] : memref<1024x16xf32, #tpu.memory_space<vmem>> -> memref<128x16xf32, #tpu.memory_space<vmem>>
      %dma_wait3A_141 = arith.constant 0 : i32
      %dma_wait3A_142 = tpu.memref_slice %arg8[%dma_wait3A_137, %dma_wait3A_141] : memref<8x128xi32, #tpu.memory_space<vmem>> -> memref<1x128xi32, #tpu.memory_space<vmem>>
      %dma_wait3A_143 = tpu.memref_squeeze %dma_wait3A_142 : memref<1x128xi32, #tpu.memory_space<vmem>> -> memref<128xi32, #tpu.memory_space<vmem>>
      %dma_wait3A_144 = arith.constant 0 : i32
      %dma_wait3A_145 = tpu.memref_slice %arg2[%arg0, %dma_wait3A_144] : memref<200000x16xf32, #tpu.memory_space<hbm>> -> memref<199999x16xf32, #tpu.memory_space<hbm>>
      %dma_wait3A_146 = arith.constant 0 : i32
      %dma_wait3A_147 = arith.constant 0 : i32
      %dma_wait3A_148 = tpu.memref_slice %dma_wait3A_145[%dma_wait3A_146, %dma_wait3A_147] : memref<199999x16xf32, #tpu.memory_space<hbm>> -> memref<199999x16xf32, #tpu.memory_space<hbm>>
      tpu.wait_indirect_dma semaphore(%arg11 : memref<!tpu.dma_semaphore, #tpu.memory_space<semaphore_mem>>) src(%dma_wait3A_148 : memref<199999x16xf32, #tpu.memory_space<hbm>>) dst(%dma_wait3A_140 : memref<128x16xf32, #tpu.memory_space<vmem>>)
      %run_scoped3A_149 = arith.constant 2 : i32
      "tpu.region"() ({
        %run_scoped3A_216 = tpu.sem_alloc : memref<!tpu.dma_semaphore, #tpu.memory_space<semaphore_mem>>
        %dma_start3A_217 = arith.constant 256 : i32
        %dma_start3A_218 = arith.constant 0 : i32
        %dma_start3A_219 = tpu.memref_slice %arg10[%dma_start3A_217, %dma_start3A_218] : memref<1024x16xf32, #tpu.memory_space<vmem>> -> memref<128x16xf32, #tpu.memory_space<vmem>>
        %dma_start3A_220 = arith.constant 0 : i32
        %dma_start3A_221 = tpu.memref_slice %arg9[%run_scoped3A_149, %dma_start3A_220] : memref<8x128xi32, #tpu.memory_space<vmem>> -> memref<1x128xi32, #tpu.memory_space<vmem>>
        %dma_start3A_222 = tpu.memref_squeeze %dma_start3A_221 : memref<1x128xi32, #tpu.memory_space<vmem>> -> memref<128xi32, #tpu.memory_space<vmem>>
        %dma_start3A_223 = arith.constant 0 : i32
        %dma_start3A_224 = arith.constant 0 : i32
        %dma_start3A_225 = tpu.memref_slice %arg7[%dma_start3A_223, %dma_start3A_224] : memref<100096x16xf32, #tpu.memory_space<vmem_shared>> -> memref<100096x16xf32, #tpu.memory_space<vmem_shared>>
        tpu.enqueue_indirect_dma source(%dma_start3A_219 : memref<128x16xf32, #tpu.memory_space<vmem>>) target(%dma_start3A_225 : memref<100096x16xf32, #tpu.memory_space<vmem_shared>>) offsets(%dma_start3A_222 : memref<128xi32, #tpu.memory_space<vmem>>) semaphore(%run_scoped3A_216 : memref<!tpu.dma_semaphore, #tpu.memory_space<semaphore_mem>>) {add = true}
        %dma_wait3A_226 = arith.constant 256 : i32
        %dma_wait3A_227 = arith.constant 0 : i32
        %dma_wait3A_228 = tpu.memref_slice %arg10[%dma_wait3A_226, %dma_wait3A_227] : memref<1024x16xf32, #tpu.memory_space<vmem>> -> memref<128x16xf32, #tpu.memory_space<vmem>>
        %dma_wait3A_229 = arith.constant 0 : i32
        %dma_wait3A_230 = tpu.memref_slice %arg9[%run_scoped3A_149, %dma_wait3A_229] : memref<8x128xi32, #tpu.memory_space<vmem>> -> memref<1x128xi32, #tpu.memory_space<vmem>>
        %dma_wait3A_231 = tpu.memref_squeeze %dma_wait3A_230 : memref<1x128xi32, #tpu.memory_space<vmem>> -> memref<128xi32, #tpu.memory_space<vmem>>
        %dma_wait3A_232 = arith.constant 0 : i32
        %dma_wait3A_233 = arith.constant 0 : i32
        %dma_wait3A_234 = tpu.memref_slice %arg7[%dma_wait3A_232, %dma_wait3A_233] : memref<100096x16xf32, #tpu.memory_space<vmem_shared>> -> memref<100096x16xf32, #tpu.memory_space<vmem_shared>>
        tpu.wait_indirect_dma semaphore(%run_scoped3A_216 : memref<!tpu.dma_semaphore, #tpu.memory_space<semaphore_mem>>) src(%dma_wait3A_228 : memref<128x16xf32, #tpu.memory_space<vmem>>) dst(%dma_wait3A_234 : memref<100096x16xf32, #tpu.memory_space<vmem_shared>>)
        tpu.yield
      }) : () -> ()
      %dma_wait3A_150 = arith.constant 3 : i32
      %dma_wait3A_151 = arith.constant 384 : i32
      %dma_wait3A_152 = arith.constant 0 : i32
      %dma_wait3A_153 = tpu.memref_slice %arg10[%dma_wait3A_151, %dma_wait3A_152] : memref<1024x16xf32, #tpu.memory_space<vmem>> -> memref<128x16xf32, #tpu.memory_space<vmem>>
      %dma_wait3A_154 = arith.constant 0 : i32
      %dma_wait3A_155 = tpu.memref_slice %arg8[%dma_wait3A_150, %dma_wait3A_154] : memref<8x128xi32, #tpu.memory_space<vmem>> -> memref<1x128xi32, #tpu.memory_space<vmem>>
      %dma_wait3A_156 = tpu.memref_squeeze %dma_wait3A_155 : memref<1x128xi32, #tpu.memory_space<vmem>> -> memref<128xi32, #tpu.memory_space<vmem>>
      %dma_wait3A_157 = arith.constant 0 : i32
      %dma_wait3A_158 = tpu.memref_slice %arg2[%arg0, %dma_wait3A_157] : memref<200000x16xf32, #tpu.memory_space<hbm>> -> memref<199999x16xf32, #tpu.memory_space<hbm>>
      %dma_wait3A_159 = arith.constant 0 : i32
      %dma_wait3A_160 = arith.constant 0 : i32
      %dma_wait3A_161 = tpu.memref_slice %dma_wait3A_158[%dma_wait3A_159, %dma_wait3A_160] : memref<199999x16xf32, #tpu.memory_space<hbm>> -> memref<199999x16xf32, #tpu.memory_space<hbm>>
      tpu.wait_indirect_dma semaphore(%arg11 : memref<!tpu.dma_semaphore, #tpu.memory_space<semaphore_mem>>) src(%dma_wait3A_161 : memref<199999x16xf32, #tpu.memory_space<hbm>>) dst(%dma_wait3A_153 : memref<128x16xf32, #tpu.memory_space<vmem>>)
      %run_scoped3A_162 = arith.constant 3 : i32
      "tpu.region"() ({
        %run_scoped3A_216 = tpu.sem_alloc : memref<!tpu.dma_semaphore, #tpu.memory_space<semaphore_mem>>
        %dma_start3A_217 = arith.constant 384 : i32
        %dma_start3A_218 = arith.constant 0 : i32
        %dma_start3A_219 = tpu.memref_slice %arg10[%dma_start3A_217, %dma_start3A_218] : memref<1024x16xf32, #tpu.memory_space<vmem>> -> memref<128x16xf32, #tpu.memory_space<vmem>>
        %dma_start3A_220 = arith.constant 0 : i32
        %dma_start3A_221 = tpu.memref_slice %arg9[%run_scoped3A_162, %dma_start3A_220] : memref<8x128xi32, #tpu.memory_space<vmem>> -> memref<1x128xi32, #tpu.memory_space<vmem>>
        %dma_start3A_222 = tpu.memref_squeeze %dma_start3A_221 : memref<1x128xi32, #tpu.memory_space<vmem>> -> memref<128xi32, #tpu.memory_space<vmem>>
        %dma_start3A_223 = arith.constant 0 : i32
        %dma_start3A_224 = arith.constant 0 : i32
        %dma_start3A_225 = tpu.memref_slice %arg7[%dma_start3A_223, %dma_start3A_224] : memref<100096x16xf32, #tpu.memory_space<vmem_shared>> -> memref<100096x16xf32, #tpu.memory_space<vmem_shared>>
        tpu.enqueue_indirect_dma source(%dma_start3A_219 : memref<128x16xf32, #tpu.memory_space<vmem>>) target(%dma_start3A_225 : memref<100096x16xf32, #tpu.memory_space<vmem_shared>>) offsets(%dma_start3A_222 : memref<128xi32, #tpu.memory_space<vmem>>) semaphore(%run_scoped3A_216 : memref<!tpu.dma_semaphore, #tpu.memory_space<semaphore_mem>>) {add = true}
        %dma_wait3A_226 = arith.constant 384 : i32
        %dma_wait3A_227 = arith.constant 0 : i32
        %dma_wait3A_228 = tpu.memref_slice %arg10[%dma_wait3A_226, %dma_wait3A_227] : memref<1024x16xf32, #tpu.memory_space<vmem>> -> memref<128x16xf32, #tpu.memory_space<vmem>>
        %dma_wait3A_229 = arith.constant 0 : i32
        %dma_wait3A_230 = tpu.memref_slice %arg9[%run_scoped3A_162, %dma_wait3A_229] : memref<8x128xi32, #tpu.memory_space<vmem>> -> memref<1x128xi32, #tpu.memory_space<vmem>>
        %dma_wait3A_231 = tpu.memref_squeeze %dma_wait3A_230 : memref<1x128xi32, #tpu.memory_space<vmem>> -> memref<128xi32, #tpu.memory_space<vmem>>
        %dma_wait3A_232 = arith.constant 0 : i32
        %dma_wait3A_233 = arith.constant 0 : i32
        %dma_wait3A_234 = tpu.memref_slice %arg7[%dma_wait3A_232, %dma_wait3A_233] : memref<100096x16xf32, #tpu.memory_space<vmem_shared>> -> memref<100096x16xf32, #tpu.memory_space<vmem_shared>>
        tpu.wait_indirect_dma semaphore(%run_scoped3A_216 : memref<!tpu.dma_semaphore, #tpu.memory_space<semaphore_mem>>) src(%dma_wait3A_228 : memref<128x16xf32, #tpu.memory_space<vmem>>) dst(%dma_wait3A_234 : memref<100096x16xf32, #tpu.memory_space<vmem_shared>>)
        tpu.yield
      }) : () -> ()
      %dma_wait3A_163 = arith.constant 4 : i32
      %dma_wait3A_164 = arith.constant 512 : i32
      %dma_wait3A_165 = arith.constant 0 : i32
      %dma_wait3A_166 = tpu.memref_slice %arg10[%dma_wait3A_164, %dma_wait3A_165] : memref<1024x16xf32, #tpu.memory_space<vmem>> -> memref<128x16xf32, #tpu.memory_space<vmem>>
      %dma_wait3A_167 = arith.constant 0 : i32
      %dma_wait3A_168 = tpu.memref_slice %arg8[%dma_wait3A_163, %dma_wait3A_167] : memref<8x128xi32, #tpu.memory_space<vmem>> -> memref<1x128xi32, #tpu.memory_space<vmem>>
      %dma_wait3A_169 = tpu.memref_squeeze %dma_wait3A_168 : memref<1x128xi32, #tpu.memory_space<vmem>> -> memref<128xi32, #tpu.memory_space<vmem>>
      %dma_wait3A_170 = arith.constant 0 : i32
      %dma_wait3A_171 = tpu.memref_slice %arg2[%arg0, %dma_wait3A_170] : memref<200000x16xf32, #tpu.memory_space<hbm>> -> memref<199999x16xf32, #tpu.memory_space<hbm>>
      %dma_wait3A_172 = arith.constant 0 : i32
      %dma_wait3A_173 = arith.constant 0 : i32
      %dma_wait3A_174 = tpu.memref_slice %dma_wait3A_171[%dma_wait3A_172, %dma_wait3A_173] : memref<199999x16xf32, #tpu.memory_space<hbm>> -> memref<199999x16xf32, #tpu.memory_space<hbm>>
      tpu.wait_indirect_dma semaphore(%arg11 : memref<!tpu.dma_semaphore, #tpu.memory_space<semaphore_mem>>) src(%dma_wait3A_174 : memref<199999x16xf32, #tpu.memory_space<hbm>>) dst(%dma_wait3A_166 : memref<128x16xf32, #tpu.memory_space<vmem>>)
      %run_scoped3A_175 = arith.constant 4 : i32
      "tpu.region"() ({
        %run_scoped3A_216 = tpu.sem_alloc : memref<!tpu.dma_semaphore, #tpu.memory_space<semaphore_mem>>
        %dma_start3A_217 = arith.constant 512 : i32
        %dma_start3A_218 = arith.constant 0 : i32
        %dma_start3A_219 = tpu.memref_slice %arg10[%dma_start3A_217, %dma_start3A_218] : memref<1024x16xf32, #tpu.memory_space<vmem>> -> memref<128x16xf32, #tpu.memory_space<vmem>>
        %dma_start3A_220 = arith.constant 0 : i32
        %dma_start3A_221 = tpu.memref_slice %arg9[%run_scoped3A_175, %dma_start3A_220] : memref<8x128xi32, #tpu.memory_space<vmem>> -> memref<1x128xi32, #tpu.memory_space<vmem>>
        %dma_start3A_222 = tpu.memref_squeeze %dma_start3A_221 : memref<1x128xi32, #tpu.memory_space<vmem>> -> memref<128xi32, #tpu.memory_space<vmem>>
        %dma_start3A_223 = arith.constant 0 : i32
        %dma_start3A_224 = arith.constant 0 : i32
        %dma_start3A_225 = tpu.memref_slice %arg7[%dma_start3A_223, %dma_start3A_224] : memref<100096x16xf32, #tpu.memory_space<vmem_shared>> -> memref<100096x16xf32, #tpu.memory_space<vmem_shared>>
        tpu.enqueue_indirect_dma source(%dma_start3A_219 : memref<128x16xf32, #tpu.memory_space<vmem>>) target(%dma_start3A_225 : memref<100096x16xf32, #tpu.memory_space<vmem_shared>>) offsets(%dma_start3A_222 : memref<128xi32, #tpu.memory_space<vmem>>) semaphore(%run_scoped3A_216 : memref<!tpu.dma_semaphore, #tpu.memory_space<semaphore_mem>>) {add = true}
        %dma_wait3A_226 = arith.constant 512 : i32
        %dma_wait3A_227 = arith.constant 0 : i32
        %dma_wait3A_228 = tpu.memref_slice %arg10[%dma_wait3A_226, %dma_wait3A_227] : memref<1024x16xf32, #tpu.memory_space<vmem>> -> memref<128x16xf32, #tpu.memory_space<vmem>>
        %dma_wait3A_229 = arith.constant 0 : i32
        %dma_wait3A_230 = tpu.memref_slice %arg9[%run_scoped3A_175, %dma_wait3A_229] : memref<8x128xi32, #tpu.memory_space<vmem>> -> memref<1x128xi32, #tpu.memory_space<vmem>>
        %dma_wait3A_231 = tpu.memref_squeeze %dma_wait3A_230 : memref<1x128xi32, #tpu.memory_space<vmem>> -> memref<128xi32, #tpu.memory_space<vmem>>
        %dma_wait3A_232 = arith.constant 0 : i32
        %dma_wait3A_233 = arith.constant 0 : i32
        %dma_wait3A_234 = tpu.memref_slice %arg7[%dma_wait3A_232, %dma_wait3A_233] : memref<100096x16xf32, #tpu.memory_space<vmem_shared>> -> memref<100096x16xf32, #tpu.memory_space<vmem_shared>>
        tpu.wait_indirect_dma semaphore(%run_scoped3A_216 : memref<!tpu.dma_semaphore, #tpu.memory_space<semaphore_mem>>) src(%dma_wait3A_228 : memref<128x16xf32, #tpu.memory_space<vmem>>) dst(%dma_wait3A_234 : memref<100096x16xf32, #tpu.memory_space<vmem_shared>>)
        tpu.yield
      }) : () -> ()
      %dma_wait3A_176 = arith.constant 5 : i32
      %dma_wait3A_177 = arith.constant 640 : i32
      %dma_wait3A_178 = arith.constant 0 : i32
      %dma_wait3A_179 = tpu.memref_slice %arg10[%dma_wait3A_177, %dma_wait3A_178] : memref<1024x16xf32, #tpu.memory_space<vmem>> -> memref<128x16xf32, #tpu.memory_space<vmem>>
      %dma_wait3A_180 = arith.constant 0 : i32
      %dma_wait3A_181 = tpu.memref_slice %arg8[%dma_wait3A_176, %dma_wait3A_180] : memref<8x128xi32, #tpu.memory_space<vmem>> -> memref<1x128xi32, #tpu.memory_space<vmem>>
      %dma_wait3A_182 = tpu.memref_squeeze %dma_wait3A_181 : memref<1x128xi32, #tpu.memory_space<vmem>> -> memref<128xi32, #tpu.memory_space<vmem>>
      %dma_wait3A_183 = arith.constant 0 : i32
      %dma_wait3A_184 = tpu.memref_slice %arg2[%arg0, %dma_wait3A_183] : memref<200000x16xf32, #tpu.memory_space<hbm>> -> memref<199999x16xf32, #tpu.memory_space<hbm>>
      %dma_wait3A_185 = arith.constant 0 : i32
      %dma_wait3A_186 = arith.constant 0 : i32
      %dma_wait3A_187 = tpu.memref_slice %dma_wait3A_184[%dma_wait3A_185, %dma_wait3A_186] : memref<199999x16xf32, #tpu.memory_space<hbm>> -> memref<199999x16xf32, #tpu.memory_space<hbm>>
      tpu.wait_indirect_dma semaphore(%arg11 : memref<!tpu.dma_semaphore, #tpu.memory_space<semaphore_mem>>) src(%dma_wait3A_187 : memref<199999x16xf32, #tpu.memory_space<hbm>>) dst(%dma_wait3A_179 : memref<128x16xf32, #tpu.memory_space<vmem>>)
      %run_scoped3A_188 = arith.constant 5 : i32
      "tpu.region"() ({
        %run_scoped3A_216 = tpu.sem_alloc : memref<!tpu.dma_semaphore, #tpu.memory_space<semaphore_mem>>
        %dma_start3A_217 = arith.constant 640 : i32
        %dma_start3A_218 = arith.constant 0 : i32
        %dma_start3A_219 = tpu.memref_slice %arg10[%dma_start3A_217, %dma_start3A_218] : memref<1024x16xf32, #tpu.memory_space<vmem>> -> memref<128x16xf32, #tpu.memory_space<vmem>>
        %dma_start3A_220 = arith.constant 0 : i32
        %dma_start3A_221 = tpu.memref_slice %arg9[%run_scoped3A_188, %dma_start3A_220] : memref<8x128xi32, #tpu.memory_space<vmem>> -> memref<1x128xi32, #tpu.memory_space<vmem>>
        %dma_start3A_222 = tpu.memref_squeeze %dma_start3A_221 : memref<1x128xi32, #tpu.memory_space<vmem>> -> memref<128xi32, #tpu.memory_space<vmem>>
        %dma_start3A_223 = arith.constant 0 : i32
        %dma_start3A_224 = arith.constant 0 : i32
        %dma_start3A_225 = tpu.memref_slice %arg7[%dma_start3A_223, %dma_start3A_224] : memref<100096x16xf32, #tpu.memory_space<vmem_shared>> -> memref<100096x16xf32, #tpu.memory_space<vmem_shared>>
        tpu.enqueue_indirect_dma source(%dma_start3A_219 : memref<128x16xf32, #tpu.memory_space<vmem>>) target(%dma_start3A_225 : memref<100096x16xf32, #tpu.memory_space<vmem_shared>>) offsets(%dma_start3A_222 : memref<128xi32, #tpu.memory_space<vmem>>) semaphore(%run_scoped3A_216 : memref<!tpu.dma_semaphore, #tpu.memory_space<semaphore_mem>>) {add = true}
        %dma_wait3A_226 = arith.constant 640 : i32
        %dma_wait3A_227 = arith.constant 0 : i32
        %dma_wait3A_228 = tpu.memref_slice %arg10[%dma_wait3A_226, %dma_wait3A_227] : memref<1024x16xf32, #tpu.memory_space<vmem>> -> memref<128x16xf32, #tpu.memory_space<vmem>>
        %dma_wait3A_229 = arith.constant 0 : i32
        %dma_wait3A_230 = tpu.memref_slice %arg9[%run_scoped3A_188, %dma_wait3A_229] : memref<8x128xi32, #tpu.memory_space<vmem>> -> memref<1x128xi32, #tpu.memory_space<vmem>>
        %dma_wait3A_231 = tpu.memref_squeeze %dma_wait3A_230 : memref<1x128xi32, #tpu.memory_space<vmem>> -> memref<128xi32, #tpu.memory_space<vmem>>
        %dma_wait3A_232 = arith.constant 0 : i32
        %dma_wait3A_233 = arith.constant 0 : i32
        %dma_wait3A_234 = tpu.memref_slice %arg7[%dma_wait3A_232, %dma_wait3A_233] : memref<100096x16xf32, #tpu.memory_space<vmem_shared>> -> memref<100096x16xf32, #tpu.memory_space<vmem_shared>>
        tpu.wait_indirect_dma semaphore(%run_scoped3A_216 : memref<!tpu.dma_semaphore, #tpu.memory_space<semaphore_mem>>) src(%dma_wait3A_228 : memref<128x16xf32, #tpu.memory_space<vmem>>) dst(%dma_wait3A_234 : memref<100096x16xf32, #tpu.memory_space<vmem_shared>>)
        tpu.yield
      }) : () -> ()
      %dma_wait3A_189 = arith.constant 6 : i32
      %dma_wait3A_190 = arith.constant 768 : i32
      %dma_wait3A_191 = arith.constant 0 : i32
      %dma_wait3A_192 = tpu.memref_slice %arg10[%dma_wait3A_190, %dma_wait3A_191] : memref<1024x16xf32, #tpu.memory_space<vmem>> -> memref<128x16xf32, #tpu.memory_space<vmem>>
      %dma_wait3A_193 = arith.constant 0 : i32
      %dma_wait3A_194 = tpu.memref_slice %arg8[%dma_wait3A_189, %dma_wait3A_193] : memref<8x128xi32, #tpu.memory_space<vmem>> -> memref<1x128xi32, #tpu.memory_space<vmem>>
      %dma_wait3A_195 = tpu.memref_squeeze %dma_wait3A_194 : memref<1x128xi32, #tpu.memory_space<vmem>> -> memref<128xi32, #tpu.memory_space<vmem>>
      %dma_wait3A_196 = arith.constant 0 : i32
      %dma_wait3A_197 = tpu.memref_slice %arg2[%arg0, %dma_wait3A_196] : memref<200000x16xf32, #tpu.memory_space<hbm>> -> memref<199999x16xf32, #tpu.memory_space<hbm>>
      %dma_wait3A_198 = arith.constant 0 : i32
      %dma_wait3A_199 = arith.constant 0 : i32
      %dma_wait3A_200 = tpu.memref_slice %dma_wait3A_197[%dma_wait3A_198, %dma_wait3A_199] : memref<199999x16xf32, #tpu.memory_space<hbm>> -> memref<199999x16xf32, #tpu.memory_space<hbm>>
      tpu.wait_indirect_dma semaphore(%arg11 : memref<!tpu.dma_semaphore, #tpu.memory_space<semaphore_mem>>) src(%dma_wait3A_200 : memref<199999x16xf32, #tpu.memory_space<hbm>>) dst(%dma_wait3A_192 : memref<128x16xf32, #tpu.memory_space<vmem>>)
      %run_scoped3A_201 = arith.constant 6 : i32
      "tpu.region"() ({
        %run_scoped3A_216 = tpu.sem_alloc : memref<!tpu.dma_semaphore, #tpu.memory_space<semaphore_mem>>
        %dma_start3A_217 = arith.constant 768 : i32
        %dma_start3A_218 = arith.constant 0 : i32
        %dma_start3A_219 = tpu.memref_slice %arg10[%dma_start3A_217, %dma_start3A_218] : memref<1024x16xf32, #tpu.memory_space<vmem>> -> memref<128x16xf32, #tpu.memory_space<vmem>>
        %dma_start3A_220 = arith.constant 0 : i32
        %dma_start3A_221 = tpu.memref_slice %arg9[%run_scoped3A_201, %dma_start3A_220] : memref<8x128xi32, #tpu.memory_space<vmem>> -> memref<1x128xi32, #tpu.memory_space<vmem>>
        %dma_start3A_222 = tpu.memref_squeeze %dma_start3A_221 : memref<1x128xi32, #tpu.memory_space<vmem>> -> memref<128xi32, #tpu.memory_space<vmem>>
        %dma_start3A_223 = arith.constant 0 : i32
        %dma_start3A_224 = arith.constant 0 : i32
        %dma_start3A_225 = tpu.memref_slice %arg7[%dma_start3A_223, %dma_start3A_224] : memref<100096x16xf32, #tpu.memory_space<vmem_shared>> -> memref<100096x16xf32, #tpu.memory_space<vmem_shared>>
        tpu.enqueue_indirect_dma source(%dma_start3A_219 : memref<128x16xf32, #tpu.memory_space<vmem>>) target(%dma_start3A_225 : memref<100096x16xf32, #tpu.memory_space<vmem_shared>>) offsets(%dma_start3A_222 : memref<128xi32, #tpu.memory_space<vmem>>) semaphore(%run_scoped3A_216 : memref<!tpu.dma_semaphore, #tpu.memory_space<semaphore_mem>>) {add = true}
        %dma_wait3A_226 = arith.constant 768 : i32
        %dma_wait3A_227 = arith.constant 0 : i32
        %dma_wait3A_228 = tpu.memref_slice %arg10[%dma_wait3A_226, %dma_wait3A_227] : memref<1024x16xf32, #tpu.memory_space<vmem>> -> memref<128x16xf32, #tpu.memory_space<vmem>>
        %dma_wait3A_229 = arith.constant 0 : i32
        %dma_wait3A_230 = tpu.memref_slice %arg9[%run_scoped3A_201, %dma_wait3A_229] : memref<8x128xi32, #tpu.memory_space<vmem>> -> memref<1x128xi32, #tpu.memory_space<vmem>>
        %dma_wait3A_231 = tpu.memref_squeeze %dma_wait3A_230 : memref<1x128xi32, #tpu.memory_space<vmem>> -> memref<128xi32, #tpu.memory_space<vmem>>
        %dma_wait3A_232 = arith.constant 0 : i32
        %dma_wait3A_233 = arith.constant 0 : i32
        %dma_wait3A_234 = tpu.memref_slice %arg7[%dma_wait3A_232, %dma_wait3A_233] : memref<100096x16xf32, #tpu.memory_space<vmem_shared>> -> memref<100096x16xf32, #tpu.memory_space<vmem_shared>>
        tpu.wait_indirect_dma semaphore(%run_scoped3A_216 : memref<!tpu.dma_semaphore, #tpu.memory_space<semaphore_mem>>) src(%dma_wait3A_228 : memref<128x16xf32, #tpu.memory_space<vmem>>) dst(%dma_wait3A_234 : memref<100096x16xf32, #tpu.memory_space<vmem_shared>>)
        tpu.yield
      }) : () -> ()
      %dma_wait3A_202 = arith.constant 7 : i32
      %dma_wait3A_203 = arith.constant 896 : i32
      %dma_wait3A_204 = arith.constant 0 : i32
      %dma_wait3A_205 = tpu.memref_slice %arg10[%dma_wait3A_203, %dma_wait3A_204] : memref<1024x16xf32, #tpu.memory_space<vmem>> -> memref<128x16xf32, #tpu.memory_space<vmem>>
      %dma_wait3A_206 = arith.constant 0 : i32
      %dma_wait3A_207 = tpu.memref_slice %arg8[%dma_wait3A_202, %dma_wait3A_206] : memref<8x128xi32, #tpu.memory_space<vmem>> -> memref<1x128xi32, #tpu.memory_space<vmem>>
      %dma_wait3A_208 = tpu.memref_squeeze %dma_wait3A_207 : memref<1x128xi32, #tpu.memory_space<vmem>> -> memref<128xi32, #tpu.memory_space<vmem>>
      %dma_wait3A_209 = arith.constant 0 : i32
      %dma_wait3A_210 = tpu.memref_slice %arg2[%arg0, %dma_wait3A_209] : memref<200000x16xf32, #tpu.memory_space<hbm>> -> memref<199999x16xf32, #tpu.memory_space<hbm>>
      %dma_wait3A_211 = arith.constant 0 : i32
      %dma_wait3A_212 = arith.constant 0 : i32
      %dma_wait3A_213 = tpu.memref_slice %dma_wait3A_210[%dma_wait3A_211, %dma_wait3A_212] : memref<199999x16xf32, #tpu.memory_space<hbm>> -> memref<199999x16xf32, #tpu.memory_space<hbm>>
      tpu.wait_indirect_dma semaphore(%arg11 : memref<!tpu.dma_semaphore, #tpu.memory_space<semaphore_mem>>) src(%dma_wait3A_213 : memref<199999x16xf32, #tpu.memory_space<hbm>>) dst(%dma_wait3A_205 : memref<128x16xf32, #tpu.memory_space<vmem>>)
      %run_scoped3A_214 = arith.constant 7 : i32
      "tpu.region"() ({
        %run_scoped3A_216 = tpu.sem_alloc : memref<!tpu.dma_semaphore, #tpu.memory_space<semaphore_mem>>
        %dma_start3A_217 = arith.constant 896 : i32
        %dma_start3A_218 = arith.constant 0 : i32
        %dma_start3A_219 = tpu.memref_slice %arg10[%dma_start3A_217, %dma_start3A_218] : memref<1024x16xf32, #tpu.memory_space<vmem>> -> memref<128x16xf32, #tpu.memory_space<vmem>>
        %dma_start3A_220 = arith.constant 0 : i32
        %dma_start3A_221 = tpu.memref_slice %arg9[%run_scoped3A_214, %dma_start3A_220] : memref<8x128xi32, #tpu.memory_space<vmem>> -> memref<1x128xi32, #tpu.memory_space<vmem>>
        %dma_start3A_222 = tpu.memref_squeeze %dma_start3A_221 : memref<1x128xi32, #tpu.memory_space<vmem>> -> memref<128xi32, #tpu.memory_space<vmem>>
        %dma_start3A_223 = arith.constant 0 : i32
        %dma_start3A_224 = arith.constant 0 : i32
        %dma_start3A_225 = tpu.memref_slice %arg7[%dma_start3A_223, %dma_start3A_224] : memref<100096x16xf32, #tpu.memory_space<vmem_shared>> -> memref<100096x16xf32, #tpu.memory_space<vmem_shared>>
        tpu.enqueue_indirect_dma source(%dma_start3A_219 : memref<128x16xf32, #tpu.memory_space<vmem>>) target(%dma_start3A_225 : memref<100096x16xf32, #tpu.memory_space<vmem_shared>>) offsets(%dma_start3A_222 : memref<128xi32, #tpu.memory_space<vmem>>) semaphore(%run_scoped3A_216 : memref<!tpu.dma_semaphore, #tpu.memory_space<semaphore_mem>>) {add = true}
        %dma_wait3A_226 = arith.constant 896 : i32
        %dma_wait3A_227 = arith.constant 0 : i32
        %dma_wait3A_228 = tpu.memref_slice %arg10[%dma_wait3A_226, %dma_wait3A_227] : memref<1024x16xf32, #tpu.memory_space<vmem>> -> memref<128x16xf32, #tpu.memory_space<vmem>>
        %dma_wait3A_229 = arith.constant 0 : i32
        %dma_wait3A_230 = tpu.memref_slice %arg9[%run_scoped3A_214, %dma_wait3A_229] : memref<8x128xi32, #tpu.memory_space<vmem>> -> memref<1x128xi32, #tpu.memory_space<vmem>>
        %dma_wait3A_231 = tpu.memref_squeeze %dma_wait3A_230 : memref<1x128xi32, #tpu.memory_space<vmem>> -> memref<128xi32, #tpu.memory_space<vmem>>
        %dma_wait3A_232 = arith.constant 0 : i32
        %dma_wait3A_233 = arith.constant 0 : i32
        %dma_wait3A_234 = tpu.memref_slice %arg7[%dma_wait3A_232, %dma_wait3A_233] : memref<100096x16xf32, #tpu.memory_space<vmem_shared>> -> memref<100096x16xf32, #tpu.memory_space<vmem_shared>>
        tpu.wait_indirect_dma semaphore(%run_scoped3A_216 : memref<!tpu.dma_semaphore, #tpu.memory_space<semaphore_mem>>) src(%dma_wait3A_228 : memref<128x16xf32, #tpu.memory_space<vmem>>) dst(%dma_wait3A_234 : memref<100096x16xf32, #tpu.memory_space<vmem_shared>>)
        tpu.yield
      }) : () -> ()
      %scan3A_215 = arith.constant 0 : i32
      scf.yield %scan3A_215 : i32
    }
    %scan3A_8 = arith.constant 98 : i32
    %barrier3A_9 = arith.constant 0 : index
    tpu.barrier barrier_id(%barrier3A_9)
    %mul3A_10 = arith.constant 6250 : i32
    %mul3A_11 = arith.muli %arg1, %mul3A_10 : i32
    %mul3A_12 = arith.constant 6250 : i32
    %mul3A_13 = arith.muli %arg1, %mul3A_12 : i32
    "tpu.region"() ({
      %run_scoped3A = tpu.sem_alloc : memref<!tpu.dma_semaphore, #tpu.memory_space<semaphore_mem>>
      %dma_start3A = arith.constant 0 : i32
      %dma_start3A_14 = tpu.memref_slice %arg6[%mul3A_13, %arg0, %dma_start3A] : memref<100000x2x16xf32, #tpu.memory_space<hbm>> -> memref<6250x1x16xf32, #tpu.memory_space<hbm>>
      %dma_start3A_15 = tpu.memref_squeeze %dma_start3A_14 : memref<6250x1x16xf32, #tpu.memory_space<hbm>> -> memref<6250x16xf32, #tpu.memory_space<hbm>>
      %dma_start3A_16 = arith.constant 0 : i32
      %dma_start3A_17 = tpu.memref_slice %arg7[%mul3A_11, %dma_start3A_16] : memref<100096x16xf32, #tpu.memory_space<vmem_shared>> -> memref<6250x16xf32, #tpu.memory_space<vmem_shared>>
      tpu.enqueue_dma source(%dma_start3A_17 : memref<6250x16xf32, #tpu.memory_space<vmem_shared>>) target(%dma_start3A_15 : memref<6250x16xf32, #tpu.memory_space<hbm>>) target_semaphore(%run_scoped3A : memref<!tpu.dma_semaphore, #tpu.memory_space<semaphore_mem>>)
      %dma_wait3A = arith.constant 0 : i32
      %dma_wait3A_18 = tpu.memref_slice %arg6[%mul3A_13, %arg0, %dma_wait3A] : memref<100000x2x16xf32, #tpu.memory_space<hbm>> -> memref<6250x1x16xf32, #tpu.memory_space<hbm>>
      %dma_wait3A_19 = tpu.memref_squeeze %dma_wait3A_18 : memref<6250x1x16xf32, #tpu.memory_space<hbm>> -> memref<6250x16xf32, #tpu.memory_space<hbm>>
      %dma_wait3A_20 = arith.constant 0 : i32
      %dma_wait3A_21 = tpu.memref_slice %arg7[%mul3A_11, %dma_wait3A_20] : memref<100096x16xf32, #tpu.memory_space<vmem_shared>> -> memref<6250x16xf32, #tpu.memory_space<vmem_shared>>
      tpu.wait_dma2 semaphore(%run_scoped3A : memref<!tpu.dma_semaphore, #tpu.memory_space<semaphore_mem>>) src(%dma_wait3A_21 : memref<6250x16xf32, #tpu.memory_space<vmem_shared>>) dst(%dma_wait3A_19 : memref<6250x16xf32, #tpu.memory_space<hbm>>)
      tpu.yield
    }) : () -> ()
    return
  }
}

#map = affine_map<(d0, d1) -> (0, 0)>
#map1 = affine_map<(d0, d1) -> (0, 0, 0)>
module attributes {stable_mosaic.version = 14 : i64} {
  func.func @sc_scatter(%arg0: i32, %arg1: i32, %arg2: memref<200000x16xf32, #tpu.memory_space<hbm>>, %arg3: memref<12544x128xi32, #tpu.memory_space<hbm>>, %arg4: memref<12544x128xi32, #tpu.memory_space<hbm>>, %arg5: memref<6256x16xf32, #tpu.memory_space<hbm>>, %arg6: memref<100000x2x16xf32, #tpu.memory_space<hbm>>, %arg7: memref<100096x16xf32, #tpu.memory_space<vmem_shared>>, %arg8: memref<8x128xi32, #tpu.memory_space<vmem>>, %arg9: memref<8x128xi32, #tpu.memory_space<vmem>>, %arg10: memref<1024x16xf32, #tpu.memory_space<vmem>>, %arg11: memref<!tpu.dma_semaphore, #tpu.memory_space<semaphore_mem>>) attributes {dimension_semantics = [#tpu.dimension_semantics<core_parallel>, #tpu.dimension_semantics<subcore_parallel>], iteration_bounds = array<i64: 2, 16>, scalar_prefetch = 0 : i64, scratch_operands = 5 : i64, tpu.core_type = #tpu.core_type<sc_vector_subcore>, window_params = [{transform_indices = #map}, {transform_indices = #map}, {transform_indices = #map}, {transform_indices = #map}, {transform_indices = #map1}]} {
    %mul3A = arith.constant 6256 : i32
    %mul3A_0 = arith.muli %arg1, %mul3A : i32
    "tpu.region"() ({
      %run_scoped3A = tpu.sem_alloc : memref<!tpu.dma_semaphore, #tpu.memory_space<semaphore_mem>>
      %dma_start3A = arith.constant 0 : i32
      %dma_start3A_16 = tpu.memref_slice %arg7[%mul3A_0, %dma_start3A] : memref<100096x16xf32, #tpu.memory_space<vmem_shared>> -> memref<6256x16xf32, #tpu.memory_space<vmem_shared>>
      tpu.enqueue_dma source(%arg5 : memref<6256x16xf32, #tpu.memory_space<hbm>>) target(%dma_start3A_16 : memref<6256x16xf32, #tpu.memory_space<vmem_shared>>) target_semaphore(%run_scoped3A : memref<!tpu.dma_semaphore, #tpu.memory_space<semaphore_mem>>)
      %dma_wait3A = arith.constant 0 : i32
      %dma_wait3A_17 = tpu.memref_slice %arg7[%mul3A_0, %dma_wait3A] : memref<100096x16xf32, #tpu.memory_space<vmem_shared>> -> memref<6256x16xf32, #tpu.memory_space<vmem_shared>>
      tpu.wait_dma2 semaphore(%run_scoped3A : memref<!tpu.dma_semaphore, #tpu.memory_space<semaphore_mem>>) src(%arg5 : memref<6256x16xf32, #tpu.memory_space<hbm>>) dst(%dma_wait3A_17 : memref<6256x16xf32, #tpu.memory_space<vmem_shared>>)
      tpu.yield
    }) : () -> ()
    %barrier3A = arith.constant 0 : index
    tpu.barrier barrier_id(%barrier3A)
    %mul3A_1 = arith.constant 16 : i32
    %mul3A_2 = arith.muli %arg0, %mul3A_1 : i32
    %add3A = arith.addi %mul3A_2, %arg1 : i32
    %mul3A_3 = arith.constant 392 : i32
    %mul3A_4 = arith.muli %add3A, %mul3A_3 : i32
    %scan3A = arith.constant 0 : i32
    %scan3A_5 = arith.constant 0 : i32
    %scan3A_6 = arith.constant 49 : i32
    %scan3A_7 = arith.addi %scan3A_5, %scan3A_6 : i32
    %scan3A_8 = arith.constant 1 : i32
    %scan3A_9 = scf.for %scan3A_16 = %scan3A_5 to %scan3A_7 step %scan3A_8 iter_args(%scan3A_17 = %scan3A) -> (i32)  : i32 {
      %mul3A_18 = arith.constant 8 : i32
      %mul3A_19 = arith.muli %scan3A_16, %mul3A_18 : i32
      %add3A_20 = arith.addi %mul3A_4, %mul3A_19 : i32
      "tpu.region"() ({
        %run_scoped3A_235 = tpu.sem_alloc : memref<!tpu.dma_semaphore, #tpu.memory_space<semaphore_mem>>
        %dma_start3A_236 = arith.constant 0 : i32
        %dma_start3A_237 = tpu.memref_slice %arg3[%add3A_20, %dma_start3A_236] : memref<12544x128xi32, #tpu.memory_space<hbm>> -> memref<8x128xi32, #tpu.memory_space<hbm>>
        %dma_start3A_238 = arith.constant 0 : i32
        %dma_start3A_239 = tpu.memref_slice %arg3[%add3A_20, %dma_start3A_238] : memref<12544x128xi32, #tpu.memory_space<hbm>> -> memref<8x128xi32, #tpu.memory_space<hbm>>
        tpu.enqueue_dma source(%dma_start3A_239 : memref<8x128xi32, #tpu.memory_space<hbm>>) target(%arg8 : memref<8x128xi32, #tpu.memory_space<vmem>>) target_semaphore(%run_scoped3A_235 : memref<!tpu.dma_semaphore, #tpu.memory_space<semaphore_mem>>)
        %dma_wait3A_240 = arith.constant 0 : i32
        %dma_wait3A_241 = tpu.memref_slice %arg3[%add3A_20, %dma_wait3A_240] : memref<12544x128xi32, #tpu.memory_space<hbm>> -> memref<8x128xi32, #tpu.memory_space<hbm>>
        %dma_wait3A_242 = arith.constant 0 : i32
        %dma_wait3A_243 = tpu.memref_slice %arg3[%add3A_20, %dma_wait3A_242] : memref<12544x128xi32, #tpu.memory_space<hbm>> -> memref<8x128xi32, #tpu.memory_space<hbm>>
        tpu.wait_dma2 semaphore(%run_scoped3A_235 : memref<!tpu.dma_semaphore, #tpu.memory_space<semaphore_mem>>) src(%dma_wait3A_243 : memref<8x128xi32, #tpu.memory_space<hbm>>) dst(%arg8 : memref<8x128xi32, #tpu.memory_space<vmem>>)
        tpu.yield
      }) : () -> ()
      "tpu.region"() ({
        %run_scoped3A_235 = tpu.sem_alloc : memref<!tpu.dma_semaphore, #tpu.memory_space<semaphore_mem>>
        %dma_start3A_236 = arith.constant 0 : i32
        %dma_start3A_237 = tpu.memref_slice %arg4[%add3A_20, %dma_start3A_236] : memref<12544x128xi32, #tpu.memory_space<hbm>> -> memref<8x128xi32, #tpu.memory_space<hbm>>
        %dma_start3A_238 = arith.constant 0 : i32
        %dma_start3A_239 = tpu.memref_slice %arg4[%add3A_20, %dma_start3A_238] : memref<12544x128xi32, #tpu.memory_space<hbm>> -> memref<8x128xi32, #tpu.memory_space<hbm>>
        tpu.enqueue_dma source(%dma_start3A_239 : memref<8x128xi32, #tpu.memory_space<hbm>>) target(%arg9 : memref<8x128xi32, #tpu.memory_space<vmem>>) target_semaphore(%run_scoped3A_235 : memref<!tpu.dma_semaphore, #tpu.memory_space<semaphore_mem>>)
        %dma_wait3A_240 = arith.constant 0 : i32
        %dma_wait3A_241 = tpu.memref_slice %arg4[%add3A_20, %dma_wait3A_240] : memref<12544x128xi32, #tpu.memory_space<hbm>> -> memref<8x128xi32, #tpu.memory_space<hbm>>
        %dma_wait3A_242 = arith.constant 0 : i32
        %dma_wait3A_243 = tpu.memref_slice %arg4[%add3A_20, %dma_wait3A_242] : memref<12544x128xi32, #tpu.memory_space<hbm>> -> memref<8x128xi32, #tpu.memory_space<hbm>>
        tpu.wait_dma2 semaphore(%run_scoped3A_235 : memref<!tpu.dma_semaphore, #tpu.memory_space<semaphore_mem>>) src(%dma_wait3A_243 : memref<8x128xi32, #tpu.memory_space<hbm>>) dst(%arg9 : memref<8x128xi32, #tpu.memory_space<vmem>>)
        tpu.yield
      }) : () -> ()
      %dma_start3A = arith.constant 0 : i32
      %dma_start3A_21 = arith.constant 0 : i32
      %dma_start3A_22 = arith.constant 0 : i32
      %dma_start3A_23 = tpu.memref_slice %arg10[%dma_start3A_21, %dma_start3A_22] : memref<1024x16xf32, #tpu.memory_space<vmem>> -> memref<128x16xf32, #tpu.memory_space<vmem>>
      %dma_start3A_24 = arith.constant 0 : i32
      %dma_start3A_25 = tpu.memref_slice %arg8[%dma_start3A, %dma_start3A_24] : memref<8x128xi32, #tpu.memory_space<vmem>> -> memref<1x128xi32, #tpu.memory_space<vmem>>
      %dma_start3A_26 = tpu.memref_squeeze %dma_start3A_25 : memref<1x128xi32, #tpu.memory_space<vmem>> -> memref<128xi32, #tpu.memory_space<vmem>>
      %dma_start3A_27 = arith.constant 0 : i32
      %dma_start3A_28 = arith.constant 0 : i32
      %dma_start3A_29 = tpu.memref_slice %arg2[%dma_start3A_27, %dma_start3A_28] : memref<200000x16xf32, #tpu.memory_space<hbm>> -> memref<199999x16xf32, #tpu.memory_space<hbm>>
      %dma_start3A_30 = arith.constant 0 : i32
      %dma_start3A_31 = arith.constant 0 : i32
      %dma_start3A_32 = tpu.memref_slice %dma_start3A_29[%dma_start3A_30, %dma_start3A_31] : memref<199999x16xf32, #tpu.memory_space<hbm>> -> memref<199999x16xf32, #tpu.memory_space<hbm>>
      tpu.enqueue_indirect_dma source(%dma_start3A_32 : memref<199999x16xf32, #tpu.memory_space<hbm>>) target(%dma_start3A_23 : memref<128x16xf32, #tpu.memory_space<vmem>>) offsets(%dma_start3A_26 : memref<128xi32, #tpu.memory_space<vmem>>) semaphore(%arg11 : memref<!tpu.dma_semaphore, #tpu.memory_space<semaphore_mem>>)
      %dma_start3A_33 = arith.constant 1 : i32
      %dma_start3A_34 = arith.constant 128 : i32
      %dma_start3A_35 = arith.constant 0 : i32
      %dma_start3A_36 = tpu.memref_slice %arg10[%dma_start3A_34, %dma_start3A_35] : memref<1024x16xf32, #tpu.memory_space<vmem>> -> memref<128x16xf32, #tpu.memory_space<vmem>>
      %dma_start3A_37 = arith.constant 0 : i32
      %dma_start3A_38 = tpu.memref_slice %arg8[%dma_start3A_33, %dma_start3A_37] : memref<8x128xi32, #tpu.memory_space<vmem>> -> memref<1x128xi32, #tpu.memory_space<vmem>>
      %dma_start3A_39 = tpu.memref_squeeze %dma_start3A_38 : memref<1x128xi32, #tpu.memory_space<vmem>> -> memref<128xi32, #tpu.memory_space<vmem>>
      %dma_start3A_40 = arith.constant 0 : i32
      %dma_start3A_41 = arith.constant 0 : i32
      %dma_start3A_42 = tpu.memref_slice %arg2[%dma_start3A_40, %dma_start3A_41] : memref<200000x16xf32, #tpu.memory_space<hbm>> -> memref<199999x16xf32, #tpu.memory_space<hbm>>
      %dma_start3A_43 = arith.constant 0 : i32
      %dma_start3A_44 = arith.constant 0 : i32
      %dma_start3A_45 = tpu.memref_slice %dma_start3A_42[%dma_start3A_43, %dma_start3A_44] : memref<199999x16xf32, #tpu.memory_space<hbm>> -> memref<199999x16xf32, #tpu.memory_space<hbm>>
      tpu.enqueue_indirect_dma source(%dma_start3A_45 : memref<199999x16xf32, #tpu.memory_space<hbm>>) target(%dma_start3A_36 : memref<128x16xf32, #tpu.memory_space<vmem>>) offsets(%dma_start3A_39 : memref<128xi32, #tpu.memory_space<vmem>>) semaphore(%arg11 : memref<!tpu.dma_semaphore, #tpu.memory_space<semaphore_mem>>)
      %dma_start3A_46 = arith.constant 2 : i32
      %dma_start3A_47 = arith.constant 256 : i32
      %dma_start3A_48 = arith.constant 0 : i32
      %dma_start3A_49 = tpu.memref_slice %arg10[%dma_start3A_47, %dma_start3A_48] : memref<1024x16xf32, #tpu.memory_space<vmem>> -> memref<128x16xf32, #tpu.memory_space<vmem>>
      %dma_start3A_50 = arith.constant 0 : i32
      %dma_start3A_51 = tpu.memref_slice %arg8[%dma_start3A_46, %dma_start3A_50] : memref<8x128xi32, #tpu.memory_space<vmem>> -> memref<1x128xi32, #tpu.memory_space<vmem>>
      %dma_start3A_52 = tpu.memref_squeeze %dma_start3A_51 : memref<1x128xi32, #tpu.memory_space<vmem>> -> memref<128xi32, #tpu.memory_space<vmem>>
      %dma_start3A_53 = arith.constant 0 : i32
      %dma_start3A_54 = arith.constant 0 : i32
      %dma_start3A_55 = tpu.memref_slice %arg2[%dma_start3A_53, %dma_start3A_54] : memref<200000x16xf32, #tpu.memory_space<hbm>> -> memref<199999x16xf32, #tpu.memory_space<hbm>>
      %dma_start3A_56 = arith.constant 0 : i32
      %dma_start3A_57 = arith.constant 0 : i32
      %dma_start3A_58 = tpu.memref_slice %dma_start3A_55[%dma_start3A_56, %dma_start3A_57] : memref<199999x16xf32, #tpu.memory_space<hbm>> -> memref<199999x16xf32, #tpu.memory_space<hbm>>
      tpu.enqueue_indirect_dma source(%dma_start3A_58 : memref<199999x16xf32, #tpu.memory_space<hbm>>) target(%dma_start3A_49 : memref<128x16xf32, #tpu.memory_space<vmem>>) offsets(%dma_start3A_52 : memref<128xi32, #tpu.memory_space<vmem>>) semaphore(%arg11 : memref<!tpu.dma_semaphore, #tpu.memory_space<semaphore_mem>>)
      %dma_start3A_59 = arith.constant 3 : i32
      %dma_start3A_60 = arith.constant 384 : i32
      %dma_start3A_61 = arith.constant 0 : i32
      %dma_start3A_62 = tpu.memref_slice %arg10[%dma_start3A_60, %dma_start3A_61] : memref<1024x16xf32, #tpu.memory_space<vmem>> -> memref<128x16xf32, #tpu.memory_space<vmem>>
      %dma_start3A_63 = arith.constant 0 : i32
      %dma_start3A_64 = tpu.memref_slice %arg8[%dma_start3A_59, %dma_start3A_63] : memref<8x128xi32, #tpu.memory_space<vmem>> -> memref<1x128xi32, #tpu.memory_space<vmem>>
      %dma_start3A_65 = tpu.memref_squeeze %dma_start3A_64 : memref<1x128xi32, #tpu.memory_space<vmem>> -> memref<128xi32, #tpu.memory_space<vmem>>
      %dma_start3A_66 = arith.constant 0 : i32
      %dma_start3A_67 = arith.constant 0 : i32
      %dma_start3A_68 = tpu.memref_slice %arg2[%dma_start3A_66, %dma_start3A_67] : memref<200000x16xf32, #tpu.memory_space<hbm>> -> memref<199999x16xf32, #tpu.memory_space<hbm>>
      %dma_start3A_69 = arith.constant 0 : i32
      %dma_start3A_70 = arith.constant 0 : i32
      %dma_start3A_71 = tpu.memref_slice %dma_start3A_68[%dma_start3A_69, %dma_start3A_70] : memref<199999x16xf32, #tpu.memory_space<hbm>> -> memref<199999x16xf32, #tpu.memory_space<hbm>>
      tpu.enqueue_indirect_dma source(%dma_start3A_71 : memref<199999x16xf32, #tpu.memory_space<hbm>>) target(%dma_start3A_62 : memref<128x16xf32, #tpu.memory_space<vmem>>) offsets(%dma_start3A_65 : memref<128xi32, #tpu.memory_space<vmem>>) semaphore(%arg11 : memref<!tpu.dma_semaphore, #tpu.memory_space<semaphore_mem>>)
      %dma_start3A_72 = arith.constant 4 : i32
      %dma_start3A_73 = arith.constant 512 : i32
      %dma_start3A_74 = arith.constant 0 : i32
      %dma_start3A_75 = tpu.memref_slice %arg10[%dma_start3A_73, %dma_start3A_74] : memref<1024x16xf32, #tpu.memory_space<vmem>> -> memref<128x16xf32, #tpu.memory_space<vmem>>
      %dma_start3A_76 = arith.constant 0 : i32
      %dma_start3A_77 = tpu.memref_slice %arg8[%dma_start3A_72, %dma_start3A_76] : memref<8x128xi32, #tpu.memory_space<vmem>> -> memref<1x128xi32, #tpu.memory_space<vmem>>
      %dma_start3A_78 = tpu.memref_squeeze %dma_start3A_77 : memref<1x128xi32, #tpu.memory_space<vmem>> -> memref<128xi32, #tpu.memory_space<vmem>>
      %dma_start3A_79 = arith.constant 0 : i32
      %dma_start3A_80 = arith.constant 0 : i32
      %dma_start3A_81 = tpu.memref_slice %arg2[%dma_start3A_79, %dma_start3A_80] : memref<200000x16xf32, #tpu.memory_space<hbm>> -> memref<199999x16xf32, #tpu.memory_space<hbm>>
      %dma_start3A_82 = arith.constant 0 : i32
      %dma_start3A_83 = arith.constant 0 : i32
      %dma_start3A_84 = tpu.memref_slice %dma_start3A_81[%dma_start3A_82, %dma_start3A_83] : memref<199999x16xf32, #tpu.memory_space<hbm>> -> memref<199999x16xf32, #tpu.memory_space<hbm>>
      tpu.enqueue_indirect_dma source(%dma_start3A_84 : memref<199999x16xf32, #tpu.memory_space<hbm>>) target(%dma_start3A_75 : memref<128x16xf32, #tpu.memory_space<vmem>>) offsets(%dma_start3A_78 : memref<128xi32, #tpu.memory_space<vmem>>) semaphore(%arg11 : memref<!tpu.dma_semaphore, #tpu.memory_space<semaphore_mem>>)
      %dma_start3A_85 = arith.constant 5 : i32
      %dma_start3A_86 = arith.constant 640 : i32
      %dma_start3A_87 = arith.constant 0 : i32
      %dma_start3A_88 = tpu.memref_slice %arg10[%dma_start3A_86, %dma_start3A_87] : memref<1024x16xf32, #tpu.memory_space<vmem>> -> memref<128x16xf32, #tpu.memory_space<vmem>>
      %dma_start3A_89 = arith.constant 0 : i32
      %dma_start3A_90 = tpu.memref_slice %arg8[%dma_start3A_85, %dma_start3A_89] : memref<8x128xi32, #tpu.memory_space<vmem>> -> memref<1x128xi32, #tpu.memory_space<vmem>>
      %dma_start3A_91 = tpu.memref_squeeze %dma_start3A_90 : memref<1x128xi32, #tpu.memory_space<vmem>> -> memref<128xi32, #tpu.memory_space<vmem>>
      %dma_start3A_92 = arith.constant 0 : i32
      %dma_start3A_93 = arith.constant 0 : i32
      %dma_start3A_94 = tpu.memref_slice %arg2[%dma_start3A_92, %dma_start3A_93] : memref<200000x16xf32, #tpu.memory_space<hbm>> -> memref<199999x16xf32, #tpu.memory_space<hbm>>
      %dma_start3A_95 = arith.constant 0 : i32
      %dma_start3A_96 = arith.constant 0 : i32
      %dma_start3A_97 = tpu.memref_slice %dma_start3A_94[%dma_start3A_95, %dma_start3A_96] : memref<199999x16xf32, #tpu.memory_space<hbm>> -> memref<199999x16xf32, #tpu.memory_space<hbm>>
      tpu.enqueue_indirect_dma source(%dma_start3A_97 : memref<199999x16xf32, #tpu.memory_space<hbm>>) target(%dma_start3A_88 : memref<128x16xf32, #tpu.memory_space<vmem>>) offsets(%dma_start3A_91 : memref<128xi32, #tpu.memory_space<vmem>>) semaphore(%arg11 : memref<!tpu.dma_semaphore, #tpu.memory_space<semaphore_mem>>)
      %dma_start3A_98 = arith.constant 6 : i32
      %dma_start3A_99 = arith.constant 768 : i32
      %dma_start3A_100 = arith.constant 0 : i32
      %dma_start3A_101 = tpu.memref_slice %arg10[%dma_start3A_99, %dma_start3A_100] : memref<1024x16xf32, #tpu.memory_space<vmem>> -> memref<128x16xf32, #tpu.memory_space<vmem>>
      %dma_start3A_102 = arith.constant 0 : i32
      %dma_start3A_103 = tpu.memref_slice %arg8[%dma_start3A_98, %dma_start3A_102] : memref<8x128xi32, #tpu.memory_space<vmem>> -> memref<1x128xi32, #tpu.memory_space<vmem>>
      %dma_start3A_104 = tpu.memref_squeeze %dma_start3A_103 : memref<1x128xi32, #tpu.memory_space<vmem>> -> memref<128xi32, #tpu.memory_space<vmem>>
      %dma_start3A_105 = arith.constant 0 : i32
      %dma_start3A_106 = arith.constant 0 : i32
      %dma_start3A_107 = tpu.memref_slice %arg2[%dma_start3A_105, %dma_start3A_106] : memref<200000x16xf32, #tpu.memory_space<hbm>> -> memref<199999x16xf32, #tpu.memory_space<hbm>>
      %dma_start3A_108 = arith.constant 0 : i32
      %dma_start3A_109 = arith.constant 0 : i32
      %dma_start3A_110 = tpu.memref_slice %dma_start3A_107[%dma_start3A_108, %dma_start3A_109] : memref<199999x16xf32, #tpu.memory_space<hbm>> -> memref<199999x16xf32, #tpu.memory_space<hbm>>
      tpu.enqueue_indirect_dma source(%dma_start3A_110 : memref<199999x16xf32, #tpu.memory_space<hbm>>) target(%dma_start3A_101 : memref<128x16xf32, #tpu.memory_space<vmem>>) offsets(%dma_start3A_104 : memref<128xi32, #tpu.memory_space<vmem>>) semaphore(%arg11 : memref<!tpu.dma_semaphore, #tpu.memory_space<semaphore_mem>>)
      %dma_start3A_111 = arith.constant 7 : i32
      %dma_start3A_112 = arith.constant 896 : i32
      %dma_start3A_113 = arith.constant 0 : i32
      %dma_start3A_114 = tpu.memref_slice %arg10[%dma_start3A_112, %dma_start3A_113] : memref<1024x16xf32, #tpu.memory_space<vmem>> -> memref<128x16xf32, #tpu.memory_space<vmem>>
      %dma_start3A_115 = arith.constant 0 : i32
      %dma_start3A_116 = tpu.memref_slice %arg8[%dma_start3A_111, %dma_start3A_115] : memref<8x128xi32, #tpu.memory_space<vmem>> -> memref<1x128xi32, #tpu.memory_space<vmem>>
      %dma_start3A_117 = tpu.memref_squeeze %dma_start3A_116 : memref<1x128xi32, #tpu.memory_space<vmem>> -> memref<128xi32, #tpu.memory_space<vmem>>
      %dma_start3A_118 = arith.constant 0 : i32
      %dma_start3A_119 = arith.constant 0 : i32
      %dma_start3A_120 = tpu.memref_slice %arg2[%dma_start3A_118, %dma_start3A_119] : memref<200000x16xf32, #tpu.memory_space<hbm>> -> memref<199999x16xf32, #tpu.memory_space<hbm>>
      %dma_start3A_121 = arith.constant 0 : i32
      %dma_start3A_122 = arith.constant 0 : i32
      %dma_start3A_123 = tpu.memref_slice %dma_start3A_120[%dma_start3A_121, %dma_start3A_122] : memref<199999x16xf32, #tpu.memory_space<hbm>> -> memref<199999x16xf32, #tpu.memory_space<hbm>>
      tpu.enqueue_indirect_dma source(%dma_start3A_123 : memref<199999x16xf32, #tpu.memory_space<hbm>>) target(%dma_start3A_114 : memref<128x16xf32, #tpu.memory_space<vmem>>) offsets(%dma_start3A_117 : memref<128xi32, #tpu.memory_space<vmem>>) semaphore(%arg11 : memref<!tpu.dma_semaphore, #tpu.memory_space<semaphore_mem>>)
      %dma_wait3A = arith.constant 0 : i32
      %dma_wait3A_124 = arith.constant 0 : i32
      %dma_wait3A_125 = arith.constant 0 : i32
      %dma_wait3A_126 = tpu.memref_slice %arg10[%dma_wait3A_124, %dma_wait3A_125] : memref<1024x16xf32, #tpu.memory_space<vmem>> -> memref<128x16xf32, #tpu.memory_space<vmem>>
      %dma_wait3A_127 = arith.constant 0 : i32
      %dma_wait3A_128 = tpu.memref_slice %arg8[%dma_wait3A, %dma_wait3A_127] : memref<8x128xi32, #tpu.memory_space<vmem>> -> memref<1x128xi32, #tpu.memory_space<vmem>>
      %dma_wait3A_129 = tpu.memref_squeeze %dma_wait3A_128 : memref<1x128xi32, #tpu.memory_space<vmem>> -> memref<128xi32, #tpu.memory_space<vmem>>
      %dma_wait3A_130 = arith.constant 0 : i32
      %dma_wait3A_131 = arith.constant 0 : i32
      %dma_wait3A_132 = tpu.memref_slice %arg2[%dma_wait3A_130, %dma_wait3A_131] : memref<200000x16xf32, #tpu.memory_space<hbm>> -> memref<199999x16xf32, #tpu.memory_space<hbm>>
      %dma_wait3A_133 = arith.constant 0 : i32
      %dma_wait3A_134 = arith.constant 0 : i32
      %dma_wait3A_135 = tpu.memref_slice %dma_wait3A_132[%dma_wait3A_133, %dma_wait3A_134] : memref<199999x16xf32, #tpu.memory_space<hbm>> -> memref<199999x16xf32, #tpu.memory_space<hbm>>
      tpu.wait_indirect_dma semaphore(%arg11 : memref<!tpu.dma_semaphore, #tpu.memory_space<semaphore_mem>>) src(%dma_wait3A_135 : memref<199999x16xf32, #tpu.memory_space<hbm>>) dst(%dma_wait3A_126 : memref<128x16xf32, #tpu.memory_space<vmem>>)
      %run_scoped3A = arith.constant 0 : i32
      "tpu.region"() ({
        %run_scoped3A_235 = tpu.sem_alloc : memref<!tpu.dma_semaphore, #tpu.memory_space<semaphore_mem>>
        %dma_start3A_236 = arith.constant 0 : i32
        %dma_start3A_237 = arith.constant 0 : i32
        %dma_start3A_238 = tpu.memref_slice %arg10[%dma_start3A_236, %dma_start3A_237] : memref<1024x16xf32, #tpu.memory_space<vmem>> -> memref<128x16xf32, #tpu.memory_space<vmem>>
        %dma_start3A_239 = arith.constant 0 : i32
        %dma_start3A_240 = tpu.memref_slice %arg9[%run_scoped3A, %dma_start3A_239] : memref<8x128xi32, #tpu.memory_space<vmem>> -> memref<1x128xi32, #tpu.memory_space<vmem>>
        %dma_start3A_241 = tpu.memref_squeeze %dma_start3A_240 : memref<1x128xi32, #tpu.memory_space<vmem>> -> memref<128xi32, #tpu.memory_space<vmem>>
        %dma_start3A_242 = arith.constant 0 : i32
        %dma_start3A_243 = arith.constant 0 : i32
        %dma_start3A_244 = tpu.memref_slice %arg7[%dma_start3A_242, %dma_start3A_243] : memref<100096x16xf32, #tpu.memory_space<vmem_shared>> -> memref<100096x16xf32, #tpu.memory_space<vmem_shared>>
        tpu.enqueue_indirect_dma source(%dma_start3A_238 : memref<128x16xf32, #tpu.memory_space<vmem>>) target(%dma_start3A_244 : memref<100096x16xf32, #tpu.memory_space<vmem_shared>>) offsets(%dma_start3A_241 : memref<128xi32, #tpu.memory_space<vmem>>) semaphore(%run_scoped3A_235 : memref<!tpu.dma_semaphore, #tpu.memory_space<semaphore_mem>>) {add = true}
        %dma_wait3A_245 = arith.constant 0 : i32
        %dma_wait3A_246 = arith.constant 0 : i32
        %dma_wait3A_247 = tpu.memref_slice %arg10[%dma_wait3A_245, %dma_wait3A_246] : memref<1024x16xf32, #tpu.memory_space<vmem>> -> memref<128x16xf32, #tpu.memory_space<vmem>>
        %dma_wait3A_248 = arith.constant 0 : i32
        %dma_wait3A_249 = tpu.memref_slice %arg9[%run_scoped3A, %dma_wait3A_248] : memref<8x128xi32, #tpu.memory_space<vmem>> -> memref<1x128xi32, #tpu.memory_space<vmem>>
        %dma_wait3A_250 = tpu.memref_squeeze %dma_wait3A_249 : memref<1x128xi32, #tpu.memory_space<vmem>> -> memref<128xi32, #tpu.memory_space<vmem>>
        %dma_wait3A_251 = arith.constant 0 : i32
        %dma_wait3A_252 = arith.constant 0 : i32
        %dma_wait3A_253 = tpu.memref_slice %arg7[%dma_wait3A_251, %dma_wait3A_252] : memref<100096x16xf32, #tpu.memory_space<vmem_shared>> -> memref<100096x16xf32, #tpu.memory_space<vmem_shared>>
        tpu.wait_indirect_dma semaphore(%run_scoped3A_235 : memref<!tpu.dma_semaphore, #tpu.memory_space<semaphore_mem>>) src(%dma_wait3A_247 : memref<128x16xf32, #tpu.memory_space<vmem>>) dst(%dma_wait3A_253 : memref<100096x16xf32, #tpu.memory_space<vmem_shared>>)
        tpu.yield
      }) : () -> ()
      %dma_wait3A_136 = arith.constant 1 : i32
      %dma_wait3A_137 = arith.constant 128 : i32
      %dma_wait3A_138 = arith.constant 0 : i32
      %dma_wait3A_139 = tpu.memref_slice %arg10[%dma_wait3A_137, %dma_wait3A_138] : memref<1024x16xf32, #tpu.memory_space<vmem>> -> memref<128x16xf32, #tpu.memory_space<vmem>>
      %dma_wait3A_140 = arith.constant 0 : i32
      %dma_wait3A_141 = tpu.memref_slice %arg8[%dma_wait3A_136, %dma_wait3A_140] : memref<8x128xi32, #tpu.memory_space<vmem>> -> memref<1x128xi32, #tpu.memory_space<vmem>>
      %dma_wait3A_142 = tpu.memref_squeeze %dma_wait3A_141 : memref<1x128xi32, #tpu.memory_space<vmem>> -> memref<128xi32, #tpu.memory_space<vmem>>
      %dma_wait3A_143 = arith.constant 0 : i32
      %dma_wait3A_144 = arith.constant 0 : i32
      %dma_wait3A_145 = tpu.memref_slice %arg2[%dma_wait3A_143, %dma_wait3A_144] : memref<200000x16xf32, #tpu.memory_space<hbm>> -> memref<199999x16xf32, #tpu.memory_space<hbm>>
      %dma_wait3A_146 = arith.constant 0 : i32
      %dma_wait3A_147 = arith.constant 0 : i32
      %dma_wait3A_148 = tpu.memref_slice %dma_wait3A_145[%dma_wait3A_146, %dma_wait3A_147] : memref<199999x16xf32, #tpu.memory_space<hbm>> -> memref<199999x16xf32, #tpu.memory_space<hbm>>
      tpu.wait_indirect_dma semaphore(%arg11 : memref<!tpu.dma_semaphore, #tpu.memory_space<semaphore_mem>>) src(%dma_wait3A_148 : memref<199999x16xf32, #tpu.memory_space<hbm>>) dst(%dma_wait3A_139 : memref<128x16xf32, #tpu.memory_space<vmem>>)
      %run_scoped3A_149 = arith.constant 1 : i32
      "tpu.region"() ({
        %run_scoped3A_235 = tpu.sem_alloc : memref<!tpu.dma_semaphore, #tpu.memory_space<semaphore_mem>>
        %dma_start3A_236 = arith.constant 128 : i32
        %dma_start3A_237 = arith.constant 0 : i32
        %dma_start3A_238 = tpu.memref_slice %arg10[%dma_start3A_236, %dma_start3A_237] : memref<1024x16xf32, #tpu.memory_space<vmem>> -> memref<128x16xf32, #tpu.memory_space<vmem>>
        %dma_start3A_239 = arith.constant 0 : i32
        %dma_start3A_240 = tpu.memref_slice %arg9[%run_scoped3A_149, %dma_start3A_239] : memref<8x128xi32, #tpu.memory_space<vmem>> -> memref<1x128xi32, #tpu.memory_space<vmem>>
        %dma_start3A_241 = tpu.memref_squeeze %dma_start3A_240 : memref<1x128xi32, #tpu.memory_space<vmem>> -> memref<128xi32, #tpu.memory_space<vmem>>
        %dma_start3A_242 = arith.constant 0 : i32
        %dma_start3A_243 = arith.constant 0 : i32
        %dma_start3A_244 = tpu.memref_slice %arg7[%dma_start3A_242, %dma_start3A_243] : memref<100096x16xf32, #tpu.memory_space<vmem_shared>> -> memref<100096x16xf32, #tpu.memory_space<vmem_shared>>
        tpu.enqueue_indirect_dma source(%dma_start3A_238 : memref<128x16xf32, #tpu.memory_space<vmem>>) target(%dma_start3A_244 : memref<100096x16xf32, #tpu.memory_space<vmem_shared>>) offsets(%dma_start3A_241 : memref<128xi32, #tpu.memory_space<vmem>>) semaphore(%run_scoped3A_235 : memref<!tpu.dma_semaphore, #tpu.memory_space<semaphore_mem>>) {add = true}
        %dma_wait3A_245 = arith.constant 128 : i32
        %dma_wait3A_246 = arith.constant 0 : i32
        %dma_wait3A_247 = tpu.memref_slice %arg10[%dma_wait3A_245, %dma_wait3A_246] : memref<1024x16xf32, #tpu.memory_space<vmem>> -> memref<128x16xf32, #tpu.memory_space<vmem>>
        %dma_wait3A_248 = arith.constant 0 : i32
        %dma_wait3A_249 = tpu.memref_slice %arg9[%run_scoped3A_149, %dma_wait3A_248] : memref<8x128xi32, #tpu.memory_space<vmem>> -> memref<1x128xi32, #tpu.memory_space<vmem>>
        %dma_wait3A_250 = tpu.memref_squeeze %dma_wait3A_249 : memref<1x128xi32, #tpu.memory_space<vmem>> -> memref<128xi32, #tpu.memory_space<vmem>>
        %dma_wait3A_251 = arith.constant 0 : i32
        %dma_wait3A_252 = arith.constant 0 : i32
        %dma_wait3A_253 = tpu.memref_slice %arg7[%dma_wait3A_251, %dma_wait3A_252] : memref<100096x16xf32, #tpu.memory_space<vmem_shared>> -> memref<100096x16xf32, #tpu.memory_space<vmem_shared>>
        tpu.wait_indirect_dma semaphore(%run_scoped3A_235 : memref<!tpu.dma_semaphore, #tpu.memory_space<semaphore_mem>>) src(%dma_wait3A_247 : memref<128x16xf32, #tpu.memory_space<vmem>>) dst(%dma_wait3A_253 : memref<100096x16xf32, #tpu.memory_space<vmem_shared>>)
        tpu.yield
      }) : () -> ()
      %dma_wait3A_150 = arith.constant 2 : i32
      %dma_wait3A_151 = arith.constant 256 : i32
      %dma_wait3A_152 = arith.constant 0 : i32
      %dma_wait3A_153 = tpu.memref_slice %arg10[%dma_wait3A_151, %dma_wait3A_152] : memref<1024x16xf32, #tpu.memory_space<vmem>> -> memref<128x16xf32, #tpu.memory_space<vmem>>
      %dma_wait3A_154 = arith.constant 0 : i32
      %dma_wait3A_155 = tpu.memref_slice %arg8[%dma_wait3A_150, %dma_wait3A_154] : memref<8x128xi32, #tpu.memory_space<vmem>> -> memref<1x128xi32, #tpu.memory_space<vmem>>
      %dma_wait3A_156 = tpu.memref_squeeze %dma_wait3A_155 : memref<1x128xi32, #tpu.memory_space<vmem>> -> memref<128xi32, #tpu.memory_space<vmem>>
      %dma_wait3A_157 = arith.constant 0 : i32
      %dma_wait3A_158 = arith.constant 0 : i32
      %dma_wait3A_159 = tpu.memref_slice %arg2[%dma_wait3A_157, %dma_wait3A_158] : memref<200000x16xf32, #tpu.memory_space<hbm>> -> memref<199999x16xf32, #tpu.memory_space<hbm>>
      %dma_wait3A_160 = arith.constant 0 : i32
      %dma_wait3A_161 = arith.constant 0 : i32
      %dma_wait3A_162 = tpu.memref_slice %dma_wait3A_159[%dma_wait3A_160, %dma_wait3A_161] : memref<199999x16xf32, #tpu.memory_space<hbm>> -> memref<199999x16xf32, #tpu.memory_space<hbm>>
      tpu.wait_indirect_dma semaphore(%arg11 : memref<!tpu.dma_semaphore, #tpu.memory_space<semaphore_mem>>) src(%dma_wait3A_162 : memref<199999x16xf32, #tpu.memory_space<hbm>>) dst(%dma_wait3A_153 : memref<128x16xf32, #tpu.memory_space<vmem>>)
      %run_scoped3A_163 = arith.constant 2 : i32
      "tpu.region"() ({
        %run_scoped3A_235 = tpu.sem_alloc : memref<!tpu.dma_semaphore, #tpu.memory_space<semaphore_mem>>
        %dma_start3A_236 = arith.constant 256 : i32
        %dma_start3A_237 = arith.constant 0 : i32
        %dma_start3A_238 = tpu.memref_slice %arg10[%dma_start3A_236, %dma_start3A_237] : memref<1024x16xf32, #tpu.memory_space<vmem>> -> memref<128x16xf32, #tpu.memory_space<vmem>>
        %dma_start3A_239 = arith.constant 0 : i32
        %dma_start3A_240 = tpu.memref_slice %arg9[%run_scoped3A_163, %dma_start3A_239] : memref<8x128xi32, #tpu.memory_space<vmem>> -> memref<1x128xi32, #tpu.memory_space<vmem>>
        %dma_start3A_241 = tpu.memref_squeeze %dma_start3A_240 : memref<1x128xi32, #tpu.memory_space<vmem>> -> memref<128xi32, #tpu.memory_space<vmem>>
        %dma_start3A_242 = arith.constant 0 : i32
        %dma_start3A_243 = arith.constant 0 : i32
        %dma_start3A_244 = tpu.memref_slice %arg7[%dma_start3A_242, %dma_start3A_243] : memref<100096x16xf32, #tpu.memory_space<vmem_shared>> -> memref<100096x16xf32, #tpu.memory_space<vmem_shared>>
        tpu.enqueue_indirect_dma source(%dma_start3A_238 : memref<128x16xf32, #tpu.memory_space<vmem>>) target(%dma_start3A_244 : memref<100096x16xf32, #tpu.memory_space<vmem_shared>>) offsets(%dma_start3A_241 : memref<128xi32, #tpu.memory_space<vmem>>) semaphore(%run_scoped3A_235 : memref<!tpu.dma_semaphore, #tpu.memory_space<semaphore_mem>>) {add = true}
        %dma_wait3A_245 = arith.constant 256 : i32
        %dma_wait3A_246 = arith.constant 0 : i32
        %dma_wait3A_247 = tpu.memref_slice %arg10[%dma_wait3A_245, %dma_wait3A_246] : memref<1024x16xf32, #tpu.memory_space<vmem>> -> memref<128x16xf32, #tpu.memory_space<vmem>>
        %dma_wait3A_248 = arith.constant 0 : i32
        %dma_wait3A_249 = tpu.memref_slice %arg9[%run_scoped3A_163, %dma_wait3A_248] : memref<8x128xi32, #tpu.memory_space<vmem>> -> memref<1x128xi32, #tpu.memory_space<vmem>>
        %dma_wait3A_250 = tpu.memref_squeeze %dma_wait3A_249 : memref<1x128xi32, #tpu.memory_space<vmem>> -> memref<128xi32, #tpu.memory_space<vmem>>
        %dma_wait3A_251 = arith.constant 0 : i32
        %dma_wait3A_252 = arith.constant 0 : i32
        %dma_wait3A_253 = tpu.memref_slice %arg7[%dma_wait3A_251, %dma_wait3A_252] : memref<100096x16xf32, #tpu.memory_space<vmem_shared>> -> memref<100096x16xf32, #tpu.memory_space<vmem_shared>>
        tpu.wait_indirect_dma semaphore(%run_scoped3A_235 : memref<!tpu.dma_semaphore, #tpu.memory_space<semaphore_mem>>) src(%dma_wait3A_247 : memref<128x16xf32, #tpu.memory_space<vmem>>) dst(%dma_wait3A_253 : memref<100096x16xf32, #tpu.memory_space<vmem_shared>>)
        tpu.yield
      }) : () -> ()
      %dma_wait3A_164 = arith.constant 3 : i32
      %dma_wait3A_165 = arith.constant 384 : i32
      %dma_wait3A_166 = arith.constant 0 : i32
      %dma_wait3A_167 = tpu.memref_slice %arg10[%dma_wait3A_165, %dma_wait3A_166] : memref<1024x16xf32, #tpu.memory_space<vmem>> -> memref<128x16xf32, #tpu.memory_space<vmem>>
      %dma_wait3A_168 = arith.constant 0 : i32
      %dma_wait3A_169 = tpu.memref_slice %arg8[%dma_wait3A_164, %dma_wait3A_168] : memref<8x128xi32, #tpu.memory_space<vmem>> -> memref<1x128xi32, #tpu.memory_space<vmem>>
      %dma_wait3A_170 = tpu.memref_squeeze %dma_wait3A_169 : memref<1x128xi32, #tpu.memory_space<vmem>> -> memref<128xi32, #tpu.memory_space<vmem>>
      %dma_wait3A_171 = arith.constant 0 : i32
      %dma_wait3A_172 = arith.constant 0 : i32
      %dma_wait3A_173 = tpu.memref_slice %arg2[%dma_wait3A_171, %dma_wait3A_172] : memref<200000x16xf32, #tpu.memory_space<hbm>> -> memref<199999x16xf32, #tpu.memory_space<hbm>>
      %dma_wait3A_174 = arith.constant 0 : i32
      %dma_wait3A_175 = arith.constant 0 : i32
      %dma_wait3A_176 = tpu.memref_slice %dma_wait3A_173[%dma_wait3A_174, %dma_wait3A_175] : memref<199999x16xf32, #tpu.memory_space<hbm>> -> memref<199999x16xf32, #tpu.memory_space<hbm>>
      tpu.wait_indirect_dma semaphore(%arg11 : memref<!tpu.dma_semaphore, #tpu.memory_space<semaphore_mem>>) src(%dma_wait3A_176 : memref<199999x16xf32, #tpu.memory_space<hbm>>) dst(%dma_wait3A_167 : memref<128x16xf32, #tpu.memory_space<vmem>>)
      %run_scoped3A_177 = arith.constant 3 : i32
      "tpu.region"() ({
        %run_scoped3A_235 = tpu.sem_alloc : memref<!tpu.dma_semaphore, #tpu.memory_space<semaphore_mem>>
        %dma_start3A_236 = arith.constant 384 : i32
        %dma_start3A_237 = arith.constant 0 : i32
        %dma_start3A_238 = tpu.memref_slice %arg10[%dma_start3A_236, %dma_start3A_237] : memref<1024x16xf32, #tpu.memory_space<vmem>> -> memref<128x16xf32, #tpu.memory_space<vmem>>
        %dma_start3A_239 = arith.constant 0 : i32
        %dma_start3A_240 = tpu.memref_slice %arg9[%run_scoped3A_177, %dma_start3A_239] : memref<8x128xi32, #tpu.memory_space<vmem>> -> memref<1x128xi32, #tpu.memory_space<vmem>>
        %dma_start3A_241 = tpu.memref_squeeze %dma_start3A_240 : memref<1x128xi32, #tpu.memory_space<vmem>> -> memref<128xi32, #tpu.memory_space<vmem>>
        %dma_start3A_242 = arith.constant 0 : i32
        %dma_start3A_243 = arith.constant 0 : i32
        %dma_start3A_244 = tpu.memref_slice %arg7[%dma_start3A_242, %dma_start3A_243] : memref<100096x16xf32, #tpu.memory_space<vmem_shared>> -> memref<100096x16xf32, #tpu.memory_space<vmem_shared>>
        tpu.enqueue_indirect_dma source(%dma_start3A_238 : memref<128x16xf32, #tpu.memory_space<vmem>>) target(%dma_start3A_244 : memref<100096x16xf32, #tpu.memory_space<vmem_shared>>) offsets(%dma_start3A_241 : memref<128xi32, #tpu.memory_space<vmem>>) semaphore(%run_scoped3A_235 : memref<!tpu.dma_semaphore, #tpu.memory_space<semaphore_mem>>) {add = true}
        %dma_wait3A_245 = arith.constant 384 : i32
        %dma_wait3A_246 = arith.constant 0 : i32
        %dma_wait3A_247 = tpu.memref_slice %arg10[%dma_wait3A_245, %dma_wait3A_246] : memref<1024x16xf32, #tpu.memory_space<vmem>> -> memref<128x16xf32, #tpu.memory_space<vmem>>
        %dma_wait3A_248 = arith.constant 0 : i32
        %dma_wait3A_249 = tpu.memref_slice %arg9[%run_scoped3A_177, %dma_wait3A_248] : memref<8x128xi32, #tpu.memory_space<vmem>> -> memref<1x128xi32, #tpu.memory_space<vmem>>
        %dma_wait3A_250 = tpu.memref_squeeze %dma_wait3A_249 : memref<1x128xi32, #tpu.memory_space<vmem>> -> memref<128xi32, #tpu.memory_space<vmem>>
        %dma_wait3A_251 = arith.constant 0 : i32
        %dma_wait3A_252 = arith.constant 0 : i32
        %dma_wait3A_253 = tpu.memref_slice %arg7[%dma_wait3A_251, %dma_wait3A_252] : memref<100096x16xf32, #tpu.memory_space<vmem_shared>> -> memref<100096x16xf32, #tpu.memory_space<vmem_shared>>
        tpu.wait_indirect_dma semaphore(%run_scoped3A_235 : memref<!tpu.dma_semaphore, #tpu.memory_space<semaphore_mem>>) src(%dma_wait3A_247 : memref<128x16xf32, #tpu.memory_space<vmem>>) dst(%dma_wait3A_253 : memref<100096x16xf32, #tpu.memory_space<vmem_shared>>)
        tpu.yield
      }) : () -> ()
      %dma_wait3A_178 = arith.constant 4 : i32
      %dma_wait3A_179 = arith.constant 512 : i32
      %dma_wait3A_180 = arith.constant 0 : i32
      %dma_wait3A_181 = tpu.memref_slice %arg10[%dma_wait3A_179, %dma_wait3A_180] : memref<1024x16xf32, #tpu.memory_space<vmem>> -> memref<128x16xf32, #tpu.memory_space<vmem>>
      %dma_wait3A_182 = arith.constant 0 : i32
      %dma_wait3A_183 = tpu.memref_slice %arg8[%dma_wait3A_178, %dma_wait3A_182] : memref<8x128xi32, #tpu.memory_space<vmem>> -> memref<1x128xi32, #tpu.memory_space<vmem>>
      %dma_wait3A_184 = tpu.memref_squeeze %dma_wait3A_183 : memref<1x128xi32, #tpu.memory_space<vmem>> -> memref<128xi32, #tpu.memory_space<vmem>>
      %dma_wait3A_185 = arith.constant 0 : i32
      %dma_wait3A_186 = arith.constant 0 : i32
      %dma_wait3A_187 = tpu.memref_slice %arg2[%dma_wait3A_185, %dma_wait3A_186] : memref<200000x16xf32, #tpu.memory_space<hbm>> -> memref<199999x16xf32, #tpu.memory_space<hbm>>
      %dma_wait3A_188 = arith.constant 0 : i32
      %dma_wait3A_189 = arith.constant 0 : i32
      %dma_wait3A_190 = tpu.memref_slice %dma_wait3A_187[%dma_wait3A_188, %dma_wait3A_189] : memref<199999x16xf32, #tpu.memory_space<hbm>> -> memref<199999x16xf32, #tpu.memory_space<hbm>>
      tpu.wait_indirect_dma semaphore(%arg11 : memref<!tpu.dma_semaphore, #tpu.memory_space<semaphore_mem>>) src(%dma_wait3A_190 : memref<199999x16xf32, #tpu.memory_space<hbm>>) dst(%dma_wait3A_181 : memref<128x16xf32, #tpu.memory_space<vmem>>)
      %run_scoped3A_191 = arith.constant 4 : i32
      "tpu.region"() ({
        %run_scoped3A_235 = tpu.sem_alloc : memref<!tpu.dma_semaphore, #tpu.memory_space<semaphore_mem>>
        %dma_start3A_236 = arith.constant 512 : i32
        %dma_start3A_237 = arith.constant 0 : i32
        %dma_start3A_238 = tpu.memref_slice %arg10[%dma_start3A_236, %dma_start3A_237] : memref<1024x16xf32, #tpu.memory_space<vmem>> -> memref<128x16xf32, #tpu.memory_space<vmem>>
        %dma_start3A_239 = arith.constant 0 : i32
        %dma_start3A_240 = tpu.memref_slice %arg9[%run_scoped3A_191, %dma_start3A_239] : memref<8x128xi32, #tpu.memory_space<vmem>> -> memref<1x128xi32, #tpu.memory_space<vmem>>
        %dma_start3A_241 = tpu.memref_squeeze %dma_start3A_240 : memref<1x128xi32, #tpu.memory_space<vmem>> -> memref<128xi32, #tpu.memory_space<vmem>>
        %dma_start3A_242 = arith.constant 0 : i32
        %dma_start3A_243 = arith.constant 0 : i32
        %dma_start3A_244 = tpu.memref_slice %arg7[%dma_start3A_242, %dma_start3A_243] : memref<100096x16xf32, #tpu.memory_space<vmem_shared>> -> memref<100096x16xf32, #tpu.memory_space<vmem_shared>>
        tpu.enqueue_indirect_dma source(%dma_start3A_238 : memref<128x16xf32, #tpu.memory_space<vmem>>) target(%dma_start3A_244 : memref<100096x16xf32, #tpu.memory_space<vmem_shared>>) offsets(%dma_start3A_241 : memref<128xi32, #tpu.memory_space<vmem>>) semaphore(%run_scoped3A_235 : memref<!tpu.dma_semaphore, #tpu.memory_space<semaphore_mem>>) {add = true}
        %dma_wait3A_245 = arith.constant 512 : i32
        %dma_wait3A_246 = arith.constant 0 : i32
        %dma_wait3A_247 = tpu.memref_slice %arg10[%dma_wait3A_245, %dma_wait3A_246] : memref<1024x16xf32, #tpu.memory_space<vmem>> -> memref<128x16xf32, #tpu.memory_space<vmem>>
        %dma_wait3A_248 = arith.constant 0 : i32
        %dma_wait3A_249 = tpu.memref_slice %arg9[%run_scoped3A_191, %dma_wait3A_248] : memref<8x128xi32, #tpu.memory_space<vmem>> -> memref<1x128xi32, #tpu.memory_space<vmem>>
        %dma_wait3A_250 = tpu.memref_squeeze %dma_wait3A_249 : memref<1x128xi32, #tpu.memory_space<vmem>> -> memref<128xi32, #tpu.memory_space<vmem>>
        %dma_wait3A_251 = arith.constant 0 : i32
        %dma_wait3A_252 = arith.constant 0 : i32
        %dma_wait3A_253 = tpu.memref_slice %arg7[%dma_wait3A_251, %dma_wait3A_252] : memref<100096x16xf32, #tpu.memory_space<vmem_shared>> -> memref<100096x16xf32, #tpu.memory_space<vmem_shared>>
        tpu.wait_indirect_dma semaphore(%run_scoped3A_235 : memref<!tpu.dma_semaphore, #tpu.memory_space<semaphore_mem>>) src(%dma_wait3A_247 : memref<128x16xf32, #tpu.memory_space<vmem>>) dst(%dma_wait3A_253 : memref<100096x16xf32, #tpu.memory_space<vmem_shared>>)
        tpu.yield
      }) : () -> ()
      %dma_wait3A_192 = arith.constant 5 : i32
      %dma_wait3A_193 = arith.constant 640 : i32
      %dma_wait3A_194 = arith.constant 0 : i32
      %dma_wait3A_195 = tpu.memref_slice %arg10[%dma_wait3A_193, %dma_wait3A_194] : memref<1024x16xf32, #tpu.memory_space<vmem>> -> memref<128x16xf32, #tpu.memory_space<vmem>>
      %dma_wait3A_196 = arith.constant 0 : i32
      %dma_wait3A_197 = tpu.memref_slice %arg8[%dma_wait3A_192, %dma_wait3A_196] : memref<8x128xi32, #tpu.memory_space<vmem>> -> memref<1x128xi32, #tpu.memory_space<vmem>>
      %dma_wait3A_198 = tpu.memref_squeeze %dma_wait3A_197 : memref<1x128xi32, #tpu.memory_space<vmem>> -> memref<128xi32, #tpu.memory_space<vmem>>
      %dma_wait3A_199 = arith.constant 0 : i32
      %dma_wait3A_200 = arith.constant 0 : i32
      %dma_wait3A_201 = tpu.memref_slice %arg2[%dma_wait3A_199, %dma_wait3A_200] : memref<200000x16xf32, #tpu.memory_space<hbm>> -> memref<199999x16xf32, #tpu.memory_space<hbm>>
      %dma_wait3A_202 = arith.constant 0 : i32
      %dma_wait3A_203 = arith.constant 0 : i32
      %dma_wait3A_204 = tpu.memref_slice %dma_wait3A_201[%dma_wait3A_202, %dma_wait3A_203] : memref<199999x16xf32, #tpu.memory_space<hbm>> -> memref<199999x16xf32, #tpu.memory_space<hbm>>
      tpu.wait_indirect_dma semaphore(%arg11 : memref<!tpu.dma_semaphore, #tpu.memory_space<semaphore_mem>>) src(%dma_wait3A_204 : memref<199999x16xf32, #tpu.memory_space<hbm>>) dst(%dma_wait3A_195 : memref<128x16xf32, #tpu.memory_space<vmem>>)
      %run_scoped3A_205 = arith.constant 5 : i32
      "tpu.region"() ({
        %run_scoped3A_235 = tpu.sem_alloc : memref<!tpu.dma_semaphore, #tpu.memory_space<semaphore_mem>>
        %dma_start3A_236 = arith.constant 640 : i32
        %dma_start3A_237 = arith.constant 0 : i32
        %dma_start3A_238 = tpu.memref_slice %arg10[%dma_start3A_236, %dma_start3A_237] : memref<1024x16xf32, #tpu.memory_space<vmem>> -> memref<128x16xf32, #tpu.memory_space<vmem>>
        %dma_start3A_239 = arith.constant 0 : i32
        %dma_start3A_240 = tpu.memref_slice %arg9[%run_scoped3A_205, %dma_start3A_239] : memref<8x128xi32, #tpu.memory_space<vmem>> -> memref<1x128xi32, #tpu.memory_space<vmem>>
        %dma_start3A_241 = tpu.memref_squeeze %dma_start3A_240 : memref<1x128xi32, #tpu.memory_space<vmem>> -> memref<128xi32, #tpu.memory_space<vmem>>
        %dma_start3A_242 = arith.constant 0 : i32
        %dma_start3A_243 = arith.constant 0 : i32
        %dma_start3A_244 = tpu.memref_slice %arg7[%dma_start3A_242, %dma_start3A_243] : memref<100096x16xf32, #tpu.memory_space<vmem_shared>> -> memref<100096x16xf32, #tpu.memory_space<vmem_shared>>
        tpu.enqueue_indirect_dma source(%dma_start3A_238 : memref<128x16xf32, #tpu.memory_space<vmem>>) target(%dma_start3A_244 : memref<100096x16xf32, #tpu.memory_space<vmem_shared>>) offsets(%dma_start3A_241 : memref<128xi32, #tpu.memory_space<vmem>>) semaphore(%run_scoped3A_235 : memref<!tpu.dma_semaphore, #tpu.memory_space<semaphore_mem>>) {add = true}
        %dma_wait3A_245 = arith.constant 640 : i32
        %dma_wait3A_246 = arith.constant 0 : i32
        %dma_wait3A_247 = tpu.memref_slice %arg10[%dma_wait3A_245, %dma_wait3A_246] : memref<1024x16xf32, #tpu.memory_space<vmem>> -> memref<128x16xf32, #tpu.memory_space<vmem>>
        %dma_wait3A_248 = arith.constant 0 : i32
        %dma_wait3A_249 = tpu.memref_slice %arg9[%run_scoped3A_205, %dma_wait3A_248] : memref<8x128xi32, #tpu.memory_space<vmem>> -> memref<1x128xi32, #tpu.memory_space<vmem>>
        %dma_wait3A_250 = tpu.memref_squeeze %dma_wait3A_249 : memref<1x128xi32, #tpu.memory_space<vmem>> -> memref<128xi32, #tpu.memory_space<vmem>>
        %dma_wait3A_251 = arith.constant 0 : i32
        %dma_wait3A_252 = arith.constant 0 : i32
        %dma_wait3A_253 = tpu.memref_slice %arg7[%dma_wait3A_251, %dma_wait3A_252] : memref<100096x16xf32, #tpu.memory_space<vmem_shared>> -> memref<100096x16xf32, #tpu.memory_space<vmem_shared>>
        tpu.wait_indirect_dma semaphore(%run_scoped3A_235 : memref<!tpu.dma_semaphore, #tpu.memory_space<semaphore_mem>>) src(%dma_wait3A_247 : memref<128x16xf32, #tpu.memory_space<vmem>>) dst(%dma_wait3A_253 : memref<100096x16xf32, #tpu.memory_space<vmem_shared>>)
        tpu.yield
      }) : () -> ()
      %dma_wait3A_206 = arith.constant 6 : i32
      %dma_wait3A_207 = arith.constant 768 : i32
      %dma_wait3A_208 = arith.constant 0 : i32
      %dma_wait3A_209 = tpu.memref_slice %arg10[%dma_wait3A_207, %dma_wait3A_208] : memref<1024x16xf32, #tpu.memory_space<vmem>> -> memref<128x16xf32, #tpu.memory_space<vmem>>
      %dma_wait3A_210 = arith.constant 0 : i32
      %dma_wait3A_211 = tpu.memref_slice %arg8[%dma_wait3A_206, %dma_wait3A_210] : memref<8x128xi32, #tpu.memory_space<vmem>> -> memref<1x128xi32, #tpu.memory_space<vmem>>
      %dma_wait3A_212 = tpu.memref_squeeze %dma_wait3A_211 : memref<1x128xi32, #tpu.memory_space<vmem>> -> memref<128xi32, #tpu.memory_space<vmem>>
      %dma_wait3A_213 = arith.constant 0 : i32
      %dma_wait3A_214 = arith.constant 0 : i32
      %dma_wait3A_215 = tpu.memref_slice %arg2[%dma_wait3A_213, %dma_wait3A_214] : memref<200000x16xf32, #tpu.memory_space<hbm>> -> memref<199999x16xf32, #tpu.memory_space<hbm>>
      %dma_wait3A_216 = arith.constant 0 : i32
      %dma_wait3A_217 = arith.constant 0 : i32
      %dma_wait3A_218 = tpu.memref_slice %dma_wait3A_215[%dma_wait3A_216, %dma_wait3A_217] : memref<199999x16xf32, #tpu.memory_space<hbm>> -> memref<199999x16xf32, #tpu.memory_space<hbm>>
      tpu.wait_indirect_dma semaphore(%arg11 : memref<!tpu.dma_semaphore, #tpu.memory_space<semaphore_mem>>) src(%dma_wait3A_218 : memref<199999x16xf32, #tpu.memory_space<hbm>>) dst(%dma_wait3A_209 : memref<128x16xf32, #tpu.memory_space<vmem>>)
      %run_scoped3A_219 = arith.constant 6 : i32
      "tpu.region"() ({
        %run_scoped3A_235 = tpu.sem_alloc : memref<!tpu.dma_semaphore, #tpu.memory_space<semaphore_mem>>
        %dma_start3A_236 = arith.constant 768 : i32
        %dma_start3A_237 = arith.constant 0 : i32
        %dma_start3A_238 = tpu.memref_slice %arg10[%dma_start3A_236, %dma_start3A_237] : memref<1024x16xf32, #tpu.memory_space<vmem>> -> memref<128x16xf32, #tpu.memory_space<vmem>>
        %dma_start3A_239 = arith.constant 0 : i32
        %dma_start3A_240 = tpu.memref_slice %arg9[%run_scoped3A_219, %dma_start3A_239] : memref<8x128xi32, #tpu.memory_space<vmem>> -> memref<1x128xi32, #tpu.memory_space<vmem>>
        %dma_start3A_241 = tpu.memref_squeeze %dma_start3A_240 : memref<1x128xi32, #tpu.memory_space<vmem>> -> memref<128xi32, #tpu.memory_space<vmem>>
        %dma_start3A_242 = arith.constant 0 : i32
        %dma_start3A_243 = arith.constant 0 : i32
        %dma_start3A_244 = tpu.memref_slice %arg7[%dma_start3A_242, %dma_start3A_243] : memref<100096x16xf32, #tpu.memory_space<vmem_shared>> -> memref<100096x16xf32, #tpu.memory_space<vmem_shared>>
        tpu.enqueue_indirect_dma source(%dma_start3A_238 : memref<128x16xf32, #tpu.memory_space<vmem>>) target(%dma_start3A_244 : memref<100096x16xf32, #tpu.memory_space<vmem_shared>>) offsets(%dma_start3A_241 : memref<128xi32, #tpu.memory_space<vmem>>) semaphore(%run_scoped3A_235 : memref<!tpu.dma_semaphore, #tpu.memory_space<semaphore_mem>>) {add = true}
        %dma_wait3A_245 = arith.constant 768 : i32
        %dma_wait3A_246 = arith.constant 0 : i32
        %dma_wait3A_247 = tpu.memref_slice %arg10[%dma_wait3A_245, %dma_wait3A_246] : memref<1024x16xf32, #tpu.memory_space<vmem>> -> memref<128x16xf32, #tpu.memory_space<vmem>>
        %dma_wait3A_248 = arith.constant 0 : i32
        %dma_wait3A_249 = tpu.memref_slice %arg9[%run_scoped3A_219, %dma_wait3A_248] : memref<8x128xi32, #tpu.memory_space<vmem>> -> memref<1x128xi32, #tpu.memory_space<vmem>>
        %dma_wait3A_250 = tpu.memref_squeeze %dma_wait3A_249 : memref<1x128xi32, #tpu.memory_space<vmem>> -> memref<128xi32, #tpu.memory_space<vmem>>
        %dma_wait3A_251 = arith.constant 0 : i32
        %dma_wait3A_252 = arith.constant 0 : i32
        %dma_wait3A_253 = tpu.memref_slice %arg7[%dma_wait3A_251, %dma_wait3A_252] : memref<100096x16xf32, #tpu.memory_space<vmem_shared>> -> memref<100096x16xf32, #tpu.memory_space<vmem_shared>>
        tpu.wait_indirect_dma semaphore(%run_scoped3A_235 : memref<!tpu.dma_semaphore, #tpu.memory_space<semaphore_mem>>) src(%dma_wait3A_247 : memref<128x16xf32, #tpu.memory_space<vmem>>) dst(%dma_wait3A_253 : memref<100096x16xf32, #tpu.memory_space<vmem_shared>>)
        tpu.yield
      }) : () -> ()
      %dma_wait3A_220 = arith.constant 7 : i32
      %dma_wait3A_221 = arith.constant 896 : i32
      %dma_wait3A_222 = arith.constant 0 : i32
      %dma_wait3A_223 = tpu.memref_slice %arg10[%dma_wait3A_221, %dma_wait3A_222] : memref<1024x16xf32, #tpu.memory_space<vmem>> -> memref<128x16xf32, #tpu.memory_space<vmem>>
      %dma_wait3A_224 = arith.constant 0 : i32
      %dma_wait3A_225 = tpu.memref_slice %arg8[%dma_wait3A_220, %dma_wait3A_224] : memref<8x128xi32, #tpu.memory_space<vmem>> -> memref<1x128xi32, #tpu.memory_space<vmem>>
      %dma_wait3A_226 = tpu.memref_squeeze %dma_wait3A_225 : memref<1x128xi32, #tpu.memory_space<vmem>> -> memref<128xi32, #tpu.memory_space<vmem>>
      %dma_wait3A_227 = arith.constant 0 : i32
      %dma_wait3A_228 = arith.constant 0 : i32
      %dma_wait3A_229 = tpu.memref_slice %arg2[%dma_wait3A_227, %dma_wait3A_228] : memref<200000x16xf32, #tpu.memory_space<hbm>> -> memref<199999x16xf32, #tpu.memory_space<hbm>>
      %dma_wait3A_230 = arith.constant 0 : i32
      %dma_wait3A_231 = arith.constant 0 : i32
      %dma_wait3A_232 = tpu.memref_slice %dma_wait3A_229[%dma_wait3A_230, %dma_wait3A_231] : memref<199999x16xf32, #tpu.memory_space<hbm>> -> memref<199999x16xf32, #tpu.memory_space<hbm>>
      tpu.wait_indirect_dma semaphore(%arg11 : memref<!tpu.dma_semaphore, #tpu.memory_space<semaphore_mem>>) src(%dma_wait3A_232 : memref<199999x16xf32, #tpu.memory_space<hbm>>) dst(%dma_wait3A_223 : memref<128x16xf32, #tpu.memory_space<vmem>>)
      %run_scoped3A_233 = arith.constant 7 : i32
      "tpu.region"() ({
        %run_scoped3A_235 = tpu.sem_alloc : memref<!tpu.dma_semaphore, #tpu.memory_space<semaphore_mem>>
        %dma_start3A_236 = arith.constant 896 : i32
        %dma_start3A_237 = arith.constant 0 : i32
        %dma_start3A_238 = tpu.memref_slice %arg10[%dma_start3A_236, %dma_start3A_237] : memref<1024x16xf32, #tpu.memory_space<vmem>> -> memref<128x16xf32, #tpu.memory_space<vmem>>
        %dma_start3A_239 = arith.constant 0 : i32
        %dma_start3A_240 = tpu.memref_slice %arg9[%run_scoped3A_233, %dma_start3A_239] : memref<8x128xi32, #tpu.memory_space<vmem>> -> memref<1x128xi32, #tpu.memory_space<vmem>>
        %dma_start3A_241 = tpu.memref_squeeze %dma_start3A_240 : memref<1x128xi32, #tpu.memory_space<vmem>> -> memref<128xi32, #tpu.memory_space<vmem>>
        %dma_start3A_242 = arith.constant 0 : i32
        %dma_start3A_243 = arith.constant 0 : i32
        %dma_start3A_244 = tpu.memref_slice %arg7[%dma_start3A_242, %dma_start3A_243] : memref<100096x16xf32, #tpu.memory_space<vmem_shared>> -> memref<100096x16xf32, #tpu.memory_space<vmem_shared>>
        tpu.enqueue_indirect_dma source(%dma_start3A_238 : memref<128x16xf32, #tpu.memory_space<vmem>>) target(%dma_start3A_244 : memref<100096x16xf32, #tpu.memory_space<vmem_shared>>) offsets(%dma_start3A_241 : memref<128xi32, #tpu.memory_space<vmem>>) semaphore(%run_scoped3A_235 : memref<!tpu.dma_semaphore, #tpu.memory_space<semaphore_mem>>) {add = true}
        %dma_wait3A_245 = arith.constant 896 : i32
        %dma_wait3A_246 = arith.constant 0 : i32
        %dma_wait3A_247 = tpu.memref_slice %arg10[%dma_wait3A_245, %dma_wait3A_246] : memref<1024x16xf32, #tpu.memory_space<vmem>> -> memref<128x16xf32, #tpu.memory_space<vmem>>
        %dma_wait3A_248 = arith.constant 0 : i32
        %dma_wait3A_249 = tpu.memref_slice %arg9[%run_scoped3A_233, %dma_wait3A_248] : memref<8x128xi32, #tpu.memory_space<vmem>> -> memref<1x128xi32, #tpu.memory_space<vmem>>
        %dma_wait3A_250 = tpu.memref_squeeze %dma_wait3A_249 : memref<1x128xi32, #tpu.memory_space<vmem>> -> memref<128xi32, #tpu.memory_space<vmem>>
        %dma_wait3A_251 = arith.constant 0 : i32
        %dma_wait3A_252 = arith.constant 0 : i32
        %dma_wait3A_253 = tpu.memref_slice %arg7[%dma_wait3A_251, %dma_wait3A_252] : memref<100096x16xf32, #tpu.memory_space<vmem_shared>> -> memref<100096x16xf32, #tpu.memory_space<vmem_shared>>
        tpu.wait_indirect_dma semaphore(%run_scoped3A_235 : memref<!tpu.dma_semaphore, #tpu.memory_space<semaphore_mem>>) src(%dma_wait3A_247 : memref<128x16xf32, #tpu.memory_space<vmem>>) dst(%dma_wait3A_253 : memref<100096x16xf32, #tpu.memory_space<vmem_shared>>)
        tpu.yield
      }) : () -> ()
      %scan3A_234 = arith.constant 0 : i32
      scf.yield %scan3A_234 : i32
    }
    %scan3A_10 = arith.constant 49 : i32
    %barrier3A_11 = arith.constant 0 : index
    tpu.barrier barrier_id(%barrier3A_11)
    %mul3A_12 = arith.constant 6250 : i32
    %mul3A_13 = arith.muli %arg1, %mul3A_12 : i32
    %mul3A_14 = arith.constant 6250 : i32
    %mul3A_15 = arith.muli %arg1, %mul3A_14 : i32
    "tpu.region"() ({
      %run_scoped3A = tpu.sem_alloc : memref<!tpu.dma_semaphore, #tpu.memory_space<semaphore_mem>>
      %dma_start3A = arith.constant 0 : i32
      %dma_start3A_16 = tpu.memref_slice %arg6[%mul3A_15, %arg0, %dma_start3A] : memref<100000x2x16xf32, #tpu.memory_space<hbm>> -> memref<6250x1x16xf32, #tpu.memory_space<hbm>>
      %dma_start3A_17 = tpu.memref_squeeze %dma_start3A_16 : memref<6250x1x16xf32, #tpu.memory_space<hbm>> -> memref<6250x16xf32, #tpu.memory_space<hbm>>
      %dma_start3A_18 = arith.constant 0 : i32
      %dma_start3A_19 = tpu.memref_slice %arg7[%mul3A_13, %dma_start3A_18] : memref<100096x16xf32, #tpu.memory_space<vmem_shared>> -> memref<6250x16xf32, #tpu.memory_space<vmem_shared>>
      tpu.enqueue_dma source(%dma_start3A_19 : memref<6250x16xf32, #tpu.memory_space<vmem_shared>>) target(%dma_start3A_17 : memref<6250x16xf32, #tpu.memory_space<hbm>>) target_semaphore(%run_scoped3A : memref<!tpu.dma_semaphore, #tpu.memory_space<semaphore_mem>>)
      %dma_wait3A = arith.constant 0 : i32
      %dma_wait3A_20 = tpu.memref_slice %arg6[%mul3A_15, %arg0, %dma_wait3A] : memref<100000x2x16xf32, #tpu.memory_space<hbm>> -> memref<6250x1x16xf32, #tpu.memory_space<hbm>>
      %dma_wait3A_21 = tpu.memref_squeeze %dma_wait3A_20 : memref<6250x1x16xf32, #tpu.memory_space<hbm>> -> memref<6250x16xf32, #tpu.memory_space<hbm>>
      %dma_wait3A_22 = arith.constant 0 : i32
      %dma_wait3A_23 = tpu.memref_slice %arg7[%mul3A_13, %dma_wait3A_22] : memref<100096x16xf32, #tpu.memory_space<vmem_shared>> -> memref<6250x16xf32, #tpu.memory_space<vmem_shared>>
      tpu.wait_dma2 semaphore(%run_scoped3A : memref<!tpu.dma_semaphore, #tpu.memory_space<semaphore_mem>>) src(%dma_wait3A_23 : memref<6250x16xf32, #tpu.memory_space<vmem_shared>>) dst(%dma_wait3A_21 : memref<6250x16xf32, #tpu.memory_space<hbm>>)
      tpu.yield
    }) : () -> ()
    return
  }
}

#map = affine_map<(d0, d1) -> (0, 0)>
#map1 = affine_map<(d0, d1) -> (0, 0, 0)>
module attributes {stable_mosaic.version = 14 : i64} {
  func.func @sc_scatter(%arg0: i32, %arg1: i32, %arg2: memref<200000x16xf32, #tpu.memory_space<hbm>>, %arg3: memref<12544x128xi32, #tpu.memory_space<hbm>>, %arg4: memref<12544x128xi32, #tpu.memory_space<hbm>>, %arg5: memref<6256x16xf32, #tpu.memory_space<hbm>>, %arg6: memref<100000x2x16xf32, #tpu.memory_space<hbm>>, %arg7: memref<100096x16xf32, #tpu.memory_space<vmem_shared>>, %arg8: memref<8x128xi32, #tpu.memory_space<vmem>>, %arg9: memref<8x128xi32, #tpu.memory_space<vmem>>, %arg10: memref<1024x16xf32, #tpu.memory_space<vmem>>, %arg11: memref<!tpu.dma_semaphore, #tpu.memory_space<semaphore_mem>>) attributes {dimension_semantics = [#tpu.dimension_semantics<core_parallel>, #tpu.dimension_semantics<subcore_parallel>], iteration_bounds = array<i64: 2, 16>, scalar_prefetch = 0 : i64, scratch_operands = 5 : i64, tpu.core_type = #tpu.core_type<sc_vector_subcore>, window_params = [{transform_indices = #map}, {transform_indices = #map}, {transform_indices = #map}, {transform_indices = #map}, {transform_indices = #map1}]} {
    %mul3A = arith.constant 6256 : i32
    %mul3A_0 = arith.muli %arg1, %mul3A : i32
    "tpu.region"() ({
      %run_scoped3A = tpu.sem_alloc : memref<!tpu.dma_semaphore, #tpu.memory_space<semaphore_mem>>
      %dma_start3A = arith.constant 0 : i32
      %dma_start3A_14 = tpu.memref_slice %arg7[%mul3A_0, %dma_start3A] : memref<100096x16xf32, #tpu.memory_space<vmem_shared>> -> memref<6256x16xf32, #tpu.memory_space<vmem_shared>>
      tpu.enqueue_dma source(%arg5 : memref<6256x16xf32, #tpu.memory_space<hbm>>) target(%dma_start3A_14 : memref<6256x16xf32, #tpu.memory_space<vmem_shared>>) target_semaphore(%run_scoped3A : memref<!tpu.dma_semaphore, #tpu.memory_space<semaphore_mem>>)
      %dma_wait3A = arith.constant 0 : i32
      %dma_wait3A_15 = tpu.memref_slice %arg7[%mul3A_0, %dma_wait3A] : memref<100096x16xf32, #tpu.memory_space<vmem_shared>> -> memref<6256x16xf32, #tpu.memory_space<vmem_shared>>
      tpu.wait_dma2 semaphore(%run_scoped3A : memref<!tpu.dma_semaphore, #tpu.memory_space<semaphore_mem>>) src(%arg5 : memref<6256x16xf32, #tpu.memory_space<hbm>>) dst(%dma_wait3A_15 : memref<6256x16xf32, #tpu.memory_space<vmem_shared>>)
      tpu.yield
    }) : () -> ()
    %barrier3A = arith.constant 0 : index
    tpu.barrier barrier_id(%barrier3A)
    %mul3A_1 = arith.constant 784 : i32
    %mul3A_2 = arith.muli %arg1, %mul3A_1 : i32
    %scan3A = arith.constant 0 : i32
    %scan3A_3 = arith.constant 0 : i32
    %scan3A_4 = arith.constant 98 : i32
    %scan3A_5 = arith.addi %scan3A_3, %scan3A_4 : i32
    %scan3A_6 = arith.constant 1 : i32
    %scan3A_7 = scf.for %scan3A_14 = %scan3A_3 to %scan3A_5 step %scan3A_6 iter_args(%scan3A_15 = %scan3A) -> (i32)  : i32 {
      %mul3A_16 = arith.constant 8 : i32
      %mul3A_17 = arith.muli %scan3A_14, %mul3A_16 : i32
      %add3A = arith.addi %mul3A_2, %mul3A_17 : i32
      "tpu.region"() ({
        %run_scoped3A_216 = tpu.sem_alloc : memref<!tpu.dma_semaphore, #tpu.memory_space<semaphore_mem>>
        %dma_start3A_217 = arith.constant 0 : i32
        %dma_start3A_218 = tpu.memref_slice %arg3[%add3A, %dma_start3A_217] : memref<12544x128xi32, #tpu.memory_space<hbm>> -> memref<8x128xi32, #tpu.memory_space<hbm>>
        %dma_start3A_219 = arith.constant 0 : i32
        %dma_start3A_220 = tpu.memref_slice %arg3[%add3A, %dma_start3A_219] : memref<12544x128xi32, #tpu.memory_space<hbm>> -> memref<8x128xi32, #tpu.memory_space<hbm>>
        tpu.enqueue_dma source(%dma_start3A_220 : memref<8x128xi32, #tpu.memory_space<hbm>>) target(%arg8 : memref<8x128xi32, #tpu.memory_space<vmem>>) target_semaphore(%run_scoped3A_216 : memref<!tpu.dma_semaphore, #tpu.memory_space<semaphore_mem>>)
        %dma_wait3A_221 = arith.constant 0 : i32
        %dma_wait3A_222 = tpu.memref_slice %arg3[%add3A, %dma_wait3A_221] : memref<12544x128xi32, #tpu.memory_space<hbm>> -> memref<8x128xi32, #tpu.memory_space<hbm>>
        %dma_wait3A_223 = arith.constant 0 : i32
        %dma_wait3A_224 = tpu.memref_slice %arg3[%add3A, %dma_wait3A_223] : memref<12544x128xi32, #tpu.memory_space<hbm>> -> memref<8x128xi32, #tpu.memory_space<hbm>>
        tpu.wait_dma2 semaphore(%run_scoped3A_216 : memref<!tpu.dma_semaphore, #tpu.memory_space<semaphore_mem>>) src(%dma_wait3A_224 : memref<8x128xi32, #tpu.memory_space<hbm>>) dst(%arg8 : memref<8x128xi32, #tpu.memory_space<vmem>>)
        tpu.yield
      }) : () -> ()
      "tpu.region"() ({
        %run_scoped3A_216 = tpu.sem_alloc : memref<!tpu.dma_semaphore, #tpu.memory_space<semaphore_mem>>
        %dma_start3A_217 = arith.constant 0 : i32
        %dma_start3A_218 = tpu.memref_slice %arg4[%add3A, %dma_start3A_217] : memref<12544x128xi32, #tpu.memory_space<hbm>> -> memref<8x128xi32, #tpu.memory_space<hbm>>
        %dma_start3A_219 = arith.constant 0 : i32
        %dma_start3A_220 = tpu.memref_slice %arg4[%add3A, %dma_start3A_219] : memref<12544x128xi32, #tpu.memory_space<hbm>> -> memref<8x128xi32, #tpu.memory_space<hbm>>
        tpu.enqueue_dma source(%dma_start3A_220 : memref<8x128xi32, #tpu.memory_space<hbm>>) target(%arg9 : memref<8x128xi32, #tpu.memory_space<vmem>>) target_semaphore(%run_scoped3A_216 : memref<!tpu.dma_semaphore, #tpu.memory_space<semaphore_mem>>)
        %dma_wait3A_221 = arith.constant 0 : i32
        %dma_wait3A_222 = tpu.memref_slice %arg4[%add3A, %dma_wait3A_221] : memref<12544x128xi32, #tpu.memory_space<hbm>> -> memref<8x128xi32, #tpu.memory_space<hbm>>
        %dma_wait3A_223 = arith.constant 0 : i32
        %dma_wait3A_224 = tpu.memref_slice %arg4[%add3A, %dma_wait3A_223] : memref<12544x128xi32, #tpu.memory_space<hbm>> -> memref<8x128xi32, #tpu.memory_space<hbm>>
        tpu.wait_dma2 semaphore(%run_scoped3A_216 : memref<!tpu.dma_semaphore, #tpu.memory_space<semaphore_mem>>) src(%dma_wait3A_224 : memref<8x128xi32, #tpu.memory_space<hbm>>) dst(%arg9 : memref<8x128xi32, #tpu.memory_space<vmem>>)
        tpu.yield
      }) : () -> ()
      %dma_start3A = arith.constant 0 : i32
      %dma_start3A_18 = arith.constant 0 : i32
      %dma_start3A_19 = arith.constant 0 : i32
      %dma_start3A_20 = tpu.memref_slice %arg10[%dma_start3A_18, %dma_start3A_19] : memref<1024x16xf32, #tpu.memory_space<vmem>> -> memref<128x16xf32, #tpu.memory_space<vmem>>
      %dma_start3A_21 = arith.constant 0 : i32
      %dma_start3A_22 = tpu.memref_slice %arg8[%dma_start3A, %dma_start3A_21] : memref<8x128xi32, #tpu.memory_space<vmem>> -> memref<1x128xi32, #tpu.memory_space<vmem>>
      %dma_start3A_23 = tpu.memref_squeeze %dma_start3A_22 : memref<1x128xi32, #tpu.memory_space<vmem>> -> memref<128xi32, #tpu.memory_space<vmem>>
      %dma_start3A_24 = arith.constant 0 : i32
      %dma_start3A_25 = tpu.memref_slice %arg2[%arg0, %dma_start3A_24] : memref<200000x16xf32, #tpu.memory_space<hbm>> -> memref<199999x16xf32, #tpu.memory_space<hbm>>
      %dma_start3A_26 = arith.constant 0 : i32
      %dma_start3A_27 = arith.constant 0 : i32
      %dma_start3A_28 = tpu.memref_slice %dma_start3A_25[%dma_start3A_26, %dma_start3A_27] : memref<199999x16xf32, #tpu.memory_space<hbm>> -> memref<199999x16xf32, #tpu.memory_space<hbm>>
      tpu.enqueue_indirect_dma source(%dma_start3A_28 : memref<199999x16xf32, #tpu.memory_space<hbm>>) target(%dma_start3A_20 : memref<128x16xf32, #tpu.memory_space<vmem>>) offsets(%dma_start3A_23 : memref<128xi32, #tpu.memory_space<vmem>>) semaphore(%arg11 : memref<!tpu.dma_semaphore, #tpu.memory_space<semaphore_mem>>)
      %dma_start3A_29 = arith.constant 1 : i32
      %dma_start3A_30 = arith.constant 128 : i32
      %dma_start3A_31 = arith.constant 0 : i32
      %dma_start3A_32 = tpu.memref_slice %arg10[%dma_start3A_30, %dma_start3A_31] : memref<1024x16xf32, #tpu.memory_space<vmem>> -> memref<128x16xf32, #tpu.memory_space<vmem>>
      %dma_start3A_33 = arith.constant 0 : i32
      %dma_start3A_34 = tpu.memref_slice %arg8[%dma_start3A_29, %dma_start3A_33] : memref<8x128xi32, #tpu.memory_space<vmem>> -> memref<1x128xi32, #tpu.memory_space<vmem>>
      %dma_start3A_35 = tpu.memref_squeeze %dma_start3A_34 : memref<1x128xi32, #tpu.memory_space<vmem>> -> memref<128xi32, #tpu.memory_space<vmem>>
      %dma_start3A_36 = arith.constant 0 : i32
      %dma_start3A_37 = tpu.memref_slice %arg2[%arg0, %dma_start3A_36] : memref<200000x16xf32, #tpu.memory_space<hbm>> -> memref<199999x16xf32, #tpu.memory_space<hbm>>
      %dma_start3A_38 = arith.constant 0 : i32
      %dma_start3A_39 = arith.constant 0 : i32
      %dma_start3A_40 = tpu.memref_slice %dma_start3A_37[%dma_start3A_38, %dma_start3A_39] : memref<199999x16xf32, #tpu.memory_space<hbm>> -> memref<199999x16xf32, #tpu.memory_space<hbm>>
      tpu.enqueue_indirect_dma source(%dma_start3A_40 : memref<199999x16xf32, #tpu.memory_space<hbm>>) target(%dma_start3A_32 : memref<128x16xf32, #tpu.memory_space<vmem>>) offsets(%dma_start3A_35 : memref<128xi32, #tpu.memory_space<vmem>>) semaphore(%arg11 : memref<!tpu.dma_semaphore, #tpu.memory_space<semaphore_mem>>)
      %dma_start3A_41 = arith.constant 2 : i32
      %dma_start3A_42 = arith.constant 256 : i32
      %dma_start3A_43 = arith.constant 0 : i32
      %dma_start3A_44 = tpu.memref_slice %arg10[%dma_start3A_42, %dma_start3A_43] : memref<1024x16xf32, #tpu.memory_space<vmem>> -> memref<128x16xf32, #tpu.memory_space<vmem>>
      %dma_start3A_45 = arith.constant 0 : i32
      %dma_start3A_46 = tpu.memref_slice %arg8[%dma_start3A_41, %dma_start3A_45] : memref<8x128xi32, #tpu.memory_space<vmem>> -> memref<1x128xi32, #tpu.memory_space<vmem>>
      %dma_start3A_47 = tpu.memref_squeeze %dma_start3A_46 : memref<1x128xi32, #tpu.memory_space<vmem>> -> memref<128xi32, #tpu.memory_space<vmem>>
      %dma_start3A_48 = arith.constant 0 : i32
      %dma_start3A_49 = tpu.memref_slice %arg2[%arg0, %dma_start3A_48] : memref<200000x16xf32, #tpu.memory_space<hbm>> -> memref<199999x16xf32, #tpu.memory_space<hbm>>
      %dma_start3A_50 = arith.constant 0 : i32
      %dma_start3A_51 = arith.constant 0 : i32
      %dma_start3A_52 = tpu.memref_slice %dma_start3A_49[%dma_start3A_50, %dma_start3A_51] : memref<199999x16xf32, #tpu.memory_space<hbm>> -> memref<199999x16xf32, #tpu.memory_space<hbm>>
      tpu.enqueue_indirect_dma source(%dma_start3A_52 : memref<199999x16xf32, #tpu.memory_space<hbm>>) target(%dma_start3A_44 : memref<128x16xf32, #tpu.memory_space<vmem>>) offsets(%dma_start3A_47 : memref<128xi32, #tpu.memory_space<vmem>>) semaphore(%arg11 : memref<!tpu.dma_semaphore, #tpu.memory_space<semaphore_mem>>)
      %dma_start3A_53 = arith.constant 3 : i32
      %dma_start3A_54 = arith.constant 384 : i32
      %dma_start3A_55 = arith.constant 0 : i32
      %dma_start3A_56 = tpu.memref_slice %arg10[%dma_start3A_54, %dma_start3A_55] : memref<1024x16xf32, #tpu.memory_space<vmem>> -> memref<128x16xf32, #tpu.memory_space<vmem>>
      %dma_start3A_57 = arith.constant 0 : i32
      %dma_start3A_58 = tpu.memref_slice %arg8[%dma_start3A_53, %dma_start3A_57] : memref<8x128xi32, #tpu.memory_space<vmem>> -> memref<1x128xi32, #tpu.memory_space<vmem>>
      %dma_start3A_59 = tpu.memref_squeeze %dma_start3A_58 : memref<1x128xi32, #tpu.memory_space<vmem>> -> memref<128xi32, #tpu.memory_space<vmem>>
      %dma_start3A_60 = arith.constant 0 : i32
      %dma_start3A_61 = tpu.memref_slice %arg2[%arg0, %dma_start3A_60] : memref<200000x16xf32, #tpu.memory_space<hbm>> -> memref<199999x16xf32, #tpu.memory_space<hbm>>
      %dma_start3A_62 = arith.constant 0 : i32
      %dma_start3A_63 = arith.constant 0 : i32
      %dma_start3A_64 = tpu.memref_slice %dma_start3A_61[%dma_start3A_62, %dma_start3A_63] : memref<199999x16xf32, #tpu.memory_space<hbm>> -> memref<199999x16xf32, #tpu.memory_space<hbm>>
      tpu.enqueue_indirect_dma source(%dma_start3A_64 : memref<199999x16xf32, #tpu.memory_space<hbm>>) target(%dma_start3A_56 : memref<128x16xf32, #tpu.memory_space<vmem>>) offsets(%dma_start3A_59 : memref<128xi32, #tpu.memory_space<vmem>>) semaphore(%arg11 : memref<!tpu.dma_semaphore, #tpu.memory_space<semaphore_mem>>)
      %dma_start3A_65 = arith.constant 4 : i32
      %dma_start3A_66 = arith.constant 512 : i32
      %dma_start3A_67 = arith.constant 0 : i32
      %dma_start3A_68 = tpu.memref_slice %arg10[%dma_start3A_66, %dma_start3A_67] : memref<1024x16xf32, #tpu.memory_space<vmem>> -> memref<128x16xf32, #tpu.memory_space<vmem>>
      %dma_start3A_69 = arith.constant 0 : i32
      %dma_start3A_70 = tpu.memref_slice %arg8[%dma_start3A_65, %dma_start3A_69] : memref<8x128xi32, #tpu.memory_space<vmem>> -> memref<1x128xi32, #tpu.memory_space<vmem>>
      %dma_start3A_71 = tpu.memref_squeeze %dma_start3A_70 : memref<1x128xi32, #tpu.memory_space<vmem>> -> memref<128xi32, #tpu.memory_space<vmem>>
      %dma_start3A_72 = arith.constant 0 : i32
      %dma_start3A_73 = tpu.memref_slice %arg2[%arg0, %dma_start3A_72] : memref<200000x16xf32, #tpu.memory_space<hbm>> -> memref<199999x16xf32, #tpu.memory_space<hbm>>
      %dma_start3A_74 = arith.constant 0 : i32
      %dma_start3A_75 = arith.constant 0 : i32
      %dma_start3A_76 = tpu.memref_slice %dma_start3A_73[%dma_start3A_74, %dma_start3A_75] : memref<199999x16xf32, #tpu.memory_space<hbm>> -> memref<199999x16xf32, #tpu.memory_space<hbm>>
      tpu.enqueue_indirect_dma source(%dma_start3A_76 : memref<199999x16xf32, #tpu.memory_space<hbm>>) target(%dma_start3A_68 : memref<128x16xf32, #tpu.memory_space<vmem>>) offsets(%dma_start3A_71 : memref<128xi32, #tpu.memory_space<vmem>>) semaphore(%arg11 : memref<!tpu.dma_semaphore, #tpu.memory_space<semaphore_mem>>)
      %dma_start3A_77 = arith.constant 5 : i32
      %dma_start3A_78 = arith.constant 640 : i32
      %dma_start3A_79 = arith.constant 0 : i32
      %dma_start3A_80 = tpu.memref_slice %arg10[%dma_start3A_78, %dma_start3A_79] : memref<1024x16xf32, #tpu.memory_space<vmem>> -> memref<128x16xf32, #tpu.memory_space<vmem>>
      %dma_start3A_81 = arith.constant 0 : i32
      %dma_start3A_82 = tpu.memref_slice %arg8[%dma_start3A_77, %dma_start3A_81] : memref<8x128xi32, #tpu.memory_space<vmem>> -> memref<1x128xi32, #tpu.memory_space<vmem>>
      %dma_start3A_83 = tpu.memref_squeeze %dma_start3A_82 : memref<1x128xi32, #tpu.memory_space<vmem>> -> memref<128xi32, #tpu.memory_space<vmem>>
      %dma_start3A_84 = arith.constant 0 : i32
      %dma_start3A_85 = tpu.memref_slice %arg2[%arg0, %dma_start3A_84] : memref<200000x16xf32, #tpu.memory_space<hbm>> -> memref<199999x16xf32, #tpu.memory_space<hbm>>
      %dma_start3A_86 = arith.constant 0 : i32
      %dma_start3A_87 = arith.constant 0 : i32
      %dma_start3A_88 = tpu.memref_slice %dma_start3A_85[%dma_start3A_86, %dma_start3A_87] : memref<199999x16xf32, #tpu.memory_space<hbm>> -> memref<199999x16xf32, #tpu.memory_space<hbm>>
      tpu.enqueue_indirect_dma source(%dma_start3A_88 : memref<199999x16xf32, #tpu.memory_space<hbm>>) target(%dma_start3A_80 : memref<128x16xf32, #tpu.memory_space<vmem>>) offsets(%dma_start3A_83 : memref<128xi32, #tpu.memory_space<vmem>>) semaphore(%arg11 : memref<!tpu.dma_semaphore, #tpu.memory_space<semaphore_mem>>)
      %dma_start3A_89 = arith.constant 6 : i32
      %dma_start3A_90 = arith.constant 768 : i32
      %dma_start3A_91 = arith.constant 0 : i32
      %dma_start3A_92 = tpu.memref_slice %arg10[%dma_start3A_90, %dma_start3A_91] : memref<1024x16xf32, #tpu.memory_space<vmem>> -> memref<128x16xf32, #tpu.memory_space<vmem>>
      %dma_start3A_93 = arith.constant 0 : i32
      %dma_start3A_94 = tpu.memref_slice %arg8[%dma_start3A_89, %dma_start3A_93] : memref<8x128xi32, #tpu.memory_space<vmem>> -> memref<1x128xi32, #tpu.memory_space<vmem>>
      %dma_start3A_95 = tpu.memref_squeeze %dma_start3A_94 : memref<1x128xi32, #tpu.memory_space<vmem>> -> memref<128xi32, #tpu.memory_space<vmem>>
      %dma_start3A_96 = arith.constant 0 : i32
      %dma_start3A_97 = tpu.memref_slice %arg2[%arg0, %dma_start3A_96] : memref<200000x16xf32, #tpu.memory_space<hbm>> -> memref<199999x16xf32, #tpu.memory_space<hbm>>
      %dma_start3A_98 = arith.constant 0 : i32
      %dma_start3A_99 = arith.constant 0 : i32
      %dma_start3A_100 = tpu.memref_slice %dma_start3A_97[%dma_start3A_98, %dma_start3A_99] : memref<199999x16xf32, #tpu.memory_space<hbm>> -> memref<199999x16xf32, #tpu.memory_space<hbm>>
      tpu.enqueue_indirect_dma source(%dma_start3A_100 : memref<199999x16xf32, #tpu.memory_space<hbm>>) target(%dma_start3A_92 : memref<128x16xf32, #tpu.memory_space<vmem>>) offsets(%dma_start3A_95 : memref<128xi32, #tpu.memory_space<vmem>>) semaphore(%arg11 : memref<!tpu.dma_semaphore, #tpu.memory_space<semaphore_mem>>)
      %dma_start3A_101 = arith.constant 7 : i32
      %dma_start3A_102 = arith.constant 896 : i32
      %dma_start3A_103 = arith.constant 0 : i32
      %dma_start3A_104 = tpu.memref_slice %arg10[%dma_start3A_102, %dma_start3A_103] : memref<1024x16xf32, #tpu.memory_space<vmem>> -> memref<128x16xf32, #tpu.memory_space<vmem>>
      %dma_start3A_105 = arith.constant 0 : i32
      %dma_start3A_106 = tpu.memref_slice %arg8[%dma_start3A_101, %dma_start3A_105] : memref<8x128xi32, #tpu.memory_space<vmem>> -> memref<1x128xi32, #tpu.memory_space<vmem>>
      %dma_start3A_107 = tpu.memref_squeeze %dma_start3A_106 : memref<1x128xi32, #tpu.memory_space<vmem>> -> memref<128xi32, #tpu.memory_space<vmem>>
      %dma_start3A_108 = arith.constant 0 : i32
      %dma_start3A_109 = tpu.memref_slice %arg2[%arg0, %dma_start3A_108] : memref<200000x16xf32, #tpu.memory_space<hbm>> -> memref<199999x16xf32, #tpu.memory_space<hbm>>
      %dma_start3A_110 = arith.constant 0 : i32
      %dma_start3A_111 = arith.constant 0 : i32
      %dma_start3A_112 = tpu.memref_slice %dma_start3A_109[%dma_start3A_110, %dma_start3A_111] : memref<199999x16xf32, #tpu.memory_space<hbm>> -> memref<199999x16xf32, #tpu.memory_space<hbm>>
      tpu.enqueue_indirect_dma source(%dma_start3A_112 : memref<199999x16xf32, #tpu.memory_space<hbm>>) target(%dma_start3A_104 : memref<128x16xf32, #tpu.memory_space<vmem>>) offsets(%dma_start3A_107 : memref<128xi32, #tpu.memory_space<vmem>>) semaphore(%arg11 : memref<!tpu.dma_semaphore, #tpu.memory_space<semaphore_mem>>)
      %dma_wait3A = arith.constant 0 : i32
      %dma_wait3A_113 = arith.constant 0 : i32
      %dma_wait3A_114 = arith.constant 0 : i32
      %dma_wait3A_115 = tpu.memref_slice %arg10[%dma_wait3A_113, %dma_wait3A_114] : memref<1024x16xf32, #tpu.memory_space<vmem>> -> memref<128x16xf32, #tpu.memory_space<vmem>>
      %dma_wait3A_116 = arith.constant 0 : i32
      %dma_wait3A_117 = tpu.memref_slice %arg8[%dma_wait3A, %dma_wait3A_116] : memref<8x128xi32, #tpu.memory_space<vmem>> -> memref<1x128xi32, #tpu.memory_space<vmem>>
      %dma_wait3A_118 = tpu.memref_squeeze %dma_wait3A_117 : memref<1x128xi32, #tpu.memory_space<vmem>> -> memref<128xi32, #tpu.memory_space<vmem>>
      %dma_wait3A_119 = arith.constant 0 : i32
      %dma_wait3A_120 = tpu.memref_slice %arg2[%arg0, %dma_wait3A_119] : memref<200000x16xf32, #tpu.memory_space<hbm>> -> memref<199999x16xf32, #tpu.memory_space<hbm>>
      %dma_wait3A_121 = arith.constant 0 : i32
      %dma_wait3A_122 = arith.constant 0 : i32
      %dma_wait3A_123 = tpu.memref_slice %dma_wait3A_120[%dma_wait3A_121, %dma_wait3A_122] : memref<199999x16xf32, #tpu.memory_space<hbm>> -> memref<199999x16xf32, #tpu.memory_space<hbm>>
      tpu.wait_indirect_dma semaphore(%arg11 : memref<!tpu.dma_semaphore, #tpu.memory_space<semaphore_mem>>) src(%dma_wait3A_123 : memref<199999x16xf32, #tpu.memory_space<hbm>>) dst(%dma_wait3A_115 : memref<128x16xf32, #tpu.memory_space<vmem>>)
      %run_scoped3A = arith.constant 0 : i32
      "tpu.region"() ({
        %run_scoped3A_216 = tpu.sem_alloc : memref<!tpu.dma_semaphore, #tpu.memory_space<semaphore_mem>>
        %dma_start3A_217 = arith.constant 0 : i32
        %dma_start3A_218 = arith.constant 0 : i32
        %dma_start3A_219 = tpu.memref_slice %arg10[%dma_start3A_217, %dma_start3A_218] : memref<1024x16xf32, #tpu.memory_space<vmem>> -> memref<128x16xf32, #tpu.memory_space<vmem>>
        %dma_start3A_220 = arith.constant 0 : i32
        %dma_start3A_221 = tpu.memref_slice %arg9[%run_scoped3A, %dma_start3A_220] : memref<8x128xi32, #tpu.memory_space<vmem>> -> memref<1x128xi32, #tpu.memory_space<vmem>>
        %dma_start3A_222 = tpu.memref_squeeze %dma_start3A_221 : memref<1x128xi32, #tpu.memory_space<vmem>> -> memref<128xi32, #tpu.memory_space<vmem>>
        %dma_start3A_223 = arith.constant 0 : i32
        %dma_start3A_224 = arith.constant 0 : i32
        %dma_start3A_225 = tpu.memref_slice %arg7[%dma_start3A_223, %dma_start3A_224] : memref<100096x16xf32, #tpu.memory_space<vmem_shared>> -> memref<100096x16xf32, #tpu.memory_space<vmem_shared>>
        tpu.enqueue_indirect_dma source(%dma_start3A_219 : memref<128x16xf32, #tpu.memory_space<vmem>>) target(%dma_start3A_225 : memref<100096x16xf32, #tpu.memory_space<vmem_shared>>) offsets(%dma_start3A_222 : memref<128xi32, #tpu.memory_space<vmem>>) semaphore(%run_scoped3A_216 : memref<!tpu.dma_semaphore, #tpu.memory_space<semaphore_mem>>) {add = true}
        %dma_wait3A_226 = arith.constant 0 : i32
        %dma_wait3A_227 = arith.constant 0 : i32
        %dma_wait3A_228 = tpu.memref_slice %arg10[%dma_wait3A_226, %dma_wait3A_227] : memref<1024x16xf32, #tpu.memory_space<vmem>> -> memref<128x16xf32, #tpu.memory_space<vmem>>
        %dma_wait3A_229 = arith.constant 0 : i32
        %dma_wait3A_230 = tpu.memref_slice %arg9[%run_scoped3A, %dma_wait3A_229] : memref<8x128xi32, #tpu.memory_space<vmem>> -> memref<1x128xi32, #tpu.memory_space<vmem>>
        %dma_wait3A_231 = tpu.memref_squeeze %dma_wait3A_230 : memref<1x128xi32, #tpu.memory_space<vmem>> -> memref<128xi32, #tpu.memory_space<vmem>>
        %dma_wait3A_232 = arith.constant 0 : i32
        %dma_wait3A_233 = arith.constant 0 : i32
        %dma_wait3A_234 = tpu.memref_slice %arg7[%dma_wait3A_232, %dma_wait3A_233] : memref<100096x16xf32, #tpu.memory_space<vmem_shared>> -> memref<100096x16xf32, #tpu.memory_space<vmem_shared>>
        tpu.wait_indirect_dma semaphore(%run_scoped3A_216 : memref<!tpu.dma_semaphore, #tpu.memory_space<semaphore_mem>>) src(%dma_wait3A_228 : memref<128x16xf32, #tpu.memory_space<vmem>>) dst(%dma_wait3A_234 : memref<100096x16xf32, #tpu.memory_space<vmem_shared>>)
        tpu.yield
      }) : () -> ()
      %dma_wait3A_124 = arith.constant 1 : i32
      %dma_wait3A_125 = arith.constant 128 : i32
      %dma_wait3A_126 = arith.constant 0 : i32
      %dma_wait3A_127 = tpu.memref_slice %arg10[%dma_wait3A_125, %dma_wait3A_126] : memref<1024x16xf32, #tpu.memory_space<vmem>> -> memref<128x16xf32, #tpu.memory_space<vmem>>
      %dma_wait3A_128 = arith.constant 0 : i32
      %dma_wait3A_129 = tpu.memref_slice %arg8[%dma_wait3A_124, %dma_wait3A_128] : memref<8x128xi32, #tpu.memory_space<vmem>> -> memref<1x128xi32, #tpu.memory_space<vmem>>
      %dma_wait3A_130 = tpu.memref_squeeze %dma_wait3A_129 : memref<1x128xi32, #tpu.memory_space<vmem>> -> memref<128xi32, #tpu.memory_space<vmem>>
      %dma_wait3A_131 = arith.constant 0 : i32
      %dma_wait3A_132 = tpu.memref_slice %arg2[%arg0, %dma_wait3A_131] : memref<200000x16xf32, #tpu.memory_space<hbm>> -> memref<199999x16xf32, #tpu.memory_space<hbm>>
      %dma_wait3A_133 = arith.constant 0 : i32
      %dma_wait3A_134 = arith.constant 0 : i32
      %dma_wait3A_135 = tpu.memref_slice %dma_wait3A_132[%dma_wait3A_133, %dma_wait3A_134] : memref<199999x16xf32, #tpu.memory_space<hbm>> -> memref<199999x16xf32, #tpu.memory_space<hbm>>
      tpu.wait_indirect_dma semaphore(%arg11 : memref<!tpu.dma_semaphore, #tpu.memory_space<semaphore_mem>>) src(%dma_wait3A_135 : memref<199999x16xf32, #tpu.memory_space<hbm>>) dst(%dma_wait3A_127 : memref<128x16xf32, #tpu.memory_space<vmem>>)
      %run_scoped3A_136 = arith.constant 1 : i32
      "tpu.region"() ({
        %run_scoped3A_216 = tpu.sem_alloc : memref<!tpu.dma_semaphore, #tpu.memory_space<semaphore_mem>>
        %dma_start3A_217 = arith.constant 128 : i32
        %dma_start3A_218 = arith.constant 0 : i32
        %dma_start3A_219 = tpu.memref_slice %arg10[%dma_start3A_217, %dma_start3A_218] : memref<1024x16xf32, #tpu.memory_space<vmem>> -> memref<128x16xf32, #tpu.memory_space<vmem>>
        %dma_start3A_220 = arith.constant 0 : i32
        %dma_start3A_221 = tpu.memref_slice %arg9[%run_scoped3A_136, %dma_start3A_220] : memref<8x128xi32, #tpu.memory_space<vmem>> -> memref<1x128xi32, #tpu.memory_space<vmem>>
        %dma_start3A_222 = tpu.memref_squeeze %dma_start3A_221 : memref<1x128xi32, #tpu.memory_space<vmem>> -> memref<128xi32, #tpu.memory_space<vmem>>
        %dma_start3A_223 = arith.constant 0 : i32
        %dma_start3A_224 = arith.constant 0 : i32
        %dma_start3A_225 = tpu.memref_slice %arg7[%dma_start3A_223, %dma_start3A_224] : memref<100096x16xf32, #tpu.memory_space<vmem_shared>> -> memref<100096x16xf32, #tpu.memory_space<vmem_shared>>
        tpu.enqueue_indirect_dma source(%dma_start3A_219 : memref<128x16xf32, #tpu.memory_space<vmem>>) target(%dma_start3A_225 : memref<100096x16xf32, #tpu.memory_space<vmem_shared>>) offsets(%dma_start3A_222 : memref<128xi32, #tpu.memory_space<vmem>>) semaphore(%run_scoped3A_216 : memref<!tpu.dma_semaphore, #tpu.memory_space<semaphore_mem>>) {add = true}
        %dma_wait3A_226 = arith.constant 128 : i32
        %dma_wait3A_227 = arith.constant 0 : i32
        %dma_wait3A_228 = tpu.memref_slice %arg10[%dma_wait3A_226, %dma_wait3A_227] : memref<1024x16xf32, #tpu.memory_space<vmem>> -> memref<128x16xf32, #tpu.memory_space<vmem>>
        %dma_wait3A_229 = arith.constant 0 : i32
        %dma_wait3A_230 = tpu.memref_slice %arg9[%run_scoped3A_136, %dma_wait3A_229] : memref<8x128xi32, #tpu.memory_space<vmem>> -> memref<1x128xi32, #tpu.memory_space<vmem>>
        %dma_wait3A_231 = tpu.memref_squeeze %dma_wait3A_230 : memref<1x128xi32, #tpu.memory_space<vmem>> -> memref<128xi32, #tpu.memory_space<vmem>>
        %dma_wait3A_232 = arith.constant 0 : i32
        %dma_wait3A_233 = arith.constant 0 : i32
        %dma_wait3A_234 = tpu.memref_slice %arg7[%dma_wait3A_232, %dma_wait3A_233] : memref<100096x16xf32, #tpu.memory_space<vmem_shared>> -> memref<100096x16xf32, #tpu.memory_space<vmem_shared>>
        tpu.wait_indirect_dma semaphore(%run_scoped3A_216 : memref<!tpu.dma_semaphore, #tpu.memory_space<semaphore_mem>>) src(%dma_wait3A_228 : memref<128x16xf32, #tpu.memory_space<vmem>>) dst(%dma_wait3A_234 : memref<100096x16xf32, #tpu.memory_space<vmem_shared>>)
        tpu.yield
      }) : () -> ()
      %dma_wait3A_137 = arith.constant 2 : i32
      %dma_wait3A_138 = arith.constant 256 : i32
      %dma_wait3A_139 = arith.constant 0 : i32
      %dma_wait3A_140 = tpu.memref_slice %arg10[%dma_wait3A_138, %dma_wait3A_139] : memref<1024x16xf32, #tpu.memory_space<vmem>> -> memref<128x16xf32, #tpu.memory_space<vmem>>
      %dma_wait3A_141 = arith.constant 0 : i32
      %dma_wait3A_142 = tpu.memref_slice %arg8[%dma_wait3A_137, %dma_wait3A_141] : memref<8x128xi32, #tpu.memory_space<vmem>> -> memref<1x128xi32, #tpu.memory_space<vmem>>
      %dma_wait3A_143 = tpu.memref_squeeze %dma_wait3A_142 : memref<1x128xi32, #tpu.memory_space<vmem>> -> memref<128xi32, #tpu.memory_space<vmem>>
      %dma_wait3A_144 = arith.constant 0 : i32
      %dma_wait3A_145 = tpu.memref_slice %arg2[%arg0, %dma_wait3A_144] : memref<200000x16xf32, #tpu.memory_space<hbm>> -> memref<199999x16xf32, #tpu.memory_space<hbm>>
      %dma_wait3A_146 = arith.constant 0 : i32
      %dma_wait3A_147 = arith.constant 0 : i32
      %dma_wait3A_148 = tpu.memref_slice %dma_wait3A_145[%dma_wait3A_146, %dma_wait3A_147] : memref<199999x16xf32, #tpu.memory_space<hbm>> -> memref<199999x16xf32, #tpu.memory_space<hbm>>
      tpu.wait_indirect_dma semaphore(%arg11 : memref<!tpu.dma_semaphore, #tpu.memory_space<semaphore_mem>>) src(%dma_wait3A_148 : memref<199999x16xf32, #tpu.memory_space<hbm>>) dst(%dma_wait3A_140 : memref<128x16xf32, #tpu.memory_space<vmem>>)
      %run_scoped3A_149 = arith.constant 2 : i32
      "tpu.region"() ({
        %run_scoped3A_216 = tpu.sem_alloc : memref<!tpu.dma_semaphore, #tpu.memory_space<semaphore_mem>>
        %dma_start3A_217 = arith.constant 256 : i32
        %dma_start3A_218 = arith.constant 0 : i32
        %dma_start3A_219 = tpu.memref_slice %arg10[%dma_start3A_217, %dma_start3A_218] : memref<1024x16xf32, #tpu.memory_space<vmem>> -> memref<128x16xf32, #tpu.memory_space<vmem>>
        %dma_start3A_220 = arith.constant 0 : i32
        %dma_start3A_221 = tpu.memref_slice %arg9[%run_scoped3A_149, %dma_start3A_220] : memref<8x128xi32, #tpu.memory_space<vmem>> -> memref<1x128xi32, #tpu.memory_space<vmem>>
        %dma_start3A_222 = tpu.memref_squeeze %dma_start3A_221 : memref<1x128xi32, #tpu.memory_space<vmem>> -> memref<128xi32, #tpu.memory_space<vmem>>
        %dma_start3A_223 = arith.constant 0 : i32
        %dma_start3A_224 = arith.constant 0 : i32
        %dma_start3A_225 = tpu.memref_slice %arg7[%dma_start3A_223, %dma_start3A_224] : memref<100096x16xf32, #tpu.memory_space<vmem_shared>> -> memref<100096x16xf32, #tpu.memory_space<vmem_shared>>
        tpu.enqueue_indirect_dma source(%dma_start3A_219 : memref<128x16xf32, #tpu.memory_space<vmem>>) target(%dma_start3A_225 : memref<100096x16xf32, #tpu.memory_space<vmem_shared>>) offsets(%dma_start3A_222 : memref<128xi32, #tpu.memory_space<vmem>>) semaphore(%run_scoped3A_216 : memref<!tpu.dma_semaphore, #tpu.memory_space<semaphore_mem>>) {add = true}
        %dma_wait3A_226 = arith.constant 256 : i32
        %dma_wait3A_227 = arith.constant 0 : i32
        %dma_wait3A_228 = tpu.memref_slice %arg10[%dma_wait3A_226, %dma_wait3A_227] : memref<1024x16xf32, #tpu.memory_space<vmem>> -> memref<128x16xf32, #tpu.memory_space<vmem>>
        %dma_wait3A_229 = arith.constant 0 : i32
        %dma_wait3A_230 = tpu.memref_slice %arg9[%run_scoped3A_149, %dma_wait3A_229] : memref<8x128xi32, #tpu.memory_space<vmem>> -> memref<1x128xi32, #tpu.memory_space<vmem>>
        %dma_wait3A_231 = tpu.memref_squeeze %dma_wait3A_230 : memref<1x128xi32, #tpu.memory_space<vmem>> -> memref<128xi32, #tpu.memory_space<vmem>>
        %dma_wait3A_232 = arith.constant 0 : i32
        %dma_wait3A_233 = arith.constant 0 : i32
        %dma_wait3A_234 = tpu.memref_slice %arg7[%dma_wait3A_232, %dma_wait3A_233] : memref<100096x16xf32, #tpu.memory_space<vmem_shared>> -> memref<100096x16xf32, #tpu.memory_space<vmem_shared>>
        tpu.wait_indirect_dma semaphore(%run_scoped3A_216 : memref<!tpu.dma_semaphore, #tpu.memory_space<semaphore_mem>>) src(%dma_wait3A_228 : memref<128x16xf32, #tpu.memory_space<vmem>>) dst(%dma_wait3A_234 : memref<100096x16xf32, #tpu.memory_space<vmem_shared>>)
        tpu.yield
      }) : () -> ()
      %dma_wait3A_150 = arith.constant 3 : i32
      %dma_wait3A_151 = arith.constant 384 : i32
      %dma_wait3A_152 = arith.constant 0 : i32
      %dma_wait3A_153 = tpu.memref_slice %arg10[%dma_wait3A_151, %dma_wait3A_152] : memref<1024x16xf32, #tpu.memory_space<vmem>> -> memref<128x16xf32, #tpu.memory_space<vmem>>
      %dma_wait3A_154 = arith.constant 0 : i32
      %dma_wait3A_155 = tpu.memref_slice %arg8[%dma_wait3A_150, %dma_wait3A_154] : memref<8x128xi32, #tpu.memory_space<vmem>> -> memref<1x128xi32, #tpu.memory_space<vmem>>
      %dma_wait3A_156 = tpu.memref_squeeze %dma_wait3A_155 : memref<1x128xi32, #tpu.memory_space<vmem>> -> memref<128xi32, #tpu.memory_space<vmem>>
      %dma_wait3A_157 = arith.constant 0 : i32
      %dma_wait3A_158 = tpu.memref_slice %arg2[%arg0, %dma_wait3A_157] : memref<200000x16xf32, #tpu.memory_space<hbm>> -> memref<199999x16xf32, #tpu.memory_space<hbm>>
      %dma_wait3A_159 = arith.constant 0 : i32
      %dma_wait3A_160 = arith.constant 0 : i32
      %dma_wait3A_161 = tpu.memref_slice %dma_wait3A_158[%dma_wait3A_159, %dma_wait3A_160] : memref<199999x16xf32, #tpu.memory_space<hbm>> -> memref<199999x16xf32, #tpu.memory_space<hbm>>
      tpu.wait_indirect_dma semaphore(%arg11 : memref<!tpu.dma_semaphore, #tpu.memory_space<semaphore_mem>>) src(%dma_wait3A_161 : memref<199999x16xf32, #tpu.memory_space<hbm>>) dst(%dma_wait3A_153 : memref<128x16xf32, #tpu.memory_space<vmem>>)
      %run_scoped3A_162 = arith.constant 3 : i32
      "tpu.region"() ({
        %run_scoped3A_216 = tpu.sem_alloc : memref<!tpu.dma_semaphore, #tpu.memory_space<semaphore_mem>>
        %dma_start3A_217 = arith.constant 384 : i32
        %dma_start3A_218 = arith.constant 0 : i32
        %dma_start3A_219 = tpu.memref_slice %arg10[%dma_start3A_217, %dma_start3A_218] : memref<1024x16xf32, #tpu.memory_space<vmem>> -> memref<128x16xf32, #tpu.memory_space<vmem>>
        %dma_start3A_220 = arith.constant 0 : i32
        %dma_start3A_221 = tpu.memref_slice %arg9[%run_scoped3A_162, %dma_start3A_220] : memref<8x128xi32, #tpu.memory_space<vmem>> -> memref<1x128xi32, #tpu.memory_space<vmem>>
        %dma_start3A_222 = tpu.memref_squeeze %dma_start3A_221 : memref<1x128xi32, #tpu.memory_space<vmem>> -> memref<128xi32, #tpu.memory_space<vmem>>
        %dma_start3A_223 = arith.constant 0 : i32
        %dma_start3A_224 = arith.constant 0 : i32
        %dma_start3A_225 = tpu.memref_slice %arg7[%dma_start3A_223, %dma_start3A_224] : memref<100096x16xf32, #tpu.memory_space<vmem_shared>> -> memref<100096x16xf32, #tpu.memory_space<vmem_shared>>
        tpu.enqueue_indirect_dma source(%dma_start3A_219 : memref<128x16xf32, #tpu.memory_space<vmem>>) target(%dma_start3A_225 : memref<100096x16xf32, #tpu.memory_space<vmem_shared>>) offsets(%dma_start3A_222 : memref<128xi32, #tpu.memory_space<vmem>>) semaphore(%run_scoped3A_216 : memref<!tpu.dma_semaphore, #tpu.memory_space<semaphore_mem>>) {add = true}
        %dma_wait3A_226 = arith.constant 384 : i32
        %dma_wait3A_227 = arith.constant 0 : i32
        %dma_wait3A_228 = tpu.memref_slice %arg10[%dma_wait3A_226, %dma_wait3A_227] : memref<1024x16xf32, #tpu.memory_space<vmem>> -> memref<128x16xf32, #tpu.memory_space<vmem>>
        %dma_wait3A_229 = arith.constant 0 : i32
        %dma_wait3A_230 = tpu.memref_slice %arg9[%run_scoped3A_162, %dma_wait3A_229] : memref<8x128xi32, #tpu.memory_space<vmem>> -> memref<1x128xi32, #tpu.memory_space<vmem>>
        %dma_wait3A_231 = tpu.memref_squeeze %dma_wait3A_230 : memref<1x128xi32, #tpu.memory_space<vmem>> -> memref<128xi32, #tpu.memory_space<vmem>>
        %dma_wait3A_232 = arith.constant 0 : i32
        %dma_wait3A_233 = arith.constant 0 : i32
        %dma_wait3A_234 = tpu.memref_slice %arg7[%dma_wait3A_232, %dma_wait3A_233] : memref<100096x16xf32, #tpu.memory_space<vmem_shared>> -> memref<100096x16xf32, #tpu.memory_space<vmem_shared>>
        tpu.wait_indirect_dma semaphore(%run_scoped3A_216 : memref<!tpu.dma_semaphore, #tpu.memory_space<semaphore_mem>>) src(%dma_wait3A_228 : memref<128x16xf32, #tpu.memory_space<vmem>>) dst(%dma_wait3A_234 : memref<100096x16xf32, #tpu.memory_space<vmem_shared>>)
        tpu.yield
      }) : () -> ()
      %dma_wait3A_163 = arith.constant 4 : i32
      %dma_wait3A_164 = arith.constant 512 : i32
      %dma_wait3A_165 = arith.constant 0 : i32
      %dma_wait3A_166 = tpu.memref_slice %arg10[%dma_wait3A_164, %dma_wait3A_165] : memref<1024x16xf32, #tpu.memory_space<vmem>> -> memref<128x16xf32, #tpu.memory_space<vmem>>
      %dma_wait3A_167 = arith.constant 0 : i32
      %dma_wait3A_168 = tpu.memref_slice %arg8[%dma_wait3A_163, %dma_wait3A_167] : memref<8x128xi32, #tpu.memory_space<vmem>> -> memref<1x128xi32, #tpu.memory_space<vmem>>
      %dma_wait3A_169 = tpu.memref_squeeze %dma_wait3A_168 : memref<1x128xi32, #tpu.memory_space<vmem>> -> memref<128xi32, #tpu.memory_space<vmem>>
      %dma_wait3A_170 = arith.constant 0 : i32
      %dma_wait3A_171 = tpu.memref_slice %arg2[%arg0, %dma_wait3A_170] : memref<200000x16xf32, #tpu.memory_space<hbm>> -> memref<199999x16xf32, #tpu.memory_space<hbm>>
      %dma_wait3A_172 = arith.constant 0 : i32
      %dma_wait3A_173 = arith.constant 0 : i32
      %dma_wait3A_174 = tpu.memref_slice %dma_wait3A_171[%dma_wait3A_172, %dma_wait3A_173] : memref<199999x16xf32, #tpu.memory_space<hbm>> -> memref<199999x16xf32, #tpu.memory_space<hbm>>
      tpu.wait_indirect_dma semaphore(%arg11 : memref<!tpu.dma_semaphore, #tpu.memory_space<semaphore_mem>>) src(%dma_wait3A_174 : memref<199999x16xf32, #tpu.memory_space<hbm>>) dst(%dma_wait3A_166 : memref<128x16xf32, #tpu.memory_space<vmem>>)
      %run_scoped3A_175 = arith.constant 4 : i32
      "tpu.region"() ({
        %run_scoped3A_216 = tpu.sem_alloc : memref<!tpu.dma_semaphore, #tpu.memory_space<semaphore_mem>>
        %dma_start3A_217 = arith.constant 512 : i32
        %dma_start3A_218 = arith.constant 0 : i32
        %dma_start3A_219 = tpu.memref_slice %arg10[%dma_start3A_217, %dma_start3A_218] : memref<1024x16xf32, #tpu.memory_space<vmem>> -> memref<128x16xf32, #tpu.memory_space<vmem>>
        %dma_start3A_220 = arith.constant 0 : i32
        %dma_start3A_221 = tpu.memref_slice %arg9[%run_scoped3A_175, %dma_start3A_220] : memref<8x128xi32, #tpu.memory_space<vmem>> -> memref<1x128xi32, #tpu.memory_space<vmem>>
        %dma_start3A_222 = tpu.memref_squeeze %dma_start3A_221 : memref<1x128xi32, #tpu.memory_space<vmem>> -> memref<128xi32, #tpu.memory_space<vmem>>
        %dma_start3A_223 = arith.constant 0 : i32
        %dma_start3A_224 = arith.constant 0 : i32
        %dma_start3A_225 = tpu.memref_slice %arg7[%dma_start3A_223, %dma_start3A_224] : memref<100096x16xf32, #tpu.memory_space<vmem_shared>> -> memref<100096x16xf32, #tpu.memory_space<vmem_shared>>
        tpu.enqueue_indirect_dma source(%dma_start3A_219 : memref<128x16xf32, #tpu.memory_space<vmem>>) target(%dma_start3A_225 : memref<100096x16xf32, #tpu.memory_space<vmem_shared>>) offsets(%dma_start3A_222 : memref<128xi32, #tpu.memory_space<vmem>>) semaphore(%run_scoped3A_216 : memref<!tpu.dma_semaphore, #tpu.memory_space<semaphore_mem>>) {add = true}
        %dma_wait3A_226 = arith.constant 512 : i32
        %dma_wait3A_227 = arith.constant 0 : i32
        %dma_wait3A_228 = tpu.memref_slice %arg10[%dma_wait3A_226, %dma_wait3A_227] : memref<1024x16xf32, #tpu.memory_space<vmem>> -> memref<128x16xf32, #tpu.memory_space<vmem>>
        %dma_wait3A_229 = arith.constant 0 : i32
        %dma_wait3A_230 = tpu.memref_slice %arg9[%run_scoped3A_175, %dma_wait3A_229] : memref<8x128xi32, #tpu.memory_space<vmem>> -> memref<1x128xi32, #tpu.memory_space<vmem>>
        %dma_wait3A_231 = tpu.memref_squeeze %dma_wait3A_230 : memref<1x128xi32, #tpu.memory_space<vmem>> -> memref<128xi32, #tpu.memory_space<vmem>>
        %dma_wait3A_232 = arith.constant 0 : i32
        %dma_wait3A_233 = arith.constant 0 : i32
        %dma_wait3A_234 = tpu.memref_slice %arg7[%dma_wait3A_232, %dma_wait3A_233] : memref<100096x16xf32, #tpu.memory_space<vmem_shared>> -> memref<100096x16xf32, #tpu.memory_space<vmem_shared>>
        tpu.wait_indirect_dma semaphore(%run_scoped3A_216 : memref<!tpu.dma_semaphore, #tpu.memory_space<semaphore_mem>>) src(%dma_wait3A_228 : memref<128x16xf32, #tpu.memory_space<vmem>>) dst(%dma_wait3A_234 : memref<100096x16xf32, #tpu.memory_space<vmem_shared>>)
        tpu.yield
      }) : () -> ()
      %dma_wait3A_176 = arith.constant 5 : i32
      %dma_wait3A_177 = arith.constant 640 : i32
      %dma_wait3A_178 = arith.constant 0 : i32
      %dma_wait3A_179 = tpu.memref_slice %arg10[%dma_wait3A_177, %dma_wait3A_178] : memref<1024x16xf32, #tpu.memory_space<vmem>> -> memref<128x16xf32, #tpu.memory_space<vmem>>
      %dma_wait3A_180 = arith.constant 0 : i32
      %dma_wait3A_181 = tpu.memref_slice %arg8[%dma_wait3A_176, %dma_wait3A_180] : memref<8x128xi32, #tpu.memory_space<vmem>> -> memref<1x128xi32, #tpu.memory_space<vmem>>
      %dma_wait3A_182 = tpu.memref_squeeze %dma_wait3A_181 : memref<1x128xi32, #tpu.memory_space<vmem>> -> memref<128xi32, #tpu.memory_space<vmem>>
      %dma_wait3A_183 = arith.constant 0 : i32
      %dma_wait3A_184 = tpu.memref_slice %arg2[%arg0, %dma_wait3A_183] : memref<200000x16xf32, #tpu.memory_space<hbm>> -> memref<199999x16xf32, #tpu.memory_space<hbm>>
      %dma_wait3A_185 = arith.constant 0 : i32
      %dma_wait3A_186 = arith.constant 0 : i32
      %dma_wait3A_187 = tpu.memref_slice %dma_wait3A_184[%dma_wait3A_185, %dma_wait3A_186] : memref<199999x16xf32, #tpu.memory_space<hbm>> -> memref<199999x16xf32, #tpu.memory_space<hbm>>
      tpu.wait_indirect_dma semaphore(%arg11 : memref<!tpu.dma_semaphore, #tpu.memory_space<semaphore_mem>>) src(%dma_wait3A_187 : memref<199999x16xf32, #tpu.memory_space<hbm>>) dst(%dma_wait3A_179 : memref<128x16xf32, #tpu.memory_space<vmem>>)
      %run_scoped3A_188 = arith.constant 5 : i32
      "tpu.region"() ({
        %run_scoped3A_216 = tpu.sem_alloc : memref<!tpu.dma_semaphore, #tpu.memory_space<semaphore_mem>>
        %dma_start3A_217 = arith.constant 640 : i32
        %dma_start3A_218 = arith.constant 0 : i32
        %dma_start3A_219 = tpu.memref_slice %arg10[%dma_start3A_217, %dma_start3A_218] : memref<1024x16xf32, #tpu.memory_space<vmem>> -> memref<128x16xf32, #tpu.memory_space<vmem>>
        %dma_start3A_220 = arith.constant 0 : i32
        %dma_start3A_221 = tpu.memref_slice %arg9[%run_scoped3A_188, %dma_start3A_220] : memref<8x128xi32, #tpu.memory_space<vmem>> -> memref<1x128xi32, #tpu.memory_space<vmem>>
        %dma_start3A_222 = tpu.memref_squeeze %dma_start3A_221 : memref<1x128xi32, #tpu.memory_space<vmem>> -> memref<128xi32, #tpu.memory_space<vmem>>
        %dma_start3A_223 = arith.constant 0 : i32
        %dma_start3A_224 = arith.constant 0 : i32
        %dma_start3A_225 = tpu.memref_slice %arg7[%dma_start3A_223, %dma_start3A_224] : memref<100096x16xf32, #tpu.memory_space<vmem_shared>> -> memref<100096x16xf32, #tpu.memory_space<vmem_shared>>
        tpu.enqueue_indirect_dma source(%dma_start3A_219 : memref<128x16xf32, #tpu.memory_space<vmem>>) target(%dma_start3A_225 : memref<100096x16xf32, #tpu.memory_space<vmem_shared>>) offsets(%dma_start3A_222 : memref<128xi32, #tpu.memory_space<vmem>>) semaphore(%run_scoped3A_216 : memref<!tpu.dma_semaphore, #tpu.memory_space<semaphore_mem>>) {add = true}
        %dma_wait3A_226 = arith.constant 640 : i32
        %dma_wait3A_227 = arith.constant 0 : i32
        %dma_wait3A_228 = tpu.memref_slice %arg10[%dma_wait3A_226, %dma_wait3A_227] : memref<1024x16xf32, #tpu.memory_space<vmem>> -> memref<128x16xf32, #tpu.memory_space<vmem>>
        %dma_wait3A_229 = arith.constant 0 : i32
        %dma_wait3A_230 = tpu.memref_slice %arg9[%run_scoped3A_188, %dma_wait3A_229] : memref<8x128xi32, #tpu.memory_space<vmem>> -> memref<1x128xi32, #tpu.memory_space<vmem>>
        %dma_wait3A_231 = tpu.memref_squeeze %dma_wait3A_230 : memref<1x128xi32, #tpu.memory_space<vmem>> -> memref<128xi32, #tpu.memory_space<vmem>>
        %dma_wait3A_232 = arith.constant 0 : i32
        %dma_wait3A_233 = arith.constant 0 : i32
        %dma_wait3A_234 = tpu.memref_slice %arg7[%dma_wait3A_232, %dma_wait3A_233] : memref<100096x16xf32, #tpu.memory_space<vmem_shared>> -> memref<100096x16xf32, #tpu.memory_space<vmem_shared>>
        tpu.wait_indirect_dma semaphore(%run_scoped3A_216 : memref<!tpu.dma_semaphore, #tpu.memory_space<semaphore_mem>>) src(%dma_wait3A_228 : memref<128x16xf32, #tpu.memory_space<vmem>>) dst(%dma_wait3A_234 : memref<100096x16xf32, #tpu.memory_space<vmem_shared>>)
        tpu.yield
      }) : () -> ()
      %dma_wait3A_189 = arith.constant 6 : i32
      %dma_wait3A_190 = arith.constant 768 : i32
      %dma_wait3A_191 = arith.constant 0 : i32
      %dma_wait3A_192 = tpu.memref_slice %arg10[%dma_wait3A_190, %dma_wait3A_191] : memref<1024x16xf32, #tpu.memory_space<vmem>> -> memref<128x16xf32, #tpu.memory_space<vmem>>
      %dma_wait3A_193 = arith.constant 0 : i32
      %dma_wait3A_194 = tpu.memref_slice %arg8[%dma_wait3A_189, %dma_wait3A_193] : memref<8x128xi32, #tpu.memory_space<vmem>> -> memref<1x128xi32, #tpu.memory_space<vmem>>
      %dma_wait3A_195 = tpu.memref_squeeze %dma_wait3A_194 : memref<1x128xi32, #tpu.memory_space<vmem>> -> memref<128xi32, #tpu.memory_space<vmem>>
      %dma_wait3A_196 = arith.constant 0 : i32
      %dma_wait3A_197 = tpu.memref_slice %arg2[%arg0, %dma_wait3A_196] : memref<200000x16xf32, #tpu.memory_space<hbm>> -> memref<199999x16xf32, #tpu.memory_space<hbm>>
      %dma_wait3A_198 = arith.constant 0 : i32
      %dma_wait3A_199 = arith.constant 0 : i32
      %dma_wait3A_200 = tpu.memref_slice %dma_wait3A_197[%dma_wait3A_198, %dma_wait3A_199] : memref<199999x16xf32, #tpu.memory_space<hbm>> -> memref<199999x16xf32, #tpu.memory_space<hbm>>
      tpu.wait_indirect_dma semaphore(%arg11 : memref<!tpu.dma_semaphore, #tpu.memory_space<semaphore_mem>>) src(%dma_wait3A_200 : memref<199999x16xf32, #tpu.memory_space<hbm>>) dst(%dma_wait3A_192 : memref<128x16xf32, #tpu.memory_space<vmem>>)
      %run_scoped3A_201 = arith.constant 6 : i32
      "tpu.region"() ({
        %run_scoped3A_216 = tpu.sem_alloc : memref<!tpu.dma_semaphore, #tpu.memory_space<semaphore_mem>>
        %dma_start3A_217 = arith.constant 768 : i32
        %dma_start3A_218 = arith.constant 0 : i32
        %dma_start3A_219 = tpu.memref_slice %arg10[%dma_start3A_217, %dma_start3A_218] : memref<1024x16xf32, #tpu.memory_space<vmem>> -> memref<128x16xf32, #tpu.memory_space<vmem>>
        %dma_start3A_220 = arith.constant 0 : i32
        %dma_start3A_221 = tpu.memref_slice %arg9[%run_scoped3A_201, %dma_start3A_220] : memref<8x128xi32, #tpu.memory_space<vmem>> -> memref<1x128xi32, #tpu.memory_space<vmem>>
        %dma_start3A_222 = tpu.memref_squeeze %dma_start3A_221 : memref<1x128xi32, #tpu.memory_space<vmem>> -> memref<128xi32, #tpu.memory_space<vmem>>
        %dma_start3A_223 = arith.constant 0 : i32
        %dma_start3A_224 = arith.constant 0 : i32
        %dma_start3A_225 = tpu.memref_slice %arg7[%dma_start3A_223, %dma_start3A_224] : memref<100096x16xf32, #tpu.memory_space<vmem_shared>> -> memref<100096x16xf32, #tpu.memory_space<vmem_shared>>
        tpu.enqueue_indirect_dma source(%dma_start3A_219 : memref<128x16xf32, #tpu.memory_space<vmem>>) target(%dma_start3A_225 : memref<100096x16xf32, #tpu.memory_space<vmem_shared>>) offsets(%dma_start3A_222 : memref<128xi32, #tpu.memory_space<vmem>>) semaphore(%run_scoped3A_216 : memref<!tpu.dma_semaphore, #tpu.memory_space<semaphore_mem>>) {add = true}
        %dma_wait3A_226 = arith.constant 768 : i32
        %dma_wait3A_227 = arith.constant 0 : i32
        %dma_wait3A_228 = tpu.memref_slice %arg10[%dma_wait3A_226, %dma_wait3A_227] : memref<1024x16xf32, #tpu.memory_space<vmem>> -> memref<128x16xf32, #tpu.memory_space<vmem>>
        %dma_wait3A_229 = arith.constant 0 : i32
        %dma_wait3A_230 = tpu.memref_slice %arg9[%run_scoped3A_201, %dma_wait3A_229] : memref<8x128xi32, #tpu.memory_space<vmem>> -> memref<1x128xi32, #tpu.memory_space<vmem>>
        %dma_wait3A_231 = tpu.memref_squeeze %dma_wait3A_230 : memref<1x128xi32, #tpu.memory_space<vmem>> -> memref<128xi32, #tpu.memory_space<vmem>>
        %dma_wait3A_232 = arith.constant 0 : i32
        %dma_wait3A_233 = arith.constant 0 : i32
        %dma_wait3A_234 = tpu.memref_slice %arg7[%dma_wait3A_232, %dma_wait3A_233] : memref<100096x16xf32, #tpu.memory_space<vmem_shared>> -> memref<100096x16xf32, #tpu.memory_space<vmem_shared>>
        tpu.wait_indirect_dma semaphore(%run_scoped3A_216 : memref<!tpu.dma_semaphore, #tpu.memory_space<semaphore_mem>>) src(%dma_wait3A_228 : memref<128x16xf32, #tpu.memory_space<vmem>>) dst(%dma_wait3A_234 : memref<100096x16xf32, #tpu.memory_space<vmem_shared>>)
        tpu.yield
      }) : () -> ()
      %dma_wait3A_202 = arith.constant 7 : i32
      %dma_wait3A_203 = arith.constant 896 : i32
      %dma_wait3A_204 = arith.constant 0 : i32
      %dma_wait3A_205 = tpu.memref_slice %arg10[%dma_wait3A_203, %dma_wait3A_204] : memref<1024x16xf32, #tpu.memory_space<vmem>> -> memref<128x16xf32, #tpu.memory_space<vmem>>
      %dma_wait3A_206 = arith.constant 0 : i32
      %dma_wait3A_207 = tpu.memref_slice %arg8[%dma_wait3A_202, %dma_wait3A_206] : memref<8x128xi32, #tpu.memory_space<vmem>> -> memref<1x128xi32, #tpu.memory_space<vmem>>
      %dma_wait3A_208 = tpu.memref_squeeze %dma_wait3A_207 : memref<1x128xi32, #tpu.memory_space<vmem>> -> memref<128xi32, #tpu.memory_space<vmem>>
      %dma_wait3A_209 = arith.constant 0 : i32
      %dma_wait3A_210 = tpu.memref_slice %arg2[%arg0, %dma_wait3A_209] : memref<200000x16xf32, #tpu.memory_space<hbm>> -> memref<199999x16xf32, #tpu.memory_space<hbm>>
      %dma_wait3A_211 = arith.constant 0 : i32
      %dma_wait3A_212 = arith.constant 0 : i32
      %dma_wait3A_213 = tpu.memref_slice %dma_wait3A_210[%dma_wait3A_211, %dma_wait3A_212] : memref<199999x16xf32, #tpu.memory_space<hbm>> -> memref<199999x16xf32, #tpu.memory_space<hbm>>
      tpu.wait_indirect_dma semaphore(%arg11 : memref<!tpu.dma_semaphore, #tpu.memory_space<semaphore_mem>>) src(%dma_wait3A_213 : memref<199999x16xf32, #tpu.memory_space<hbm>>) dst(%dma_wait3A_205 : memref<128x16xf32, #tpu.memory_space<vmem>>)
      %run_scoped3A_214 = arith.constant 7 : i32
      "tpu.region"() ({
        %run_scoped3A_216 = tpu.sem_alloc : memref<!tpu.dma_semaphore, #tpu.memory_space<semaphore_mem>>
        %dma_start3A_217 = arith.constant 896 : i32
        %dma_start3A_218 = arith.constant 0 : i32
        %dma_start3A_219 = tpu.memref_slice %arg10[%dma_start3A_217, %dma_start3A_218] : memref<1024x16xf32, #tpu.memory_space<vmem>> -> memref<128x16xf32, #tpu.memory_space<vmem>>
        %dma_start3A_220 = arith.constant 0 : i32
        %dma_start3A_221 = tpu.memref_slice %arg9[%run_scoped3A_214, %dma_start3A_220] : memref<8x128xi32, #tpu.memory_space<vmem>> -> memref<1x128xi32, #tpu.memory_space<vmem>>
        %dma_start3A_222 = tpu.memref_squeeze %dma_start3A_221 : memref<1x128xi32, #tpu.memory_space<vmem>> -> memref<128xi32, #tpu.memory_space<vmem>>
        %dma_start3A_223 = arith.constant 0 : i32
        %dma_start3A_224 = arith.constant 0 : i32
        %dma_start3A_225 = tpu.memref_slice %arg7[%dma_start3A_223, %dma_start3A_224] : memref<100096x16xf32, #tpu.memory_space<vmem_shared>> -> memref<100096x16xf32, #tpu.memory_space<vmem_shared>>
        tpu.enqueue_indirect_dma source(%dma_start3A_219 : memref<128x16xf32, #tpu.memory_space<vmem>>) target(%dma_start3A_225 : memref<100096x16xf32, #tpu.memory_space<vmem_shared>>) offsets(%dma_start3A_222 : memref<128xi32, #tpu.memory_space<vmem>>) semaphore(%run_scoped3A_216 : memref<!tpu.dma_semaphore, #tpu.memory_space<semaphore_mem>>) {add = true}
        %dma_wait3A_226 = arith.constant 896 : i32
        %dma_wait3A_227 = arith.constant 0 : i32
        %dma_wait3A_228 = tpu.memref_slice %arg10[%dma_wait3A_226, %dma_wait3A_227] : memref<1024x16xf32, #tpu.memory_space<vmem>> -> memref<128x16xf32, #tpu.memory_space<vmem>>
        %dma_wait3A_229 = arith.constant 0 : i32
        %dma_wait3A_230 = tpu.memref_slice %arg9[%run_scoped3A_214, %dma_wait3A_229] : memref<8x128xi32, #tpu.memory_space<vmem>> -> memref<1x128xi32, #tpu.memory_space<vmem>>
        %dma_wait3A_231 = tpu.memref_squeeze %dma_wait3A_230 : memref<1x128xi32, #tpu.memory_space<vmem>> -> memref<128xi32, #tpu.memory_space<vmem>>
        %dma_wait3A_232 = arith.constant 0 : i32
        %dma_wait3A_233 = arith.constant 0 : i32
        %dma_wait3A_234 = tpu.memref_slice %arg7[%dma_wait3A_232, %dma_wait3A_233] : memref<100096x16xf32, #tpu.memory_space<vmem_shared>> -> memref<100096x16xf32, #tpu.memory_space<vmem_shared>>
        tpu.wait_indirect_dma semaphore(%run_scoped3A_216 : memref<!tpu.dma_semaphore, #tpu.memory_space<semaphore_mem>>) src(%dma_wait3A_228 : memref<128x16xf32, #tpu.memory_space<vmem>>) dst(%dma_wait3A_234 : memref<100096x16xf32, #tpu.memory_space<vmem_shared>>)
        tpu.yield
      }) : () -> ()
      %scan3A_215 = arith.constant 0 : i32
      scf.yield %scan3A_215 : i32
    }
    %scan3A_8 = arith.constant 98 : i32
    %barrier3A_9 = arith.constant 0 : index
    tpu.barrier barrier_id(%barrier3A_9)
    %mul3A_10 = arith.constant 6250 : i32
    %mul3A_11 = arith.muli %arg1, %mul3A_10 : i32
    %mul3A_12 = arith.constant 6250 : i32
    %mul3A_13 = arith.muli %arg1, %mul3A_12 : i32
    "tpu.region"() ({
      %run_scoped3A = tpu.sem_alloc : memref<!tpu.dma_semaphore, #tpu.memory_space<semaphore_mem>>
      %dma_start3A = arith.constant 0 : i32
      %dma_start3A_14 = tpu.memref_slice %arg6[%mul3A_13, %arg0, %dma_start3A] : memref<100000x2x16xf32, #tpu.memory_space<hbm>> -> memref<6250x1x16xf32, #tpu.memory_space<hbm>>
      %dma_start3A_15 = tpu.memref_squeeze %dma_start3A_14 : memref<6250x1x16xf32, #tpu.memory_space<hbm>> -> memref<6250x16xf32, #tpu.memory_space<hbm>>
      %dma_start3A_16 = arith.constant 0 : i32
      %dma_start3A_17 = tpu.memref_slice %arg7[%mul3A_11, %dma_start3A_16] : memref<100096x16xf32, #tpu.memory_space<vmem_shared>> -> memref<6250x16xf32, #tpu.memory_space<vmem_shared>>
      tpu.enqueue_dma source(%dma_start3A_17 : memref<6250x16xf32, #tpu.memory_space<vmem_shared>>) target(%dma_start3A_15 : memref<6250x16xf32, #tpu.memory_space<hbm>>) target_semaphore(%run_scoped3A : memref<!tpu.dma_semaphore, #tpu.memory_space<semaphore_mem>>)
      %dma_wait3A = arith.constant 0 : i32
      %dma_wait3A_18 = tpu.memref_slice %arg6[%mul3A_13, %arg0, %dma_wait3A] : memref<100000x2x16xf32, #tpu.memory_space<hbm>> -> memref<6250x1x16xf32, #tpu.memory_space<hbm>>
      %dma_wait3A_19 = tpu.memref_squeeze %dma_wait3A_18 : memref<6250x1x16xf32, #tpu.memory_space<hbm>> -> memref<6250x16xf32, #tpu.memory_space<hbm>>
      %dma_wait3A_20 = arith.constant 0 : i32
      %dma_wait3A_21 = tpu.memref_slice %arg7[%mul3A_11, %dma_wait3A_20] : memref<100096x16xf32, #tpu.memory_space<vmem_shared>> -> memref<6250x16xf32, #tpu.memory_space<vmem_shared>>
      tpu.wait_dma2 semaphore(%run_scoped3A : memref<!tpu.dma_semaphore, #tpu.memory_space<semaphore_mem>>) src(%dma_wait3A_21 : memref<6250x16xf32, #tpu.memory_space<vmem_shared>>) dst(%dma_wait3A_19 : memref<6250x16xf32, #tpu.memory_space<hbm>>)
      tpu.yield
    }) : () -> ()
    return
  }
}

module attributes {stable_mosaic.version = 14 : i64} {
  func.func @_build_body(%arg0: i32, %arg1: memref<1x1xf32, #tpu.memory_space<smem>>, %arg2: memref<1000x12xf32, #tpu.memory_space<vmem>>, %arg3: memref<1000x12xf32, #tpu.memory_space<vmem>>, %arg4: memref<1000x12xf32, #tpu.memory_space<vmem>>, %arg5: memref<1000x12xf32, #tpu.memory_space<vmem>>, %arg6: memref<1000x128xf32, #tpu.memory_space<vmem>>) attributes {dimension_semantics = [#tpu.dimension_semantics<arbitrary>], iteration_bounds = array<i64: 25>, scalar_prefetch = 0 : i64, scratch_operands = 0 : i64, tpu.core_type = #tpu.core_type<tc>, window_params = [{transform_indices = @transform_0, window_bounds = array<i64: 1, 1>}, {transform_indices = @transform_1, window_bounds = array<i64: 1000, 12>}, {transform_indices = @transform_2, window_bounds = array<i64: 1000, 12>}, {transform_indices = @transform_3, window_bounds = array<i64: 1000, 12>}, {transform_indices = @transform_4, window_bounds = array<i64: 1000, 12>}, {transform_indices = @transform_5, window_bounds = array<i64: 1000, 128>}]} {
    %get3A = arith.constant 0 : index
    %get3A_0 = arith.constant 0 : index
    %get3A_1 = memref.load %arg1[%get3A, %get3A_0] : memref<1x1xf32, #tpu.memory_space<smem>>
    %get3A_2 = arith.constant 0 : index
    %get3A_3 = arith.constant 0 : index
    %get3A_4 = vector.load %arg2[%get3A_2, %get3A_3] : memref<1000x12xf32, #tpu.memory_space<vmem>>, vector<1000x12xf32>
    %broadcast_in_dim3A = arith.constant 0.000000e+00 : f32
    %broadcast_in_dim3A_5 = vector.broadcast %broadcast_in_dim3A : f32 to vector<1000x20xf32>
    %concatenate3A = tpu.concatenate %get3A_4, %broadcast_in_dim3A_5 in 1 : vector<1000x12xf32>, vector<1000x20xf32> -> vector<1000x32xf32>
    %iota3A = tpu.iota {dimensions = array<i32: 1>} : vector<1000x32xi32>
    %eq3A = arith.constant 12 : i32
    %eq3A_6 = vector.broadcast %eq3A : i32 to vector<1000x32xi32>
    %eq3A_7 = arith.cmpi eq, %iota3A, %eq3A_6 : vector<1000x32xi32>
    %broadcast_in_dim3A_8 = vector.broadcast %get3A_1 : f32 to vector<1000x32xf32>
    %select_n3A = arith.select %eq3A_7, %broadcast_in_dim3A_8, %concatenate3A : vector<1000x32xi1>, vector<1000x32xf32>
    %get3A_9 = arith.constant 0 : index
    %get3A_10 = arith.constant 0 : index
    %get3A_11 = vector.load %arg3[%get3A_9, %get3A_10] : memref<1000x12xf32, #tpu.memory_space<vmem>>, vector<1000x12xf32>
    %broadcast_in_dim3A_12 = arith.constant 0.000000e+00 : f32
    %broadcast_in_dim3A_13 = vector.broadcast %broadcast_in_dim3A_12 : f32 to vector<1000x20xf32>
    %concatenate3A_14 = tpu.concatenate %get3A_11, %broadcast_in_dim3A_13 in 1 : vector<1000x12xf32>, vector<1000x20xf32> -> vector<1000x32xf32>
    %iota3A_15 = tpu.iota {dimensions = array<i32: 1>} : vector<1000x32xi32>
    %eq3A_16 = arith.constant 12 : i32
    %eq3A_17 = vector.broadcast %eq3A_16 : i32 to vector<1000x32xi32>
    %eq3A_18 = arith.cmpi eq, %iota3A_15, %eq3A_17 : vector<1000x32xi32>
    %broadcast_in_dim3A_19 = vector.broadcast %get3A_1 : f32 to vector<1000x32xf32>
    %select_n3A_20 = arith.select %eq3A_18, %broadcast_in_dim3A_19, %concatenate3A_14 : vector<1000x32xi1>, vector<1000x32xf32>
    %get3A_21 = arith.constant 0 : index
    %get3A_22 = arith.constant 0 : index
    %get3A_23 = vector.load %arg4[%get3A_21, %get3A_22] : memref<1000x12xf32, #tpu.memory_space<vmem>>, vector<1000x12xf32>
    %broadcast_in_dim3A_24 = arith.constant 0.000000e+00 : f32
    %broadcast_in_dim3A_25 = vector.broadcast %broadcast_in_dim3A_24 : f32 to vector<1000x20xf32>
    %concatenate3A_26 = tpu.concatenate %get3A_23, %broadcast_in_dim3A_25 in 1 : vector<1000x12xf32>, vector<1000x20xf32> -> vector<1000x32xf32>
    %iota3A_27 = tpu.iota {dimensions = array<i32: 1>} : vector<1000x32xi32>
    %eq3A_28 = arith.constant 12 : i32
    %eq3A_29 = vector.broadcast %eq3A_28 : i32 to vector<1000x32xi32>
    %eq3A_30 = arith.cmpi eq, %iota3A_27, %eq3A_29 : vector<1000x32xi32>
    %broadcast_in_dim3A_31 = vector.broadcast %get3A_1 : f32 to vector<1000x32xf32>
    %select_n3A_32 = arith.select %eq3A_30, %broadcast_in_dim3A_31, %concatenate3A_26 : vector<1000x32xi1>, vector<1000x32xf32>
    %get3A_33 = arith.constant 0 : index
    %get3A_34 = arith.constant 0 : index
    %get3A_35 = vector.load %arg5[%get3A_33, %get3A_34] : memref<1000x12xf32, #tpu.memory_space<vmem>>, vector<1000x12xf32>
    %broadcast_in_dim3A_36 = arith.constant 0.000000e+00 : f32
    %broadcast_in_dim3A_37 = vector.broadcast %broadcast_in_dim3A_36 : f32 to vector<1000x20xf32>
    %concatenate3A_38 = tpu.concatenate %get3A_35, %broadcast_in_dim3A_37 in 1 : vector<1000x12xf32>, vector<1000x20xf32> -> vector<1000x32xf32>
    %iota3A_39 = tpu.iota {dimensions = array<i32: 1>} : vector<1000x32xi32>
    %eq3A_40 = arith.constant 12 : i32
    %eq3A_41 = vector.broadcast %eq3A_40 : i32 to vector<1000x32xi32>
    %eq3A_42 = arith.cmpi eq, %iota3A_39, %eq3A_41 : vector<1000x32xi32>
    %broadcast_in_dim3A_43 = vector.broadcast %get3A_1 : f32 to vector<1000x32xf32>
    %select_n3A_44 = arith.select %eq3A_42, %broadcast_in_dim3A_43, %concatenate3A_38 : vector<1000x32xi1>, vector<1000x32xf32>
    %concatenate3A_45 = tpu.concatenate %select_n3A, %select_n3A_20, %select_n3A_32, %select_n3A_44 in 1 : vector<1000x32xf32>, vector<1000x32xf32>, vector<1000x32xf32>, vector<1000x32xf32> -> vector<1000x128xf32>
    %swap3A = arith.constant 0 : index
    %swap3A_46 = arith.constant 0 : index
    %swap3A_47 = vector.load %arg6[%swap3A, %swap3A_46] : memref<1000x128xf32, #tpu.memory_space<vmem>>, vector<1000x128xf32>
    tpu.vector_store %arg6[%swap3A, %swap3A_46], %concatenate3A_45 {strides = array<i32>} : memref<1000x128xf32, #tpu.memory_space<vmem>>, vector<1000x128xf32>,
    return
  }
  func.func @transform_0(%arg0: i32) -> (i32, i32) {
    %c0_i32 = arith.constant 0 : i32
    %c0_i32_0 = arith.constant 0 : i32
    %c0_i32_1 = arith.constant 0 : i32
    return %c0_i32, %c0_i32_0 : i32, i32
  }
  func.func @transform_1(%arg0: i32) -> (i32, i32) {
    %c0_i32 = arith.constant 0 : i32
    %c0_i32_0 = arith.constant 0 : i32
    return %arg0, %c0_i32 : i32, i32
  }
  func.func @transform_2(%arg0: i32) -> (i32, i32) {
    %c0_i32 = arith.constant 0 : i32
    %c0_i32_0 = arith.constant 0 : i32
    return %arg0, %c0_i32 : i32, i32
  }
  func.func @transform_3(%arg0: i32) -> (i32, i32) {
    %c0_i32 = arith.constant 0 : i32
    %c0_i32_0 = arith.constant 0 : i32
    return %arg0, %c0_i32 : i32, i32
  }
  func.func @transform_4(%arg0: i32) -> (i32, i32) {
    %c0_i32 = arith.constant 0 : i32
    %c0_i32_0 = arith.constant 0 : i32
    return %arg0, %c0_i32 : i32, i32
  }
  func.func @transform_5(%arg0: i32) -> (i32, i32) {
    %c0_i32 = arith.constant 0 : i32
    %c0_i32_0 = arith.constant 0 : i32
    return %arg0, %c0_i32 : i32, i32
  }
}

module attributes {stable_mosaic.version = 14 : i64} {
  func.func @_stats_body(%arg0: i32, %arg1: memref<1x1xf32, #tpu.memory_space<smem>>, %arg2: memref<1000x128xf32, #tpu.memory_space<vmem>>, %arg3: memref<1000x128xf32, #tpu.memory_space<vmem>>, %arg4: memref<1x128xf32, #tpu.memory_space<vmem>>, %arg5: memref<128x128xf32, #tpu.memory_space<vmem>>, %arg6: memref<1x128xf32, #tpu.memory_space<vmem>>, %arg7: memref<128x128xf32, #tpu.memory_space<vmem>>) attributes {dimension_semantics = [#tpu.dimension_semantics<arbitrary>], iteration_bounds = array<i64: 25>, scalar_prefetch = 0 : i64, scratch_operands = 2 : i64, tpu.core_type = #tpu.core_type<tc>, window_params = [{transform_indices = @transform_0, window_bounds = array<i64: 1, 1>}, {transform_indices = @transform_1, window_bounds = array<i64: 1000, 128>}, {transform_indices = @transform_2, window_bounds = array<i64: 1000, 128>}, {pipeline_mode = #tpu.pipeline_mode<synchronous>, transform_indices = @transform_3, window_bounds = array<i64: 1, 128>}, {pipeline_mode = #tpu.pipeline_mode<synchronous>, transform_indices = @transform_4, window_bounds = array<i64: 128, 128>}]} {
    %eq3A = arith.constant 0 : i32
    %eq3A_0 = arith.cmpi eq, %arg0, %eq3A : i32
    %convert_element_type3A = arith.extui %eq3A_0 : i1 to i32
    %cond3A = arith.constant 0 : i32
    %cond3A_1 = arith.cmpi ne, %convert_element_type3A, %cond3A : i32
    scf.if %cond3A_1 {
      %broadcast_in_dim3A_50 = arith.constant 0.000000e+00 : f32
      %broadcast_in_dim3A_51 = vector.broadcast %broadcast_in_dim3A_50 : f32 to vector<1x128xf32>
      %swap3A_52 = arith.constant 0 : index
      %swap3A_53 = arith.constant 0 : index
      %swap3A_54 = vector.load %arg6[%swap3A_52, %swap3A_53] : memref<1x128xf32, #tpu.memory_space<vmem>>, vector<1x128xf32>
      tpu.vector_store %arg6[%swap3A_52, %swap3A_53], %broadcast_in_dim3A_51 {strides = array<i32>} : memref<1x128xf32, #tpu.memory_space<vmem>>, vector<1x128xf32>,
      %broadcast_in_dim3A_55 = arith.constant 0.000000e+00 : f32
      %broadcast_in_dim3A_56 = vector.broadcast %broadcast_in_dim3A_55 : f32 to vector<128x128xf32>
      %swap3A_57 = arith.constant 0 : index
      %swap3A_58 = arith.constant 0 : index
      %swap3A_59 = vector.load %arg7[%swap3A_57, %swap3A_58] : memref<128x128xf32, #tpu.memory_space<vmem>>, vector<128x128xf32>
      tpu.vector_store %arg7[%swap3A_57, %swap3A_58], %broadcast_in_dim3A_56 {strides = array<i32>} : memref<128x128xf32, #tpu.memory_space<vmem>>, vector<128x128xf32>,
    } else {
    }
    %get3A = arith.constant 0 : index
    %get3A_2 = arith.constant 0 : index
    %get3A_3 = vector.load %arg3[%get3A, %get3A_2] : memref<1000x128xf32, #tpu.memory_space<vmem>>, vector<1000x128xf32>
    %slice3A = vector.extract_strided_slice %get3A_3 {offsets = [0, 0], sizes = [1000, 16], strides = [1, 1]} : vector<1000x128xf32> to vector<1000x16xf32>
    %slice3A_4 = vector.extract_strided_slice %get3A_3 {offsets = [0, 16], sizes = [1000, 16], strides = [1, 1]} : vector<1000x128xf32> to vector<1000x16xf32>
    %add3A = arith.addf %slice3A, %slice3A_4 : vector<1000x16xf32>
    %broadcast_in_dim3A = arith.constant 0.000000e+00 : f32
    %broadcast_in_dim3A_5 = vector.broadcast %broadcast_in_dim3A : f32 to vector<1000x16xf32>
    %slice3A_6 = vector.extract_strided_slice %get3A_3 {offsets = [0, 32], sizes = [1000, 16], strides = [1, 1]} : vector<1000x128xf32> to vector<1000x16xf32>
    %slice3A_7 = vector.extract_strided_slice %get3A_3 {offsets = [0, 48], sizes = [1000, 16], strides = [1, 1]} : vector<1000x128xf32> to vector<1000x16xf32>
    %add3A_8 = arith.addf %slice3A_6, %slice3A_7 : vector<1000x16xf32>
    %broadcast_in_dim3A_9 = arith.constant 0.000000e+00 : f32
    %broadcast_in_dim3A_10 = vector.broadcast %broadcast_in_dim3A_9 : f32 to vector<1000x16xf32>
    %slice3A_11 = vector.extract_strided_slice %get3A_3 {offsets = [0, 64], sizes = [1000, 16], strides = [1, 1]} : vector<1000x128xf32> to vector<1000x16xf32>
    %slice3A_12 = vector.extract_strided_slice %get3A_3 {offsets = [0, 80], sizes = [1000, 16], strides = [1, 1]} : vector<1000x128xf32> to vector<1000x16xf32>
    %add3A_13 = arith.addf %slice3A_11, %slice3A_12 : vector<1000x16xf32>
    %broadcast_in_dim3A_14 = arith.constant 0.000000e+00 : f32
    %broadcast_in_dim3A_15 = vector.broadcast %broadcast_in_dim3A_14 : f32 to vector<1000x16xf32>
    %slice3A_16 = vector.extract_strided_slice %get3A_3 {offsets = [0, 96], sizes = [1000, 16], strides = [1, 1]} : vector<1000x128xf32> to vector<1000x16xf32>
    %slice3A_17 = vector.extract_strided_slice %get3A_3 {offsets = [0, 112], sizes = [1000, 16], strides = [1, 1]} : vector<1000x128xf32> to vector<1000x16xf32>
    %add3A_18 = arith.addf %slice3A_16, %slice3A_17 : vector<1000x16xf32>
    %broadcast_in_dim3A_19 = arith.constant 0.000000e+00 : f32
    %broadcast_in_dim3A_20 = vector.broadcast %broadcast_in_dim3A_19 : f32 to vector<1000x16xf32>
    %concatenate3A = tpu.concatenate %add3A, %broadcast_in_dim3A_5, %add3A_8, %broadcast_in_dim3A_10, %add3A_13, %broadcast_in_dim3A_15, %add3A_18, %broadcast_in_dim3A_20 in 1 : vector<1000x16xf32>, vector<1000x16xf32>, vector<1000x16xf32>, vector<1000x16xf32>, vector<1000x16xf32>, vector<1000x16xf32>, vector<1000x16xf32>, vector<1000x16xf32> -> vector<1000x128xf32>
    %get3A_21 = arith.constant 0 : index
    %get3A_22 = arith.constant 0 : index
    %get3A_23 = memref.load %arg1[%get3A_21, %get3A_22] : memref<1x1xf32, #tpu.memory_space<smem>>
    %get3A_24 = arith.constant 0 : index
    %get3A_25 = arith.constant 0 : index
    %get3A_26 = vector.load %arg2[%get3A_24, %get3A_25] : memref<1000x128xf32, #tpu.memory_space<vmem>>, vector<1000x128xf32>
    %mul3A = vector.broadcast %get3A_23 : f32 to vector<1000x128xf32>
    %mul3A_27 = arith.mulf %mul3A, %get3A_26 : vector<1000x128xf32>
    %add3A_28 = arith.addf %mul3A_27, %concatenate3A : vector<1000x128xf32>
    %get3A_29 = arith.constant 0 : index
    %get3A_30 = arith.constant 0 : index
    %get3A_31 = vector.load %arg6[%get3A_29, %get3A_30] : memref<1x128xf32, #tpu.memory_space<vmem>>, vector<1x128xf32>
    %reduce_sum3A = arith.constant dense<0.000000e+00> : vector<128xf32>
    %reduce_sum3A_32 = vector.multi_reduction <add>, %add3A_28, %reduce_sum3A [0] : vector<1000x128xf32> to vector<128xf32>
    %broadcast_in_dim3A_33 = vector.shape_cast %reduce_sum3A_32 : vector<128xf32> to vector<1x128xf32>
    %add3A_34 = arith.addf %get3A_31, %broadcast_in_dim3A_33 : vector<1x128xf32>
    %swap3A = arith.constant 0 : index
    %swap3A_35 = arith.constant 0 : index
    %swap3A_36 = vector.load %arg6[%swap3A, %swap3A_35] : memref<1x128xf32, #tpu.memory_space<vmem>>, vector<1x128xf32>
    tpu.vector_store %arg6[%swap3A, %swap3A_35], %add3A_34 {strides = array<i32>} : memref<1x128xf32, #tpu.memory_space<vmem>>, vector<1x128xf32>,
    %get3A_37 = arith.constant 0 : index
    %get3A_38 = arith.constant 0 : index
    %get3A_39 = vector.load %arg7[%get3A_37, %get3A_38] : memref<128x128xf32, #tpu.memory_space<vmem>>, vector<128x128xf32>
    %dot_general3A = arith.constant dense<0.000000e+00> : vector<128x128xf32>
    %dot_general3A_40 = tpu.matmul %add3A_28, %add3A_28, %dot_general3A {dimension_numbers = #tpu.dot_dimension_numbers<[0], [0], [1], [1], [0, 1, 1, 1], [], []>, transpose_lhs_hint = false} : vector<1000x128xf32>, vector<1000x128xf32>, vector<128x128xf32> -> vector<128x128xf32>
    %add3A_41 = arith.addf %get3A_39, %dot_general3A_40 : vector<128x128xf32>
    %swap3A_42 = arith.constant 0 : index
    %swap3A_43 = arith.constant 0 : index
    %swap3A_44 = vector.load %arg7[%swap3A_42, %swap3A_43] : memref<128x128xf32, #tpu.memory_space<vmem>>, vector<128x128xf32>
    tpu.vector_store %arg7[%swap3A_42, %swap3A_43], %add3A_41 {strides = array<i32>} : memref<128x128xf32, #tpu.memory_space<vmem>>, vector<128x128xf32>,
    %eq3A_45 = arith.constant 24 : i32
    %eq3A_46 = arith.cmpi eq, %arg0, %eq3A_45 : i32
    %convert_element_type3A_47 = arith.extui %eq3A_46 : i1 to i32
    %cond3A_48 = arith.constant 0 : i32
    %cond3A_49 = arith.cmpi ne, %convert_element_type3A_47, %cond3A_48 : i32
    scf.if %cond3A_49 {
      %get3A_50 = arith.constant 0 : index
      %get3A_51 = arith.constant 0 : index
      %get3A_52 = vector.load %arg6[%get3A_50, %get3A_51] : memref<1x128xf32, #tpu.memory_space<vmem>>, vector<1x128xf32>
      %swap3A_53 = arith.constant 0 : index
      %swap3A_54 = arith.constant 0 : index
      %swap3A_55 = vector.load %arg4[%swap3A_53, %swap3A_54] : memref<1x128xf32, #tpu.memory_space<vmem>>, vector<1x128xf32>
      tpu.vector_store %arg4[%swap3A_53, %swap3A_54], %get3A_52 {strides = array<i32>} : memref<1x128xf32, #tpu.memory_space<vmem>>, vector<1x128xf32>,
      %get3A_56 = arith.constant 0 : index
      %get3A_57 = arith.constant 0 : index
      %get3A_58 = vector.load %arg7[%get3A_56, %get3A_57] : memref<128x128xf32, #tpu.memory_space<vmem>>, vector<128x128xf32>
      %swap3A_59 = arith.constant 0 : index
      %swap3A_60 = arith.constant 0 : index
      %swap3A_61 = vector.load %arg5[%swap3A_59, %swap3A_60] : memref<128x128xf32, #tpu.memory_space<vmem>>, vector<128x128xf32>
      tpu.vector_store %arg5[%swap3A_59, %swap3A_60], %get3A_58 {strides = array<i32>} : memref<128x128xf32, #tpu.memory_space<vmem>>, vector<128x128xf32>,
    } else {
    }
    return
  }
  func.func @transform_0(%arg0: i32) -> (i32, i32) {
    %c0_i32 = arith.constant 0 : i32
    %c0_i32_0 = arith.constant 0 : i32
    %c0_i32_1 = arith.constant 0 : i32
    return %c0_i32, %c0_i32_0 : i32, i32
  }
  func.func @transform_1(%arg0: i32) -> (i32, i32) {
    %c0_i32 = arith.constant 0 : i32
    %c0_i32_0 = arith.constant 0 : i32
    return %arg0, %c0_i32 : i32, i32
  }
  func.func @transform_2(%arg0: i32) -> (i32, i32) {
    %c0_i32 = arith.constant 0 : i32
    %c0_i32_0 = arith.constant 0 : i32
    return %arg0, %c0_i32 : i32, i32
  }
  func.func @transform_3(%arg0: i32) -> (i32, i32) {
    %c0_i32 = arith.constant 0 : i32
    %c0_i32_0 = arith.constant 0 : i32
    %c0_i32_1 = arith.constant 0 : i32
    return %c0_i32, %c0_i32_0 : i32, i32
  }
  func.func @transform_4(%arg0: i32) -> (i32, i32) {
    %c0_i32 = arith.constant 0 : i32
    %c0_i32_0 = arith.constant 0 : i32
    %c0_i32_1 = arith.constant 0 : i32
    return %c0_i32, %c0_i32_0 : i32, i32
  }
}

module attributes {stable_mosaic.version = 14 : i64} {
  func.func @_mlp_body(%arg0: i32, %arg1: memref<1x1xf32, #tpu.memory_space<smem>>, %arg2: memref<1000x128xf32, #tpu.memory_space<vmem>>, %arg3: memref<1000x128xf32, #tpu.memory_space<vmem>>, %arg4: memref<128x128xf32, #tpu.memory_space<vmem>>, %arg5: memref<1x128xf32, #tpu.memory_space<vmem>>, %arg6: memref<128x128xf32, #tpu.memory_space<vmem>>, %arg7: memref<1x128xf32, #tpu.memory_space<vmem>>, %arg8: memref<1000x128xf32, #tpu.memory_space<vmem>>, %arg9: memref<1x128xf32, #tpu.memory_space<vmem>>, %arg10: memref<1x128xf32, #tpu.memory_space<vmem>>, %arg11: memref<1x128xf32, #tpu.memory_space<vmem>>, %arg12: memref<1x128xf32, #tpu.memory_space<vmem>>) attributes {dimension_semantics = [#tpu.dimension_semantics<arbitrary>], iteration_bounds = array<i64: 25>, scalar_prefetch = 0 : i64, scratch_operands = 2 : i64, tpu.core_type = #tpu.core_type<tc>, window_params = [{transform_indices = @transform_0, window_bounds = array<i64: 1, 1>}, {transform_indices = @transform_1, window_bounds = array<i64: 1000, 128>}, {transform_indices = @transform_2, window_bounds = array<i64: 1000, 128>}, {pipeline_mode = #tpu.pipeline_mode<synchronous>, transform_indices = @transform_3, window_bounds = array<i64: 128, 128>}, {pipeline_mode = #tpu.pipeline_mode<synchronous>, transform_indices = @transform_4, window_bounds = array<i64: 1, 128>}, {pipeline_mode = #tpu.pipeline_mode<synchronous>, transform_indices = @transform_5, window_bounds = array<i64: 128, 128>}, {pipeline_mode = #tpu.pipeline_mode<synchronous>, transform_indices = @transform_6, window_bounds = array<i64: 1, 128>}, {transform_indices = @transform_7, window_bounds = array<i64: 1000, 128>}, {pipeline_mode = #tpu.pipeline_mode<synchronous>, transform_indices = @transform_8, window_bounds = array<i64: 1, 128>}, {pipeline_mode = #tpu.pipeline_mode<synchronous>, transform_indices = @transform_9, window_bounds = array<i64: 1, 128>}]} {
    %eq3A = arith.constant 0 : i32
    %eq3A_0 = arith.cmpi eq, %arg0, %eq3A : i32
    %convert_element_type3A = arith.extui %eq3A_0 : i1 to i32
    %cond3A = arith.constant 0 : i32
    %cond3A_1 = arith.cmpi ne, %convert_element_type3A, %cond3A : i32
    scf.if %cond3A_1 {
      %broadcast_in_dim3A_77 = arith.constant 0.000000e+00 : f32
      %broadcast_in_dim3A_78 = vector.broadcast %broadcast_in_dim3A_77 : f32 to vector<1x128xf32>
      %swap3A_79 = arith.constant 0 : index
      %swap3A_80 = arith.constant 0 : index
      %swap3A_81 = vector.load %arg11[%swap3A_79, %swap3A_80] : memref<1x128xf32, #tpu.memory_space<vmem>>, vector<1x128xf32>
      tpu.vector_store %arg11[%swap3A_79, %swap3A_80], %broadcast_in_dim3A_78 {strides = array<i32>} : memref<1x128xf32, #tpu.memory_space<vmem>>, vector<1x128xf32>,
      %broadcast_in_dim3A_82 = arith.constant 0.000000e+00 : f32
      %broadcast_in_dim3A_83 = vector.broadcast %broadcast_in_dim3A_82 : f32 to vector<1x128xf32>
      %swap3A_84 = arith.constant 0 : index
      %swap3A_85 = arith.constant 0 : index
      %swap3A_86 = vector.load %arg12[%swap3A_84, %swap3A_85] : memref<1x128xf32, #tpu.memory_space<vmem>>, vector<1x128xf32>
      tpu.vector_store %arg12[%swap3A_84, %swap3A_85], %broadcast_in_dim3A_83 {strides = array<i32>} : memref<1x128xf32, #tpu.memory_space<vmem>>, vector<1x128xf32>,
    } else {
    }
    %get3A = arith.constant 0 : index
    %get3A_2 = arith.constant 0 : index
    %get3A_3 = vector.load %arg3[%get3A, %get3A_2] : memref<1000x128xf32, #tpu.memory_space<vmem>>, vector<1000x128xf32>
    %slice3A = vector.extract_strided_slice %get3A_3 {offsets = [0, 0], sizes = [1000, 16], strides = [1, 1]} : vector<1000x128xf32> to vector<1000x16xf32>
    %slice3A_4 = vector.extract_strided_slice %get3A_3 {offsets = [0, 16], sizes = [1000, 16], strides = [1, 1]} : vector<1000x128xf32> to vector<1000x16xf32>
    %add3A = arith.addf %slice3A, %slice3A_4 : vector<1000x16xf32>
    %broadcast_in_dim3A = arith.constant 0.000000e+00 : f32
    %broadcast_in_dim3A_5 = vector.broadcast %broadcast_in_dim3A : f32 to vector<1000x16xf32>
    %slice3A_6 = vector.extract_strided_slice %get3A_3 {offsets = [0, 32], sizes = [1000, 16], strides = [1, 1]} : vector<1000x128xf32> to vector<1000x16xf32>
    %slice3A_7 = vector.extract_strided_slice %get3A_3 {offsets = [0, 48], sizes = [1000, 16], strides = [1, 1]} : vector<1000x128xf32> to vector<1000x16xf32>
    %add3A_8 = arith.addf %slice3A_6, %slice3A_7 : vector<1000x16xf32>
    %broadcast_in_dim3A_9 = arith.constant 0.000000e+00 : f32
    %broadcast_in_dim3A_10 = vector.broadcast %broadcast_in_dim3A_9 : f32 to vector<1000x16xf32>
    %slice3A_11 = vector.extract_strided_slice %get3A_3 {offsets = [0, 64], sizes = [1000, 16], strides = [1, 1]} : vector<1000x128xf32> to vector<1000x16xf32>
    %slice3A_12 = vector.extract_strided_slice %get3A_3 {offsets = [0, 80], sizes = [1000, 16], strides = [1, 1]} : vector<1000x128xf32> to vector<1000x16xf32>
    %add3A_13 = arith.addf %slice3A_11, %slice3A_12 : vector<1000x16xf32>
    %broadcast_in_dim3A_14 = arith.constant 0.000000e+00 : f32
    %broadcast_in_dim3A_15 = vector.broadcast %broadcast_in_dim3A_14 : f32 to vector<1000x16xf32>
    %slice3A_16 = vector.extract_strided_slice %get3A_3 {offsets = [0, 96], sizes = [1000, 16], strides = [1, 1]} : vector<1000x128xf32> to vector<1000x16xf32>
    %slice3A_17 = vector.extract_strided_slice %get3A_3 {offsets = [0, 112], sizes = [1000, 16], strides = [1, 1]} : vector<1000x128xf32> to vector<1000x16xf32>
    %add3A_18 = arith.addf %slice3A_16, %slice3A_17 : vector<1000x16xf32>
    %broadcast_in_dim3A_19 = arith.constant 0.000000e+00 : f32
    %broadcast_in_dim3A_20 = vector.broadcast %broadcast_in_dim3A_19 : f32 to vector<1000x16xf32>
    %concatenate3A = tpu.concatenate %add3A, %broadcast_in_dim3A_5, %add3A_8, %broadcast_in_dim3A_10, %add3A_13, %broadcast_in_dim3A_15, %add3A_18, %broadcast_in_dim3A_20 in 1 : vector<1000x16xf32>, vector<1000x16xf32>, vector<1000x16xf32>, vector<1000x16xf32>, vector<1000x16xf32>, vector<1000x16xf32>, vector<1000x16xf32>, vector<1000x16xf32> -> vector<1000x128xf32>
    %get3A_21 = arith.constant 0 : index
    %get3A_22 = arith.constant 0 : index
    %get3A_23 = memref.load %arg1[%get3A_21, %get3A_22] : memref<1x1xf32, #tpu.memory_space<smem>>
    %get3A_24 = arith.constant 0 : index
    %get3A_25 = arith.constant 0 : index
    %get3A_26 = vector.load %arg2[%get3A_24, %get3A_25] : memref<1000x128xf32, #tpu.memory_space<vmem>>, vector<1000x128xf32>
    %mul3A = vector.broadcast %get3A_23 : f32 to vector<1000x128xf32>
    %mul3A_27 = arith.mulf %mul3A, %get3A_26 : vector<1000x128xf32>
    %add3A_28 = arith.addf %mul3A_27, %concatenate3A : vector<1000x128xf32>
    %get3A_29 = arith.constant 0 : index
    %get3A_30 = arith.constant 0 : index
    %get3A_31 = vector.load %arg4[%get3A_29, %get3A_30] : memref<128x128xf32, #tpu.memory_space<vmem>>, vector<128x128xf32>
    %dot_general3A = arith.constant dense<0.000000e+00> : vector<1000x128xf32>
    %dot_general3A_32 = tpu.matmul %add3A_28, %get3A_31, %dot_general3A {dimension_numbers = #tpu.dot_dimension_numbers<[1], [0], [0], [1], [0, 0, 1, 1], [], []>, transpose_lhs_hint = false} : vector<1000x128xf32>, vector<128x128xf32>, vector<1000x128xf32> -> vector<1000x128xf32>
    %get3A_33 = arith.constant 0 : index
    %get3A_34 = arith.constant 0 : index
    %get3A_35 = vector.load %arg5[%get3A_33, %get3A_34] : memref<1x128xf32, #tpu.memory_space<vmem>>, vector<1x128xf32>
    %add3A_36 = vector.broadcast %get3A_35 : vector<1x128xf32> to vector<1000x128xf32>
    %add3A_37 = arith.addf %dot_general3A_32, %add3A_36 : vector<1000x128xf32>
    %max3A = arith.constant 0.000000e+00 : f32
    %max3A_38 = vector.broadcast %max3A : f32 to vector<1000x128xf32>
    %max3A_39 = arith.maximumf %add3A_37, %max3A_38 : vector<1000x128xf32>
    %get3A_40 = arith.constant 0 : index
    %get3A_41 = arith.constant 0 : index
    %get3A_42 = vector.load %arg6[%get3A_40, %get3A_41] : memref<128x128xf32, #tpu.memory_space<vmem>>, vector<128x128xf32>
    %dot_general3A_43 = arith.constant dense<0.000000e+00> : vector<1000x128xf32>
    %dot_general3A_44 = tpu.matmul %max3A_39, %get3A_42, %dot_general3A_43 {dimension_numbers = #tpu.dot_dimension_numbers<[1], [0], [0], [1], [0, 0, 1, 1], [], []>, transpose_lhs_hint = false} : vector<1000x128xf32>, vector<128x128xf32>, vector<1000x128xf32> -> vector<1000x128xf32>
    %get3A_45 = arith.constant 0 : index
    %get3A_46 = arith.constant 0 : index
    %get3A_47 = vector.load %arg7[%get3A_45, %get3A_46] : memref<1x128xf32, #tpu.memory_space<vmem>>, vector<1x128xf32>
    %add3A_48 = vector.broadcast %get3A_47 : vector<1x128xf32> to vector<1000x128xf32>
    %add3A_49 = arith.addf %dot_general3A_44, %add3A_48 : vector<1000x128xf32>
    %swap3A = arith.constant 0 : index
    %swap3A_50 = arith.constant 0 : index
    %swap3A_51 = vector.load %arg8[%swap3A, %swap3A_50] : memref<1000x128xf32, #tpu.memory_space<vmem>>, vector<1000x128xf32>
    tpu.vector_store %arg8[%swap3A, %swap3A_50], %add3A_49 {strides = array<i32>} : memref<1000x128xf32, #tpu.memory_space<vmem>>, vector<1000x128xf32>,
    %get3A_52 = arith.constant 0 : index
    %get3A_53 = arith.constant 0 : index
    %get3A_54 = vector.load %arg11[%get3A_52, %get3A_53] : memref<1x128xf32, #tpu.memory_space<vmem>>, vector<1x128xf32>
    %reduce_sum3A = arith.constant dense<0.000000e+00> : vector<128xf32>
    %reduce_sum3A_55 = vector.multi_reduction <add>, %add3A_49, %reduce_sum3A [0] : vector<1000x128xf32> to vector<128xf32>
    %broadcast_in_dim3A_56 = vector.shape_cast %reduce_sum3A_55 : vector<128xf32> to vector<1x128xf32>
    %add3A_57 = arith.addf %get3A_54, %broadcast_in_dim3A_56 : vector<1x128xf32>
    %swap3A_58 = arith.constant 0 : index
    %swap3A_59 = arith.constant 0 : index
    %swap3A_60 = vector.load %arg11[%swap3A_58, %swap3A_59] : memref<1x128xf32, #tpu.memory_space<vmem>>, vector<1x128xf32>
    tpu.vector_store %arg11[%swap3A_58, %swap3A_59], %add3A_57 {strides = array<i32>} : memref<1x128xf32, #tpu.memory_space<vmem>>, vector<1x128xf32>,
    %get3A_61 = arith.constant 0 : index
    %get3A_62 = arith.constant 0 : index
    %get3A_63 = vector.load %arg12[%get3A_61, %get3A_62] : memref<1x128xf32, #tpu.memory_space<vmem>>, vector<1x128xf32>
    %mul3A_64 = arith.mulf %add3A_49, %add3A_49 : vector<1000x128xf32>
    %reduce_sum3A_65 = arith.constant dense<0.000000e+00> : vector<128xf32>
    %reduce_sum3A_66 = vector.multi_reduction <add>, %mul3A_64, %reduce_sum3A_65 [0] : vector<1000x128xf32> to vector<128xf32>
    %broadcast_in_dim3A_67 = vector.shape_cast %reduce_sum3A_66 : vector<128xf32> to vector<1x128xf32>
    %add3A_68 = arith.addf %get3A_63, %broadcast_in_dim3A_67 : vector<1x128xf32>
    %swap3A_69 = arith.constant 0 : index
    %swap3A_70 = arith.constant 0 : index
    %swap3A_71 = vector.load %arg12[%swap3A_69, %swap3A_70] : memref<1x128xf32, #tpu.memory_space<vmem>>, vector<1x128xf32>
    tpu.vector_store %arg12[%swap3A_69, %swap3A_70], %add3A_68 {strides = array<i32>} : memref<1x128xf32, #tpu.memory_space<vmem>>, vector<1x128xf32>,
    %eq3A_72 = arith.constant 24 : i32
    %eq3A_73 = arith.cmpi eq, %arg0, %eq3A_72 : i32
    %convert_element_type3A_74 = arith.extui %eq3A_73 : i1 to i32
    %cond3A_75 = arith.constant 0 : i32
    %cond3A_76 = arith.cmpi ne, %convert_element_type3A_74, %cond3A_75 : i32
    scf.if %cond3A_76 {
      %get3A_77 = arith.constant 0 : index
      %get3A_78 = arith.constant 0 : index
      %get3A_79 = vector.load %arg11[%get3A_77, %get3A_78] : memref<1x128xf32, #tpu.memory_space<vmem>>, vector<1x128xf32>
      %swap3A_80 = arith.constant 0 : index
      %swap3A_81 = arith.constant 0 : index
      %swap3A_82 = vector.load %arg9[%swap3A_80, %swap3A_81] : memref<1x128xf32, #tpu.memory_space<vmem>>, vector<1x128xf32>
      tpu.vector_store %arg9[%swap3A_80, %swap3A_81], %get3A_79 {strides = array<i32>} : memref<1x128xf32, #tpu.memory_space<vmem>>, vector<1x128xf32>,
      %get3A_83 = arith.constant 0 : index
      %get3A_84 = arith.constant 0 : index
      %get3A_85 = vector.load %arg12[%get3A_83, %get3A_84] : memref<1x128xf32, #tpu.memory_space<vmem>>, vector<1x128xf32>
      %swap3A_86 = arith.constant 0 : index
      %swap3A_87 = arith.constant 0 : index
      %swap3A_88 = vector.load %arg10[%swap3A_86, %swap3A_87] : memref<1x128xf32, #tpu.memory_space<vmem>>, vector<1x128xf32>
      tpu.vector_store %arg10[%swap3A_86, %swap3A_87], %get3A_85 {strides = array<i32>} : memref<1x128xf32, #tpu.memory_space<vmem>>, vector<1x128xf32>,
    } else {
    }
    return
  }
  func.func @transform_0(%arg0: i32) -> (i32, i32) {
    %c0_i32 = arith.constant 0 : i32
    %c0_i32_0 = arith.constant 0 : i32
    %c0_i32_1 = arith.constant 0 : i32
    return %c0_i32, %c0_i32_0 : i32, i32
  }
  func.func @transform_1(%arg0: i32) -> (i32, i32) {
    %c0_i32 = arith.constant 0 : i32
    %c0_i32_0 = arith.constant 0 : i32
    return %arg0, %c0_i32 : i32, i32
  }
  func.func @transform_2(%arg0: i32) -> (i32, i32) {
    %c0_i32 = arith.constant 0 : i32
    %c0_i32_0 = arith.constant 0 : i32
    return %arg0, %c0_i32 : i32, i32
  }
  func.func @transform_3(%arg0: i32) -> (i32, i32) {
    %c0_i32 = arith.constant 0 : i32
    %c0_i32_0 = arith.constant 0 : i32
    %c0_i32_1 = arith.constant 0 : i32
    return %c0_i32, %c0_i32_0 : i32, i32
  }
  func.func @transform_4(%arg0: i32) -> (i32, i32) {
    %c0_i32 = arith.constant 0 : i32
    %c0_i32_0 = arith.constant 0 : i32
    %c0_i32_1 = arith.constant 0 : i32
    return %c0_i32, %c0_i32_0 : i32, i32
  }
  func.func @transform_5(%arg0: i32) -> (i32, i32) {
    %c0_i32 = arith.constant 0 : i32
    %c0_i32_0 = arith.constant 0 : i32
    %c0_i32_1 = arith.constant 0 : i32
    return %c0_i32, %c0_i32_0 : i32, i32
  }
  func.func @transform_6(%arg0: i32) -> (i32, i32) {
    %c0_i32 = arith.constant 0 : i32
    %c0_i32_0 = arith.constant 0 : i32
    %c0_i32_1 = arith.constant 0 : i32
    return %c0_i32, %c0_i32_0 : i32, i32
  }
  func.func @transform_7(%arg0: i32) -> (i32, i32) {
    %c0_i32 = arith.constant 0 : i32
    %c0_i32_0 = arith.constant 0 : i32
    return %arg0, %c0_i32 : i32, i32
  }
  func.func @transform_8(%arg0: i32) -> (i32, i32) {
    %c0_i32 = arith.constant 0 : i32
    %c0_i32_0 = arith.constant 0 : i32
    %c0_i32_1 = arith.constant 0 : i32
    return %c0_i32, %c0_i32_0 : i32, i32
  }
  func.func @transform_9(%arg0: i32) -> (i32, i32) {
    %c0_i32 = arith.constant 0 : i32
    %c0_i32_0 = arith.constant 0 : i32
    %c0_i32_1 = arith.constant 0 : i32
    return %c0_i32, %c0_i32_0 : i32, i32
  }
}

module attributes {stable_mosaic.version = 14 : i64} {
  func.func @_norm_body(%arg0: i32, %arg1: memref<1000x128xf32, #tpu.memory_space<vmem>>, %arg2: memref<1x128xf32, #tpu.memory_space<vmem>>, %arg3: memref<1x128xf32, #tpu.memory_space<vmem>>, %arg4: memref<128x128xf32, #tpu.memory_space<vmem>>, %arg5: memref<1000x128xf32, #tpu.memory_space<vmem>>, %arg6: memref<1000x128xf32, #tpu.memory_space<vmem>>, %arg7: memref<1000x128xf32, #tpu.memory_space<vmem>>) attributes {dimension_semantics = [#tpu.dimension_semantics<arbitrary>], iteration_bounds = array<i64: 25>, scalar_prefetch = 0 : i64, scratch_operands = 0 : i64, tpu.core_type = #tpu.core_type<tc>, window_params = [{transform_indices = @transform_0, window_bounds = array<i64: 1000, 128>}, {pipeline_mode = #tpu.pipeline_mode<synchronous>, transform_indices = @transform_1, window_bounds = array<i64: 1, 128>}, {pipeline_mode = #tpu.pipeline_mode<synchronous>, transform_indices = @transform_2, window_bounds = array<i64: 1, 128>}, {pipeline_mode = #tpu.pipeline_mode<synchronous>, transform_indices = @transform_3, window_bounds = array<i64: 128, 128>}, {transform_indices = @transform_4, window_bounds = array<i64: 1000, 128>}, {transform_indices = @transform_5, window_bounds = array<i64: 1000, 128>}, {transform_indices = @transform_6, window_bounds = array<i64: 1000, 128>}]} {
    %get3A = arith.constant 0 : index
    %get3A_0 = arith.constant 0 : index
    %get3A_1 = vector.load %arg1[%get3A, %get3A_0] : memref<1000x128xf32, #tpu.memory_space<vmem>>, vector<1000x128xf32>
    %get3A_2 = arith.constant 0 : index
    %get3A_3 = arith.constant 0 : index
    %get3A_4 = vector.load %arg2[%get3A_2, %get3A_3] : memref<1x128xf32, #tpu.memory_space<vmem>>, vector<1x128xf32>
    %mul3A = vector.broadcast %get3A_4 : vector<1x128xf32> to vector<1000x128xf32>
    %mul3A_5 = arith.mulf %get3A_1, %mul3A : vector<1000x128xf32>
    %get3A_6 = arith.constant 0 : index
    %get3A_7 = arith.constant 0 : index
    %get3A_8 = vector.load %arg3[%get3A_6, %get3A_7] : memref<1x128xf32, #tpu.memory_space<vmem>>, vector<1x128xf32>
    %add3A = vector.broadcast %get3A_8 : vector<1x128xf32> to vector<1000x128xf32>
    %add3A_9 = arith.addf %mul3A_5, %add3A : vector<1000x128xf32>
    %max3A = arith.constant 0.000000e+00 : f32
    %max3A_10 = vector.broadcast %max3A : f32 to vector<1000x128xf32>
    %max3A_11 = arith.maximumf %add3A_9, %max3A_10 : vector<1000x128xf32>
    %swap3A = arith.constant 0 : index
    %swap3A_12 = arith.constant 0 : index
    %swap3A_13 = vector.load %arg6[%swap3A, %swap3A_12] : memref<1000x128xf32, #tpu.memory_space<vmem>>, vector<1000x128xf32>
    tpu.vector_store %arg6[%swap3A, %swap3A_12], %max3A_11 {strides = array<i32>} : memref<1000x128xf32, #tpu.memory_space<vmem>>, vector<1000x128xf32>,
    %get3A_14 = arith.constant 0 : index
    %get3A_15 = arith.constant 0 : index
    %get3A_16 = vector.load %arg5[%get3A_14, %get3A_15] : memref<1000x128xf32, #tpu.memory_space<vmem>>, vector<1000x128xf32>
    %get3A_17 = arith.constant 0 : index
    %get3A_18 = arith.constant 0 : index
    %get3A_19 = vector.load %arg4[%get3A_17, %get3A_18] : memref<128x128xf32, #tpu.memory_space<vmem>>, vector<128x128xf32>
    %dot_general3A = arith.constant dense<0.000000e+00> : vector<1000x128xf32>
    %dot_general3A_20 = tpu.matmul %max3A_11, %get3A_19, %dot_general3A {dimension_numbers = #tpu.dot_dimension_numbers<[1], [0], [0], [1], [0, 0, 1, 1], [], []>, transpose_lhs_hint = false} : vector<1000x128xf32>, vector<128x128xf32>, vector<1000x128xf32> -> vector<1000x128xf32>
    %add3A_21 = arith.addf %get3A_16, %dot_general3A_20 : vector<1000x128xf32>
    %swap3A_22 = arith.constant 0 : index
    %swap3A_23 = arith.constant 0 : index
    %swap3A_24 = vector.load %arg7[%swap3A_22, %swap3A_23] : memref<1000x128xf32, #tpu.memory_space<vmem>>, vector<1000x128xf32>
    tpu.vector_store %arg7[%swap3A_22, %swap3A_23], %add3A_21 {strides = array<i32>} : memref<1000x128xf32, #tpu.memory_space<vmem>>, vector<1000x128xf32>,
    return
  }
  func.func @transform_0(%arg0: i32) -> (i32, i32) {
    %c0_i32 = arith.constant 0 : i32
    %c0_i32_0 = arith.constant 0 : i32
    return %arg0, %c0_i32 : i32, i32
  }
  func.func @transform_1(%arg0: i32) -> (i32, i32) {
    %c0_i32 = arith.constant 0 : i32
    %c0_i32_0 = arith.constant 0 : i32
    %c0_i32_1 = arith.constant 0 : i32
    return %c0_i32, %c0_i32_0 : i32, i32
  }
  func.func @transform_2(%arg0: i32) -> (i32, i32) {
    %c0_i32 = arith.constant 0 : i32
    %c0_i32_0 = arith.constant 0 : i32
    %c0_i32_1 = arith.constant 0 : i32
    return %c0_i32, %c0_i32_0 : i32, i32
  }
  func.func @transform_3(%arg0: i32) -> (i32, i32) {
    %c0_i32 = arith.constant 0 : i32
    %c0_i32_0 = arith.constant 0 : i32
    %c0_i32_1 = arith.constant 0 : i32
    return %c0_i32, %c0_i32_0 : i32, i32
  }
  func.func @transform_4(%arg0: i32) -> (i32, i32) {
    %c0_i32 = arith.constant 0 : i32
    %c0_i32_0 = arith.constant 0 : i32
    return %arg0, %c0_i32 : i32, i32
  }
  func.func @transform_5(%arg0: i32) -> (i32, i32) {
    %c0_i32 = arith.constant 0 : i32
    %c0_i32_0 = arith.constant 0 : i32
    return %arg0, %c0_i32 : i32, i32
  }
  func.func @transform_6(%arg0: i32) -> (i32, i32) {
    %c0_i32 = arith.constant 0 : i32
    %c0_i32_0 = arith.constant 0 : i32
    return %arg0, %c0_i32 : i32, i32
  }
}

module attributes {stable_mosaic.version = 14 : i64} {
  func.func @_stats_body(%arg0: i32, %arg1: memref<1x1xf32, #tpu.memory_space<smem>>, %arg2: memref<1000x128xf32, #tpu.memory_space<vmem>>, %arg3: memref<1000x128xf32, #tpu.memory_space<vmem>>, %arg4: memref<1x128xf32, #tpu.memory_space<vmem>>, %arg5: memref<128x128xf32, #tpu.memory_space<vmem>>, %arg6: memref<1x128xf32, #tpu.memory_space<vmem>>, %arg7: memref<128x128xf32, #tpu.memory_space<vmem>>) attributes {dimension_semantics = [#tpu.dimension_semantics<arbitrary>], iteration_bounds = array<i64: 25>, scalar_prefetch = 0 : i64, scratch_operands = 2 : i64, tpu.core_type = #tpu.core_type<tc>, window_params = [{transform_indices = @transform_0, window_bounds = array<i64: 1, 1>}, {transform_indices = @transform_1, window_bounds = array<i64: 1000, 128>}, {transform_indices = @transform_2, window_bounds = array<i64: 1000, 128>}, {pipeline_mode = #tpu.pipeline_mode<synchronous>, transform_indices = @transform_3, window_bounds = array<i64: 1, 128>}, {pipeline_mode = #tpu.pipeline_mode<synchronous>, transform_indices = @transform_4, window_bounds = array<i64: 128, 128>}]} {
    %eq3A = arith.constant 0 : i32
    %eq3A_0 = arith.cmpi eq, %arg0, %eq3A : i32
    %convert_element_type3A = arith.extui %eq3A_0 : i1 to i32
    %cond3A = arith.constant 0 : i32
    %cond3A_1 = arith.cmpi ne, %convert_element_type3A, %cond3A : i32
    scf.if %cond3A_1 {
      %broadcast_in_dim3A_31 = arith.constant 0.000000e+00 : f32
      %broadcast_in_dim3A_32 = vector.broadcast %broadcast_in_dim3A_31 : f32 to vector<1x128xf32>
      %swap3A_33 = arith.constant 0 : index
      %swap3A_34 = arith.constant 0 : index
      %swap3A_35 = vector.load %arg6[%swap3A_33, %swap3A_34] : memref<1x128xf32, #tpu.memory_space<vmem>>, vector<1x128xf32>
      tpu.vector_store %arg6[%swap3A_33, %swap3A_34], %broadcast_in_dim3A_32 {strides = array<i32>} : memref<1x128xf32, #tpu.memory_space<vmem>>, vector<1x128xf32>,
      %broadcast_in_dim3A_36 = arith.constant 0.000000e+00 : f32
      %broadcast_in_dim3A_37 = vector.broadcast %broadcast_in_dim3A_36 : f32 to vector<128x128xf32>
      %swap3A_38 = arith.constant 0 : index
      %swap3A_39 = arith.constant 0 : index
      %swap3A_40 = vector.load %arg7[%swap3A_38, %swap3A_39] : memref<128x128xf32, #tpu.memory_space<vmem>>, vector<128x128xf32>
      tpu.vector_store %arg7[%swap3A_38, %swap3A_39], %broadcast_in_dim3A_37 {strides = array<i32>} : memref<128x128xf32, #tpu.memory_space<vmem>>, vector<128x128xf32>,
    } else {
    }
    %get3A = arith.constant 0 : index
    %get3A_2 = arith.constant 0 : index
    %get3A_3 = vector.load %arg3[%get3A, %get3A_2] : memref<1000x128xf32, #tpu.memory_space<vmem>>, vector<1000x128xf32>
    %get3A_4 = arith.constant 0 : index
    %get3A_5 = arith.constant 0 : index
    %get3A_6 = memref.load %arg1[%get3A_4, %get3A_5] : memref<1x1xf32, #tpu.memory_space<smem>>
    %get3A_7 = arith.constant 0 : index
    %get3A_8 = arith.constant 0 : index
    %get3A_9 = vector.load %arg2[%get3A_7, %get3A_8] : memref<1000x128xf32, #tpu.memory_space<vmem>>, vector<1000x128xf32>
    %mul3A = vector.broadcast %get3A_6 : f32 to vector<1000x128xf32>
    %mul3A_10 = arith.mulf %mul3A, %get3A_9 : vector<1000x128xf32>
    %add3A = arith.addf %mul3A_10, %get3A_3 : vector<1000x128xf32>
    %get3A_11 = arith.constant 0 : index
    %get3A_12 = arith.constant 0 : index
    %get3A_13 = vector.load %arg6[%get3A_11, %get3A_12] : memref<1x128xf32, #tpu.memory_space<vmem>>, vector<1x128xf32>
    %reduce_sum3A = arith.constant dense<0.000000e+00> : vector<128xf32>
    %reduce_sum3A_14 = vector.multi_reduction <add>, %add3A, %reduce_sum3A [0] : vector<1000x128xf32> to vector<128xf32>
    %broadcast_in_dim3A = vector.shape_cast %reduce_sum3A_14 : vector<128xf32> to vector<1x128xf32>
    %add3A_15 = arith.addf %get3A_13, %broadcast_in_dim3A : vector<1x128xf32>
    %swap3A = arith.constant 0 : index
    %swap3A_16 = arith.constant 0 : index
    %swap3A_17 = vector.load %arg6[%swap3A, %swap3A_16] : memref<1x128xf32, #tpu.memory_space<vmem>>, vector<1x128xf32>
    tpu.vector_store %arg6[%swap3A, %swap3A_16], %add3A_15 {strides = array<i32>} : memref<1x128xf32, #tpu.memory_space<vmem>>, vector<1x128xf32>,
    %get3A_18 = arith.constant 0 : index
    %get3A_19 = arith.constant 0 : index
    %get3A_20 = vector.load %arg7[%get3A_18, %get3A_19] : memref<128x128xf32, #tpu.memory_space<vmem>>, vector<128x128xf32>
    %dot_general3A = arith.constant dense<0.000000e+00> : vector<128x128xf32>
    %dot_general3A_21 = tpu.matmul %add3A, %add3A, %dot_general3A {dimension_numbers = #tpu.dot_dimension_numbers<[0], [0], [1], [1], [0, 1, 1, 1], [], []>, transpose_lhs_hint = false} : vector<1000x128xf32>, vector<1000x128xf32>, vector<128x128xf32> -> vector<128x128xf32>
    %add3A_22 = arith.addf %get3A_20, %dot_general3A_21 : vector<128x128xf32>
    %swap3A_23 = arith.constant 0 : index
    %swap3A_24 = arith.constant 0 : index
    %swap3A_25 = vector.load %arg7[%swap3A_23, %swap3A_24] : memref<128x128xf32, #tpu.memory_space<vmem>>, vector<128x128xf32>
    tpu.vector_store %arg7[%swap3A_23, %swap3A_24], %add3A_22 {strides = array<i32>} : memref<128x128xf32, #tpu.memory_space<vmem>>, vector<128x128xf32>,
    %eq3A_26 = arith.constant 24 : i32
    %eq3A_27 = arith.cmpi eq, %arg0, %eq3A_26 : i32
    %convert_element_type3A_28 = arith.extui %eq3A_27 : i1 to i32
    %cond3A_29 = arith.constant 0 : i32
    %cond3A_30 = arith.cmpi ne, %convert_element_type3A_28, %cond3A_29 : i32
    scf.if %cond3A_30 {
      %get3A_31 = arith.constant 0 : index
      %get3A_32 = arith.constant 0 : index
      %get3A_33 = vector.load %arg6[%get3A_31, %get3A_32] : memref<1x128xf32, #tpu.memory_space<vmem>>, vector<1x128xf32>
      %swap3A_34 = arith.constant 0 : index
      %swap3A_35 = arith.constant 0 : index
      %swap3A_36 = vector.load %arg4[%swap3A_34, %swap3A_35] : memref<1x128xf32, #tpu.memory_space<vmem>>, vector<1x128xf32>
      tpu.vector_store %arg4[%swap3A_34, %swap3A_35], %get3A_33 {strides = array<i32>} : memref<1x128xf32, #tpu.memory_space<vmem>>, vector<1x128xf32>,
      %get3A_37 = arith.constant 0 : index
      %get3A_38 = arith.constant 0 : index
      %get3A_39 = vector.load %arg7[%get3A_37, %get3A_38] : memref<128x128xf32, #tpu.memory_space<vmem>>, vector<128x128xf32>
      %swap3A_40 = arith.constant 0 : index
      %swap3A_41 = arith.constant 0 : index
      %swap3A_42 = vector.load %arg5[%swap3A_40, %swap3A_41] : memref<128x128xf32, #tpu.memory_space<vmem>>, vector<128x128xf32>
      tpu.vector_store %arg5[%swap3A_40, %swap3A_41], %get3A_39 {strides = array<i32>} : memref<128x128xf32, #tpu.memory_space<vmem>>, vector<128x128xf32>,
    } else {
    }
    return
  }
  func.func @transform_0(%arg0: i32) -> (i32, i32) {
    %c0_i32 = arith.constant 0 : i32
    %c0_i32_0 = arith.constant 0 : i32
    %c0_i32_1 = arith.constant 0 : i32
    return %c0_i32, %c0_i32_0 : i32, i32
  }
  func.func @transform_1(%arg0: i32) -> (i32, i32) {
    %c0_i32 = arith.constant 0 : i32
    %c0_i32_0 = arith.constant 0 : i32
    return %arg0, %c0_i32 : i32, i32
  }
  func.func @transform_2(%arg0: i32) -> (i32, i32) {
    %c0_i32 = arith.constant 0 : i32
    %c0_i32_0 = arith.constant 0 : i32
    return %arg0, %c0_i32 : i32, i32
  }
  func.func @transform_3(%arg0: i32) -> (i32, i32) {
    %c0_i32 = arith.constant 0 : i32
    %c0_i32_0 = arith.constant 0 : i32
    %c0_i32_1 = arith.constant 0 : i32
    return %c0_i32, %c0_i32_0 : i32, i32
  }
  func.func @transform_4(%arg0: i32) -> (i32, i32) {
    %c0_i32 = arith.constant 0 : i32
    %c0_i32_0 = arith.constant 0 : i32
    %c0_i32_1 = arith.constant 0 : i32
    return %c0_i32, %c0_i32_0 : i32, i32
  }
}

module attributes {stable_mosaic.version = 14 : i64} {
  func.func @_mlp_body(%arg0: i32, %arg1: memref<1x1xf32, #tpu.memory_space<smem>>, %arg2: memref<1000x128xf32, #tpu.memory_space<vmem>>, %arg3: memref<1000x128xf32, #tpu.memory_space<vmem>>, %arg4: memref<128x128xf32, #tpu.memory_space<vmem>>, %arg5: memref<1x128xf32, #tpu.memory_space<vmem>>, %arg6: memref<128x128xf32, #tpu.memory_space<vmem>>, %arg7: memref<1x128xf32, #tpu.memory_space<vmem>>, %arg8: memref<1000x128xf32, #tpu.memory_space<vmem>>, %arg9: memref<1x128xf32, #tpu.memory_space<vmem>>, %arg10: memref<1x128xf32, #tpu.memory_space<vmem>>, %arg11: memref<1x128xf32, #tpu.memory_space<vmem>>, %arg12: memref<1x128xf32, #tpu.memory_space<vmem>>) attributes {dimension_semantics = [#tpu.dimension_semantics<arbitrary>], iteration_bounds = array<i64: 25>, scalar_prefetch = 0 : i64, scratch_operands = 2 : i64, tpu.core_type = #tpu.core_type<tc>, window_params = [{transform_indices = @transform_0, window_bounds = array<i64: 1, 1>}, {transform_indices = @transform_1, window_bounds = array<i64: 1000, 128>}, {transform_indices = @transform_2, window_bounds = array<i64: 1000, 128>}, {pipeline_mode = #tpu.pipeline_mode<synchronous>, transform_indices = @transform_3, window_bounds = array<i64: 128, 128>}, {pipeline_mode = #tpu.pipeline_mode<synchronous>, transform_indices = @transform_4, window_bounds = array<i64: 1, 128>}, {pipeline_mode = #tpu.pipeline_mode<synchronous>, transform_indices = @transform_5, window_bounds = array<i64: 128, 128>}, {pipeline_mode = #tpu.pipeline_mode<synchronous>, transform_indices = @transform_6, window_bounds = array<i64: 1, 128>}, {transform_indices = @transform_7, window_bounds = array<i64: 1000, 128>}, {pipeline_mode = #tpu.pipeline_mode<synchronous>, transform_indices = @transform_8, window_bounds = array<i64: 1, 128>}, {pipeline_mode = #tpu.pipeline_mode<synchronous>, transform_indices = @transform_9, window_bounds = array<i64: 1, 128>}]} {
    %eq3A = arith.constant 0 : i32
    %eq3A_0 = arith.cmpi eq, %arg0, %eq3A : i32
    %convert_element_type3A = arith.extui %eq3A_0 : i1 to i32
    %cond3A = arith.constant 0 : i32
    %cond3A_1 = arith.cmpi ne, %convert_element_type3A, %cond3A : i32
    scf.if %cond3A_1 {
      %broadcast_in_dim3A_58 = arith.constant 0.000000e+00 : f32
      %broadcast_in_dim3A_59 = vector.broadcast %broadcast_in_dim3A_58 : f32 to vector<1x128xf32>
      %swap3A_60 = arith.constant 0 : index
      %swap3A_61 = arith.constant 0 : index
      %swap3A_62 = vector.load %arg11[%swap3A_60, %swap3A_61] : memref<1x128xf32, #tpu.memory_space<vmem>>, vector<1x128xf32>
      tpu.vector_store %arg11[%swap3A_60, %swap3A_61], %broadcast_in_dim3A_59 {strides = array<i32>} : memref<1x128xf32, #tpu.memory_space<vmem>>, vector<1x128xf32>,
      %broadcast_in_dim3A_63 = arith.constant 0.000000e+00 : f32
      %broadcast_in_dim3A_64 = vector.broadcast %broadcast_in_dim3A_63 : f32 to vector<1x128xf32>
      %swap3A_65 = arith.constant 0 : index
      %swap3A_66 = arith.constant 0 : index
      %swap3A_67 = vector.load %arg12[%swap3A_65, %swap3A_66] : memref<1x128xf32, #tpu.memory_space<vmem>>, vector<1x128xf32>
      tpu.vector_store %arg12[%swap3A_65, %swap3A_66], %broadcast_in_dim3A_64 {strides = array<i32>} : memref<1x128xf32, #tpu.memory_space<vmem>>, vector<1x128xf32>,
    } else {
    }
    %get3A = arith.constant 0 : index
    %get3A_2 = arith.constant 0 : index
    %get3A_3 = vector.load %arg3[%get3A, %get3A_2] : memref<1000x128xf32, #tpu.memory_space<vmem>>, vector<1000x128xf32>
    %get3A_4 = arith.constant 0 : index
    %get3A_5 = arith.constant 0 : index
    %get3A_6 = memref.load %arg1[%get3A_4, %get3A_5] : memref<1x1xf32, #tpu.memory_space<smem>>
    %get3A_7 = arith.constant 0 : index
    %get3A_8 = arith.constant 0 : index
    %get3A_9 = vector.load %arg2[%get3A_7, %get3A_8] : memref<1000x128xf32, #tpu.memory_space<vmem>>, vector<1000x128xf32>
    %mul3A = vector.broadcast %get3A_6 : f32 to vector<1000x128xf32>
    %mul3A_10 = arith.mulf %mul3A, %get3A_9 : vector<1000x128xf32>
    %add3A = arith.addf %mul3A_10, %get3A_3 : vector<1000x128xf32>
    %get3A_11 = arith.constant 0 : index
    %get3A_12 = arith.constant 0 : index
    %get3A_13 = vector.load %arg4[%get3A_11, %get3A_12] : memref<128x128xf32, #tpu.memory_space<vmem>>, vector<128x128xf32>
    %dot_general3A = arith.constant dense<0.000000e+00> : vector<1000x128xf32>
    %dot_general3A_14 = tpu.matmul %add3A, %get3A_13, %dot_general3A {dimension_numbers = #tpu.dot_dimension_numbers<[1], [0], [0], [1], [0, 0, 1, 1], [], []>, transpose_lhs_hint = false} : vector<1000x128xf32>, vector<128x128xf32>, vector<1000x128xf32> -> vector<1000x128xf32>
    %get3A_15 = arith.constant 0 : index
    %get3A_16 = arith.constant 0 : index
    %get3A_17 = vector.load %arg5[%get3A_15, %get3A_16] : memref<1x128xf32, #tpu.memory_space<vmem>>, vector<1x128xf32>
    %add3A_18 = vector.broadcast %get3A_17 : vector<1x128xf32> to vector<1000x128xf32>
    %add3A_19 = arith.addf %dot_general3A_14, %add3A_18 : vector<1000x128xf32>
    %max3A = arith.constant 0.000000e+00 : f32
    %max3A_20 = vector.broadcast %max3A : f32 to vector<1000x128xf32>
    %max3A_21 = arith.maximumf %add3A_19, %max3A_20 : vector<1000x128xf32>
    %get3A_22 = arith.constant 0 : index
    %get3A_23 = arith.constant 0 : index
    %get3A_24 = vector.load %arg6[%get3A_22, %get3A_23] : memref<128x128xf32, #tpu.memory_space<vmem>>, vector<128x128xf32>
    %dot_general3A_25 = arith.constant dense<0.000000e+00> : vector<1000x128xf32>
    %dot_general3A_26 = tpu.matmul %max3A_21, %get3A_24, %dot_general3A_25 {dimension_numbers = #tpu.dot_dimension_numbers<[1], [0], [0], [1], [0, 0, 1, 1], [], []>, transpose_lhs_hint = false} : vector<1000x128xf32>, vector<128x128xf32>, vector<1000x128xf32> -> vector<1000x128xf32>
    %get3A_27 = arith.constant 0 : index
    %get3A_28 = arith.constant 0 : index
    %get3A_29 = vector.load %arg7[%get3A_27, %get3A_28] : memref<1x128xf32, #tpu.memory_space<vmem>>, vector<1x128xf32>
    %add3A_30 = vector.broadcast %get3A_29 : vector<1x128xf32> to vector<1000x128xf32>
    %add3A_31 = arith.addf %dot_general3A_26, %add3A_30 : vector<1000x128xf32>
    %swap3A = arith.constant 0 : index
    %swap3A_32 = arith.constant 0 : index
    %swap3A_33 = vector.load %arg8[%swap3A, %swap3A_32] : memref<1000x128xf32, #tpu.memory_space<vmem>>, vector<1000x128xf32>
    tpu.vector_store %arg8[%swap3A, %swap3A_32], %add3A_31 {strides = array<i32>} : memref<1000x128xf32, #tpu.memory_space<vmem>>, vector<1000x128xf32>,
    %get3A_34 = arith.constant 0 : index
    %get3A_35 = arith.constant 0 : index
    %get3A_36 = vector.load %arg11[%get3A_34, %get3A_35] : memref<1x128xf32, #tpu.memory_space<vmem>>, vector<1x128xf32>
    %reduce_sum3A = arith.constant dense<0.000000e+00> : vector<128xf32>
    %reduce_sum3A_37 = vector.multi_reduction <add>, %add3A_31, %reduce_sum3A [0] : vector<1000x128xf32> to vector<128xf32>
    %broadcast_in_dim3A = vector.shape_cast %reduce_sum3A_37 : vector<128xf32> to vector<1x128xf32>
    %add3A_38 = arith.addf %get3A_36, %broadcast_in_dim3A : vector<1x128xf32>
    %swap3A_39 = arith.constant 0 : index
    %swap3A_40 = arith.constant 0 : index
    %swap3A_41 = vector.load %arg11[%swap3A_39, %swap3A_40] : memref<1x128xf32, #tpu.memory_space<vmem>>, vector<1x128xf32>
    tpu.vector_store %arg11[%swap3A_39, %swap3A_40], %add3A_38 {strides = array<i32>} : memref<1x128xf32, #tpu.memory_space<vmem>>, vector<1x128xf32>,
    %get3A_42 = arith.constant 0 : index
    %get3A_43 = arith.constant 0 : index
    %get3A_44 = vector.load %arg12[%get3A_42, %get3A_43] : memref<1x128xf32, #tpu.memory_space<vmem>>, vector<1x128xf32>
    %mul3A_45 = arith.mulf %add3A_31, %add3A_31 : vector<1000x128xf32>
    %reduce_sum3A_46 = arith.constant dense<0.000000e+00> : vector<128xf32>
    %reduce_sum3A_47 = vector.multi_reduction <add>, %mul3A_45, %reduce_sum3A_46 [0] : vector<1000x128xf32> to vector<128xf32>
    %broadcast_in_dim3A_48 = vector.shape_cast %reduce_sum3A_47 : vector<128xf32> to vector<1x128xf32>
    %add3A_49 = arith.addf %get3A_44, %broadcast_in_dim3A_48 : vector<1x128xf32>
    %swap3A_50 = arith.constant 0 : index
    %swap3A_51 = arith.constant 0 : index
    %swap3A_52 = vector.load %arg12[%swap3A_50, %swap3A_51] : memref<1x128xf32, #tpu.memory_space<vmem>>, vector<1x128xf32>
    tpu.vector_store %arg12[%swap3A_50, %swap3A_51], %add3A_49 {strides = array<i32>} : memref<1x128xf32, #tpu.memory_space<vmem>>, vector<1x128xf32>,
    %eq3A_53 = arith.constant 24 : i32
    %eq3A_54 = arith.cmpi eq, %arg0, %eq3A_53 : i32
    %convert_element_type3A_55 = arith.extui %eq3A_54 : i1 to i32
    %cond3A_56 = arith.constant 0 : i32
    %cond3A_57 = arith.cmpi ne, %convert_element_type3A_55, %cond3A_56 : i32
    scf.if %cond3A_57 {
      %get3A_58 = arith.constant 0 : index
      %get3A_59 = arith.constant 0 : index
      %get3A_60 = vector.load %arg11[%get3A_58, %get3A_59] : memref<1x128xf32, #tpu.memory_space<vmem>>, vector<1x128xf32>
      %swap3A_61 = arith.constant 0 : index
      %swap3A_62 = arith.constant 0 : index
      %swap3A_63 = vector.load %arg9[%swap3A_61, %swap3A_62] : memref<1x128xf32, #tpu.memory_space<vmem>>, vector<1x128xf32>
      tpu.vector_store %arg9[%swap3A_61, %swap3A_62], %get3A_60 {strides = array<i32>} : memref<1x128xf32, #tpu.memory_space<vmem>>, vector<1x128xf32>,
      %get3A_64 = arith.constant 0 : index
      %get3A_65 = arith.constant 0 : index
      %get3A_66 = vector.load %arg12[%get3A_64, %get3A_65] : memref<1x128xf32, #tpu.memory_space<vmem>>, vector<1x128xf32>
      %swap3A_67 = arith.constant 0 : index
      %swap3A_68 = arith.constant 0 : index
      %swap3A_69 = vector.load %arg10[%swap3A_67, %swap3A_68] : memref<1x128xf32, #tpu.memory_space<vmem>>, vector<1x128xf32>
      tpu.vector_store %arg10[%swap3A_67, %swap3A_68], %get3A_66 {strides = array<i32>} : memref<1x128xf32, #tpu.memory_space<vmem>>, vector<1x128xf32>,
    } else {
    }
    return
  }
  func.func @transform_0(%arg0: i32) -> (i32, i32) {
    %c0_i32 = arith.constant 0 : i32
    %c0_i32_0 = arith.constant 0 : i32
    %c0_i32_1 = arith.constant 0 : i32
    return %c0_i32, %c0_i32_0 : i32, i32
  }
  func.func @transform_1(%arg0: i32) -> (i32, i32) {
    %c0_i32 = arith.constant 0 : i32
    %c0_i32_0 = arith.constant 0 : i32
    return %arg0, %c0_i32 : i32, i32
  }
  func.func @transform_2(%arg0: i32) -> (i32, i32) {
    %c0_i32 = arith.constant 0 : i32
    %c0_i32_0 = arith.constant 0 : i32
    return %arg0, %c0_i32 : i32, i32
  }
  func.func @transform_3(%arg0: i32) -> (i32, i32) {
    %c0_i32 = arith.constant 0 : i32
    %c0_i32_0 = arith.constant 0 : i32
    %c0_i32_1 = arith.constant 0 : i32
    return %c0_i32, %c0_i32_0 : i32, i32
  }
  func.func @transform_4(%arg0: i32) -> (i32, i32) {
    %c0_i32 = arith.constant 0 : i32
    %c0_i32_0 = arith.constant 0 : i32
    %c0_i32_1 = arith.constant 0 : i32
    return %c0_i32, %c0_i32_0 : i32, i32
  }
  func.func @transform_5(%arg0: i32) -> (i32, i32) {
    %c0_i32 = arith.constant 0 : i32
    %c0_i32_0 = arith.constant 0 : i32
    %c0_i32_1 = arith.constant 0 : i32
    return %c0_i32, %c0_i32_0 : i32, i32
  }
  func.func @transform_6(%arg0: i32) -> (i32, i32) {
    %c0_i32 = arith.constant 0 : i32
    %c0_i32_0 = arith.constant 0 : i32
    %c0_i32_1 = arith.constant 0 : i32
    return %c0_i32, %c0_i32_0 : i32, i32
  }
  func.func @transform_7(%arg0: i32) -> (i32, i32) {
    %c0_i32 = arith.constant 0 : i32
    %c0_i32_0 = arith.constant 0 : i32
    return %arg0, %c0_i32 : i32, i32
  }
  func.func @transform_8(%arg0: i32) -> (i32, i32) {
    %c0_i32 = arith.constant 0 : i32
    %c0_i32_0 = arith.constant 0 : i32
    %c0_i32_1 = arith.constant 0 : i32
    return %c0_i32, %c0_i32_0 : i32, i32
  }
  func.func @transform_9(%arg0: i32) -> (i32, i32) {
    %c0_i32 = arith.constant 0 : i32
    %c0_i32_0 = arith.constant 0 : i32
    %c0_i32_1 = arith.constant 0 : i32
    return %c0_i32, %c0_i32_0 : i32, i32
  }
}

module attributes {stable_mosaic.version = 14 : i64} {
  func.func @_norm_body(%arg0: i32, %arg1: memref<1000x128xf32, #tpu.memory_space<vmem>>, %arg2: memref<1x128xf32, #tpu.memory_space<vmem>>, %arg3: memref<1x128xf32, #tpu.memory_space<vmem>>, %arg4: memref<128x128xf32, #tpu.memory_space<vmem>>, %arg5: memref<1000x128xf32, #tpu.memory_space<vmem>>, %arg6: memref<1000x128xf32, #tpu.memory_space<vmem>>, %arg7: memref<1000x128xf32, #tpu.memory_space<vmem>>) attributes {dimension_semantics = [#tpu.dimension_semantics<arbitrary>], iteration_bounds = array<i64: 25>, scalar_prefetch = 0 : i64, scratch_operands = 0 : i64, tpu.core_type = #tpu.core_type<tc>, window_params = [{transform_indices = @transform_0, window_bounds = array<i64: 1000, 128>}, {pipeline_mode = #tpu.pipeline_mode<synchronous>, transform_indices = @transform_1, window_bounds = array<i64: 1, 128>}, {pipeline_mode = #tpu.pipeline_mode<synchronous>, transform_indices = @transform_2, window_bounds = array<i64: 1, 128>}, {pipeline_mode = #tpu.pipeline_mode<synchronous>, transform_indices = @transform_3, window_bounds = array<i64: 128, 128>}, {transform_indices = @transform_4, window_bounds = array<i64: 1000, 128>}, {transform_indices = @transform_5, window_bounds = array<i64: 1000, 128>}, {transform_indices = @transform_6, window_bounds = array<i64: 1000, 128>}]} {
    %get3A = arith.constant 0 : index
    %get3A_0 = arith.constant 0 : index
    %get3A_1 = vector.load %arg1[%get3A, %get3A_0] : memref<1000x128xf32, #tpu.memory_space<vmem>>, vector<1000x128xf32>
    %get3A_2 = arith.constant 0 : index
    %get3A_3 = arith.constant 0 : index
    %get3A_4 = vector.load %arg2[%get3A_2, %get3A_3] : memref<1x128xf32, #tpu.memory_space<vmem>>, vector<1x128xf32>
    %mul3A = vector.broadcast %get3A_4 : vector<1x128xf32> to vector<1000x128xf32>
    %mul3A_5 = arith.mulf %get3A_1, %mul3A : vector<1000x128xf32>
    %get3A_6 = arith.constant 0 : index
    %get3A_7 = arith.constant 0 : index
    %get3A_8 = vector.load %arg3[%get3A_6, %get3A_7] : memref<1x128xf32, #tpu.memory_space<vmem>>, vector<1x128xf32>
    %add3A = vector.broadcast %get3A_8 : vector<1x128xf32> to vector<1000x128xf32>
    %add3A_9 = arith.addf %mul3A_5, %add3A : vector<1000x128xf32>
    %max3A = arith.constant 0.000000e+00 : f32
    %max3A_10 = vector.broadcast %max3A : f32 to vector<1000x128xf32>
    %max3A_11 = arith.maximumf %add3A_9, %max3A_10 : vector<1000x128xf32>
    %swap3A = arith.constant 0 : index
    %swap3A_12 = arith.constant 0 : index
    %swap3A_13 = vector.load %arg6[%swap3A, %swap3A_12] : memref<1000x128xf32, #tpu.memory_space<vmem>>, vector<1000x128xf32>
    tpu.vector_store %arg6[%swap3A, %swap3A_12], %max3A_11 {strides = array<i32>} : memref<1000x128xf32, #tpu.memory_space<vmem>>, vector<1000x128xf32>,
    %get3A_14 = arith.constant 0 : index
    %get3A_15 = arith.constant 0 : index
    %get3A_16 = vector.load %arg5[%get3A_14, %get3A_15] : memref<1000x128xf32, #tpu.memory_space<vmem>>, vector<1000x128xf32>
    %get3A_17 = arith.constant 0 : index
    %get3A_18 = arith.constant 0 : index
    %get3A_19 = vector.load %arg4[%get3A_17, %get3A_18] : memref<128x128xf32, #tpu.memory_space<vmem>>, vector<128x128xf32>
    %dot_general3A = arith.constant dense<0.000000e+00> : vector<1000x128xf32>
    %dot_general3A_20 = tpu.matmul %max3A_11, %get3A_19, %dot_general3A {dimension_numbers = #tpu.dot_dimension_numbers<[1], [0], [0], [1], [0, 0, 1, 1], [], []>, transpose_lhs_hint = false} : vector<1000x128xf32>, vector<128x128xf32>, vector<1000x128xf32> -> vector<1000x128xf32>
    %add3A_21 = arith.addf %get3A_16, %dot_general3A_20 : vector<1000x128xf32>
    %swap3A_22 = arith.constant 0 : index
    %swap3A_23 = arith.constant 0 : index
    %swap3A_24 = vector.load %arg7[%swap3A_22, %swap3A_23] : memref<1000x128xf32, #tpu.memory_space<vmem>>, vector<1000x128xf32>
    tpu.vector_store %arg7[%swap3A_22, %swap3A_23], %add3A_21 {strides = array<i32>} : memref<1000x128xf32, #tpu.memory_space<vmem>>, vector<1000x128xf32>,
    return
  }
  func.func @transform_0(%arg0: i32) -> (i32, i32) {
    %c0_i32 = arith.constant 0 : i32
    %c0_i32_0 = arith.constant 0 : i32
    return %arg0, %c0_i32 : i32, i32
  }
  func.func @transform_1(%arg0: i32) -> (i32, i32) {
    %c0_i32 = arith.constant 0 : i32
    %c0_i32_0 = arith.constant 0 : i32
    %c0_i32_1 = arith.constant 0 : i32
    return %c0_i32, %c0_i32_0 : i32, i32
  }
  func.func @transform_2(%arg0: i32) -> (i32, i32) {
    %c0_i32 = arith.constant 0 : i32
    %c0_i32_0 = arith.constant 0 : i32
    %c0_i32_1 = arith.constant 0 : i32
    return %c0_i32, %c0_i32_0 : i32, i32
  }
  func.func @transform_3(%arg0: i32) -> (i32, i32) {
    %c0_i32 = arith.constant 0 : i32
    %c0_i32_0 = arith.constant 0 : i32
    %c0_i32_1 = arith.constant 0 : i32
    return %c0_i32, %c0_i32_0 : i32, i32
  }
  func.func @transform_4(%arg0: i32) -> (i32, i32) {
    %c0_i32 = arith.constant 0 : i32
    %c0_i32_0 = arith.constant 0 : i32
    return %arg0, %c0_i32 : i32, i32
  }
  func.func @transform_5(%arg0: i32) -> (i32, i32) {
    %c0_i32 = arith.constant 0 : i32
    %c0_i32_0 = arith.constant 0 : i32
    return %arg0, %c0_i32 : i32, i32
  }
  func.func @transform_6(%arg0: i32) -> (i32, i32) {
    %c0_i32 = arith.constant 0 : i32
    %c0_i32_0 = arith.constant 0 : i32
    return %arg0, %c0_i32 : i32, i32
  }
}

module attributes {stable_mosaic.version = 14 : i64} {
  func.func @_final_body(%arg0: i32, %arg1: memref<1x1xi32, #tpu.memory_space<smem>>, %arg2: memref<1x1xi32, #tpu.memory_space<smem>>, %arg3: memref<1x12xf32, #tpu.memory_space<vmem>>, %arg4: memref<1000x128xf32, #tpu.memory_space<vmem>>, %arg5: memref<1000x12xf32, #tpu.memory_space<vmem>>, %arg6: memref<1000x12xf32, #tpu.memory_space<vmem>>, %arg7: memref<1000x12xf32, #tpu.memory_space<vmem>>, %arg8: memref<1000x12xf32, #tpu.memory_space<vmem>>, %arg9: memref<1000x1xi32, #tpu.memory_space<vmem>>, %arg10: memref<1000x1xi32, #tpu.memory_space<vmem>>, %arg11: memref<1000x1xi32, #tpu.memory_space<vmem>>, %arg12: memref<1000x1xi32, #tpu.memory_space<vmem>>, %arg13: memref<1000x12xf32, #tpu.memory_space<vmem>>, %arg14: memref<1000x12xf32, #tpu.memory_space<vmem>>, %arg15: memref<1000x12xf32, #tpu.memory_space<vmem>>, %arg16: memref<1000x12xf32, #tpu.memory_space<vmem>>) attributes {dimension_semantics = [#tpu.dimension_semantics<arbitrary>], iteration_bounds = array<i64: 25>, scalar_prefetch = 0 : i64, scratch_operands = 0 : i64, tpu.core_type = #tpu.core_type<tc>, window_params = [{transform_indices = @transform_0, window_bounds = array<i64: 1, 1>}, {transform_indices = @transform_1, window_bounds = array<i64: 1, 1>}, {pipeline_mode = #tpu.pipeline_mode<synchronous>, transform_indices = @transform_2, window_bounds = array<i64: 1, 12>}, {transform_indices = @transform_3, window_bounds = array<i64: 1000, 128>}, {transform_indices = @transform_4, window_bounds = array<i64: 1000, 12>}, {transform_indices = @transform_5, window_bounds = array<i64: 1000, 12>}, {transform_indices = @transform_6, window_bounds = array<i64: 1000, 12>}, {transform_indices = @transform_7, window_bounds = array<i64: 1000, 12>}, {transform_indices = @transform_8, window_bounds = array<i64: 1000, 1>}, {transform_indices = @transform_9, window_bounds = array<i64: 1000, 1>}, {transform_indices = @transform_10, window_bounds = array<i64: 1000, 1>}, {transform_indices = @transform_11, window_bounds = array<i64: 1000, 1>}, {transform_indices = @transform_12, window_bounds = array<i64: 1000, 12>}, {transform_indices = @transform_13, window_bounds = array<i64: 1000, 12>}, {transform_indices = @transform_14, window_bounds = array<i64: 1000, 12>}, {transform_indices = @transform_15, window_bounds = array<i64: 1000, 12>}]} {
    %get3A = arith.constant 0 : index
    %get3A_0 = arith.constant 0 : index
    %get3A_1 = vector.load %arg4[%get3A, %get3A_0] : memref<1000x128xf32, #tpu.memory_space<vmem>>, vector<1000x128xf32>
    %get3A_2 = arith.constant 0 : index
    %get3A_3 = arith.constant 0 : index
    %get3A_4 = vector.load %arg3[%get3A_2, %get3A_3] : memref<1x12xf32, #tpu.memory_space<vmem>>, vector<1x12xf32>
    %slice3A = vector.extract_strided_slice %get3A_1 {offsets = [0, 0], sizes = [1000, 12], strides = [1, 1]} : vector<1000x128xf32> to vector<1000x12xf32>
    %add3A = vector.broadcast %get3A_4 : vector<1x12xf32> to vector<1000x12xf32>
    %add3A_5 = arith.addf %slice3A, %add3A : vector<1000x12xf32>
    %get3A_6 = arith.constant 0 : index
    %get3A_7 = arith.constant 0 : index
    %get3A_8 = vector.load %arg5[%get3A_6, %get3A_7] : memref<1000x12xf32, #tpu.memory_space<vmem>>, vector<1000x12xf32>
    %get3A_9 = arith.constant 0 : index
    %get3A_10 = arith.constant 0 : index
    %get3A_11 = vector.load %arg9[%get3A_9, %get3A_10] : memref<1000x1xi32, #tpu.memory_space<vmem>>, vector<1000x1xi32>
    %iota3A = tpu.iota {dimensions = array<i32: 1>} : vector<1000x12xi32>
    %ge3A = arith.constant 1 : i32
    %ge3A_12 = vector.broadcast %ge3A : i32 to vector<1000x12xi32>
    %ge3A_13 = arith.cmpi sge, %iota3A, %ge3A_12 : vector<1000x12xi32>
    %get3A_14 = arith.constant 0 : index
    %get3A_15 = arith.constant 0 : index
    %get3A_16 = memref.load %arg1[%get3A_14, %get3A_15] : memref<1x1xi32, #tpu.memory_space<smem>>
    %add3A_17 = arith.constant 1 : i32
    %add3A_18 = arith.addi %get3A_16, %add3A_17 : i32
    %lt3A = vector.broadcast %add3A_18 : i32 to vector<1000x12xi32>
    %lt3A_19 = arith.cmpi slt, %iota3A, %lt3A : vector<1000x12xi32>
    %and3A = arith.andi %ge3A_13, %lt3A_19 : vector<1000x12xi1>
    %ge3A_20 = arith.constant 1 : i32
    %ge3A_21 = vector.broadcast %ge3A_20 : i32 to vector<1000x12xi32>
    %ge3A_22 = arith.cmpi sge, %iota3A, %ge3A_21 : vector<1000x12xi32>
    %get3A_23 = arith.constant 0 : index
    %get3A_24 = arith.constant 0 : index
    %get3A_25 = memref.load %arg2[%get3A_23, %get3A_24] : memref<1x1xi32, #tpu.memory_space<smem>>
    %add3A_26 = arith.constant 1 : i32
    %add3A_27 = arith.addi %get3A_25, %add3A_26 : i32
    %lt3A_28 = vector.broadcast %add3A_27 : i32 to vector<1000x12xi32>
    %lt3A_29 = arith.cmpi slt, %iota3A, %lt3A_28 : vector<1000x12xi32>
    %and3A_30 = arith.andi %ge3A_22, %lt3A_29 : vector<1000x12xi1>
    %and3A_31 = arith.constant 1 : i32
    %and3A_32 = vector.broadcast %and3A_31 : i32 to vector<1000x1xi32>
    %and3A_33 = arith.andi %get3A_11, %and3A_32 : vector<1000x1xi32>
    %gt3A = arith.constant 0 : i32
    %gt3A_34 = vector.broadcast %gt3A : i32 to vector<1000x1xi32>
    %gt3A_35 = arith.cmpi sgt, %and3A_33, %gt3A_34 : vector<1000x1xi32>
    %and3A_36 = vector.broadcast %gt3A_35 : vector<1000x1xi1> to vector<1000x12xi1>
    %and3A_37 = arith.andi %and3A_36, %and3A : vector<1000x12xi1>
    %and3A_38 = arith.constant 2 : i32
    %and3A_39 = vector.broadcast %and3A_38 : i32 to vector<1000x1xi32>
    %and3A_40 = arith.andi %get3A_11, %and3A_39 : vector<1000x1xi32>
    %gt3A_41 = arith.constant 0 : i32
    %gt3A_42 = vector.broadcast %gt3A_41 : i32 to vector<1000x1xi32>
    %gt3A_43 = arith.cmpi sgt, %and3A_40, %gt3A_42 : vector<1000x1xi32>
    %and3A_44 = vector.broadcast %gt3A_43 : vector<1000x1xi1> to vector<1000x12xi1>
    %and3A_45 = arith.andi %and3A_44, %and3A_30 : vector<1000x12xi1>
    %select_n3A = arith.select %and3A_37, %add3A_5, %get3A_8 : vector<1000x12xi1>, vector<1000x12xf32>
    %select_n3A_46 = arith.select %and3A_45, %add3A_5, %select_n3A : vector<1000x12xi1>, vector<1000x12xf32>
    %swap3A = arith.constant 0 : index
    %swap3A_47 = arith.constant 0 : index
    %swap3A_48 = vector.load %arg13[%swap3A, %swap3A_47] : memref<1000x12xf32, #tpu.memory_space<vmem>>, vector<1000x12xf32>
    tpu.vector_store %arg13[%swap3A, %swap3A_47], %select_n3A_46 {strides = array<i32>} : memref<1000x12xf32, #tpu.memory_space<vmem>>, vector<1000x12xf32>,
    %slice3A_49 = vector.extract_strided_slice %get3A_1 {offsets = [0, 32], sizes = [1000, 12], strides = [1, 1]} : vector<1000x128xf32> to vector<1000x12xf32>
    %add3A_50 = vector.broadcast %get3A_4 : vector<1x12xf32> to vector<1000x12xf32>
    %add3A_51 = arith.addf %slice3A_49, %add3A_50 : vector<1000x12xf32>
    %get3A_52 = arith.constant 0 : index
    %get3A_53 = arith.constant 0 : index
    %get3A_54 = vector.load %arg6[%get3A_52, %get3A_53] : memref<1000x12xf32, #tpu.memory_space<vmem>>, vector<1000x12xf32>
    %get3A_55 = arith.constant 0 : index
    %get3A_56 = arith.constant 0 : index
    %get3A_57 = vector.load %arg10[%get3A_55, %get3A_56] : memref<1000x1xi32, #tpu.memory_space<vmem>>, vector<1000x1xi32>
    %iota3A_58 = tpu.iota {dimensions = array<i32: 1>} : vector<1000x12xi32>
    %ge3A_59 = arith.constant 1 : i32
    %ge3A_60 = vector.broadcast %ge3A_59 : i32 to vector<1000x12xi32>
    %ge3A_61 = arith.cmpi sge, %iota3A_58, %ge3A_60 : vector<1000x12xi32>
    %get3A_62 = arith.constant 0 : index
    %get3A_63 = arith.constant 0 : index
    %get3A_64 = memref.load %arg1[%get3A_62, %get3A_63] : memref<1x1xi32, #tpu.memory_space<smem>>
    %add3A_65 = arith.constant 1 : i32
    %add3A_66 = arith.addi %get3A_64, %add3A_65 : i32
    %lt3A_67 = vector.broadcast %add3A_66 : i32 to vector<1000x12xi32>
    %lt3A_68 = arith.cmpi slt, %iota3A_58, %lt3A_67 : vector<1000x12xi32>
    %and3A_69 = arith.andi %ge3A_61, %lt3A_68 : vector<1000x12xi1>
    %ge3A_70 = arith.constant 1 : i32
    %ge3A_71 = vector.broadcast %ge3A_70 : i32 to vector<1000x12xi32>
    %ge3A_72 = arith.cmpi sge, %iota3A_58, %ge3A_71 : vector<1000x12xi32>
    %get3A_73 = arith.constant 0 : index
    %get3A_74 = arith.constant 0 : index
    %get3A_75 = memref.load %arg2[%get3A_73, %get3A_74] : memref<1x1xi32, #tpu.memory_space<smem>>
    %add3A_76 = arith.constant 1 : i32
    %add3A_77 = arith.addi %get3A_75, %add3A_76 : i32
    %lt3A_78 = vector.broadcast %add3A_77 : i32 to vector<1000x12xi32>
    %lt3A_79 = arith.cmpi slt, %iota3A_58, %lt3A_78 : vector<1000x12xi32>
    %and3A_80 = arith.andi %ge3A_72, %lt3A_79 : vector<1000x12xi1>
    %and3A_81 = arith.constant 1 : i32
    %and3A_82 = vector.broadcast %and3A_81 : i32 to vector<1000x1xi32>
    %and3A_83 = arith.andi %get3A_57, %and3A_82 : vector<1000x1xi32>
    %gt3A_84 = arith.constant 0 : i32
    %gt3A_85 = vector.broadcast %gt3A_84 : i32 to vector<1000x1xi32>
    %gt3A_86 = arith.cmpi sgt, %and3A_83, %gt3A_85 : vector<1000x1xi32>
    %and3A_87 = vector.broadcast %gt3A_86 : vector<1000x1xi1> to vector<1000x12xi1>
    %and3A_88 = arith.andi %and3A_87, %and3A_69 : vector<1000x12xi1>
    %and3A_89 = arith.constant 2 : i32
    %and3A_90 = vector.broadcast %and3A_89 : i32 to vector<1000x1xi32>
    %and3A_91 = arith.andi %get3A_57, %and3A_90 : vector<1000x1xi32>
    %gt3A_92 = arith.constant 0 : i32
    %gt3A_93 = vector.broadcast %gt3A_92 : i32 to vector<1000x1xi32>
    %gt3A_94 = arith.cmpi sgt, %and3A_91, %gt3A_93 : vector<1000x1xi32>
    %and3A_95 = vector.broadcast %gt3A_94 : vector<1000x1xi1> to vector<1000x12xi1>
    %and3A_96 = arith.andi %and3A_95, %and3A_80 : vector<1000x12xi1>
    %select_n3A_97 = arith.select %and3A_88, %add3A_51, %get3A_54 : vector<1000x12xi1>, vector<1000x12xf32>
    %select_n3A_98 = arith.select %and3A_96, %add3A_51, %select_n3A_97 : vector<1000x12xi1>, vector<1000x12xf32>
    %swap3A_99 = arith.constant 0 : index
    %swap3A_100 = arith.constant 0 : index
    %swap3A_101 = vector.load %arg14[%swap3A_99, %swap3A_100] : memref<1000x12xf32, #tpu.memory_space<vmem>>, vector<1000x12xf32>
    tpu.vector_store %arg14[%swap3A_99, %swap3A_100], %select_n3A_98 {strides = array<i32>} : memref<1000x12xf32, #tpu.memory_space<vmem>>, vector<1000x12xf32>,
    %slice3A_102 = vector.extract_strided_slice %get3A_1 {offsets = [0, 64], sizes = [1000, 12], strides = [1, 1]} : vector<1000x128xf32> to vector<1000x12xf32>
    %add3A_103 = vector.broadcast %get3A_4 : vector<1x12xf32> to vector<1000x12xf32>
    %add3A_104 = arith.addf %slice3A_102, %add3A_103 : vector<1000x12xf32>
    %get3A_105 = arith.constant 0 : index
    %get3A_106 = arith.constant 0 : index
    %get3A_107 = vector.load %arg7[%get3A_105, %get3A_106] : memref<1000x12xf32, #tpu.memory_space<vmem>>, vector<1000x12xf32>
    %get3A_108 = arith.constant 0 : index
    %get3A_109 = arith.constant 0 : index
    %get3A_110 = vector.load %arg11[%get3A_108, %get3A_109] : memref<1000x1xi32, #tpu.memory_space<vmem>>, vector<1000x1xi32>
    %iota3A_111 = tpu.iota {dimensions = array<i32: 1>} : vector<1000x12xi32>
    %ge3A_112 = arith.constant 1 : i32
    %ge3A_113 = vector.broadcast %ge3A_112 : i32 to vector<1000x12xi32>
    %ge3A_114 = arith.cmpi sge, %iota3A_111, %ge3A_113 : vector<1000x12xi32>
    %get3A_115 = arith.constant 0 : index
    %get3A_116 = arith.constant 0 : index
    %get3A_117 = memref.load %arg1[%get3A_115, %get3A_116] : memref<1x1xi32, #tpu.memory_space<smem>>
    %add3A_118 = arith.constant 1 : i32
    %add3A_119 = arith.addi %get3A_117, %add3A_118 : i32
    %lt3A_120 = vector.broadcast %add3A_119 : i32 to vector<1000x12xi32>
    %lt3A_121 = arith.cmpi slt, %iota3A_111, %lt3A_120 : vector<1000x12xi32>
    %and3A_122 = arith.andi %ge3A_114, %lt3A_121 : vector<1000x12xi1>
    %ge3A_123 = arith.constant 1 : i32
    %ge3A_124 = vector.broadcast %ge3A_123 : i32 to vector<1000x12xi32>
    %ge3A_125 = arith.cmpi sge, %iota3A_111, %ge3A_124 : vector<1000x12xi32>
    %get3A_126 = arith.constant 0 : index
    %get3A_127 = arith.constant 0 : index
    %get3A_128 = memref.load %arg2[%get3A_126, %get3A_127] : memref<1x1xi32, #tpu.memory_space<smem>>
    %add3A_129 = arith.constant 1 : i32
    %add3A_130 = arith.addi %get3A_128, %add3A_129 : i32
    %lt3A_131 = vector.broadcast %add3A_130 : i32 to vector<1000x12xi32>
    %lt3A_132 = arith.cmpi slt, %iota3A_111, %lt3A_131 : vector<1000x12xi32>
    %and3A_133 = arith.andi %ge3A_125, %lt3A_132 : vector<1000x12xi1>
    %and3A_134 = arith.constant 1 : i32
    %and3A_135 = vector.broadcast %and3A_134 : i32 to vector<1000x1xi32>
    %and3A_136 = arith.andi %get3A_110, %and3A_135 : vector<1000x1xi32>
    %gt3A_137 = arith.constant 0 : i32
    %gt3A_138 = vector.broadcast %gt3A_137 : i32 to vector<1000x1xi32>
    %gt3A_139 = arith.cmpi sgt, %and3A_136, %gt3A_138 : vector<1000x1xi32>
    %and3A_140 = vector.broadcast %gt3A_139 : vector<1000x1xi1> to vector<1000x12xi1>
    %and3A_141 = arith.andi %and3A_140, %and3A_122 : vector<1000x12xi1>
    %and3A_142 = arith.constant 2 : i32
    %and3A_143 = vector.broadcast %and3A_142 : i32 to vector<1000x1xi32>
    %and3A_144 = arith.andi %get3A_110, %and3A_143 : vector<1000x1xi32>
    %gt3A_145 = arith.constant 0 : i32
    %gt3A_146 = vector.broadcast %gt3A_145 : i32 to vector<1000x1xi32>
    %gt3A_147 = arith.cmpi sgt, %and3A_144, %gt3A_146 : vector<1000x1xi32>
    %and3A_148 = vector.broadcast %gt3A_147 : vector<1000x1xi1> to vector<1000x12xi1>
    %and3A_149 = arith.andi %and3A_148, %and3A_133 : vector<1000x12xi1>
    %select_n3A_150 = arith.select %and3A_141, %add3A_104, %get3A_107 : vector<1000x12xi1>, vector<1000x12xf32>
    %select_n3A_151 = arith.select %and3A_149, %add3A_104, %select_n3A_150 : vector<1000x12xi1>, vector<1000x12xf32>
    %swap3A_152 = arith.constant 0 : index
    %swap3A_153 = arith.constant 0 : index
    %swap3A_154 = vector.load %arg15[%swap3A_152, %swap3A_153] : memref<1000x12xf32, #tpu.memory_space<vmem>>, vector<1000x12xf32>
    tpu.vector_store %arg15[%swap3A_152, %swap3A_153], %select_n3A_151 {strides = array<i32>} : memref<1000x12xf32, #tpu.memory_space<vmem>>, vector<1000x12xf32>,
    %slice3A_155 = vector.extract_strided_slice %get3A_1 {offsets = [0, 96], sizes = [1000, 12], strides = [1, 1]} : vector<1000x128xf32> to vector<1000x12xf32>
    %add3A_156 = vector.broadcast %get3A_4 : vector<1x12xf32> to vector<1000x12xf32>
    %add3A_157 = arith.addf %slice3A_155, %add3A_156 : vector<1000x12xf32>
    %get3A_158 = arith.constant 0 : index
    %get3A_159 = arith.constant 0 : index
    %get3A_160 = vector.load %arg8[%get3A_158, %get3A_159] : memref<1000x12xf32, #tpu.memory_space<vmem>>, vector<1000x12xf32>
    %get3A_161 = arith.constant 0 : index
    %get3A_162 = arith.constant 0 : index
    %get3A_163 = vector.load %arg12[%get3A_161, %get3A_162] : memref<1000x1xi32, #tpu.memory_space<vmem>>, vector<1000x1xi32>
    %iota3A_164 = tpu.iota {dimensions = array<i32: 1>} : vector<1000x12xi32>
    %ge3A_165 = arith.constant 1 : i32
    %ge3A_166 = vector.broadcast %ge3A_165 : i32 to vector<1000x12xi32>
    %ge3A_167 = arith.cmpi sge, %iota3A_164, %ge3A_166 : vector<1000x12xi32>
    %get3A_168 = arith.constant 0 : index
    %get3A_169 = arith.constant 0 : index
    %get3A_170 = memref.load %arg1[%get3A_168, %get3A_169] : memref<1x1xi32, #tpu.memory_space<smem>>
    %add3A_171 = arith.constant 1 : i32
    %add3A_172 = arith.addi %get3A_170, %add3A_171 : i32
    %lt3A_173 = vector.broadcast %add3A_172 : i32 to vector<1000x12xi32>
    %lt3A_174 = arith.cmpi slt, %iota3A_164, %lt3A_173 : vector<1000x12xi32>
    %and3A_175 = arith.andi %ge3A_167, %lt3A_174 : vector<1000x12xi1>
    %ge3A_176 = arith.constant 1 : i32
    %ge3A_177 = vector.broadcast %ge3A_176 : i32 to vector<1000x12xi32>
    %ge3A_178 = arith.cmpi sge, %iota3A_164, %ge3A_177 : vector<1000x12xi32>
    %get3A_179 = arith.constant 0 : index
    %get3A_180 = arith.constant 0 : index
    %get3A_181 = memref.load %arg2[%get3A_179, %get3A_180] : memref<1x1xi32, #tpu.memory_space<smem>>
    %add3A_182 = arith.constant 1 : i32
    %add3A_183 = arith.addi %get3A_181, %add3A_182 : i32
    %lt3A_184 = vector.broadcast %add3A_183 : i32 to vector<1000x12xi32>
    %lt3A_185 = arith.cmpi slt, %iota3A_164, %lt3A_184 : vector<1000x12xi32>
    %and3A_186 = arith.andi %ge3A_178, %lt3A_185 : vector<1000x12xi1>
    %and3A_187 = arith.constant 1 : i32
    %and3A_188 = vector.broadcast %and3A_187 : i32 to vector<1000x1xi32>
    %and3A_189 = arith.andi %get3A_163, %and3A_188 : vector<1000x1xi32>
    %gt3A_190 = arith.constant 0 : i32
    %gt3A_191 = vector.broadcast %gt3A_190 : i32 to vector<1000x1xi32>
    %gt3A_192 = arith.cmpi sgt, %and3A_189, %gt3A_191 : vector<1000x1xi32>
    %and3A_193 = vector.broadcast %gt3A_192 : vector<1000x1xi1> to vector<1000x12xi1>
    %and3A_194 = arith.andi %and3A_193, %and3A_175 : vector<1000x12xi1>
    %and3A_195 = arith.constant 2 : i32
    %and3A_196 = vector.broadcast %and3A_195 : i32 to vector<1000x1xi32>
    %and3A_197 = arith.andi %get3A_163, %and3A_196 : vector<1000x1xi32>
    %gt3A_198 = arith.constant 0 : i32
    %gt3A_199 = vector.broadcast %gt3A_198 : i32 to vector<1000x1xi32>
    %gt3A_200 = arith.cmpi sgt, %and3A_197, %gt3A_199 : vector<1000x1xi32>
    %and3A_201 = vector.broadcast %gt3A_200 : vector<1000x1xi1> to vector<1000x12xi1>
    %and3A_202 = arith.andi %and3A_201, %and3A_186 : vector<1000x12xi1>
    %select_n3A_203 = arith.select %and3A_194, %add3A_157, %get3A_160 : vector<1000x12xi1>, vector<1000x12xf32>
    %select_n3A_204 = arith.select %and3A_202, %add3A_157, %select_n3A_203 : vector<1000x12xi1>, vector<1000x12xf32>
    %swap3A_205 = arith.constant 0 : index
    %swap3A_206 = arith.constant 0 : index
    %swap3A_207 = vector.load %arg16[%swap3A_205, %swap3A_206] : memref<1000x12xf32, #tpu.memory_space<vmem>>, vector<1000x12xf32>
    tpu.vector_store %arg16[%swap3A_205, %swap3A_206], %select_n3A_204 {strides = array<i32>} : memref<1000x12xf32, #tpu.memory_space<vmem>>, vector<1000x12xf32>,
    return
  }
  func.func @transform_0(%arg0: i32) -> (i32, i32) {
    %c0_i32 = arith.constant 0 : i32
    %c0_i32_0 = arith.constant 0 : i32
    %c0_i32_1 = arith.constant 0 : i32
    return %c0_i32, %c0_i32_0 : i32, i32
  }
  func.func @transform_1(%arg0: i32) -> (i32, i32) {
    %c0_i32 = arith.constant 0 : i32
    %c0_i32_0 = arith.constant 0 : i32
    %c0_i32_1 = arith.constant 0 : i32
    return %c0_i32, %c0_i32_0 : i32, i32
  }
  func.func @transform_2(%arg0: i32) -> (i32, i32) {
    %c0_i32 = arith.constant 0 : i32
    %c0_i32_0 = arith.constant 0 : i32
    %c0_i32_1 = arith.constant 0 : i32
    return %c0_i32, %c0_i32_0 : i32, i32
  }
  func.func @transform_3(%arg0: i32) -> (i32, i32) {
    %c0_i32 = arith.constant 0 : i32
    %c0_i32_0 = arith.constant 0 : i32
    return %arg0, %c0_i32 : i32, i32
  }
  func.func @transform_4(%arg0: i32) -> (i32, i32) {
    %c0_i32 = arith.constant 0 : i32
    %c0_i32_0 = arith.constant 0 : i32
    return %arg0, %c0_i32 : i32, i32
  }
  func.func @transform_5(%arg0: i32) -> (i32, i32) {
    %c0_i32 = arith.constant 0 : i32
    %c0_i32_0 = arith.constant 0 : i32
    return %arg0, %c0_i32 : i32, i32
  }
  func.func @transform_6(%arg0: i32) -> (i32, i32) {
    %c0_i32 = arith.constant 0 : i32
    %c0_i32_0 = arith.constant 0 : i32
    return %arg0, %c0_i32 : i32, i32
  }
  func.func @transform_7(%arg0: i32) -> (i32, i32) {
    %c0_i32 = arith.constant 0 : i32
    %c0_i32_0 = arith.constant 0 : i32
    return %arg0, %c0_i32 : i32, i32
  }
  func.func @transform_8(%arg0: i32) -> (i32, i32) {
    %c0_i32 = arith.constant 0 : i32
    %c0_i32_0 = arith.constant 0 : i32
    return %arg0, %c0_i32 : i32, i32
  }
  func.func @transform_9(%arg0: i32) -> (i32, i32) {
    %c0_i32 = arith.constant 0 : i32
    %c0_i32_0 = arith.constant 0 : i32
    return %arg0, %c0_i32 : i32, i32
  }
  func.func @transform_10(%arg0: i32) -> (i32, i32) {
    %c0_i32 = arith.constant 0 : i32
    %c0_i32_0 = arith.constant 0 : i32
    return %arg0, %c0_i32 : i32, i32
  }
  func.func @transform_11(%arg0: i32) -> (i32, i32) {
    %c0_i32 = arith.constant 0 : i32
    %c0_i32_0 = arith.constant 0 : i32
    return %arg0, %c0_i32 : i32, i32
  }
  func.func @transform_12(%arg0: i32) -> (i32, i32) {
    %c0_i32 = arith.constant 0 : i32
    %c0_i32_0 = arith.constant 0 : i32
    return %arg0, %c0_i32 : i32, i32
  }
  func.func @transform_13(%arg0: i32) -> (i32, i32) {
    %c0_i32 = arith.constant 0 : i32
    %c0_i32_0 = arith.constant 0 : i32
    return %arg0, %c0_i32 : i32, i32
  }
  func.func @transform_14(%arg0: i32) -> (i32, i32) {
    %c0_i32 = arith.constant 0 : i32
    %c0_i32_0 = arith.constant 0 : i32
    return %arg0, %c0_i32 : i32, i32
  }
  func.func @transform_15(%arg0: i32) -> (i32, i32) {
    %c0_i32 = arith.constant 0 : i32
    %c0_i32_0 = arith.constant 0 : i32
    return %arg0, %c0_i32 : i32, i32
  }
}

</mosaic_0001>

<sc_bundles>
// kernel: kernel.20.cloned.1.call-start
scs
__scs_entry_jumppad:
0x0: {  	(pc) =	sbr.rel $0x88, $3  }
0x1: {  	(tag) =	ssettag $0x0;
	lr =	simm.s32 $0x1  }
0x2: {  	[smem:$0x3F74] =	sst lr;
	_ =	strace $0xD0000000  }
0x3: {  	_ = 	snop  }
0x4: {  	_ = 	snop  }
0x5: {  	_ = 	snop  }
0x6: {  	_ = 	snop  }
0x7: {  	_ = 	snop  }
__scs_overlays_trampoline_lowered:
0x8: {  	[smem:$0x3F83] =	sst s0  }
0x9: {  	[smem:$0x3F84] =	sst s1  }
0xa: {  	[smem:$0x3F85] =	sst s2  }
0xb: {  	[smem:$0x3F86] =	sst s3  }
0xc: {  	[smem:$0x3F87] =	sst s4  }
0xd: {  	[smem:$0x3F88] =	sst s5  }
0xe: {  	[smem:$0x3F89] =	sst s6  }
0xf: {  	[smem:$0x3F8A] =	sst s7  }
0x10: {  	[smem:$0x3F8B] =	sst s8  }
0x11: {  	[smem:$0x3F8C] =	sst s9;
	s0 =	simm.s32 @!p0 $0x0  }
0x12: {  	s1 =	sld [smem:$0x3F72];
	s0 =	simm.s32 @p0 $0x1  }
0x13: {  	[smem:$0x3F8D] =	sst s0;
	s0 =	simm.s32 @!p1 $0x0  }
0x14: {  	s2 =	sld [smem:$0x3F71];
	s0 =	simm.s32 @p1 $0x1  }
0x15: {  	[smem:$0x3F8E] =	sst s0;
	s0 =	simm.s32 @!p2 $0x0  }
0x16: {  	s3 =	sld [smem:$0x3FDB];
	s0 =	simm.s32 @p2 $0x1  }
0x17: {  	s4 =	simm.s32 $0x1BF5;
	[smem:$0x3F90] =	sst s0  }
0x18: {  	s0 =	sld [smem:$0x3F73];
	_ =	swait.ge [sflag:s4], $0x0  }
0x19: {  	s7 =	sld [smem:$0x3F74]  }
0x1a: {  	s8 =	sadd.s32 $0xFFFFE003, lr  }
0x1b: {  	s9 =	sadd.s32 $0xFFFFFEF7, lr;
	s5 =	simm.s32 $0xFFFFFFFF;
	p2 =	slt.u32 s8, $0xFFFFF086  }
0x1c: {  	p1 =	slt.u32 s9, $0xF7A;
	s5 =	simm.s32 @!p2 $0x0  }
0x1d: {  	s5 =	simm.s32 @p1 $0x1;
	p0 =	seq.s32 s7, s2  }
0x1e: {  	s7 =	smul.u32 @!p0 $0xF7A, s2;
	p2 =	seq.s32 @!p0 s5, $0x0  }
0x1f: {  	s9 =	smul.u32 $0xF7A, s1;
	s8 =	simm.s32 @!p0 $0x1BF5;
	p2 =	por !p2, p0  }
0x20: {  	[sflag:s8] =	ssyncset.s32 @!p0 $0xFFFFF086;
	s6 =	sadd.s32 @!p0 s3, s7;
	s7 =	simm.s32 @!p0 $0x108  }
0x21: {  	s3 =	sadd.s32 s3, s9;
	s6 =	sadd.s32 @!p0 $0x88, s6;
	s7 =	simm.s32 @p2 $0x1082  }
0x22: {  	[simem:s7], [sflag:s8] =	dma.local @!p0 [hbm:s6], $0xF7A  }
0x23: {  	s9 =	sor.u32 $0xD0000000, s2;
	s6 =	simm.s32 $0x108;
	_ =	swait.ge @!p0 [sflag:s8], $0x0  }
0x24: {  	s3 =	sadd.s32 $0x88, s3;
	s6 =	simm.s32 @!p1 $0x1082;
	[sflag:s4] =	ssyncset.s32 $0xFFFFF086  }
0x25: {  	[simem:s6], [sflag:s4] =	dma.local [hbm:s3], $0xF7A  }
0x26: {  	[smem:$0x3F74] =	sst s1;
	(tag) =	ssettag s2;
	_ =	strace s9  }
0x27: {  	s1 =	sld [smem:$0x3F84]  }
0x28: {  	s2 =	sld [smem:$0x3F85]  }
0x29: {  	s4 =	sld [smem:$0x3F87]  }
0x2a: {  	p0 =	seq.s32 s5, $0x0;
	s5 =	sld [smem:$0x3F88]  }
0x2b: {  	s6 =	sld [smem:$0x3F89]  }
0x2c: {  	s7 =	sld [smem:$0x3F8A]  }
0x2d: {  	s3 =	simm.s32 $0x108;
	s8 =	sld [smem:$0x3F8B]  }
0x2e: {  	s3 =	simm.s32 @!p0 $0x1082;
	s9 =	sld [smem:$0x3F8C]  }
0x2f: {  	lr =	sadd.s32 s0, s3;
	s0 =	sld [smem:$0x3F83]  }
0x30: {  	s3 =	sld [smem:$0x3F86]  }
0x31: {  	[smem:$0x3F8F] =	sst s10  }
0x32: {  	s10 =	sld [smem:$0x3F8D];
	_ =	sdelay $0x3  }
0x33: {  	p0 =	seq.s32 s10, $0x1;
	s10 =	sld [smem:$0x3F8F];
	_ =	sdelay $0x3  }
0x34: {  	[smem:$0x3F8F] =	sst s10  }
0x35: {  	s10 =	sld [smem:$0x3F8E];
	_ =	sdelay $0x3  }
0x36: {  	p1 =	seq.s32 s10, $0x1;
	s10 =	sld [smem:$0x3F8F];
	_ =	sdelay $0x3  }
0x37: {  	[smem:$0x3F8F] =	sst s10  }
0x38: {  	s10 =	sld [smem:$0x3F90]  }
0x39: {  	_ = 	snop;
	(pc) =	sbr.ind lr, $3  }
0x3a: {  	_ = 	snop  }
0x3b: {  	_ = 	snop  }
0x3c: {  	p2 =	seq.s32 s10, $0x1;
	s10 =	sld [smem:$0x3F8F]  }
0x3d: {  	_ =	shalt  }
0x3e: {  	_ =	shalt  }
0x3f: {  	_ =	shalt  }
0x40: {  	_ =	shalt  }
0x41: {  	_ =	shalt  }
0x42: {  	_ =	shalt  }
0x43: {  	_ =	shalt  }
0x44: {  	_ =	shalt  }
0x45: {  	_ =	shalt  }
0x46: {  	_ =	shalt  }
0x47: {  	_ =	shalt  }
0x48: {  	_ =	shalt  }
0x49: {  	_ =	shalt  }
0x4a: {  	_ =	shalt  }
0x4b: {  	_ =	shalt  }
0x4c: {  	_ =	shalt  }
0x4d: {  	_ =	shalt  }
0x4e: {  	_ =	shalt  }
0x4f: {  	_ =	shalt  }
0x50: {  	_ =	shalt  }
0x51: {  	_ =	shalt  }
0x52: {  	_ =	shalt  }
0x53: {  	_ =	shalt  }
0x54: {  	_ =	shalt  }
0x55: {  	_ =	shalt  }
0x56: {  	_ =	shalt  }
0x57: {  	_ =	shalt  }
0x58: {  	_ =	shalt  }
0x59: {  	_ =	shalt  }
0x5a: {  	_ =	shalt  }
0x5b: {  	_ =	shalt  }
0x5c: {  	_ =	shalt  }
0x5d: {  	_ =	shalt  }
0x5e: {  	_ =	shalt  }
0x5f: {  	_ =	shalt  }
0x60: {  	_ =	shalt  }
0x61: {  	_ =	shalt  }
0x62: {  	_ =	shalt  }
0x63: {  	_ =	shalt  }
0x64: {  	_ =	shalt  }
0x65: {  	_ =	shalt  }
0x66: {  	_ =	shalt  }
0x67: {  	_ =	shalt  }
0x68: {  	_ =	shalt  }
0x69: {  	_ =	shalt  }
0x6a: {  	_ =	shalt  }
0x6b: {  	_ =	shalt  }
0x6c: {  	_ =	shalt  }
0x6d: {  	_ =	shalt  }
0x6e: {  	_ =	shalt  }
0x6f: {  	_ =	shalt  }
0x70: {  	_ =	shalt  }
0x71: {  	_ =	shalt  }
0x72: {  	_ =	shalt  }
0x73: {  	_ =	shalt  }
0x74: {  	_ =	shalt  }
0x75: {  	_ =	shalt  }
0x76: {  	_ =	shalt  }
0x77: {  	_ =	shalt  }
0x78: {  	_ =	shalt  }
0x79: {  	_ =	shalt  }
0x7a: {  	_ =	shalt  }
0x7b: {  	_ =	shalt  }
0x7c: {  	_ =	shalt  }
0x7d: {  	_ =	shalt  }
0x7e: {  	_ =	shalt  }
0x7f: {  	_ =	shalt  }
0x80: {  	_ =	shalt  }
0x81: {  	_ =	shalt  }
0x82: {  	_ =	shalt  }
0x83: {  	_ =	shalt  }
0x84: {  	_ =	shalt  }
0x85: {  	_ =	shalt  }
0x86: {  	_ =	shalt  }
0x87: {  	_ =	shalt  }
.Lfunc_end0:
.L_simem_size_0:
called_computation_lowered:
.L_overlay_start_0:
0x88: {  	s2 =	sld [smem:$0x3FD9]  }
0x89: {  	s3 =	sld [smem:$0x3FFE];
	_ =	sdelay $0x1  }
0x8a: {  	s1 =	srdreg.scid  }
0x8b: {  	s0 =	sand.u32 $0x1, s1  }
0x8c: {  	s16 =	sshll.u32 s0, $0xA;
	s2 =	sadd.s32 s3, s2  }
0x8d: {  	s2 =	sadd.s32 s2, s16  }
0x8e: {  	[smem:$0x3F9B] =	sst s2  }
0x8f: {  	_ = 	snop  }
0x90: {  	(tm) =	ssettm $0x1  }
0x91: {  	s17 =	sld [smem:$0x3FFB];
	_ =	sdelay $0x3  }
0x92: {  	_ =	strace s17  }
0x93: {  	s2 =	sld [smem:$0x3FFC];
	_ =	sdelay $0x3  }
0x94: {  	_ =	strace s2  }
0x95: {  	s2 =	sld [smem:$0x3FFD];
	_ =	sdelay $0x3  }
0x96: {  	_ =	strace s2  }
0x97: {  	_ =	strace $0x8FFFFFFF  }
0x98: {  	s18 =	sld [smem:$0x3FDB];
	_ =	sdelay $0x1  }
0x99: {  	s19 =	simm.s32 $_scs_section_size  }
0x9a: {  	s4 =	simm.s32 $_size__tile_overlayer_lowered;
	s5 =	simm.s32 $_tile_overlayer_lowered  }
0x9b: {  	s22 =	simm.s32 $0x1BFF;
	s21 =	sshll.u32 s5, $0x1;
	s2 =	sadd.s32 s19, s18  }
0x9c: {  	s6 =	simm.s32 $0x0;
	s20 =	sshll.u32 s4, $0x1;
	s4 =	sadd.s32 s21, s2  }
0x9d: {  	[timem:s6], [sflag:s22] =	dma.local [hbm:s4], s20  }
0x9e: {  	_ =	swait.ge [sflag:s22], s20  }
0x9f: {  	s3 =	ssub.s32 $0x0, s20;
	[sflag:s22] =	ssyncset.done $0x0  }
0xa0: {  	[sflag:s22] =	ssyncadd.s32 s3;
	_ =	sdelay $0x1  }
0xa1: {  	s23 =	simm.s32 $0x1B8B  }
0xa2: {  	_ =	swait.ge [sflag:s23], $0x1  }
0xa3: {  	[sflag:s23] =	ssyncset.done $0x0  }
0xa4: {  	s25 =	simm.s32 $0x1B8E;
	s24 =	sld [smem:$0x3FFE];
	[sflag:s23] =	ssyncadd.s32 $0xFFFFFFFF  }
0xa5: {  	s26 =	simm.s32 $execute0_lowered;
	[smem:$0x3FD2] =	sst s25  }
0xa6: {  	s4 =	sshll.u32 s26, $0x1;
	_ =	strace $0x80000046;
	[dreg:$0x1] =	wrdreg $0xFFFFFFFF  }
0xa7: {  	s28 =	simm.s32 $_size_execute0_lowered;
	s2 =	sadd.s32 s2, s4;
	[dreg:$0x0] =	wrdreg $0x0  }
0xa8: {  	s4 =	sshll.u32 s28, $0x1;
	[dreg:$0x2] =	wrdreg s2  }
0xa9: {  	[dreg:$0x3] =	wrdreg s4  }
0xaa: {  	[dreg:$0x4] =	wrdreg $0xC0  }
0xab: {  	_ =	task [dreg:s6], $0x5FFFF  }
0xac: {  	[dreg:$0x1] =	wrdreg $0xFFFFFFFF  }
0xad: {  	[dreg:$0x0] =	wrdreg $0x60  }
0xae: {  	[dreg:$0x2] =	wrdreg s24  }
0xaf: {  	[dreg:$0x3] =	wrdreg $0x0  }
0xb0: {  	[dreg:$0x4] =	wrdreg $0x9  }
0xb1: {  	_ =	task.clear_ibuf [dreg:s6], $0x5FFFF;
	_ =	strace $0x90000046  }
0xb2: {  	s29 =	simm.s32 $0x9;
	_ =	strace $0x80000048  }
0xb3: {  	_ =	swait.ge [sflag:s29], $0x1  }
0xb4: {  	[sflag:s29] =	ssyncadd.s32 $0xFFFFFFFF  }
0xb5: {  	_ =	strace $0x90000048  }
0xb6: {  	_ =	sfence  }
0xb7: {  	s30 =	sld [smem:$0x0];
	_ =	sdelay $0x2  }
0xb8: {  	s31 =	sshll.u32 s1, $0xD;
	s1 =	sshrl.u32 s1, $0x2  }
0xb9: {  	s3 =	sand.u32 $0x4000, s31;
	s1 =	sadd.s32 s1, s30  }
0xba: {  	s0 =	sor.u32 s3, s0;
	s1 =	sshll.u32 s1, $0x11  }
0xbb: {  	s0 =	sor.u32 s1, s0  }
0xbc: {  	s0 =	sadd.s32 $0x8F2B, s0  }
0xbd: {  	[sflag:s0] =	ssyncadd.remote.s32 $0x1  }
0xbe: {  	_ =	sfence.sel $0xFFFF  }
0xbf: {  	[dreg:$0x0] =	wrdreg $0xFFFFFFFF;
	(pc) =	sbr.abs _section_cstart, $3  }
0xc0: {  	[dreg:$0x1] =	wrdreg $0xFFFFFFFF  }
0xc1: {  	_ =	task.clear_ibuf [dreg:s6], $0x2FFFF;
	_ =	strace $0x9FFFFFFF  }
0xc2: {  	(tm) =	ssettm $0x7FFFFFFF  }
0xc3: {  	_ =	shalt  }
tec
execute0_lowered:
.L_overlay_start_1:
0x0: {  	(tag) =	ssettag $0x1  }
0x1: {  	s0 =	srdreg.scid;
	s1 =	rddreg [dreg:$0x0]  }
0x2: {  	s9 =	stileid.u32;
	s2 =	rddreg [dreg:$0x1]  }
0x3: {  	s3 =	simm.s32 $0x0;
	s10 =	simm.s32 $0x2;
	s11 =	simm.s32 $0x18700  }
0x4: {  	s12 =	simm.s32 $0x18B00;
	s13 =	simm.s32 $0x80;
	s14 =	simm.s32 $0x18F00  }
0x5: {  	s23 =	simm.s32 $0x18780;
	s24 =	simm.s32 $0x18800;
	s25 =	simm.s32 $0x18880  }
0x6: {  	s28 =	simm.s32 $0x1;
	s29 =	simm.s32 $0x18B80;
	s30 =	simm.s32 $0x18C00  }
0x7: {  	s31 =	simm.s32 $0x18C80;
	s0 =	sand.u32 $0x1, s0;
	s5 =	smul.u32 $0xC400, s9  }
0x8: {  	[smem:$0x7FF] =	sst s3;
	s15 =	smul.u32 $0x30D40, s9;
	s8 =	sadd.s32 $0x3000, s1  }
0x9: {  	s16 =	smul.u32 $0x61C00, s9;
	_ =	strace $0x80000047;
	[dreg:$0x8] =	wrdreg s8  }
0xa: {  	s18 =	sshll.u32 s9, $0x6;
	s9 =	smul.u32 $0x61A80, s9;
	[dreg:$0x5] =	wrdreg s23  }
0xb: {  	s4 =	smul.u32 $0xC4000, s0;
	s7 =	sshll.u32 s0, $0x4;
	[dreg:$0x6] =	wrdreg s24  }
0xc: {  	s0 =	ssub.s32 $0x2, s0;
	s8 =	sor.u32 $0x1C02, s18;
	[dreg:$0x7] =	wrdreg s25  }
0xd: {  	s18 =	simm.s32 $0x18900;
	s23 =	simm.s32 $0x1BF00;
	s24 =	simm.s32 $0x18A80  }
0xe: {  	s17 =	sshrl.u32 s0, $0x1;
	s20 =	sshrl.u32 s9, $0x2;
	s9 =	simm.s32 $0x0  }
0xf: {  	[dreg:$0x9] =	wrdreg s8;
	s4 =	sadd.s32 s5, s4;
	s5 =	sor.u32 s7, s15  }
0x10: {  	s7 =	sshrl.u32 s16, $0x2;
	s0 =	ssub.s32 s0, s17;
	s15 =	simm.s32 $0x19700  }
0x11: {  	s16 =	simm.s32 $0x19F00;
	s17 =	simm.s32 $0x1A700;
	s6 =	sshrl.u32 s4, $0x3  }
0x12: {  	s4 =	sadd.s32 $0x204A00, s1;
	s5 =	sshrl.u32 s5, $0x3;
	s19 =	sadd.s32 s7, s2  }
0x13: {  	s0 =	smax.u32 s0, $0x1;
	s7 =	simm.s32 $0x18E80;
	s6 =	sadd.s32 s6, s1  }
0x14: {  	s1 =	sadd.s32 s5, s1;
	[dreg:$0xb] =	wrdreg s0;
	s22 =	sshrl.u32 s19, $0x3  }
0x15: {  	s19 =	simm.s32 $0x1AF00;
	s1 =	sadd.s32 $0x266600, s1;
	[dreg:$0xc] =	wrdreg s22  }
0x16: {  	s0 =	simm.s32 $0x18D80;
	s21 =	sadd.s32 $0x1A2A00, s6;
	[dreg:$0xa] =	wrdreg s1  }
0x17: {  	s5 =	simm.s32 $0x18E00;
	s6 =	sadd.s32 $0x1D3A00, s6;
	[dreg:$0x3] =	wrdreg s21  }
0x18: {  	s22 =	simm.s32 $0x18A00;
	s1 =	sadd.s32 s20, s2;
	[dreg:$0x4] =	wrdreg s6  }
0x19: {  	s20 =	simm.s32 $0x18980;
	s21 =	simm.s32 $0x1B700;
	s26 =	sshrl.u32 s1, $0x3  }
0x1a: {  	s1 =	simm.s32 $0x18D00;
	[dreg:$0xd] =	wrdreg s26;
	s26 =	simm.s32 $0x1C700  }
.LBB2_1:
0x1b: {  	[dreg:$0xe] =	wrdreg s9  }
0x1c: {  	s6 =	rddreg [dreg:$0x8]  }
0x1d: {  	s25 =	rddreg [dreg:$0xc]  }
0x1e: {  	[spmem:s25], [sflag:s8] =	dma.local [hbm:s6], $0x30E0  }
0x1f: {  	_ =	swait.ge [sflag:s10], $0x30E0  }
0x20: {  	[sflag:s10] =	ssyncset.done $0x0  }
0x21: {  	[sflag:s10] =	ssyncadd.s32 $0xFFFFCF20  }
0x22: {  	[bflag:$0x0] =	sbarrier.arrive $0xFFFF  }
0x23: {  	s8 =	rddreg [dreg:$0x4]  }
0x24: {  	s6 =	sadd.s32 $0x0, s8  }
0x25: {  	[tilespmem:s11], [sflag:$0x2] =	stream.linear.gather [hbm4b:s6+s3], $0x400, $0x38;
	[tilespmem:$0x1CF00] =	vst v63  }
0x26: {  	_ =	swait.ge [sflag:s10], $0x400  }
0x27: {  	s9 =	rddreg [dreg:$0x3];
	[sflag:s10] =	ssyncset.done $0x0  }
0x28: {  	[sflag:s10] =	ssyncadd.s32 $0xFFFFFC00;
	s6 =	sadd.s32 $0x0, s9  }
0x29: {  	[tilespmem:s12], [sflag:$0x2] =	stream.linear.gather [hbm4b:s6+s3], $0x400, $0x38;
	[tilespmem:$0x1CF00] =	vst v63  }
0x2a: {  	_ =	swait.ge [sflag:s10], $0x400  }
0x2b: {  	[sflag:s10] =	ssyncset.done $0x0  }
0x2c: {  	[sflag:s10] =	ssyncadd.s32 $0xFFFFFC00  }
0x2d: {  	[tilespmem:s14], [sflag:$0x1] =	stream.indirect.gather [hbm4b:s4+s13], $0x10, s11, s13, $0xb8;
	[tilespmem:$0x1CF00] =	vst v63  }
0x2e: {  	s25 =	rddreg [dreg:$0x5]  }
0x2f: {  	[tilespmem:s15], [sflag:$0x1] =	stream.indirect.gather [hbm4b:s4+s13], $0x10, s25, s13, $0xb8;
	[tilespmem:$0x1CF00] =	vst v63  }
0x30: {  	s8 =	rddreg [dreg:$0x6]  }
0x31: {  	[tilespmem:s16], [sflag:$0x1] =	stream.indirect.gather [hbm4b:s4+s13], $0x10, s8, s13, $0xb8;
	[tilespmem:$0x1CF00] =	vst v63  }
0x32: {  	s25 =	rddreg [dreg:$0x7]  }
0x33: {  	[tilespmem:s17], [sflag:$0x1] =	stream.indirect.gather [hbm4b:s4+s13], $0x10, s25, s13, $0xb8;
	[tilespmem:$0x1CF00] =	vst v63  }
0x34: {  	_ = 	snop  }
0x35: {  	[tilespmem:s19], [sflag:$0x1] =	stream.indirect.gather [hbm4b:s4+s13], $0x10, s18, s13, $0xb8;
	[tilespmem:$0x1CF00] =	vst v63  }
0x36: {  	_ = 	snop  }
0x37: {  	[tilespmem:s21], [sflag:$0x1] =	stream.indirect.gather [hbm4b:s4+s13], $0x10, s20, s13, $0xb8;
	[tilespmem:$0x1CF00] =	vst v63  }
0x38: {  	_ = 	snop  }
0x39: {  	[tilespmem:s23], [sflag:$0x1] =	stream.indirect.gather [hbm4b:s4+s13], $0x10, s22, s13, $0xb8;
	[tilespmem:$0x1CF00] =	vst v63  }
0x3a: {  	_ = 	snop  }
0x3b: {  	[tilespmem:s26], [sflag:$0x1] =	stream.indirect.gather [hbm4b:s4+s13], $0x10, s24, s13, $0xb8;
	[tilespmem:$0x1CF00] =	vst v63  }
0x3c: {  	_ =	swait.ge [sflag:s28], $0x800  }
0x3d: {  	[sflag:s28] =	ssyncset.done $0x0  }
0x3e: {  	[sflag:s28] =	ssyncadd.s32 $0xFFFFF800  }
0x3f: {  	[spmem:s2] =	stream.indirect.scatter.add.f32 [tilespmem:s14], [sflag:$0x2], $0x10, s12, s13, $0xb8;
	[tilespmem:$0x1CF00] =	vst v63  }
0x40: {  	_ =	swait.ge [sflag:s10], $0x800  }
0x41: {  	[sflag:s10] =	ssyncset.done $0x0  }
0x42: {  	[sflag:s10] =	ssyncadd.s32 $0xFFFFF800  }
0x43: {  	_ =	swait.ge [sflag:s28], $0x800  }
0x44: {  	[sflag:s28] =	ssyncset.done $0x0  }
0x45: {  	[sflag:s28] =	ssyncadd.s32 $0xFFFFF800  }
0x46: {  	[spmem:s2] =	stream.indirect.scatter.add.f32 [tilespmem:s15], [sflag:$0x2], $0x10, s29, s13, $0xb8;
	[tilespmem:$0x1CF00] =	vst v63  }
0x47: {  	_ =	swait.ge [sflag:s10], $0x800  }
0x48: {  	[sflag:s10] =	ssyncset.done $0x0  }
0x49: {  	[sflag:s10] =	ssyncadd.s32 $0xFFFFF800  }
0x4a: {  	_ =	swait.ge [sflag:s28], $0x800  }
0x4b: {  	[sflag:s28] =	ssyncset.done $0x0  }
0x4c: {  	[sflag:s28] =	ssyncadd.s32 $0xFFFFF800  }
0x4d: {  	[spmem:s2] =	stream.indirect.scatter.add.f32 [tilespmem:s16], [sflag:$0x2], $0x10, s30, s13, $0xb8;
	[tilespmem:$0x1CF00] =	vst v63  }
0x4e: {  	_ =	swait.ge [sflag:s10], $0x800  }
0x4f: {  	[sflag:s10] =	ssyncset.done $0x0  }
0x50: {  	[sflag:s10] =	ssyncadd.s32 $0xFFFFF800  }
0x51: {  	_ =	swait.ge [sflag:s28], $0x800  }
0x52: {  	[sflag:s28] =	ssyncset.done $0x0  }
0x53: {  	[sflag:s28] =	ssyncadd.s32 $0xFFFFF800  }
0x54: {  	[spmem:s2] =	stream.indirect.scatter.add.f32 [tilespmem:s17], [sflag:$0x2], $0x10, s31, s13, $0xb8;
	[tilespmem:$0x1CF00] =	vst v63  }
0x55: {  	_ =	swait.ge [sflag:s10], $0x800  }
0x56: {  	[sflag:s10] =	ssyncset.done $0x0  }
0x57: {  	[sflag:s10] =	ssyncadd.s32 $0xFFFFF800  }
0x58: {  	_ =	swait.ge [sflag:s28], $0x800  }
0x59: {  	[sflag:s28] =	ssyncset.done $0x0  }
0x5a: {  	[sflag:s28] =	ssyncadd.s32 $0xFFFFF800  }
0x5b: {  	[spmem:s2] =	stream.indirect.scatter.add.f32 [tilespmem:s19], [sflag:$0x2], $0x10, s1, s13, $0xb8;
	[tilespmem:$0x1CF00] =	vst v63  }
0x5c: {  	_ =	swait.ge [sflag:s10], $0x800  }
0x5d: {  	[sflag:s10] =	ssyncset.done $0x0  }
0x5e: {  	[sflag:s10] =	ssyncadd.s32 $0xFFFFF800  }
0x5f: {  	_ =	swait.ge [sflag:s28], $0x800  }
0x60: {  	[sflag:s28] =	ssyncset.done $0x0  }
0x61: {  	[sflag:s28] =	ssyncadd.s32 $0xFFFFF800  }
0x62: {  	[spmem:s2] =	stream.indirect.scatter.add.f32 [tilespmem:s21], [sflag:$0x2], $0x10, s0, s13, $0xb8;
	[tilespmem:$0x1CF00] =	vst v63  }
0x63: {  	_ =	swait.ge [sflag:s10], $0x800  }
0x64: {  	[sflag:s10] =	ssyncset.done $0x0  }
0x65: {  	[sflag:s10] =	ssyncadd.s32 $0xFFFFF800  }
0x66: {  	_ =	swait.ge [sflag:s28], $0x800  }
0x67: {  	[sflag:s28] =	ssyncset.done $0x0  }
0x68: {  	[sflag:s28] =	ssyncadd.s32 $0xFFFFF800  }
0x69: {  	[spmem:s2] =	stream.indirect.scatter.add.f32 [tilespmem:s23], [sflag:$0x2], $0x10, s5, s13, $0xb8;
	[tilespmem:$0x1CF00] =	vst v63  }
0x6a: {  	_ =	swait.ge [sflag:s10], $0x800  }
0x6b: {  	[sflag:s10] =	ssyncset.done $0x0  }
0x6c: {  	[sflag:s10] =	ssyncadd.s32 $0xFFFFF800  }
0x6d: {  	_ =	swait.ge [sflag:s28], $0x800  }
0x6e: {  	[sflag:s28] =	ssyncset.done $0x0  }
0x6f: {  	[sflag:s28] =	ssyncadd.s32 $0xFFFFF800  }
0x70: {  	[spmem:s2] =	stream.indirect.scatter.add.f32 [tilespmem:s26], [sflag:$0x2], $0x10, s7, s13, $0xb8;
	[tilespmem:$0x1CF00] =	vst v63  }
0x71: {  	s9 =	simm.s32 $0x80;
	_ =	swait.ge [sflag:s10], $0x800  }
0x72: {  	s25 =	simm.s32 $0x100;
	s6 =	rddreg [dreg:$0x4];
	[sflag:s10] =	ssyncset.done $0x0  }
.LBB2_2:
0x73: {  	[sflag:s10] =	ssyncadd.s32 $0xFFFFF800;
	s6 =	sadd.s32 s9, s6  }
0x74: {  	[tilespmem:s11], [sflag:$0x2] =	stream.linear.gather [hbm4b:s6+s3], $0x400, $0x38;
	[tilespmem:$0x1CF00] =	vst v63  }
0x75: {  	_ =	swait.ge [sflag:s10], $0x400  }
0x76: {  	s6 =	rddreg [dreg:$0x3];
	[sflag:s10] =	ssyncset.done $0x0  }
0x77: {  	[sflag:s10] =	ssyncadd.s32 $0xFFFFFC00;
	s6 =	sadd.s32 s9, s6  }
0x78: {  	[tilespmem:s12], [sflag:$0x2] =	stream.linear.gather [hbm4b:s6+s3], $0x400, $0x38;
	[tilespmem:$0x1CF00] =	vst v63  }
0x79: {  	_ =	swait.ge [sflag:s10], $0x400  }
0x7a: {  	[sflag:s10] =	ssyncset.done $0x0  }
0x7b: {  	[sflag:s10] =	ssyncadd.s32 $0xFFFFFC00  }
0x7c: {  	[tilespmem:s14], [sflag:$0x1] =	stream.indirect.gather [hbm4b:s4+s13], $0x10, s11, s13, $0xb8;
	[tilespmem:$0x1CF00] =	vst v63  }
0x7d: {  	s8 =	smov.u32 s25;
	s6 =	rddreg [dreg:$0x5]  }
0x7e: {  	[tilespmem:s15], [sflag:$0x1] =	stream.indirect.gather [hbm4b:s4+s13], $0x10, s6, s13, $0xb8;
	[tilespmem:$0x1CF00] =	vst v63  }
0x7f: {  	s9 =	smov.u32 s8;
	s8 =	rddreg [dreg:$0x6]  }
0x80: {  	[tilespmem:s16], [sflag:$0x1] =	stream.indirect.gather [hbm4b:s4+s13], $0x10, s8, s13, $0xb8;
	[tilespmem:$0x1CF00] =	vst v63  }
0x81: {  	s6 =	rddreg [dreg:$0x7]  }
0x82: {  	[tilespmem:s17], [sflag:$0x1] =	stream.indirect.gather [hbm4b:s4+s13], $0x10, s6, s13, $0xb8;
	[tilespmem:$0x1CF00] =	vst v63  }
0x83: {  	_ = 	snop  }
0x84: {  	[tilespmem:s19], [sflag:$0x1] =	stream.indirect.gather [hbm4b:s4+s13], $0x10, s18, s13, $0xb8;
	[tilespmem:$0x1CF00] =	vst v63  }
0x85: {  	_ = 	snop  }
0x86: {  	[tilespmem:s21], [sflag:$0x1] =	stream.indirect.gather [hbm4b:s4+s13], $0x10, s20, s13, $0xb8;
	[tilespmem:$0x1CF00] =	vst v63  }
0x87: {  	_ = 	snop  }
0x88: {  	[tilespmem:s23], [sflag:$0x1] =	stream.indirect.gather [hbm4b:s4+s13], $0x10, s22, s13, $0xb8;
	[tilespmem:$0x1CF00] =	vst v63  }
0x89: {  	_ = 	snop  }
0x8a: {  	[tilespmem:s26], [sflag:$0x1] =	stream.indirect.gather [hbm4b:s4+s13], $0x10, s24, s13, $0xb8;
	[tilespmem:$0x1CF00] =	vst v63  }
0x8b: {  	_ =	swait.ge [sflag:s28], $0x800  }
0x8c: {  	[sflag:s28] =	ssyncset.done $0x0  }
0x8d: {  	[sflag:s28] =	ssyncadd.s32 $0xFFFFF800  }
0x8e: {  	[spmem:s2] =	stream.indirect.scatter.add.f32 [tilespmem:s14], [sflag:$0x2], $0x10, s12, s13, $0xb8;
	[tilespmem:$0x1CF00] =	vst v63  }
0x8f: {  	_ =	swait.ge [sflag:s10], $0x800  }
0x90: {  	[sflag:s10] =	ssyncset.done $0x0  }
0x91: {  	[sflag:s10] =	ssyncadd.s32 $0xFFFFF800  }
0x92: {  	_ =	swait.ge [sflag:s28], $0x800  }
0x93: {  	[sflag:s28] =	ssyncset.done $0x0  }
0x94: {  	[sflag:s28] =	ssyncadd.s32 $0xFFFFF800  }
0x95: {  	[spmem:s2] =	stream.indirect.scatter.add.f32 [tilespmem:s15], [sflag:$0x2], $0x10, s29, s13, $0xb8;
	[tilespmem:$0x1CF00] =	vst v63  }
0x96: {  	_ =	swait.ge [sflag:s10], $0x800  }
0x97: {  	[sflag:s10] =	ssyncset.done $0x0  }
0x98: {  	[sflag:s10] =	ssyncadd.s32 $0xFFFFF800  }
0x99: {  	_ =	swait.ge [sflag:s28], $0x800  }
0x9a: {  	[sflag:s28] =	ssyncset.done $0x0  }
0x9b: {  	[sflag:s28] =	ssyncadd.s32 $0xFFFFF800  }
0x9c: {  	[spmem:s2] =	stream.indirect.scatter.add.f32 [tilespmem:s16], [sflag:$0x2], $0x10, s30, s13, $0xb8;
	[tilespmem:$0x1CF00] =	vst v63  }
0x9d: {  	_ =	swait.ge [sflag:s10], $0x800  }
0x9e: {  	[sflag:s10] =	ssyncset.done $0x0  }
0x9f: {  	[sflag:s10] =	ssyncadd.s32 $0xFFFFF800  }
0xa0: {  	_ =	swait.ge [sflag:s28], $0x800  }
0xa1: {  	[sflag:s28] =	ssyncset.done $0x0  }
0xa2: {  	[sflag:s28] =	ssyncadd.s32 $0xFFFFF800  }
0xa3: {  	[spmem:s2] =	stream.indirect.scatter.add.f32 [tilespmem:s17], [sflag:$0x2], $0x10, s31, s13, $0xb8;
	[tilespmem:$0x1CF00] =	vst v63  }
0xa4: {  	_ =	swait.ge [sflag:s10], $0x800  }
0xa5: {  	[sflag:s10] =	ssyncset.done $0x0  }
0xa6: {  	[sflag:s10] =	ssyncadd.s32 $0xFFFFF800  }
0xa7: {  	_ =	swait.ge [sflag:s28], $0x800  }
0xa8: {  	[sflag:s28] =	ssyncset.done $0x0  }
0xa9: {  	[sflag:s28] =	ssyncadd.s32 $0xFFFFF800  }
0xaa: {  	[spmem:s2] =	stream.indirect.scatter.add.f32 [tilespmem:s19], [sflag:$0x2], $0x10, s1, s13, $0xb8;
	[tilespmem:$0x1CF00] =	vst v63  }
0xab: {  	_ =	swait.ge [sflag:s10], $0x800  }
0xac: {  	[sflag:s10] =	ssyncset.done $0x0  }
0xad: {  	[sflag:s10] =	ssyncadd.s32 $0xFFFFF800  }
0xae: {  	_ =	swait.ge [sflag:s28], $0x800  }
0xaf: {  	[sflag:s28] =	ssyncset.done $0x0  }
0xb0: {  	[sflag:s28] =	ssyncadd.s32 $0xFFFFF800  }
0xb1: {  	[spmem:s2] =	stream.indirect.scatter.add.f32 [tilespmem:s21], [sflag:$0x2], $0x10, s0, s13, $0xb8;
	[tilespmem:$0x1CF00] =	vst v63  }
0xb2: {  	_ =	swait.ge [sflag:s10], $0x800  }
0xb3: {  	[sflag:s10] =	ssyncset.done $0x0  }
0xb4: {  	[sflag:s10] =	ssyncadd.s32 $0xFFFFF800  }
0xb5: {  	_ =	swait.ge [sflag:s28], $0x800  }
0xb6: {  	[sflag:s28] =	ssyncset.done $0x0  }
0xb7: {  	[sflag:s28] =	ssyncadd.s32 $0xFFFFF800  }
0xb8: {  	[spmem:s2] =	stream.indirect.scatter.add.f32 [tilespmem:s23], [sflag:$0x2], $0x10, s5, s13, $0xb8;
	[tilespmem:$0x1CF00] =	vst v63  }
0xb9: {  	_ =	swait.ge [sflag:s10], $0x800  }
0xba: {  	[sflag:s10] =	ssyncset.done $0x0  }
0xbb: {  	[sflag:s10] =	ssyncadd.s32 $0xFFFFF800  }
0xbc: {  	p0 =	sne.s32 s25, $0x1800;
	_ =	swait.ge [sflag:s28], $0x800  }
.Ltmp0:
0xbd: {  	[sflag:s28] =	ssyncset.done $0x0;
	(pc) =	sbr.rel @p0 .LBB2_2-.Ltmp0, $4  }
0xbe: {  	[sflag:s28] =	ssyncadd.s32 $0xFFFFF800  }
0xbf: {  	[spmem:s2] =	stream.indirect.scatter.add.f32 [tilespmem:s26], [sflag:$0x2], $0x10, s7, s13, $0xb8;
	[tilespmem:$0x1CF00] =	vst v63  }
0xc0: {  	_ =	swait.ge [sflag:s10], $0x800  }
0xc1: {  	s25 =	sadd.s32 $0x80, s25;
	s6 =	rddreg [dreg:$0x4];
	[sflag:s10] =	ssyncset.done $0x0  }
0xc2: {  	[sflag:s10] =	ssyncadd.s32 $0xFFFFF800;
	s6 =	sadd.s32 s9, s6  }
0xc3: {  	[tilespmem:s11], [sflag:$0x2] =	stream.linear.gather [hbm4b:s6+s3], $0x400, $0x38;
	[tilespmem:$0x1CF00] =	vst v63  }
0xc4: {  	_ =	swait.ge [sflag:s10], $0x400  }
0xc5: {  	s8 =	rddreg [dreg:$0x3];
	[sflag:s10] =	ssyncset.done $0x0  }
0xc6: {  	[sflag:s10] =	ssyncadd.s32 $0xFFFFFC00;
	s6 =	sadd.s32 s9, s8  }
0xc7: {  	[tilespmem:s12], [sflag:$0x2] =	stream.linear.gather [hbm4b:s6+s3], $0x400, $0x38;
	[tilespmem:$0x1CF00] =	vst v63  }
0xc8: {  	_ =	swait.ge [sflag:s10], $0x400  }
0xc9: {  	[sflag:s10] =	ssyncset.done $0x0  }
0xca: {  	[sflag:s10] =	ssyncadd.s32 $0xFFFFFC00  }
0xcb: {  	[tilespmem:s14], [sflag:$0x1] =	stream.indirect.gather [hbm4b:s4+s13], $0x10, s11, s13, $0xb8;
	[tilespmem:$0x1CF00] =	vst v63  }
0xcc: {  	s9 =	rddreg [dreg:$0x5]  }
0xcd: {  	[tilespmem:s15], [sflag:$0x1] =	stream.indirect.gather [hbm4b:s4+s13], $0x10, s9, s13, $0xb8;
	[tilespmem:$0x1CF00] =	vst v63  }
0xce: {  	s8 =	rddreg [dreg:$0x6]  }
0xcf: {  	[tilespmem:s16], [sflag:$0x1] =	stream.indirect.gather [hbm4b:s4+s13], $0x10, s8, s13, $0xb8;
	[tilespmem:$0x1CF00] =	vst v63  }
0xd0: {  	s25 =	rddreg [dreg:$0x7]  }
0xd1: {  	[tilespmem:s17], [sflag:$0x1] =	stream.indirect.gather [hbm4b:s4+s13], $0x10, s25, s13, $0xb8;
	[tilespmem:$0x1CF00] =	vst v63  }
0xd2: {  	_ = 	snop  }
0xd3: {  	[tilespmem:s19], [sflag:$0x1] =	stream.indirect.gather [hbm4b:s4+s13], $0x10, s18, s13, $0xb8;
	[tilespmem:$0x1CF00] =	vst v63  }
0xd4: {  	_ = 	snop  }
0xd5: {  	[tilespmem:s21], [sflag:$0x1] =	stream.indirect.gather [hbm4b:s4+s13], $0x10, s20, s13, $0xb8;
	[tilespmem:$0x1CF00] =	vst v63  }
0xd6: {  	_ = 	snop  }
0xd7: {  	[tilespmem:s23], [sflag:$0x1] =	stream.indirect.gather [hbm4b:s4+s13], $0x10, s22, s13, $0xb8;
	[tilespmem:$0x1CF00] =	vst v63  }
0xd8: {  	_ = 	snop  }
0xd9: {  	[tilespmem:s26], [sflag:$0x1] =	stream.indirect.gather [hbm4b:s4+s13], $0x10, s24, s13, $0xb8;
	[tilespmem:$0x1CF00] =	vst v63  }
0xda: {  	_ =	swait.ge [sflag:s28], $0x800  }
0xdb: {  	[sflag:s28] =	ssyncset.done $0x0  }
0xdc: {  	[sflag:s28] =	ssyncadd.s32 $0xFFFFF800  }
0xdd: {  	[spmem:s2] =	stream.indirect.scatter.add.f32 [tilespmem:s14], [sflag:$0x2], $0x10, s12, s13, $0xb8;
	[tilespmem:$0x1CF00] =	vst v63  }
0xde: {  	_ =	swait.ge [sflag:s10], $0x800  }
0xdf: {  	[sflag:s10] =	ssyncset.done $0x0  }
0xe0: {  	[sflag:s10] =	ssyncadd.s32 $0xFFFFF800  }
0xe1: {  	_ =	swait.ge [sflag:s28], $0x800  }
0xe2: {  	[sflag:s28] =	ssyncset.done $0x0  }
0xe3: {  	[sflag:s28] =	ssyncadd.s32 $0xFFFFF800  }
0xe4: {  	[spmem:s2] =	stream.indirect.scatter.add.f32 [tilespmem:s15], [sflag:$0x2], $0x10, s29, s13, $0xb8;
	[tilespmem:$0x1CF00] =	vst v63  }
0xe5: {  	_ =	swait.ge [sflag:s10], $0x800  }
0xe6: {  	[sflag:s10] =	ssyncset.done $0x0  }
0xe7: {  	[sflag:s10] =	ssyncadd.s32 $0xFFFFF800  }
0xe8: {  	_ =	swait.ge [sflag:s28], $0x800  }
0xe9: {  	[sflag:s28] =	ssyncset.done $0x0  }
0xea: {  	[sflag:s28] =	ssyncadd.s32 $0xFFFFF800  }
0xeb: {  	[spmem:s2] =	stream.indirect.scatter.add.f32 [tilespmem:s16], [sflag:$0x2], $0x10, s30, s13, $0xb8;
	[tilespmem:$0x1CF00] =	vst v63  }
0xec: {  	_ =	swait.ge [sflag:s10], $0x800  }
0xed: {  	[sflag:s10] =	ssyncset.done $0x0  }
0xee: {  	[sflag:s10] =	ssyncadd.s32 $0xFFFFF800  }
0xef: {  	_ =	swait.ge [sflag:s28], $0x800  }
0xf0: {  	[sflag:s28] =	ssyncset.done $0x0  }
0xf1: {  	[sflag:s28] =	ssyncadd.s32 $0xFFFFF800  }
0xf2: {  	[spmem:s2] =	stream.indirect.scatter.add.f32 [tilespmem:s17], [sflag:$0x2], $0x10, s31, s13, $0xb8;
	[tilespmem:$0x1CF00] =	vst v63  }
0xf3: {  	_ =	swait.ge [sflag:s10], $0x800  }
0xf4: {  	[sflag:s10] =	ssyncset.done $0x0  }
0xf5: {  	[sflag:s10] =	ssyncadd.s32 $0xFFFFF800  }
0xf6: {  	_ =	swait.ge [sflag:s28], $0x800  }
0xf7: {  	[sflag:s28] =	ssyncset.done $0x0  }
0xf8: {  	[sflag:s28] =	ssyncadd.s32 $0xFFFFF800  }
0xf9: {  	[spmem:s2] =	stream.indirect.scatter.add.f32 [tilespmem:s19], [sflag:$0x2], $0x10, s1, s13, $0xb8;
	[tilespmem:$0x1CF00] =	vst v63  }
0xfa: {  	_ =	swait.ge [sflag:s10], $0x800  }
0xfb: {  	[sflag:s10] =	ssyncset.done $0x0  }
0xfc: {  	[sflag:s10] =	ssyncadd.s32 $0xFFFFF800  }
0xfd: {  	_ =	swait.ge [sflag:s28], $0x800  }
0xfe: {  	[sflag:s28] =	ssyncset.done $0x0  }
0xff: {  	[sflag:s28] =	ssyncadd.s32 $0xFFFFF800  }
0x100: {  	[spmem:s2] =	stream.indirect.scatter.add.f32 [tilespmem:s21], [sflag:$0x2], $0x10, s0, s13, $0xb8;
	[tilespmem:$0x1CF00] =	vst v63  }
0x101: {  	_ =	swait.ge [sflag:s10], $0x800  }
0x102: {  	[sflag:s10] =	ssyncset.done $0x0  }
0x103: {  	[sflag:s10] =	ssyncadd.s32 $0xFFFFF800  }
0x104: {  	_ =	swait.ge [sflag:s28], $0x800  }
0x105: {  	[sflag:s28] =	ssyncset.done $0x0  }
0x106: {  	[sflag:s28] =	ssyncadd.s32 $0xFFFFF800  }
0x107: {  	[spmem:s2] =	stream.indirect.scatter.add.f32 [tilespmem:s23], [sflag:$0x2], $0x10, s5, s13, $0xb8;
	[tilespmem:$0x1CF00] =	vst v63  }
0x108: {  	_ =	swait.ge [sflag:s10], $0x800  }
0x109: {  	[sflag:s10] =	ssyncset.done $0x0  }
0x10a: {  	[sflag:s10] =	ssyncadd.s32 $0xFFFFF800  }
0x10b: {  	_ =	swait.ge [sflag:s28], $0x800  }
0x10c: {  	[sflag:s28] =	ssyncset.done $0x0  }
0x10d: {  	[sflag:s28] =	ssyncadd.s32 $0xFFFFF800  }
0x10e: {  	[spmem:s2] =	stream.indirect.scatter.add.f32 [tilespmem:s26], [sflag:$0x2], $0x10, s7, s13, $0xb8;
	[tilespmem:$0x1CF00] =	vst v63  }
0x10f: {  	_ =	swait.ge [sflag:s10], $0x800  }
0x110: {  	[sflag:s10] =	ssyncset.done $0x0  }
0x111: {  	[sflag:s10] =	ssyncadd.s32 $0xFFFFF800  }
0x112: {  	[bflag:$0x0] =	sbarrier.arrive $0xFFFF  }
0x113: {  	s8 =	rddreg [dreg:$0x9]  }
0x114: {  	s6 =	rddreg [dreg:$0xa]  }
0x115: {  	s25 =	simm.s32 $0x4;
	s9 =	rddreg [dreg:$0xd]  }
0x116: {  	[hbm:s6@s25], [sflag:s8] =	dma.strided [spmem:s9@s10], $0x30D4, s28, $0x2   }
0x117: {  	_ =	swait.ge [sflag:s10], $0x30D4  }
0x118: {  	s6 =	rddreg [dreg:$0xe]  }
0x119: {  	s25 =	rddreg [dreg:$0xb];
	s9 =	sadd.s32 $0x1, s6  }
0x11a: {  	p0 =	sne.s32 s9, s25  }
.Ltmp1:
0x11b: {  	_ = 	snop;
	(pc) =	sbr.rel @p0 .LBB2_1-.Ltmp1, $3  }
0x11c: {  	_ =	sdelay $0x1  }
0x11d: {  	[sflag:s10] =	ssyncset.done $0x0  }
0x11e: {  	[sflag:s10] =	ssyncadd.s32 $0xFFFFCF2C  }
0x11f: {  	_ =	sfence.sel $0x180000  }
0x120: {  	[bflag:$0x0] =	sbarrier.arrive $0xFFFF  }
0x121: {  	_ =	strace $0x90000047  }
0x122: {  	s0 =	stileid.u32;
	[bflag:$0x2] =	sbarrier.arrive $0xFFFF  }
0x123: {  	p0 =	sne.s32 s0, $0x0;
	s0 =	rddreg [dreg:$0x2]  }
0x124: {  	s0 =	sadd.s32 @!p0 $0x100000, s0  }
0x125: {  	[sflag:s0] =	ssyncadd.tile.s32 @!p0 $0x1;
	_ =	shalt  }
.Lfunc_end2:
_tile_overlayer_lowered:
.L_overlay_start_2:
0x126: {  	(tag) =	ssettag $0x2  }
0x127: {  	s0 =	rddreg [dreg:$0x0];
	s2 =	stileid.u32  }
0x128: {  	s1 =	rddreg [dreg:$0x1];
	p0 =	sne.s32 s2, $0x0  }
0x129: {  	s3 =	rddreg [dreg:$0x2];
	[bflag:$0x3] =	sbarrier.arrive $0xFFFF;
	s2 =	simm.s32 @!p0 $0x1C02  }
0x12a: {  	[timem:s3], [sflag:s2] =	dma.local @!p0 [hbm:s0], s1  }
0x12b: {  	s0 =	simm.s32 @!p0 $0x2  }
0x12c: {  	_ =	swait.ge @!p0 [sflag:s0], s1  }
0x12d: {  	s1 =	ssub.s32 @!p0 $0x0, s1;
	[sflag:s0] =	ssyncset.done @!p0 $0x0  }
0x12e: {  	[sflag:s0] =	ssyncadd.s32 @!p0 s1  }
0x12f: {  	[bflag:$0x3] =	sbarrier.arrive $0xFFFF  }
0x130: {  	_ =	shalt  }

// kernel: kernel.23.cloned.1.call-start
scs
__scs_entry_jumppad:
0x0: {  	(pc) =	sbr.rel $0x88, $3  }
0x1: {  	(tag) =	ssettag $0x0;
	lr =	simm.s32 $0x1  }
0x2: {  	[smem:$0x3F74] =	sst lr;
	_ =	strace $0xD0000000  }
0x3: {  	_ = 	snop  }
0x4: {  	_ = 	snop  }
0x5: {  	_ = 	snop  }
0x6: {  	_ = 	snop  }
0x7: {  	_ = 	snop  }
__scs_overlays_trampoline_lowered:
0x8: {  	[smem:$0x3F83] =	sst s0  }
0x9: {  	[smem:$0x3F84] =	sst s1  }
0xa: {  	[smem:$0x3F85] =	sst s2  }
0xb: {  	[smem:$0x3F86] =	sst s3  }
0xc: {  	[smem:$0x3F87] =	sst s4  }
0xd: {  	[smem:$0x3F88] =	sst s5  }
0xe: {  	[smem:$0x3F89] =	sst s6  }
0xf: {  	[smem:$0x3F8A] =	sst s7  }
0x10: {  	[smem:$0x3F8B] =	sst s8  }
0x11: {  	[smem:$0x3F8C] =	sst s9;
	s0 =	simm.s32 @!p0 $0x0  }
0x12: {  	s1 =	sld [smem:$0x3F72];
	s0 =	simm.s32 @p0 $0x1  }
0x13: {  	[smem:$0x3F8D] =	sst s0;
	s0 =	simm.s32 @!p1 $0x0  }
0x14: {  	s2 =	sld [smem:$0x3F71];
	s0 =	simm.s32 @p1 $0x1  }
0x15: {  	[smem:$0x3F8E] =	sst s0;
	s0 =	simm.s32 @!p2 $0x0  }
0x16: {  	s3 =	sld [smem:$0x3FDB];
	s0 =	simm.s32 @p2 $0x1  }
0x17: {  	s4 =	simm.s32 $0x1BF5;
	[smem:$0x3F90] =	sst s0  }
0x18: {  	s0 =	sld [smem:$0x3F73];
	_ =	swait.ge [sflag:s4], $0x0  }
0x19: {  	s7 =	sld [smem:$0x3F74]  }
0x1a: {  	s8 =	sadd.s32 $0xFFFFE003, lr  }
0x1b: {  	s9 =	sadd.s32 $0xFFFFFEF7, lr;
	s5 =	simm.s32 $0xFFFFFFFF;
	p2 =	slt.u32 s8, $0xFFFFF086  }
0x1c: {  	p1 =	slt.u32 s9, $0xF7A;
	s5 =	simm.s32 @!p2 $0x0  }
0x1d: {  	s5 =	simm.s32 @p1 $0x1;
	p0 =	seq.s32 s7, s2  }
0x1e: {  	s7 =	smul.u32 @!p0 $0xF7A, s2;
	p2 =	seq.s32 @!p0 s5, $0x0  }
0x1f: {  	s9 =	smul.u32 $0xF7A, s1;
	s8 =	simm.s32 @!p0 $0x1BF5;
	p2 =	por !p2, p0  }
0x20: {  	[sflag:s8] =	ssyncset.s32 @!p0 $0xFFFFF086;
	s6 =	sadd.s32 @!p0 s3, s7;
	s7 =	simm.s32 @!p0 $0x108  }
0x21: {  	s3 =	sadd.s32 s3, s9;
	s6 =	sadd.s32 @!p0 $0x88, s6;
	s7 =	simm.s32 @p2 $0x1082  }
0x22: {  	[simem:s7], [sflag:s8] =	dma.local @!p0 [hbm:s6], $0xF7A  }
0x23: {  	s9 =	sor.u32 $0xD0000000, s2;
	s6 =	simm.s32 $0x108;
	_ =	swait.ge @!p0 [sflag:s8], $0x0  }
0x24: {  	s3 =	sadd.s32 $0x88, s3;
	s6 =	simm.s32 @!p1 $0x1082;
	[sflag:s4] =	ssyncset.s32 $0xFFFFF086  }
0x25: {  	[simem:s6], [sflag:s4] =	dma.local [hbm:s3], $0xF7A  }
0x26: {  	[smem:$0x3F74] =	sst s1;
	(tag) =	ssettag s2;
	_ =	strace s9  }
0x27: {  	s1 =	sld [smem:$0x3F84]  }
0x28: {  	s2 =	sld [smem:$0x3F85]  }
0x29: {  	s4 =	sld [smem:$0x3F87]  }
0x2a: {  	p0 =	seq.s32 s5, $0x0;
	s5 =	sld [smem:$0x3F88]  }
0x2b: {  	s6 =	sld [smem:$0x3F89]  }
0x2c: {  	s7 =	sld [smem:$0x3F8A]  }
0x2d: {  	s3 =	simm.s32 $0x108;
	s8 =	sld [smem:$0x3F8B]  }
0x2e: {  	s3 =	simm.s32 @!p0 $0x1082;
	s9 =	sld [smem:$0x3F8C]  }
0x2f: {  	lr =	sadd.s32 s0, s3;
	s0 =	sld [smem:$0x3F83]  }
0x30: {  	s3 =	sld [smem:$0x3F86]  }
0x31: {  	[smem:$0x3F8F] =	sst s10  }
0x32: {  	s10 =	sld [smem:$0x3F8D];
	_ =	sdelay $0x3  }
0x33: {  	p0 =	seq.s32 s10, $0x1;
	s10 =	sld [smem:$0x3F8F];
	_ =	sdelay $0x3  }
0x34: {  	[smem:$0x3F8F] =	sst s10  }
0x35: {  	s10 =	sld [smem:$0x3F8E];
	_ =	sdelay $0x3  }
0x36: {  	p1 =	seq.s32 s10, $0x1;
	s10 =	sld [smem:$0x3F8F];
	_ =	sdelay $0x3  }
0x37: {  	[smem:$0x3F8F] =	sst s10  }
0x38: {  	s10 =	sld [smem:$0x3F90]  }
0x39: {  	_ = 	snop;
	(pc) =	sbr.ind lr, $3  }
0x3a: {  	_ = 	snop  }
0x3b: {  	_ = 	snop  }
0x3c: {  	p2 =	seq.s32 s10, $0x1;
	s10 =	sld [smem:$0x3F8F]  }
0x3d: {  	_ =	shalt  }
0x3e: {  	_ =	shalt  }
0x3f: {  	_ =	shalt  }
0x40: {  	_ =	shalt  }
0x41: {  	_ =	shalt  }
0x42: {  	_ =	shalt  }
0x43: {  	_ =	shalt  }
0x44: {  	_ =	shalt  }
0x45: {  	_ =	shalt  }
0x46: {  	_ =	shalt  }
0x47: {  	_ =	shalt  }
0x48: {  	_ =	shalt  }
0x49: {  	_ =	shalt  }
0x4a: {  	_ =	shalt  }
0x4b: {  	_ =	shalt  }
0x4c: {  	_ =	shalt  }
0x4d: {  	_ =	shalt  }
0x4e: {  	_ =	shalt  }
0x4f: {  	_ =	shalt  }
0x50: {  	_ =	shalt  }
0x51: {  	_ =	shalt  }
0x52: {  	_ =	shalt  }
0x53: {  	_ =	shalt  }
0x54: {  	_ =	shalt  }
0x55: {  	_ =	shalt  }
0x56: {  	_ =	shalt  }
0x57: {  	_ =	shalt  }
0x58: {  	_ =	shalt  }
0x59: {  	_ =	shalt  }
0x5a: {  	_ =	shalt  }
0x5b: {  	_ =	shalt  }
0x5c: {  	_ =	shalt  }
0x5d: {  	_ =	shalt  }
0x5e: {  	_ =	shalt  }
0x5f: {  	_ =	shalt  }
0x60: {  	_ =	shalt  }
0x61: {  	_ =	shalt  }
0x62: {  	_ =	shalt  }
0x63: {  	_ =	shalt  }
0x64: {  	_ =	shalt  }
0x65: {  	_ =	shalt  }
0x66: {  	_ =	shalt  }
0x67: {  	_ =	shalt  }
0x68: {  	_ =	shalt  }
0x69: {  	_ =	shalt  }
0x6a: {  	_ =	shalt  }
0x6b: {  	_ =	shalt  }
0x6c: {  	_ =	shalt  }
0x6d: {  	_ =	shalt  }
0x6e: {  	_ =	shalt  }
0x6f: {  	_ =	shalt  }
0x70: {  	_ =	shalt  }
0x71: {  	_ =	shalt  }
0x72: {  	_ =	shalt  }
0x73: {  	_ =	shalt  }
0x74: {  	_ =	shalt  }
0x75: {  	_ =	shalt  }
0x76: {  	_ =	shalt  }
0x77: {  	_ =	shalt  }
0x78: {  	_ =	shalt  }
0x79: {  	_ =	shalt  }
0x7a: {  	_ =	shalt  }
0x7b: {  	_ =	shalt  }
0x7c: {  	_ =	shalt  }
0x7d: {  	_ =	shalt  }
0x7e: {  	_ =	shalt  }
0x7f: {  	_ =	shalt  }
0x80: {  	_ =	shalt  }
0x81: {  	_ =	shalt  }
0x82: {  	_ =	shalt  }
0x83: {  	_ =	shalt  }
0x84: {  	_ =	shalt  }
0x85: {  	_ =	shalt  }
0x86: {  	_ =	shalt  }
0x87: {  	_ =	shalt  }
.Lfunc_end0:
.L_simem_size_0:
called_computation.1_lowered:
.L_overlay_start_0:
0x88: {  	s2 =	sld [smem:$0x3FD9]  }
0x89: {  	s3 =	sld [smem:$0x3FFE];
	_ =	sdelay $0x1  }
0x8a: {  	s1 =	srdreg.scid  }
0x8b: {  	s0 =	sand.u32 $0x1, s1  }
0x8c: {  	s16 =	sshll.u32 s0, $0xA;
	s2 =	sadd.s32 s3, s2  }
0x8d: {  	s2 =	sadd.s32 s2, s16  }
0x8e: {  	[smem:$0x3F9B] =	sst s2  }
0x8f: {  	_ = 	snop  }
0x90: {  	(tm) =	ssettm $0x1  }
0x91: {  	s17 =	sld [smem:$0x3FFB];
	_ =	sdelay $0x3  }
0x92: {  	_ =	strace s17  }
0x93: {  	s2 =	sld [smem:$0x3FFC];
	_ =	sdelay $0x3  }
0x94: {  	_ =	strace s2  }
0x95: {  	s2 =	sld [smem:$0x3FFD];
	_ =	sdelay $0x3  }
0x96: {  	_ =	strace s2  }
0x97: {  	_ =	strace $0x8FFFFFFF  }
0x98: {  	s18 =	sld [smem:$0x3FDB];
	_ =	sdelay $0x1  }
0x99: {  	s19 =	simm.s32 $_scs_section_size  }
0x9a: {  	s4 =	simm.s32 $_size__tile_overlayer_lowered;
	s5 =	simm.s32 $_tile_overlayer_lowered  }
0x9b: {  	s22 =	simm.s32 $0x1BFF;
	s21 =	sshll.u32 s5, $0x1;
	s2 =	sadd.s32 s19, s18  }
0x9c: {  	s6 =	simm.s32 $0x0;
	s20 =	sshll.u32 s4, $0x1;
	s4 =	sadd.s32 s21, s2  }
0x9d: {  	[timem:s6], [sflag:s22] =	dma.local [hbm:s4], s20  }
0x9e: {  	_ =	swait.ge [sflag:s22], s20  }
0x9f: {  	s3 =	ssub.s32 $0x0, s20;
	[sflag:s22] =	ssyncset.done $0x0  }
0xa0: {  	[sflag:s22] =	ssyncadd.s32 s3;
	_ =	sdelay $0x1  }
0xa1: {  	s23 =	simm.s32 $0x1B8B  }
0xa2: {  	_ =	swait.ge [sflag:s23], $0x1  }
0xa3: {  	[sflag:s23] =	ssyncset.done $0x0  }
0xa4: {  	s25 =	simm.s32 $0x1B8E;
	s24 =	sld [smem:$0x3FFE];
	[sflag:s23] =	ssyncadd.s32 $0xFFFFFFFF  }
0xa5: {  	s26 =	simm.s32 $execute0_lowered;
	[smem:$0x3FD2] =	sst s25  }
0xa6: {  	s4 =	sshll.u32 s26, $0x1;
	_ =	strace $0x80000049;
	[dreg:$0x1] =	wrdreg $0xFFFFFFFF  }
0xa7: {  	s28 =	simm.s32 $_size_execute0_lowered;
	s2 =	sadd.s32 s2, s4;
	[dreg:$0x0] =	wrdreg $0x0  }
0xa8: {  	s4 =	sshll.u32 s28, $0x1;
	[dreg:$0x2] =	wrdreg s2  }
0xa9: {  	[dreg:$0x3] =	wrdreg s4  }
0xaa: {  	[dreg:$0x4] =	wrdreg $0xC0  }
0xab: {  	_ =	task [dreg:s6], $0x5FFFF  }
0xac: {  	[dreg:$0x1] =	wrdreg $0xFFFFFFFF  }
0xad: {  	[dreg:$0x0] =	wrdreg $0x60  }
0xae: {  	[dreg:$0x2] =	wrdreg s24  }
0xaf: {  	[dreg:$0x3] =	wrdreg $0x0  }
0xb0: {  	[dreg:$0x4] =	wrdreg $0x9  }
0xb1: {  	_ =	task.clear_ibuf [dreg:s6], $0x5FFFF;
	_ =	strace $0x90000049  }
0xb2: {  	s29 =	simm.s32 $0x9;
	_ =	strace $0x8000004B  }
0xb3: {  	_ =	swait.ge [sflag:s29], $0x1  }
0xb4: {  	[sflag:s29] =	ssyncadd.s32 $0xFFFFFFFF  }
0xb5: {  	_ =	strace $0x9000004B  }
0xb6: {  	_ =	sfence  }
0xb7: {  	s30 =	sld [smem:$0x0];
	_ =	sdelay $0x2  }
0xb8: {  	s31 =	sshll.u32 s1, $0xD;
	s1 =	sshrl.u32 s1, $0x2  }
0xb9: {  	s3 =	sand.u32 $0x4000, s31;
	s1 =	sadd.s32 s1, s30  }
0xba: {  	s0 =	sor.u32 s3, s0;
	s1 =	sshll.u32 s1, $0x11  }
0xbb: {  	s0 =	sor.u32 s1, s0  }
0xbc: {  	s0 =	sadd.s32 $0x8F2B, s0  }
0xbd: {  	[sflag:s0] =	ssyncadd.remote.s32 $0x1  }
0xbe: {  	_ =	sfence.sel $0xFFFF  }
0xbf: {  	[dreg:$0x0] =	wrdreg $0xFFFFFFFF;
	(pc) =	sbr.abs _section_cstart, $3  }
0xc0: {  	[dreg:$0x1] =	wrdreg $0xFFFFFFFF  }
0xc1: {  	_ =	task.clear_ibuf [dreg:s6], $0x2FFFF;
	_ =	strace $0x9FFFFFFF  }
0xc2: {  	(tm) =	ssettm $0x7FFFFFFF  }
0xc3: {  	_ =	shalt  }
tec
execute0_lowered:
.L_overlay_start_1:
0x0: {  	(tag) =	ssettag $0x1  }
0x1: {  	s0 =	rddreg [dreg:$0x0]  }
0x2: {  	s2 =	rddreg [dreg:$0x1];
	s1 =	srdreg.scid  }
0x3: {  	s9 =	stileid.u32;
	s3 =	simm.s32 $0x0;
	s11 =	simm.s32 $0x18700  }
0x4: {  	s12 =	simm.s32 $0x18B00;
	s13 =	simm.s32 $0x80;
	s14 =	simm.s32 $0x18F00  }
0x5: {  	s23 =	simm.s32 $0x18780;
	s24 =	simm.s32 $0x18800;
	s26 =	simm.s32 $0x18880  }
0x6: {  	s28 =	simm.s32 $0x1;
	s29 =	simm.s32 $0x18B80;
	s4 =	smul.u32 $0x3100, s9  }
0x7: {  	s30 =	simm.s32 $0x18C00;
	s31 =	simm.s32 $0x18C80;
	s6 =	smul.u32 $0x30D40, s9  }
0x8: {  	s1 =	sand.u32 $0x1, s1;
	[smem:$0x7FF] =	sst s3;
	s8 =	smul.u32 $0x61C00, s9  }
0x9: {  	s10 =	sadd.s32 $0x3000, s0;
	s17 =	sshll.u32 s9, $0x6;
	s18 =	smul.u32 $0x61A80, s9  }
0xa: {  	s5 =	sshll.u32 s1, $0x1;
	_ =	strace $0x8000004A;
	[dreg:$0x8] =	wrdreg s10  }
0xb: {  	s7 =	sshll.u32 s1, $0x4;
	s1 =	ssub.s32 $0x2, s1;
	[dreg:$0x5] =	wrdreg s23  }
0xc: {  	s25 =	sor.u32 $0x1C02, s17;
	s10 =	simm.s32 $0x2;
	[dreg:$0x6] =	wrdreg s24  }
0xd: {  	[dreg:$0x7] =	wrdreg s26;
	s17 =	simm.s32 $0x1A700;
	s23 =	simm.s32 $0x1BF00  }
0xe: {  	s24 =	simm.s32 $0x18A80;
	s26 =	simm.s32 $0x1C700;
	s5 =	sadd.s32 s5, s0  }
0xf: {  	s4 =	sadd.s32 s4, s0;
	s6 =	sor.u32 s7, s6;
	s15 =	sshrl.u32 s1, $0x1  }
0x10: {  	s16 =	sshrl.u32 s8, $0x2;
	s20 =	sshrl.u32 s18, $0x2;
	s18 =	simm.s32 $0x18900  }
0x11: {  	s7 =	simm.s32 $0x18E80;
	s8 =	simm.s32 $0x0;
	[dreg:$0x9] =	wrdreg s25  }
0x12: {  	s6 =	sshrl.u32 s6, $0x3;
	s1 =	ssub.s32 s1, s15;
	s21 =	sadd.s32 $0x1A2A00, s4  }
0x13: {  	s19 =	sadd.s32 s16, s2;
	s4 =	sadd.s32 $0x1D3A00, s4;
	s15 =	simm.s32 $0x19700  }
0x14: {  	s16 =	simm.s32 $0x19F00;
	s0 =	sadd.s32 s6, s0;
	[dreg:$0x3] =	wrdreg s21  }
0x15: {  	s6 =	sadd.s32 $0x204A00, s5;
	s1 =	smax.u32 s1, $0x1;
	[dreg:$0x4] =	wrdreg s4  }
0x16: {  	s22 =	sshrl.u32 s19, $0x3;
	s19 =	simm.s32 $0x1AF00;
	[dreg:$0xb] =	wrdreg s1  }
0x17: {  	s21 =	simm.s32 $0x1B700;
	s0 =	sadd.s32 $0x2C8200, s0;
	[dreg:$0xc] =	wrdreg s22  }
0x18: {  	s4 =	simm.s32 $0x18E00;
	[dreg:$0xa] =	wrdreg s0;
	s0 =	sadd.s32 s20, s2  }
0x19: {  	s22 =	simm.s32 $0x18A00;
	s1 =	simm.s32 $0x18D80;
	s0 =	sshrl.u32 s0, $0x3  }
0x1a: {  	s20 =	simm.s32 $0x18980;
	[dreg:$0xd] =	wrdreg s0;
	s0 =	simm.s32 $0x18D00  }
.LBB2_1:
0x1b: {  	[dreg:$0xe] =	wrdreg s8  }
0x1c: {  	s5 =	rddreg [dreg:$0x8]  }
0x1d: {  	s9 =	rddreg [dreg:$0xc]  }
0x1e: {  	[spmem:s9], [sflag:s25] =	dma.local [hbm:s5], $0x30E0  }
0x1f: {  	_ =	swait.ge [sflag:s10], $0x30E0  }
0x20: {  	[sflag:s10] =	ssyncset.done $0x0  }
0x21: {  	[sflag:s10] =	ssyncadd.s32 $0xFFFFCF20  }
0x22: {  	[bflag:$0x0] =	sbarrier.arrive $0xFFFF  }
0x23: {  	s9 =	rddreg [dreg:$0x4]  }
0x24: {  	s5 =	sadd.s32 $0x0, s9  }
0x25: {  	[tilespmem:s11], [sflag:$0x2] =	stream.linear.gather [hbm4b:s5+s3], $0x400, $0x38;
	[tilespmem:$0x1CF00] =	vst v63  }
0x26: {  	_ =	swait.ge [sflag:s10], $0x400  }
0x27: {  	s25 =	rddreg [dreg:$0x3];
	[sflag:s10] =	ssyncset.done $0x0  }
0x28: {  	[sflag:s10] =	ssyncadd.s32 $0xFFFFFC00;
	s5 =	sadd.s32 $0x0, s25  }
0x29: {  	[tilespmem:s12], [sflag:$0x2] =	stream.linear.gather [hbm4b:s5+s3], $0x400, $0x38;
	[tilespmem:$0x1CF00] =	vst v63  }
0x2a: {  	_ =	swait.ge [sflag:s10], $0x400  }
0x2b: {  	[sflag:s10] =	ssyncset.done $0x0  }
0x2c: {  	[sflag:s10] =	ssyncadd.s32 $0xFFFFFC00  }
0x2d: {  	[tilespmem:s14], [sflag:$0x1] =	stream.indirect.gather [hbm4b:s6+s13], $0x10, s11, s13, $0xb8;
	[tilespmem:$0x1CF00] =	vst v63  }
0x2e: {  	s8 =	rddreg [dreg:$0x5]  }
0x2f: {  	[tilespmem:s15], [sflag:$0x1] =	stream.indirect.gather [hbm4b:s6+s13], $0x10, s8, s13, $0xb8;
	[tilespmem:$0x1CF00] =	vst v63  }
0x30: {  	s9 =	rddreg [dreg:$0x6]  }
0x31: {  	[tilespmem:s16], [sflag:$0x1] =	stream.indirect.gather [hbm4b:s6+s13], $0x10, s9, s13, $0xb8;
	[tilespmem:$0x1CF00] =	vst v63  }
0x32: {  	s25 =	rddreg [dreg:$0x7]  }
0x33: {  	[tilespmem:s17], [sflag:$0x1] =	stream.indirect.gather [hbm4b:s6+s13], $0x10, s25, s13, $0xb8;
	[tilespmem:$0x1CF00] =	vst v63  }
0x34: {  	_ = 	snop  }
0x35: {  	[tilespmem:s19], [sflag:$0x1] =	stream.indirect.gather [hbm4b:s6+s13], $0x10, s18, s13, $0xb8;
	[tilespmem:$0x1CF00] =	vst v63  }
0x36: {  	_ = 	snop  }
0x37: {  	[tilespmem:s21], [sflag:$0x1] =	stream.indirect.gather [hbm4b:s6+s13], $0x10, s20, s13, $0xb8;
	[tilespmem:$0x1CF00] =	vst v63  }
0x38: {  	_ = 	snop  }
0x39: {  	[tilespmem:s23], [sflag:$0x1] =	stream.indirect.gather [hbm4b:s6+s13], $0x10, s22, s13, $0xb8;
	[tilespmem:$0x1CF00] =	vst v63  }
0x3a: {  	_ = 	snop  }
0x3b: {  	[tilespmem:s26], [sflag:$0x1] =	stream.indirect.gather [hbm4b:s6+s13], $0x10, s24, s13, $0xb8;
	[tilespmem:$0x1CF00] =	vst v63  }
0x3c: {  	_ =	swait.ge [sflag:s28], $0x800  }
0x3d: {  	[sflag:s28] =	ssyncset.done $0x0  }
0x3e: {  	[sflag:s28] =	ssyncadd.s32 $0xFFFFF800  }
0x3f: {  	[spmem:s2] =	stream.indirect.scatter.add.f32 [tilespmem:s14], [sflag:$0x2], $0x10, s12, s13, $0xb8;
	[tilespmem:$0x1CF00] =	vst v63  }
0x40: {  	_ =	swait.ge [sflag:s10], $0x800  }
0x41: {  	[sflag:s10] =	ssyncset.done $0x0  }
0x42: {  	[sflag:s10] =	ssyncadd.s32 $0xFFFFF800  }
0x43: {  	_ =	swait.ge [sflag:s28], $0x800  }
0x44: {  	[sflag:s28] =	ssyncset.done $0x0  }
0x45: {  	[sflag:s28] =	ssyncadd.s32 $0xFFFFF800  }
0x46: {  	[spmem:s2] =	stream.indirect.scatter.add.f32 [tilespmem:s15], [sflag:$0x2], $0x10, s29, s13, $0xb8;
	[tilespmem:$0x1CF00] =	vst v63  }
0x47: {  	_ =	swait.ge [sflag:s10], $0x800  }
0x48: {  	[sflag:s10] =	ssyncset.done $0x0  }
0x49: {  	[sflag:s10] =	ssyncadd.s32 $0xFFFFF800  }
0x4a: {  	_ =	swait.ge [sflag:s28], $0x800  }
0x4b: {  	[sflag:s28] =	ssyncset.done $0x0  }
0x4c: {  	[sflag:s28] =	ssyncadd.s32 $0xFFFFF800  }
0x4d: {  	[spmem:s2] =	stream.indirect.scatter.add.f32 [tilespmem:s16], [sflag:$0x2], $0x10, s30, s13, $0xb8;
	[tilespmem:$0x1CF00] =	vst v63  }
0x4e: {  	_ =	swait.ge [sflag:s10], $0x800  }
0x4f: {  	[sflag:s10] =	ssyncset.done $0x0  }
0x50: {  	[sflag:s10] =	ssyncadd.s32 $0xFFFFF800  }
0x51: {  	_ =	swait.ge [sflag:s28], $0x800  }
0x52: {  	[sflag:s28] =	ssyncset.done $0x0  }
0x53: {  	[sflag:s28] =	ssyncadd.s32 $0xFFFFF800  }
0x54: {  	[spmem:s2] =	stream.indirect.scatter.add.f32 [tilespmem:s17], [sflag:$0x2], $0x10, s31, s13, $0xb8;
	[tilespmem:$0x1CF00] =	vst v63  }
0x55: {  	_ =	swait.ge [sflag:s10], $0x800  }
0x56: {  	[sflag:s10] =	ssyncset.done $0x0  }
0x57: {  	[sflag:s10] =	ssyncadd.s32 $0xFFFFF800  }
0x58: {  	_ =	swait.ge [sflag:s28], $0x800  }
0x59: {  	[sflag:s28] =	ssyncset.done $0x0  }
0x5a: {  	[sflag:s28] =	ssyncadd.s32 $0xFFFFF800  }
0x5b: {  	[spmem:s2] =	stream.indirect.scatter.add.f32 [tilespmem:s19], [sflag:$0x2], $0x10, s0, s13, $0xb8;
	[tilespmem:$0x1CF00] =	vst v63  }
0x5c: {  	_ =	swait.ge [sflag:s10], $0x800  }
0x5d: {  	[sflag:s10] =	ssyncset.done $0x0  }
0x5e: {  	[sflag:s10] =	ssyncadd.s32 $0xFFFFF800  }
0x5f: {  	_ =	swait.ge [sflag:s28], $0x800  }
0x60: {  	[sflag:s28] =	ssyncset.done $0x0  }
0x61: {  	[sflag:s28] =	ssyncadd.s32 $0xFFFFF800  }
0x62: {  	[spmem:s2] =	stream.indirect.scatter.add.f32 [tilespmem:s21], [sflag:$0x2], $0x10, s1, s13, $0xb8;
	[tilespmem:$0x1CF00] =	vst v63  }
0x63: {  	_ =	swait.ge [sflag:s10], $0x800  }
0x64: {  	[sflag:s10] =	ssyncset.done $0x0  }
0x65: {  	[sflag:s10] =	ssyncadd.s32 $0xFFFFF800  }
0x66: {  	_ =	swait.ge [sflag:s28], $0x800  }
0x67: {  	[sflag:s28] =	ssyncset.done $0x0  }
0x68: {  	[sflag:s28] =	ssyncadd.s32 $0xFFFFF800  }
0x69: {  	[spmem:s2] =	stream.indirect.scatter.add.f32 [tilespmem:s23], [sflag:$0x2], $0x10, s4, s13, $0xb8;
	[tilespmem:$0x1CF00] =	vst v63  }
0x6a: {  	_ =	swait.ge [sflag:s10], $0x800  }
0x6b: {  	[sflag:s10] =	ssyncset.done $0x0  }
0x6c: {  	[sflag:s10] =	ssyncadd.s32 $0xFFFFF800  }
0x6d: {  	_ =	swait.ge [sflag:s28], $0x800  }
0x6e: {  	[sflag:s28] =	ssyncset.done $0x0  }
0x6f: {  	[sflag:s28] =	ssyncadd.s32 $0xFFFFF800  }
0x70: {  	[spmem:s2] =	stream.indirect.scatter.add.f32 [tilespmem:s26], [sflag:$0x2], $0x10, s7, s13, $0xb8;
	[tilespmem:$0x1CF00] =	vst v63  }
0x71: {  	s9 =	simm.s32 $0x80;
	_ =	swait.ge [sflag:s10], $0x800  }
0x72: {  	s25 =	simm.s32 $0x100;
	s5 =	rddreg [dreg:$0x4];
	[sflag:s10] =	ssyncset.done $0x0  }
.LBB2_2:
0x73: {  	[sflag:s10] =	ssyncadd.s32 $0xFFFFF800;
	s5 =	sadd.s32 s9, s5  }
0x74: {  	[tilespmem:s11], [sflag:$0x2] =	stream.linear.gather [hbm4b:s5+s3], $0x400, $0x38;
	[tilespmem:$0x1CF00] =	vst v63  }
0x75: {  	_ =	swait.ge [sflag:s10], $0x400  }
0x76: {  	s5 =	rddreg [dreg:$0x3];
	[sflag:s10] =	ssyncset.done $0x0  }
0x77: {  	[sflag:s10] =	ssyncadd.s32 $0xFFFFFC00;
	s5 =	sadd.s32 s9, s5  }
0x78: {  	[tilespmem:s12], [sflag:$0x2] =	stream.linear.gather [hbm4b:s5+s3], $0x400, $0x38;
	[tilespmem:$0x1CF00] =	vst v63  }
0x79: {  	_ =	swait.ge [sflag:s10], $0x400  }
0x7a: {  	[sflag:s10] =	ssyncset.done $0x0  }
0x7b: {  	[sflag:s10] =	ssyncadd.s32 $0xFFFFFC00  }
0x7c: {  	[tilespmem:s14], [sflag:$0x1] =	stream.indirect.gather [hbm4b:s6+s13], $0x10, s11, s13, $0xb8;
	[tilespmem:$0x1CF00] =	vst v63  }
0x7d: {  	s8 =	smov.u32 s25;
	s5 =	rddreg [dreg:$0x5]  }
0x7e: {  	[tilespmem:s15], [sflag:$0x1] =	stream.indirect.gather [hbm4b:s6+s13], $0x10, s5, s13, $0xb8;
	[tilespmem:$0x1CF00] =	vst v63  }
0x7f: {  	s9 =	smov.u32 s8;
	s8 =	rddreg [dreg:$0x6]  }
0x80: {  	[tilespmem:s16], [sflag:$0x1] =	stream.indirect.gather [hbm4b:s6+s13], $0x10, s8, s13, $0xb8;
	[tilespmem:$0x1CF00] =	vst v63  }
0x81: {  	s5 =	rddreg [dreg:$0x7]  }
0x82: {  	[tilespmem:s17], [sflag:$0x1] =	stream.indirect.gather [hbm4b:s6+s13], $0x10, s5, s13, $0xb8;
	[tilespmem:$0x1CF00] =	vst v63  }
0x83: {  	_ = 	snop  }
0x84: {  	[tilespmem:s19], [sflag:$0x1] =	stream.indirect.gather [hbm4b:s6+s13], $0x10, s18, s13, $0xb8;
	[tilespmem:$0x1CF00] =	vst v63  }
0x85: {  	_ = 	snop  }
0x86: {  	[tilespmem:s21], [sflag:$0x1] =	stream.indirect.gather [hbm4b:s6+s13], $0x10, s20, s13, $0xb8;
	[tilespmem:$0x1CF00] =	vst v63  }
0x87: {  	_ = 	snop  }
0x88: {  	[tilespmem:s23], [sflag:$0x1] =	stream.indirect.gather [hbm4b:s6+s13], $0x10, s22, s13, $0xb8;
	[tilespmem:$0x1CF00] =	vst v63  }
0x89: {  	_ = 	snop  }
0x8a: {  	[tilespmem:s26], [sflag:$0x1] =	stream.indirect.gather [hbm4b:s6+s13], $0x10, s24, s13, $0xb8;
	[tilespmem:$0x1CF00] =	vst v63  }
0x8b: {  	_ =	swait.ge [sflag:s28], $0x800  }
0x8c: {  	[sflag:s28] =	ssyncset.done $0x0  }
0x8d: {  	[sflag:s28] =	ssyncadd.s32 $0xFFFFF800  }
0x8e: {  	[spmem:s2] =	stream.indirect.scatter.add.f32 [tilespmem:s14], [sflag:$0x2], $0x10, s12, s13, $0xb8;
	[tilespmem:$0x1CF00] =	vst v63  }
0x8f: {  	_ =	swait.ge [sflag:s10], $0x800  }
0x90: {  	[sflag:s10] =	ssyncset.done $0x0  }
0x91: {  	[sflag:s10] =	ssyncadd.s32 $0xFFFFF800  }
0x92: {  	_ =	swait.ge [sflag:s28], $0x800  }
0x93: {  	[sflag:s28] =	ssyncset.done $0x0  }
0x94: {  	[sflag:s28] =	ssyncadd.s32 $0xFFFFF800  }
0x95: {  	[spmem:s2] =	stream.indirect.scatter.add.f32 [tilespmem:s15], [sflag:$0x2], $0x10, s29, s13, $0xb8;
	[tilespmem:$0x1CF00] =	vst v63  }
0x96: {  	_ =	swait.ge [sflag:s10], $0x800  }
0x97: {  	[sflag:s10] =	ssyncset.done $0x0  }
0x98: {  	[sflag:s10] =	ssyncadd.s32 $0xFFFFF800  }
0x99: {  	_ =	swait.ge [sflag:s28], $0x800  }
0x9a: {  	[sflag:s28] =	ssyncset.done $0x0  }
0x9b: {  	[sflag:s28] =	ssyncadd.s32 $0xFFFFF800  }
0x9c: {  	[spmem:s2] =	stream.indirect.scatter.add.f32 [tilespmem:s16], [sflag:$0x2], $0x10, s30, s13, $0xb8;
	[tilespmem:$0x1CF00] =	vst v63  }
0x9d: {  	_ =	swait.ge [sflag:s10], $0x800  }
0x9e: {  	[sflag:s10] =	ssyncset.done $0x0  }
0x9f: {  	[sflag:s10] =	ssyncadd.s32 $0xFFFFF800  }
0xa0: {  	_ =	swait.ge [sflag:s28], $0x800  }
0xa1: {  	[sflag:s28] =	ssyncset.done $0x0  }
0xa2: {  	[sflag:s28] =	ssyncadd.s32 $0xFFFFF800  }
0xa3: {  	[spmem:s2] =	stream.indirect.scatter.add.f32 [tilespmem:s17], [sflag:$0x2], $0x10, s31, s13, $0xb8;
	[tilespmem:$0x1CF00] =	vst v63  }
0xa4: {  	_ =	swait.ge [sflag:s10], $0x800  }
0xa5: {  	[sflag:s10] =	ssyncset.done $0x0  }
0xa6: {  	[sflag:s10] =	ssyncadd.s32 $0xFFFFF800  }
0xa7: {  	_ =	swait.ge [sflag:s28], $0x800  }
0xa8: {  	[sflag:s28] =	ssyncset.done $0x0  }
0xa9: {  	[sflag:s28] =	ssyncadd.s32 $0xFFFFF800  }
0xaa: {  	[spmem:s2] =	stream.indirect.scatter.add.f32 [tilespmem:s19], [sflag:$0x2], $0x10, s0, s13, $0xb8;
	[tilespmem:$0x1CF00] =	vst v63  }
0xab: {  	_ =	swait.ge [sflag:s10], $0x800  }
0xac: {  	[sflag:s10] =	ssyncset.done $0x0  }
0xad: {  	[sflag:s10] =	ssyncadd.s32 $0xFFFFF800  }
0xae: {  	_ =	swait.ge [sflag:s28], $0x800  }
0xaf: {  	[sflag:s28] =	ssyncset.done $0x0  }
0xb0: {  	[sflag:s28] =	ssyncadd.s32 $0xFFFFF800  }
0xb1: {  	[spmem:s2] =	stream.indirect.scatter.add.f32 [tilespmem:s21], [sflag:$0x2], $0x10, s1, s13, $0xb8;
	[tilespmem:$0x1CF00] =	vst v63  }
0xb2: {  	_ =	swait.ge [sflag:s10], $0x800  }
0xb3: {  	[sflag:s10] =	ssyncset.done $0x0  }
0xb4: {  	[sflag:s10] =	ssyncadd.s32 $0xFFFFF800  }
0xb5: {  	_ =	swait.ge [sflag:s28], $0x800  }
0xb6: {  	[sflag:s28] =	ssyncset.done $0x0  }
0xb7: {  	[sflag:s28] =	ssyncadd.s32 $0xFFFFF800  }
0xb8: {  	[spmem:s2] =	stream.indirect.scatter.add.f32 [tilespmem:s23], [sflag:$0x2], $0x10, s4, s13, $0xb8;
	[tilespmem:$0x1CF00] =	vst v63  }
0xb9: {  	_ =	swait.ge [sflag:s10], $0x800  }
0xba: {  	[sflag:s10] =	ssyncset.done $0x0  }
0xbb: {  	[sflag:s10] =	ssyncadd.s32 $0xFFFFF800  }
0xbc: {  	p0 =	sne.s32 s25, $0x3080;
	_ =	swait.ge [sflag:s28], $0x800  }
.Ltmp0:
0xbd: {  	[sflag:s28] =	ssyncset.done $0x0;
	(pc) =	sbr.rel @p0 .LBB2_2-.Ltmp0, $4  }
0xbe: {  	[sflag:s28] =	ssyncadd.s32 $0xFFFFF800  }
0xbf: {  	[spmem:s2] =	stream.indirect.scatter.add.f32 [tilespmem:s26], [sflag:$0x2], $0x10, s7, s13, $0xb8;
	[tilespmem:$0x1CF00] =	vst v63  }
0xc0: {  	_ =	swait.ge [sflag:s10], $0x800  }
0xc1: {  	s25 =	sadd.s32 $0x80, s25;
	s5 =	rddreg [dreg:$0x4];
	[sflag:s10] =	ssyncset.done $0x0  }
0xc2: {  	[sflag:s10] =	ssyncadd.s32 $0xFFFFF800;
	s5 =	sadd.s32 s9, s5  }
0xc3: {  	[tilespmem:s11], [sflag:$0x2] =	stream.linear.gather [hbm4b:s5+s3], $0x400, $0x38;
	[tilespmem:$0x1CF00] =	vst v63  }
0xc4: {  	_ =	swait.ge [sflag:s10], $0x400  }
0xc5: {  	s8 =	rddreg [dreg:$0x3];
	[sflag:s10] =	ssyncset.done $0x0  }
0xc6: {  	[sflag:s10] =	ssyncadd.s32 $0xFFFFFC00;
	s5 =	sadd.s32 s9, s8  }
0xc7: {  	[tilespmem:s12], [sflag:$0x2] =	stream.linear.gather [hbm4b:s5+s3], $0x400, $0x38;
	[tilespmem:$0x1CF00] =	vst v63  }
0xc8: {  	_ =	swait.ge [sflag:s10], $0x400  }
0xc9: {  	[sflag:s10] =	ssyncset.done $0x0  }
0xca: {  	[sflag:s10] =	ssyncadd.s32 $0xFFFFFC00  }
0xcb: {  	[tilespmem:s14], [sflag:$0x1] =	stream.indirect.gather [hbm4b:s6+s13], $0x10, s11, s13, $0xb8;
	[tilespmem:$0x1CF00] =	vst v63  }
0xcc: {  	s9 =	rddreg [dreg:$0x5]  }
0xcd: {  	[tilespmem:s15], [sflag:$0x1] =	stream.indirect.gather [hbm4b:s6+s13], $0x10, s9, s13, $0xb8;
	[tilespmem:$0x1CF00] =	vst v63  }
0xce: {  	s8 =	rddreg [dreg:$0x6]  }
0xcf: {  	[tilespmem:s16], [sflag:$0x1] =	stream.indirect.gather [hbm4b:s6+s13], $0x10, s8, s13, $0xb8;
	[tilespmem:$0x1CF00] =	vst v63  }
0xd0: {  	s25 =	rddreg [dreg:$0x7]  }
0xd1: {  	[tilespmem:s17], [sflag:$0x1] =	stream.indirect.gather [hbm4b:s6+s13], $0x10, s25, s13, $0xb8;
	[tilespmem:$0x1CF00] =	vst v63  }
0xd2: {  	_ = 	snop  }
0xd3: {  	[tilespmem:s19], [sflag:$0x1] =	stream.indirect.gather [hbm4b:s6+s13], $0x10, s18, s13, $0xb8;
	[tilespmem:$0x1CF00] =	vst v63  }
0xd4: {  	_ = 	snop  }
0xd5: {  	[tilespmem:s21], [sflag:$0x1] =	stream.indirect.gather [hbm4b:s6+s13], $0x10, s20, s13, $0xb8;
	[tilespmem:$0x1CF00] =	vst v63  }
0xd6: {  	_ = 	snop  }
0xd7: {  	[tilespmem:s23], [sflag:$0x1] =	stream.indirect.gather [hbm4b:s6+s13], $0x10, s22, s13, $0xb8;
	[tilespmem:$0x1CF00] =	vst v63  }
0xd8: {  	_ = 	snop  }
0xd9: {  	[tilespmem:s26], [sflag:$0x1] =	stream.indirect.gather [hbm4b:s6+s13], $0x10, s24, s13, $0xb8;
	[tilespmem:$0x1CF00] =	vst v63  }
0xda: {  	_ =	swait.ge [sflag:s28], $0x800  }
0xdb: {  	[sflag:s28] =	ssyncset.done $0x0  }
0xdc: {  	[sflag:s28] =	ssyncadd.s32 $0xFFFFF800  }
0xdd: {  	[spmem:s2] =	stream.indirect.scatter.add.f32 [tilespmem:s14], [sflag:$0x2], $0x10, s12, s13, $0xb8;
	[tilespmem:$0x1CF00] =	vst v63  }
0xde: {  	_ =	swait.ge [sflag:s10], $0x800  }
0xdf: {  	[sflag:s10] =	ssyncset.done $0x0  }
0xe0: {  	[sflag:s10] =	ssyncadd.s32 $0xFFFFF800  }
0xe1: {  	_ =	swait.ge [sflag:s28], $0x800  }
0xe2: {  	[sflag:s28] =	ssyncset.done $0x0  }
0xe3: {  	[sflag:s28] =	ssyncadd.s32 $0xFFFFF800  }
0xe4: {  	[spmem:s2] =	stream.indirect.scatter.add.f32 [tilespmem:s15], [sflag:$0x2], $0x10, s29, s13, $0xb8;
	[tilespmem:$0x1CF00] =	vst v63  }
0xe5: {  	_ =	swait.ge [sflag:s10], $0x800  }
0xe6: {  	[sflag:s10] =	ssyncset.done $0x0  }
0xe7: {  	[sflag:s10] =	ssyncadd.s32 $0xFFFFF800  }
0xe8: {  	_ =	swait.ge [sflag:s28], $0x800  }
0xe9: {  	[sflag:s28] =	ssyncset.done $0x0  }
0xea: {  	[sflag:s28] =	ssyncadd.s32 $0xFFFFF800  }
0xeb: {  	[spmem:s2] =	stream.indirect.scatter.add.f32 [tilespmem:s16], [sflag:$0x2], $0x10, s30, s13, $0xb8;
	[tilespmem:$0x1CF00] =	vst v63  }
0xec: {  	_ =	swait.ge [sflag:s10], $0x800  }
0xed: {  	[sflag:s10] =	ssyncset.done $0x0  }
0xee: {  	[sflag:s10] =	ssyncadd.s32 $0xFFFFF800  }
0xef: {  	_ =	swait.ge [sflag:s28], $0x800  }
0xf0: {  	[sflag:s28] =	ssyncset.done $0x0  }
0xf1: {  	[sflag:s28] =	ssyncadd.s32 $0xFFFFF800  }
0xf2: {  	[spmem:s2] =	stream.indirect.scatter.add.f32 [tilespmem:s17], [sflag:$0x2], $0x10, s31, s13, $0xb8;
	[tilespmem:$0x1CF00] =	vst v63  }
0xf3: {  	_ =	swait.ge [sflag:s10], $0x800  }
0xf4: {  	[sflag:s10] =	ssyncset.done $0x0  }
0xf5: {  	[sflag:s10] =	ssyncadd.s32 $0xFFFFF800  }
0xf6: {  	_ =	swait.ge [sflag:s28], $0x800  }
0xf7: {  	[sflag:s28] =	ssyncset.done $0x0  }
0xf8: {  	[sflag:s28] =	ssyncadd.s32 $0xFFFFF800  }
0xf9: {  	[spmem:s2] =	stream.indirect.scatter.add.f32 [tilespmem:s19], [sflag:$0x2], $0x10, s0, s13, $0xb8;
	[tilespmem:$0x1CF00] =	vst v63  }
0xfa: {  	_ =	swait.ge [sflag:s10], $0x800  }
0xfb: {  	[sflag:s10] =	ssyncset.done $0x0  }
0xfc: {  	[sflag:s10] =	ssyncadd.s32 $0xFFFFF800  }
0xfd: {  	_ =	swait.ge [sflag:s28], $0x800  }
0xfe: {  	[sflag:s28] =	ssyncset.done $0x0  }
0xff: {  	[sflag:s28] =	ssyncadd.s32 $0xFFFFF800  }
0x100: {  	[spmem:s2] =	stream.indirect.scatter.add.f32 [tilespmem:s21], [sflag:$0x2], $0x10, s1, s13, $0xb8;
	[tilespmem:$0x1CF00] =	vst v63  }
0x101: {  	_ =	swait.ge [sflag:s10], $0x800  }
0x102: {  	[sflag:s10] =	ssyncset.done $0x0  }
0x103: {  	[sflag:s10] =	ssyncadd.s32 $0xFFFFF800  }
0x104: {  	_ =	swait.ge [sflag:s28], $0x800  }
0x105: {  	[sflag:s28] =	ssyncset.done $0x0  }
0x106: {  	[sflag:s28] =	ssyncadd.s32 $0xFFFFF800  }
0x107: {  	[spmem:s2] =	stream.indirect.scatter.add.f32 [tilespmem:s23], [sflag:$0x2], $0x10, s4, s13, $0xb8;
	[tilespmem:$0x1CF00] =	vst v63  }
0x108: {  	_ =	swait.ge [sflag:s10], $0x800  }
0x109: {  	[sflag:s10] =	ssyncset.done $0x0  }
0x10a: {  	[sflag:s10] =	ssyncadd.s32 $0xFFFFF800  }
0x10b: {  	_ =	swait.ge [sflag:s28], $0x800  }
0x10c: {  	[sflag:s28] =	ssyncset.done $0x0  }
0x10d: {  	[sflag:s28] =	ssyncadd.s32 $0xFFFFF800  }
0x10e: {  	[spmem:s2] =	stream.indirect.scatter.add.f32 [tilespmem:s26], [sflag:$0x2], $0x10, s7, s13, $0xb8;
	[tilespmem:$0x1CF00] =	vst v63  }
0x10f: {  	_ =	swait.ge [sflag:s10], $0x800  }
0x110: {  	[sflag:s10] =	ssyncset.done $0x0  }
0x111: {  	[sflag:s10] =	ssyncadd.s32 $0xFFFFF800  }
0x112: {  	[bflag:$0x0] =	sbarrier.arrive $0xFFFF  }
0x113: {  	s25 =	rddreg [dreg:$0x9]  }
0x114: {  	s5 =	rddreg [dreg:$0xa]  }
0x115: {  	s9 =	simm.s32 $0x4;
	s8 =	rddreg [dreg:$0xd]  }
0x116: {  	[hbm:s5@s9], [sflag:s25] =	dma.strided [spmem:s8@s10], $0x30D4, s28, $0x2   }
0x117: {  	_ =	swait.ge [sflag:s10], $0x30D4  }
0x118: {  	s5 =	rddreg [dreg:$0xe]  }
0x119: {  	s9 =	rddreg [dreg:$0xb];
	s8 =	sadd.s32 $0x1, s5  }
0x11a: {  	p0 =	sne.s32 s8, s9  }
.Ltmp1:
0x11b: {  	_ = 	snop;
	(pc) =	sbr.rel @p0 .LBB2_1-.Ltmp1, $3  }
0x11c: {  	_ =	sdelay $0x1  }
0x11d: {  	[sflag:s10] =	ssyncset.done $0x0  }
0x11e: {  	[sflag:s10] =	ssyncadd.s32 $0xFFFFCF2C  }
0x11f: {  	_ =	sfence.sel $0x180000  }
0x120: {  	[bflag:$0x0] =	sbarrier.arrive $0xFFFF  }
0x121: {  	_ =	strace $0x9000004A  }
0x122: {  	s0 =	stileid.u32;
	[bflag:$0x2] =	sbarrier.arrive $0xFFFF  }
0x123: {  	p0 =	sne.s32 s0, $0x0;
	s0 =	rddreg [dreg:$0x2]  }
0x124: {  	s0 =	sadd.s32 @!p0 $0x100000, s0  }
0x125: {  	[sflag:s0] =	ssyncadd.tile.s32 @!p0 $0x1;
	_ =	shalt  }
.Lfunc_end2:
_tile_overlayer_lowered:
.L_overlay_start_2:
0x126: {  	(tag) =	ssettag $0x2  }
0x127: {  	s0 =	rddreg [dreg:$0x0];
	s2 =	stileid.u32  }
0x128: {  	s1 =	rddreg [dreg:$0x1];
	p0 =	sne.s32 s2, $0x0  }
0x129: {  	s3 =	rddreg [dreg:$0x2];
	[bflag:$0x3] =	sbarrier.arrive $0xFFFF;
	s2 =	simm.s32 @!p0 $0x1C02  }
0x12a: {  	[timem:s3], [sflag:s2] =	dma.local @!p0 [hbm:s0], s1  }
0x12b: {  	s0 =	simm.s32 @!p0 $0x2  }
0x12c: {  	_ =	swait.ge @!p0 [sflag:s0], s1  }
0x12d: {  	s1 =	ssub.s32 @!p0 $0x0, s1;
	[sflag:s0] =	ssyncset.done @!p0 $0x0  }
0x12e: {  	[sflag:s0] =	ssyncadd.s32 @!p0 s1  }
0x12f: {  	[bflag:$0x3] =	sbarrier.arrive $0xFFFF  }
0x130: {  	_ =	shalt  }

// kernel: kernel.26.cloned.1.call-start
scs
__scs_entry_jumppad:
0x0: {  	(pc) =	sbr.rel $0x88, $3  }
0x1: {  	(tag) =	ssettag $0x0;
	lr =	simm.s32 $0x1  }
0x2: {  	[smem:$0x3F74] =	sst lr;
	_ =	strace $0xD0000000  }
0x3: {  	_ = 	snop  }
0x4: {  	_ = 	snop  }
0x5: {  	_ = 	snop  }
0x6: {  	_ = 	snop  }
0x7: {  	_ = 	snop  }
__scs_overlays_trampoline_lowered:
0x8: {  	[smem:$0x3F83] =	sst s0  }
0x9: {  	[smem:$0x3F84] =	sst s1  }
0xa: {  	[smem:$0x3F85] =	sst s2  }
0xb: {  	[smem:$0x3F86] =	sst s3  }
0xc: {  	[smem:$0x3F87] =	sst s4  }
0xd: {  	[smem:$0x3F88] =	sst s5  }
0xe: {  	[smem:$0x3F89] =	sst s6  }
0xf: {  	[smem:$0x3F8A] =	sst s7  }
0x10: {  	[smem:$0x3F8B] =	sst s8  }
0x11: {  	[smem:$0x3F8C] =	sst s9;
	s0 =	simm.s32 @!p0 $0x0  }
0x12: {  	s1 =	sld [smem:$0x3F72];
	s0 =	simm.s32 @p0 $0x1  }
0x13: {  	[smem:$0x3F8D] =	sst s0;
	s0 =	simm.s32 @!p1 $0x0  }
0x14: {  	s2 =	sld [smem:$0x3F71];
	s0 =	simm.s32 @p1 $0x1  }
0x15: {  	[smem:$0x3F8E] =	sst s0;
	s0 =	simm.s32 @!p2 $0x0  }
0x16: {  	s3 =	sld [smem:$0x3FDB];
	s0 =	simm.s32 @p2 $0x1  }
0x17: {  	s4 =	simm.s32 $0x1BF5;
	[smem:$0x3F90] =	sst s0  }
0x18: {  	s0 =	sld [smem:$0x3F73];
	_ =	swait.ge [sflag:s4], $0x0  }
0x19: {  	s7 =	sld [smem:$0x3F74]  }
0x1a: {  	s8 =	sadd.s32 $0xFFFFE003, lr  }
0x1b: {  	s9 =	sadd.s32 $0xFFFFFEF7, lr;
	s5 =	simm.s32 $0xFFFFFFFF;
	p2 =	slt.u32 s8, $0xFFFFF086  }
0x1c: {  	p1 =	slt.u32 s9, $0xF7A;
	s5 =	simm.s32 @!p2 $0x0  }
0x1d: {  	s5 =	simm.s32 @p1 $0x1;
	p0 =	seq.s32 s7, s2  }
0x1e: {  	s7 =	smul.u32 @!p0 $0xF7A, s2;
	p2 =	seq.s32 @!p0 s5, $0x0  }
0x1f: {  	s9 =	smul.u32 $0xF7A, s1;
	s8 =	simm.s32 @!p0 $0x1BF5;
	p2 =	por !p2, p0  }
0x20: {  	[sflag:s8] =	ssyncset.s32 @!p0 $0xFFFFF086;
	s6 =	sadd.s32 @!p0 s3, s7;
	s7 =	simm.s32 @!p0 $0x108  }
0x21: {  	s3 =	sadd.s32 s3, s9;
	s6 =	sadd.s32 @!p0 $0x88, s6;
	s7 =	simm.s32 @p2 $0x1082  }
0x22: {  	[simem:s7], [sflag:s8] =	dma.local @!p0 [hbm:s6], $0xF7A  }
0x23: {  	s9 =	sor.u32 $0xD0000000, s2;
	s6 =	simm.s32 $0x108;
	_ =	swait.ge @!p0 [sflag:s8], $0x0  }
0x24: {  	s3 =	sadd.s32 $0x88, s3;
	s6 =	simm.s32 @!p1 $0x1082;
	[sflag:s4] =	ssyncset.s32 $0xFFFFF086  }
0x25: {  	[simem:s6], [sflag:s4] =	dma.local [hbm:s3], $0xF7A  }
0x26: {  	[smem:$0x3F74] =	sst s1;
	(tag) =	ssettag s2;
	_ =	strace s9  }
0x27: {  	s1 =	sld [smem:$0x3F84]  }
0x28: {  	s2 =	sld [smem:$0x3F85]  }
0x29: {  	s4 =	sld [smem:$0x3F87]  }
0x2a: {  	p0 =	seq.s32 s5, $0x0;
	s5 =	sld [smem:$0x3F88]  }
0x2b: {  	s6 =	sld [smem:$0x3F89]  }
0x2c: {  	s7 =	sld [smem:$0x3F8A]  }
0x2d: {  	s3 =	simm.s32 $0x108;
	s8 =	sld [smem:$0x3F8B]  }
0x2e: {  	s3 =	simm.s32 @!p0 $0x1082;
	s9 =	sld [smem:$0x3F8C]  }
0x2f: {  	lr =	sadd.s32 s0, s3;
	s0 =	sld [smem:$0x3F83]  }
0x30: {  	s3 =	sld [smem:$0x3F86]  }
0x31: {  	[smem:$0x3F8F] =	sst s10  }
0x32: {  	s10 =	sld [smem:$0x3F8D];
	_ =	sdelay $0x3  }
0x33: {  	p0 =	seq.s32 s10, $0x1;
	s10 =	sld [smem:$0x3F8F];
	_ =	sdelay $0x3  }
0x34: {  	[smem:$0x3F8F] =	sst s10  }
0x35: {  	s10 =	sld [smem:$0x3F8E];
	_ =	sdelay $0x3  }
0x36: {  	p1 =	seq.s32 s10, $0x1;
	s10 =	sld [smem:$0x3F8F];
	_ =	sdelay $0x3  }
0x37: {  	[smem:$0x3F8F] =	sst s10  }
0x38: {  	s10 =	sld [smem:$0x3F90]  }
0x39: {  	_ = 	snop;
	(pc) =	sbr.ind lr, $3  }
0x3a: {  	_ = 	snop  }
0x3b: {  	_ = 	snop  }
0x3c: {  	p2 =	seq.s32 s10, $0x1;
	s10 =	sld [smem:$0x3F8F]  }
0x3d: {  	_ =	shalt  }
0x3e: {  	_ =	shalt  }
0x3f: {  	_ =	shalt  }
0x40: {  	_ =	shalt  }
0x41: {  	_ =	shalt  }
0x42: {  	_ =	shalt  }
0x43: {  	_ =	shalt  }
0x44: {  	_ =	shalt  }
0x45: {  	_ =	shalt  }
0x46: {  	_ =	shalt  }
0x47: {  	_ =	shalt  }
0x48: {  	_ =	shalt  }
0x49: {  	_ =	shalt  }
0x4a: {  	_ =	shalt  }
0x4b: {  	_ =	shalt  }
0x4c: {  	_ =	shalt  }
0x4d: {  	_ =	shalt  }
0x4e: {  	_ =	shalt  }
0x4f: {  	_ =	shalt  }
0x50: {  	_ =	shalt  }
0x51: {  	_ =	shalt  }
0x52: {  	_ =	shalt  }
0x53: {  	_ =	shalt  }
0x54: {  	_ =	shalt  }
0x55: {  	_ =	shalt  }
0x56: {  	_ =	shalt  }
0x57: {  	_ =	shalt  }
0x58: {  	_ =	shalt  }
0x59: {  	_ =	shalt  }
0x5a: {  	_ =	shalt  }
0x5b: {  	_ =	shalt  }
0x5c: {  	_ =	shalt  }
0x5d: {  	_ =	shalt  }
0x5e: {  	_ =	shalt  }
0x5f: {  	_ =	shalt  }
0x60: {  	_ =	shalt  }
0x61: {  	_ =	shalt  }
0x62: {  	_ =	shalt  }
0x63: {  	_ =	shalt  }
0x64: {  	_ =	shalt  }
0x65: {  	_ =	shalt  }
0x66: {  	_ =	shalt  }
0x67: {  	_ =	shalt  }
0x68: {  	_ =	shalt  }
0x69: {  	_ =	shalt  }
0x6a: {  	_ =	shalt  }
0x6b: {  	_ =	shalt  }
0x6c: {  	_ =	shalt  }
0x6d: {  	_ =	shalt  }
0x6e: {  	_ =	shalt  }
0x6f: {  	_ =	shalt  }
0x70: {  	_ =	shalt  }
0x71: {  	_ =	shalt  }
0x72: {  	_ =	shalt  }
0x73: {  	_ =	shalt  }
0x74: {  	_ =	shalt  }
0x75: {  	_ =	shalt  }
0x76: {  	_ =	shalt  }
0x77: {  	_ =	shalt  }
0x78: {  	_ =	shalt  }
0x79: {  	_ =	shalt  }
0x7a: {  	_ =	shalt  }
0x7b: {  	_ =	shalt  }
0x7c: {  	_ =	shalt  }
0x7d: {  	_ =	shalt  }
0x7e: {  	_ =	shalt  }
0x7f: {  	_ =	shalt  }
0x80: {  	_ =	shalt  }
0x81: {  	_ =	shalt  }
0x82: {  	_ =	shalt  }
0x83: {  	_ =	shalt  }
0x84: {  	_ =	shalt  }
0x85: {  	_ =	shalt  }
0x86: {  	_ =	shalt  }
0x87: {  	_ =	shalt  }
.Lfunc_end0:
.L_simem_size_0:
called_computation.2_lowered:
.L_overlay_start_0:
0x88: {  	s2 =	sld [smem:$0x3FD9]  }
0x89: {  	s3 =	sld [smem:$0x3FFE];
	_ =	sdelay $0x1  }
0x8a: {  	s1 =	srdreg.scid  }
0x8b: {  	s0 =	sand.u32 $0x1, s1  }
0x8c: {  	s16 =	sshll.u32 s0, $0xA;
	s2 =	sadd.s32 s3, s2  }
0x8d: {  	s2 =	sadd.s32 s2, s16  }
0x8e: {  	[smem:$0x3F9B] =	sst s2  }
0x8f: {  	_ = 	snop  }
0x90: {  	(tm) =	ssettm $0x1  }
0x91: {  	s17 =	sld [smem:$0x3FFB];
	_ =	sdelay $0x3  }
0x92: {  	_ =	strace s17  }
0x93: {  	s2 =	sld [smem:$0x3FFC];
	_ =	sdelay $0x3  }
0x94: {  	_ =	strace s2  }
0x95: {  	s2 =	sld [smem:$0x3FFD];
	_ =	sdelay $0x3  }
0x96: {  	_ =	strace s2  }
0x97: {  	_ =	strace $0x8FFFFFFF  }
0x98: {  	s18 =	sld [smem:$0x3FDB];
	_ =	sdelay $0x1  }
0x99: {  	s19 =	simm.s32 $_scs_section_size  }
0x9a: {  	s4 =	simm.s32 $_size__tile_overlayer_lowered;
	s5 =	simm.s32 $_tile_overlayer_lowered  }
0x9b: {  	s22 =	simm.s32 $0x1BFF;
	s21 =	sshll.u32 s5, $0x1;
	s2 =	sadd.s32 s19, s18  }
0x9c: {  	s6 =	simm.s32 $0x0;
	s20 =	sshll.u32 s4, $0x1;
	s4 =	sadd.s32 s21, s2  }
0x9d: {  	[timem:s6], [sflag:s22] =	dma.local [hbm:s4], s20  }
0x9e: {  	_ =	swait.ge [sflag:s22], s20  }
0x9f: {  	s3 =	ssub.s32 $0x0, s20;
	[sflag:s22] =	ssyncset.done $0x0  }
0xa0: {  	[sflag:s22] =	ssyncadd.s32 s3;
	_ =	sdelay $0x1  }
0xa1: {  	s23 =	simm.s32 $0x1B8B  }
0xa2: {  	_ =	swait.ge [sflag:s23], $0x1  }
0xa3: {  	[sflag:s23] =	ssyncset.done $0x0  }
0xa4: {  	s25 =	simm.s32 $0x1B8E;
	s24 =	sld [smem:$0x3FFE];
	[sflag:s23] =	ssyncadd.s32 $0xFFFFFFFF  }
0xa5: {  	s26 =	simm.s32 $execute0_lowered;
	[smem:$0x3FD2] =	sst s25  }
0xa6: {  	s4 =	sshll.u32 s26, $0x1;
	_ =	strace $0x8000004C;
	[dreg:$0x1] =	wrdreg $0xFFFFFFFF  }
0xa7: {  	s28 =	simm.s32 $_size_execute0_lowered;
	s2 =	sadd.s32 s2, s4;
	[dreg:$0x0] =	wrdreg $0x0  }
0xa8: {  	s4 =	sshll.u32 s28, $0x1;
	[dreg:$0x2] =	wrdreg s2  }
0xa9: {  	[dreg:$0x3] =	wrdreg s4  }
0xaa: {  	[dreg:$0x4] =	wrdreg $0xC0  }
0xab: {  	_ =	task [dreg:s6], $0x5FFFF  }
0xac: {  	[dreg:$0x1] =	wrdreg $0xFFFFFFFF  }
0xad: {  	[dreg:$0x0] =	wrdreg $0x60  }
0xae: {  	[dreg:$0x2] =	wrdreg s24  }
0xaf: {  	[dreg:$0x3] =	wrdreg $0x0  }
0xb0: {  	[dreg:$0x4] =	wrdreg $0x9  }
0xb1: {  	_ =	task.clear_ibuf [dreg:s6], $0x5FFFF;
	_ =	strace $0x9000004C  }
0xb2: {  	s29 =	simm.s32 $0x9;
	_ =	strace $0x8000004E  }
0xb3: {  	_ =	swait.ge [sflag:s29], $0x1  }
0xb4: {  	[sflag:s29] =	ssyncadd.s32 $0xFFFFFFFF  }
0xb5: {  	_ =	strace $0x9000004E  }
0xb6: {  	_ =	sfence  }
0xb7: {  	s30 =	sld [smem:$0x0];
	_ =	sdelay $0x2  }
0xb8: {  	s31 =	sshll.u32 s1, $0xD;
	s1 =	sshrl.u32 s1, $0x2  }
0xb9: {  	s3 =	sand.u32 $0x4000, s31;
	s1 =	sadd.s32 s1, s30  }
0xba: {  	s0 =	sor.u32 s3, s0;
	s1 =	sshll.u32 s1, $0x11  }
0xbb: {  	s0 =	sor.u32 s1, s0  }
0xbc: {  	s0 =	sadd.s32 $0x8F2B, s0  }
0xbd: {  	[sflag:s0] =	ssyncadd.remote.s32 $0x1  }
0xbe: {  	_ =	sfence.sel $0xFFFF  }
0xbf: {  	[dreg:$0x0] =	wrdreg $0xFFFFFFFF;
	(pc) =	sbr.abs _section_cstart, $3  }
0xc0: {  	[dreg:$0x1] =	wrdreg $0xFFFFFFFF  }
0xc1: {  	_ =	task.clear_ibuf [dreg:s6], $0x2FFFF;
	_ =	strace $0x9FFFFFFF  }
0xc2: {  	(tm) =	ssettm $0x7FFFFFFF  }
0xc3: {  	_ =	shalt  }
tec
execute0_lowered:
.L_overlay_start_1:
0x0: {  	(tag) =	ssettag $0x1  }
0x1: {  	s0 =	rddreg [dreg:$0x0]  }
0x2: {  	s2 =	rddreg [dreg:$0x1];
	s1 =	srdreg.scid  }
0x3: {  	s9 =	stileid.u32;
	s3 =	simm.s32 $0x0;
	s11 =	simm.s32 $0x18700  }
0x4: {  	s12 =	simm.s32 $0x18B00;
	s13 =	simm.s32 $0x80;
	s14 =	simm.s32 $0x18F00  }
0x5: {  	s23 =	simm.s32 $0x18780;
	s24 =	simm.s32 $0x18800;
	s26 =	simm.s32 $0x18880  }
0x6: {  	s28 =	simm.s32 $0x1;
	s29 =	simm.s32 $0x18B80;
	s4 =	smul.u32 $0x3100, s9  }
0x7: {  	s30 =	simm.s32 $0x18C00;
	s31 =	simm.s32 $0x18C80;
	s6 =	smul.u32 $0x30D40, s9  }
0x8: {  	s1 =	sand.u32 $0x1, s1;
	[smem:$0x7FF] =	sst s3;
	s8 =	smul.u32 $0x61C00, s9  }
0x9: {  	s10 =	sadd.s32 $0x3000, s0;
	s17 =	sshll.u32 s9, $0x6;
	s18 =	smul.u32 $0x61A80, s9  }
0xa: {  	s5 =	sshll.u32 s1, $0x1;
	_ =	strace $0x8000004D;
	[dreg:$0x8] =	wrdreg s10  }
0xb: {  	s7 =	sshll.u32 s1, $0x4;
	s1 =	ssub.s32 $0x2, s1;
	[dreg:$0x5] =	wrdreg s23  }
0xc: {  	s25 =	sor.u32 $0x1C02, s17;
	s10 =	simm.s32 $0x2;
	[dreg:$0x6] =	wrdreg s24  }
0xd: {  	[dreg:$0x7] =	wrdreg s26;
	s17 =	simm.s32 $0x1A700;
	s23 =	simm.s32 $0x1BF00  }
0xe: {  	s24 =	simm.s32 $0x18A80;
	s26 =	simm.s32 $0x1C700;
	s5 =	sadd.s32 s5, s0  }
0xf: {  	s4 =	sadd.s32 s4, s0;
	s6 =	sor.u32 s7, s6;
	s15 =	sshrl.u32 s1, $0x1  }
0x10: {  	s16 =	sshrl.u32 s8, $0x2;
	s20 =	sshrl.u32 s18, $0x2;
	s18 =	simm.s32 $0x18900  }
0x11: {  	s7 =	simm.s32 $0x18E80;
	s8 =	simm.s32 $0x0;
	[dreg:$0x9] =	wrdreg s25  }
0x12: {  	s6 =	sshrl.u32 s6, $0x3;
	s1 =	ssub.s32 s1, s15;
	s21 =	sadd.s32 $0x1A2A00, s4  }
0x13: {  	s19 =	sadd.s32 s16, s2;
	s4 =	sadd.s32 $0x1D3A00, s4;
	s15 =	simm.s32 $0x19700  }
0x14: {  	s16 =	simm.s32 $0x19F00;
	s0 =	sadd.s32 s6, s0;
	[dreg:$0x3] =	wrdreg s21  }
0x15: {  	s6 =	sadd.s32 $0x204A00, s5;
	s1 =	smax.u32 s1, $0x1;
	[dreg:$0x4] =	wrdreg s4  }
0x16: {  	s22 =	sshrl.u32 s19, $0x3;
	s19 =	simm.s32 $0x1AF00;
	[dreg:$0xb] =	wrdreg s1  }
0x17: {  	s21 =	simm.s32 $0x1B700;
	s0 =	sadd.s32 $0x2C8200, s0;
	[dreg:$0xc] =	wrdreg s22  }
0x18: {  	s4 =	simm.s32 $0x18E00;
	[dreg:$0xa] =	wrdreg s0;
	s0 =	sadd.s32 s20, s2  }
0x19: {  	s22 =	simm.s32 $0x18A00;
	s1 =	simm.s32 $0x18D80;
	s0 =	sshrl.u32 s0, $0x3  }
0x1a: {  	s20 =	simm.s32 $0x18980;
	[dreg:$0xd] =	wrdreg s0;
	s0 =	simm.s32 $0x18D00  }
.LBB2_1:
0x1b: {  	[dreg:$0xe] =	wrdreg s8  }
0x1c: {  	s5 =	rddreg [dreg:$0x8]  }
0x1d: {  	s9 =	rddreg [dreg:$0xc]  }
0x1e: {  	[spmem:s9], [sflag:s25] =	dma.local [hbm:s5], $0x30E0  }
0x1f: {  	_ =	swait.ge [sflag:s10], $0x30E0  }
0x20: {  	[sflag:s10] =	ssyncset.done $0x0  }
0x21: {  	[sflag:s10] =	ssyncadd.s32 $0xFFFFCF20  }
0x22: {  	[bflag:$0x0] =	sbarrier.arrive $0xFFFF  }
0x23: {  	s9 =	rddreg [dreg:$0x4]  }
0x24: {  	s5 =	sadd.s32 $0x0, s9  }
0x25: {  	[tilespmem:s11], [sflag:$0x2] =	stream.linear.gather [hbm4b:s5+s3], $0x400, $0x38;
	[tilespmem:$0x1CF00] =	vst v63  }
0x26: {  	_ =	swait.ge [sflag:s10], $0x400  }
0x27: {  	s25 =	rddreg [dreg:$0x3];
	[sflag:s10] =	ssyncset.done $0x0  }
0x28: {  	[sflag:s10] =	ssyncadd.s32 $0xFFFFFC00;
	s5 =	sadd.s32 $0x0, s25  }
0x29: {  	[tilespmem:s12], [sflag:$0x2] =	stream.linear.gather [hbm4b:s5+s3], $0x400, $0x38;
	[tilespmem:$0x1CF00] =	vst v63  }
0x2a: {  	_ =	swait.ge [sflag:s10], $0x400  }
0x2b: {  	[sflag:s10] =	ssyncset.done $0x0  }
0x2c: {  	[sflag:s10] =	ssyncadd.s32 $0xFFFFFC00  }
0x2d: {  	[tilespmem:s14], [sflag:$0x1] =	stream.indirect.gather [hbm4b:s6+s13], $0x10, s11, s13, $0xb8;
	[tilespmem:$0x1CF00] =	vst v63  }
0x2e: {  	s8 =	rddreg [dreg:$0x5]  }
0x2f: {  	[tilespmem:s15], [sflag:$0x1] =	stream.indirect.gather [hbm4b:s6+s13], $0x10, s8, s13, $0xb8;
	[tilespmem:$0x1CF00] =	vst v63  }
0x30: {  	s9 =	rddreg [dreg:$0x6]  }
0x31: {  	[tilespmem:s16], [sflag:$0x1] =	stream.indirect.gather [hbm4b:s6+s13], $0x10, s9, s13, $0xb8;
	[tilespmem:$0x1CF00] =	vst v63  }
0x32: {  	s25 =	rddreg [dreg:$0x7]  }
0x33: {  	[tilespmem:s17], [sflag:$0x1] =	stream.indirect.gather [hbm4b:s6+s13], $0x10, s25, s13, $0xb8;
	[tilespmem:$0x1CF00] =	vst v63  }
0x34: {  	_ = 	snop  }
0x35: {  	[tilespmem:s19], [sflag:$0x1] =	stream.indirect.gather [hbm4b:s6+s13], $0x10, s18, s13, $0xb8;
	[tilespmem:$0x1CF00] =	vst v63  }
0x36: {  	_ = 	snop  }
0x37: {  	[tilespmem:s21], [sflag:$0x1] =	stream.indirect.gather [hbm4b:s6+s13], $0x10, s20, s13, $0xb8;
	[tilespmem:$0x1CF00] =	vst v63  }
0x38: {  	_ = 	snop  }
0x39: {  	[tilespmem:s23], [sflag:$0x1] =	stream.indirect.gather [hbm4b:s6+s13], $0x10, s22, s13, $0xb8;
	[tilespmem:$0x1CF00] =	vst v63  }
0x3a: {  	_ = 	snop  }
0x3b: {  	[tilespmem:s26], [sflag:$0x1] =	stream.indirect.gather [hbm4b:s6+s13], $0x10, s24, s13, $0xb8;
	[tilespmem:$0x1CF00] =	vst v63  }
0x3c: {  	_ =	swait.ge [sflag:s28], $0x800  }
0x3d: {  	[sflag:s28] =	ssyncset.done $0x0  }
0x3e: {  	[sflag:s28] =	ssyncadd.s32 $0xFFFFF800  }
0x3f: {  	[spmem:s2] =	stream.indirect.scatter.add.f32 [tilespmem:s14], [sflag:$0x2], $0x10, s12, s13, $0xb8;
	[tilespmem:$0x1CF00] =	vst v63  }
0x40: {  	_ =	swait.ge [sflag:s10], $0x800  }
0x41: {  	[sflag:s10] =	ssyncset.done $0x0  }
0x42: {  	[sflag:s10] =	ssyncadd.s32 $0xFFFFF800  }
0x43: {  	_ =	swait.ge [sflag:s28], $0x800  }
0x44: {  	[sflag:s28] =	ssyncset.done $0x0  }
0x45: {  	[sflag:s28] =	ssyncadd.s32 $0xFFFFF800  }
0x46: {  	[spmem:s2] =	stream.indirect.scatter.add.f32 [tilespmem:s15], [sflag:$0x2], $0x10, s29, s13, $0xb8;
	[tilespmem:$0x1CF00] =	vst v63  }
0x47: {  	_ =	swait.ge [sflag:s10], $0x800  }
0x48: {  	[sflag:s10] =	ssyncset.done $0x0  }
0x49: {  	[sflag:s10] =	ssyncadd.s32 $0xFFFFF800  }
0x4a: {  	_ =	swait.ge [sflag:s28], $0x800  }
0x4b: {  	[sflag:s28] =	ssyncset.done $0x0  }
0x4c: {  	[sflag:s28] =	ssyncadd.s32 $0xFFFFF800  }
0x4d: {  	[spmem:s2] =	stream.indirect.scatter.add.f32 [tilespmem:s16], [sflag:$0x2], $0x10, s30, s13, $0xb8;
	[tilespmem:$0x1CF00] =	vst v63  }
0x4e: {  	_ =	swait.ge [sflag:s10], $0x800  }
0x4f: {  	[sflag:s10] =	ssyncset.done $0x0  }
0x50: {  	[sflag:s10] =	ssyncadd.s32 $0xFFFFF800  }
0x51: {  	_ =	swait.ge [sflag:s28], $0x800  }
0x52: {  	[sflag:s28] =	ssyncset.done $0x0  }
0x53: {  	[sflag:s28] =	ssyncadd.s32 $0xFFFFF800  }
0x54: {  	[spmem:s2] =	stream.indirect.scatter.add.f32 [tilespmem:s17], [sflag:$0x2], $0x10, s31, s13, $0xb8;
	[tilespmem:$0x1CF00] =	vst v63  }
0x55: {  	_ =	swait.ge [sflag:s10], $0x800  }
0x56: {  	[sflag:s10] =	ssyncset.done $0x0  }
0x57: {  	[sflag:s10] =	ssyncadd.s32 $0xFFFFF800  }
0x58: {  	_ =	swait.ge [sflag:s28], $0x800  }
0x59: {  	[sflag:s28] =	ssyncset.done $0x0  }
0x5a: {  	[sflag:s28] =	ssyncadd.s32 $0xFFFFF800  }
0x5b: {  	[spmem:s2] =	stream.indirect.scatter.add.f32 [tilespmem:s19], [sflag:$0x2], $0x10, s0, s13, $0xb8;
	[tilespmem:$0x1CF00] =	vst v63  }
0x5c: {  	_ =	swait.ge [sflag:s10], $0x800  }
0x5d: {  	[sflag:s10] =	ssyncset.done $0x0  }
0x5e: {  	[sflag:s10] =	ssyncadd.s32 $0xFFFFF800  }
0x5f: {  	_ =	swait.ge [sflag:s28], $0x800  }
0x60: {  	[sflag:s28] =	ssyncset.done $0x0  }
0x61: {  	[sflag:s28] =	ssyncadd.s32 $0xFFFFF800  }
0x62: {  	[spmem:s2] =	stream.indirect.scatter.add.f32 [tilespmem:s21], [sflag:$0x2], $0x10, s1, s13, $0xb8;
	[tilespmem:$0x1CF00] =	vst v63  }
0x63: {  	_ =	swait.ge [sflag:s10], $0x800  }
0x64: {  	[sflag:s10] =	ssyncset.done $0x0  }
0x65: {  	[sflag:s10] =	ssyncadd.s32 $0xFFFFF800  }
0x66: {  	_ =	swait.ge [sflag:s28], $0x800  }
0x67: {  	[sflag:s28] =	ssyncset.done $0x0  }
0x68: {  	[sflag:s28] =	ssyncadd.s32 $0xFFFFF800  }
0x69: {  	[spmem:s2] =	stream.indirect.scatter.add.f32 [tilespmem:s23], [sflag:$0x2], $0x10, s4, s13, $0xb8;
	[tilespmem:$0x1CF00] =	vst v63  }
0x6a: {  	_ =	swait.ge [sflag:s10], $0x800  }
0x6b: {  	[sflag:s10] =	ssyncset.done $0x0  }
0x6c: {  	[sflag:s10] =	ssyncadd.s32 $0xFFFFF800  }
0x6d: {  	_ =	swait.ge [sflag:s28], $0x800  }
0x6e: {  	[sflag:s28] =	ssyncset.done $0x0  }
0x6f: {  	[sflag:s28] =	ssyncadd.s32 $0xFFFFF800  }
0x70: {  	[spmem:s2] =	stream.indirect.scatter.add.f32 [tilespmem:s26], [sflag:$0x2], $0x10, s7, s13, $0xb8;
	[tilespmem:$0x1CF00] =	vst v63  }
0x71: {  	s9 =	simm.s32 $0x80;
	_ =	swait.ge [sflag:s10], $0x800  }
0x72: {  	s25 =	simm.s32 $0x100;
	s5 =	rddreg [dreg:$0x4];
	[sflag:s10] =	ssyncset.done $0x0  }
.LBB2_2:
0x73: {  	[sflag:s10] =	ssyncadd.s32 $0xFFFFF800;
	s5 =	sadd.s32 s9, s5  }
0x74: {  	[tilespmem:s11], [sflag:$0x2] =	stream.linear.gather [hbm4b:s5+s3], $0x400, $0x38;
	[tilespmem:$0x1CF00] =	vst v63  }
0x75: {  	_ =	swait.ge [sflag:s10], $0x400  }
0x76: {  	s5 =	rddreg [dreg:$0x3];
	[sflag:s10] =	ssyncset.done $0x0  }
0x77: {  	[sflag:s10] =	ssyncadd.s32 $0xFFFFFC00;
	s5 =	sadd.s32 s9, s5  }
0x78: {  	[tilespmem:s12], [sflag:$0x2] =	stream.linear.gather [hbm4b:s5+s3], $0x400, $0x38;
	[tilespmem:$0x1CF00] =	vst v63  }
0x79: {  	_ =	swait.ge [sflag:s10], $0x400  }
0x7a: {  	[sflag:s10] =	ssyncset.done $0x0  }
0x7b: {  	[sflag:s10] =	ssyncadd.s32 $0xFFFFFC00  }
0x7c: {  	[tilespmem:s14], [sflag:$0x1] =	stream.indirect.gather [hbm4b:s6+s13], $0x10, s11, s13, $0xb8;
	[tilespmem:$0x1CF00] =	vst v63  }
0x7d: {  	s8 =	smov.u32 s25;
	s5 =	rddreg [dreg:$0x5]  }
0x7e: {  	[tilespmem:s15], [sflag:$0x1] =	stream.indirect.gather [hbm4b:s6+s13], $0x10, s5, s13, $0xb8;
	[tilespmem:$0x1CF00] =	vst v63  }
0x7f: {  	s9 =	smov.u32 s8;
	s8 =	rddreg [dreg:$0x6]  }
0x80: {  	[tilespmem:s16], [sflag:$0x1] =	stream.indirect.gather [hbm4b:s6+s13], $0x10, s8, s13, $0xb8;
	[tilespmem:$0x1CF00] =	vst v63  }
0x81: {  	s5 =	rddreg [dreg:$0x7]  }
0x82: {  	[tilespmem:s17], [sflag:$0x1] =	stream.indirect.gather [hbm4b:s6+s13], $0x10, s5, s13, $0xb8;
	[tilespmem:$0x1CF00] =	vst v63  }
0x83: {  	_ = 	snop  }
0x84: {  	[tilespmem:s19], [sflag:$0x1] =	stream.indirect.gather [hbm4b:s6+s13], $0x10, s18, s13, $0xb8;
	[tilespmem:$0x1CF00] =	vst v63  }
0x85: {  	_ = 	snop  }
0x86: {  	[tilespmem:s21], [sflag:$0x1] =	stream.indirect.gather [hbm4b:s6+s13], $0x10, s20, s13, $0xb8;
	[tilespmem:$0x1CF00] =	vst v63  }
0x87: {  	_ = 	snop  }
0x88: {  	[tilespmem:s23], [sflag:$0x1] =	stream.indirect.gather [hbm4b:s6+s13], $0x10, s22, s13, $0xb8;
	[tilespmem:$0x1CF00] =	vst v63  }
0x89: {  	_ = 	snop  }
0x8a: {  	[tilespmem:s26], [sflag:$0x1] =	stream.indirect.gather [hbm4b:s6+s13], $0x10, s24, s13, $0xb8;
	[tilespmem:$0x1CF00] =	vst v63  }
0x8b: {  	_ =	swait.ge [sflag:s28], $0x800  }
0x8c: {  	[sflag:s28] =	ssyncset.done $0x0  }
0x8d: {  	[sflag:s28] =	ssyncadd.s32 $0xFFFFF800  }
0x8e: {  	[spmem:s2] =	stream.indirect.scatter.add.f32 [tilespmem:s14], [sflag:$0x2], $0x10, s12, s13, $0xb8;
	[tilespmem:$0x1CF00] =	vst v63  }
0x8f: {  	_ =	swait.ge [sflag:s10], $0x800  }
0x90: {  	[sflag:s10] =	ssyncset.done $0x0  }
0x91: {  	[sflag:s10] =	ssyncadd.s32 $0xFFFFF800  }
0x92: {  	_ =	swait.ge [sflag:s28], $0x800  }
0x93: {  	[sflag:s28] =	ssyncset.done $0x0  }
0x94: {  	[sflag:s28] =	ssyncadd.s32 $0xFFFFF800  }
0x95: {  	[spmem:s2] =	stream.indirect.scatter.add.f32 [tilespmem:s15], [sflag:$0x2], $0x10, s29, s13, $0xb8;
	[tilespmem:$0x1CF00] =	vst v63  }
0x96: {  	_ =	swait.ge [sflag:s10], $0x800  }
0x97: {  	[sflag:s10] =	ssyncset.done $0x0  }
0x98: {  	[sflag:s10] =	ssyncadd.s32 $0xFFFFF800  }
0x99: {  	_ =	swait.ge [sflag:s28], $0x800  }
0x9a: {  	[sflag:s28] =	ssyncset.done $0x0  }
0x9b: {  	[sflag:s28] =	ssyncadd.s32 $0xFFFFF800  }
0x9c: {  	[spmem:s2] =	stream.indirect.scatter.add.f32 [tilespmem:s16], [sflag:$0x2], $0x10, s30, s13, $0xb8;
	[tilespmem:$0x1CF00] =	vst v63  }
0x9d: {  	_ =	swait.ge [sflag:s10], $0x800  }
0x9e: {  	[sflag:s10] =	ssyncset.done $0x0  }
0x9f: {  	[sflag:s10] =	ssyncadd.s32 $0xFFFFF800  }
0xa0: {  	_ =	swait.ge [sflag:s28], $0x800  }
0xa1: {  	[sflag:s28] =	ssyncset.done $0x0  }
0xa2: {  	[sflag:s28] =	ssyncadd.s32 $0xFFFFF800  }
0xa3: {  	[spmem:s2] =	stream.indirect.scatter.add.f32 [tilespmem:s17], [sflag:$0x2], $0x10, s31, s13, $0xb8;
	[tilespmem:$0x1CF00] =	vst v63  }
0xa4: {  	_ =	swait.ge [sflag:s10], $0x800  }
0xa5: {  	[sflag:s10] =	ssyncset.done $0x0  }
0xa6: {  	[sflag:s10] =	ssyncadd.s32 $0xFFFFF800  }
0xa7: {  	_ =	swait.ge [sflag:s28], $0x800  }
0xa8: {  	[sflag:s28] =	ssyncset.done $0x0  }
0xa9: {  	[sflag:s28] =	ssyncadd.s32 $0xFFFFF800  }
0xaa: {  	[spmem:s2] =	stream.indirect.scatter.add.f32 [tilespmem:s19], [sflag:$0x2], $0x10, s0, s13, $0xb8;
	[tilespmem:$0x1CF00] =	vst v63  }
0xab: {  	_ =	swait.ge [sflag:s10], $0x800  }
0xac: {  	[sflag:s10] =	ssyncset.done $0x0  }
0xad: {  	[sflag:s10] =	ssyncadd.s32 $0xFFFFF800  }
0xae: {  	_ =	swait.ge [sflag:s28], $0x800  }
0xaf: {  	[sflag:s28] =	ssyncset.done $0x0  }
0xb0: {  	[sflag:s28] =	ssyncadd.s32 $0xFFFFF800  }
0xb1: {  	[spmem:s2] =	stream.indirect.scatter.add.f32 [tilespmem:s21], [sflag:$0x2], $0x10, s1, s13, $0xb8;
	[tilespmem:$0x1CF00] =	vst v63  }
0xb2: {  	_ =	swait.ge [sflag:s10], $0x800  }
0xb3: {  	[sflag:s10] =	ssyncset.done $0x0  }
0xb4: {  	[sflag:s10] =	ssyncadd.s32 $0xFFFFF800  }
0xb5: {  	_ =	swait.ge [sflag:s28], $0x800  }
0xb6: {  	[sflag:s28] =	ssyncset.done $0x0  }
0xb7: {  	[sflag:s28] =	ssyncadd.s32 $0xFFFFF800  }
0xb8: {  	[spmem:s2] =	stream.indirect.scatter.add.f32 [tilespmem:s23], [sflag:$0x2], $0x10, s4, s13, $0xb8;
	[tilespmem:$0x1CF00] =	vst v63  }
0xb9: {  	_ =	swait.ge [sflag:s10], $0x800  }
0xba: {  	[sflag:s10] =	ssyncset.done $0x0  }
0xbb: {  	[sflag:s10] =	ssyncadd.s32 $0xFFFFF800  }
0xbc: {  	p0 =	sne.s32 s25, $0x3080;
	_ =	swait.ge [sflag:s28], $0x800  }
.Ltmp0:
0xbd: {  	[sflag:s28] =	ssyncset.done $0x0;
	(pc) =	sbr.rel @p0 .LBB2_2-.Ltmp0, $4  }
0xbe: {  	[sflag:s28] =	ssyncadd.s32 $0xFFFFF800  }
0xbf: {  	[spmem:s2] =	stream.indirect.scatter.add.f32 [tilespmem:s26], [sflag:$0x2], $0x10, s7, s13, $0xb8;
	[tilespmem:$0x1CF00] =	vst v63  }
0xc0: {  	_ =	swait.ge [sflag:s10], $0x800  }
0xc1: {  	s25 =	sadd.s32 $0x80, s25;
	s5 =	rddreg [dreg:$0x4];
	[sflag:s10] =	ssyncset.done $0x0  }
0xc2: {  	[sflag:s10] =	ssyncadd.s32 $0xFFFFF800;
	s5 =	sadd.s32 s9, s5  }
0xc3: {  	[tilespmem:s11], [sflag:$0x2] =	stream.linear.gather [hbm4b:s5+s3], $0x400, $0x38;
	[tilespmem:$0x1CF00] =	vst v63  }
0xc4: {  	_ =	swait.ge [sflag:s10], $0x400  }
0xc5: {  	s8 =	rddreg [dreg:$0x3];
	[sflag:s10] =	ssyncset.done $0x0  }
0xc6: {  	[sflag:s10] =	ssyncadd.s32 $0xFFFFFC00;
	s5 =	sadd.s32 s9, s8  }
0xc7: {  	[tilespmem:s12], [sflag:$0x2] =	stream.linear.gather [hbm4b:s5+s3], $0x400, $0x38;
	[tilespmem:$0x1CF00] =	vst v63  }
0xc8: {  	_ =	swait.ge [sflag:s10], $0x400  }
0xc9: {  	[sflag:s10] =	ssyncset.done $0x0  }
0xca: {  	[sflag:s10] =	ssyncadd.s32 $0xFFFFFC00  }
0xcb: {  	[tilespmem:s14], [sflag:$0x1] =	stream.indirect.gather [hbm4b:s6+s13], $0x10, s11, s13, $0xb8;
	[tilespmem:$0x1CF00] =	vst v63  }
0xcc: {  	s9 =	rddreg [dreg:$0x5]  }
0xcd: {  	[tilespmem:s15], [sflag:$0x1] =	stream.indirect.gather [hbm4b:s6+s13], $0x10, s9, s13, $0xb8;
	[tilespmem:$0x1CF00] =	vst v63  }
0xce: {  	s8 =	rddreg [dreg:$0x6]  }
0xcf: {  	[tilespmem:s16], [sflag:$0x1] =	stream.indirect.gather [hbm4b:s6+s13], $0x10, s8, s13, $0xb8;
	[tilespmem:$0x1CF00] =	vst v63  }
0xd0: {  	s25 =	rddreg [dreg:$0x7]  }
0xd1: {  	[tilespmem:s17], [sflag:$0x1] =	stream.indirect.gather [hbm4b:s6+s13], $0x10, s25, s13, $0xb8;
	[tilespmem:$0x1CF00] =	vst v63  }
0xd2: {  	_ = 	snop  }
0xd3: {  	[tilespmem:s19], [sflag:$0x1] =	stream.indirect.gather [hbm4b:s6+s13], $0x10, s18, s13, $0xb8;
	[tilespmem:$0x1CF00] =	vst v63  }
0xd4: {  	_ = 	snop  }
0xd5: {  	[tilespmem:s21], [sflag:$0x1] =	stream.indirect.gather [hbm4b:s6+s13], $0x10, s20, s13, $0xb8;
	[tilespmem:$0x1CF00] =	vst v63  }
0xd6: {  	_ = 	snop  }
0xd7: {  	[tilespmem:s23], [sflag:$0x1] =	stream.indirect.gather [hbm4b:s6+s13], $0x10, s22, s13, $0xb8;
	[tilespmem:$0x1CF00] =	vst v63  }
0xd8: {  	_ = 	snop  }
0xd9: {  	[tilespmem:s26], [sflag:$0x1] =	stream.indirect.gather [hbm4b:s6+s13], $0x10, s24, s13, $0xb8;
	[tilespmem:$0x1CF00] =	vst v63  }
0xda: {  	_ =	swait.ge [sflag:s28], $0x800  }
0xdb: {  	[sflag:s28] =	ssyncset.done $0x0  }
0xdc: {  	[sflag:s28] =	ssyncadd.s32 $0xFFFFF800  }
0xdd: {  	[spmem:s2] =	stream.indirect.scatter.add.f32 [tilespmem:s14], [sflag:$0x2], $0x10, s12, s13, $0xb8;
	[tilespmem:$0x1CF00] =	vst v63  }
0xde: {  	_ =	swait.ge [sflag:s10], $0x800  }
0xdf: {  	[sflag:s10] =	ssyncset.done $0x0  }
0xe0: {  	[sflag:s10] =	ssyncadd.s32 $0xFFFFF800  }
0xe1: {  	_ =	swait.ge [sflag:s28], $0x800  }
0xe2: {  	[sflag:s28] =	ssyncset.done $0x0  }
0xe3: {  	[sflag:s28] =	ssyncadd.s32 $0xFFFFF800  }
0xe4: {  	[spmem:s2] =	stream.indirect.scatter.add.f32 [tilespmem:s15], [sflag:$0x2], $0x10, s29, s13, $0xb8;
	[tilespmem:$0x1CF00] =	vst v63  }
0xe5: {  	_ =	swait.ge [sflag:s10], $0x800  }
0xe6: {  	[sflag:s10] =	ssyncset.done $0x0  }
0xe7: {  	[sflag:s10] =	ssyncadd.s32 $0xFFFFF800  }
0xe8: {  	_ =	swait.ge [sflag:s28], $0x800  }
0xe9: {  	[sflag:s28] =	ssyncset.done $0x0  }
0xea: {  	[sflag:s28] =	ssyncadd.s32 $0xFFFFF800  }
0xeb: {  	[spmem:s2] =	stream.indirect.scatter.add.f32 [tilespmem:s16], [sflag:$0x2], $0x10, s30, s13, $0xb8;
	[tilespmem:$0x1CF00] =	vst v63  }
0xec: {  	_ =	swait.ge [sflag:s10], $0x800  }
0xed: {  	[sflag:s10] =	ssyncset.done $0x0  }
0xee: {  	[sflag:s10] =	ssyncadd.s32 $0xFFFFF800  }
0xef: {  	_ =	swait.ge [sflag:s28], $0x800  }
0xf0: {  	[sflag:s28] =	ssyncset.done $0x0  }
0xf1: {  	[sflag:s28] =	ssyncadd.s32 $0xFFFFF800  }
0xf2: {  	[spmem:s2] =	stream.indirect.scatter.add.f32 [tilespmem:s17], [sflag:$0x2], $0x10, s31, s13, $0xb8;
	[tilespmem:$0x1CF00] =	vst v63  }
0xf3: {  	_ =	swait.ge [sflag:s10], $0x800  }
0xf4: {  	[sflag:s10] =	ssyncset.done $0x0  }
0xf5: {  	[sflag:s10] =	ssyncadd.s32 $0xFFFFF800  }
0xf6: {  	_ =	swait.ge [sflag:s28], $0x800  }
0xf7: {  	[sflag:s28] =	ssyncset.done $0x0  }
0xf8: {  	[sflag:s28] =	ssyncadd.s32 $0xFFFFF800  }
0xf9: {  	[spmem:s2] =	stream.indirect.scatter.add.f32 [tilespmem:s19], [sflag:$0x2], $0x10, s0, s13, $0xb8;
	[tilespmem:$0x1CF00] =	vst v63  }
0xfa: {  	_ =	swait.ge [sflag:s10], $0x800  }
0xfb: {  	[sflag:s10] =	ssyncset.done $0x0  }
0xfc: {  	[sflag:s10] =	ssyncadd.s32 $0xFFFFF800  }
0xfd: {  	_ =	swait.ge [sflag:s28], $0x800  }
0xfe: {  	[sflag:s28] =	ssyncset.done $0x0  }
0xff: {  	[sflag:s28] =	ssyncadd.s32 $0xFFFFF800  }
0x100: {  	[spmem:s2] =	stream.indirect.scatter.add.f32 [tilespmem:s21], [sflag:$0x2], $0x10, s1, s13, $0xb8;
	[tilespmem:$0x1CF00] =	vst v63  }
0x101: {  	_ =	swait.ge [sflag:s10], $0x800  }
0x102: {  	[sflag:s10] =	ssyncset.done $0x0  }
0x103: {  	[sflag:s10] =	ssyncadd.s32 $0xFFFFF800  }
0x104: {  	_ =	swait.ge [sflag:s28], $0x800  }
0x105: {  	[sflag:s28] =	ssyncset.done $0x0  }
0x106: {  	[sflag:s28] =	ssyncadd.s32 $0xFFFFF800  }
0x107: {  	[spmem:s2] =	stream.indirect.scatter.add.f32 [tilespmem:s23], [sflag:$0x2], $0x10, s4, s13, $0xb8;
	[tilespmem:$0x1CF00] =	vst v63  }
0x108: {  	_ =	swait.ge [sflag:s10], $0x800  }
0x109: {  	[sflag:s10] =	ssyncset.done $0x0  }
0x10a: {  	[sflag:s10] =	ssyncadd.s32 $0xFFFFF800  }
0x10b: {  	_ =	swait.ge [sflag:s28], $0x800  }
0x10c: {  	[sflag:s28] =	ssyncset.done $0x0  }
0x10d: {  	[sflag:s28] =	ssyncadd.s32 $0xFFFFF800  }
0x10e: {  	[spmem:s2] =	stream.indirect.scatter.add.f32 [tilespmem:s26], [sflag:$0x2], $0x10, s7, s13, $0xb8;
	[tilespmem:$0x1CF00] =	vst v63  }
0x10f: {  	_ =	swait.ge [sflag:s10], $0x800  }
0x110: {  	[sflag:s10] =	ssyncset.done $0x0  }
0x111: {  	[sflag:s10] =	ssyncadd.s32 $0xFFFFF800  }
0x112: {  	[bflag:$0x0] =	sbarrier.arrive $0xFFFF  }
0x113: {  	s25 =	rddreg [dreg:$0x9]  }
0x114: {  	s5 =	rddreg [dreg:$0xa]  }
0x115: {  	s9 =	simm.s32 $0x4;
	s8 =	rddreg [dreg:$0xd]  }
0x116: {  	[hbm:s5@s9], [sflag:s25] =	dma.strided [spmem:s8@s10], $0x30D4, s28, $0x2   }
0x117: {  	_ =	swait.ge [sflag:s10], $0x30D4  }
0x118: {  	s5 =	rddreg [dreg:$0xe]  }
0x119: {  	s9 =	rddreg [dreg:$0xb];
	s8 =	sadd.s32 $0x1, s5  }
0x11a: {  	p0 =	sne.s32 s8, s9  }
.Ltmp1:
0x11b: {  	_ = 	snop;
	(pc) =	sbr.rel @p0 .LBB2_1-.Ltmp1, $3  }
0x11c: {  	_ =	sdelay $0x1  }
0x11d: {  	[sflag:s10] =	ssyncset.done $0x0  }
0x11e: {  	[sflag:s10] =	ssyncadd.s32 $0xFFFFCF2C  }
0x11f: {  	_ =	sfence.sel $0x180000  }
0x120: {  	[bflag:$0x0] =	sbarrier.arrive $0xFFFF  }
0x121: {  	_ =	strace $0x9000004D  }
0x122: {  	s0 =	stileid.u32;
	[bflag:$0x2] =	sbarrier.arrive $0xFFFF  }
0x123: {  	p0 =	sne.s32 s0, $0x0;
	s0 =	rddreg [dreg:$0x2]  }
0x124: {  	s0 =	sadd.s32 @!p0 $0x100000, s0  }
0x125: {  	[sflag:s0] =	ssyncadd.tile.s32 @!p0 $0x1;
	_ =	shalt  }
.Lfunc_end2:
_tile_overlayer_lowered:
.L_overlay_start_2:
0x126: {  	(tag) =	ssettag $0x2  }
0x127: {  	s0 =	rddreg [dreg:$0x0];
	s2 =	stileid.u32  }
0x128: {  	s1 =	rddreg [dreg:$0x1];
	p0 =	sne.s32 s2, $0x0  }
0x129: {  	s3 =	rddreg [dreg:$0x2];
	[bflag:$0x3] =	sbarrier.arrive $0xFFFF;
	s2 =	simm.s32 @!p0 $0x1C02  }
0x12a: {  	[timem:s3], [sflag:s2] =	dma.local @!p0 [hbm:s0], s1  }
0x12b: {  	s0 =	simm.s32 @!p0 $0x2  }
0x12c: {  	_ =	swait.ge @!p0 [sflag:s0], s1  }
0x12d: {  	s1 =	ssub.s32 @!p0 $0x0, s1;
	[sflag:s0] =	ssyncset.done @!p0 $0x0  }
0x12e: {  	[sflag:s0] =	ssyncadd.s32 @!p0 s1  }
0x12f: {  	[bflag:$0x3] =	sbarrier.arrive $0xFFFF  }
0x130: {  	_ =	shalt  }

// kernel: kernel.29.cloned.1.call-start
scs
__scs_entry_jumppad:
0x0: {  	(pc) =	sbr.rel $0x88, $3  }
0x1: {  	(tag) =	ssettag $0x0;
	lr =	simm.s32 $0x1  }
0x2: {  	[smem:$0x3F74] =	sst lr;
	_ =	strace $0xD0000000  }
0x3: {  	_ = 	snop  }
0x4: {  	_ = 	snop  }
0x5: {  	_ = 	snop  }
0x6: {  	_ = 	snop  }
0x7: {  	_ = 	snop  }
__scs_overlays_trampoline_lowered:
0x8: {  	[smem:$0x3F83] =	sst s0  }
0x9: {  	[smem:$0x3F84] =	sst s1  }
0xa: {  	[smem:$0x3F85] =	sst s2  }
0xb: {  	[smem:$0x3F86] =	sst s3  }
0xc: {  	[smem:$0x3F87] =	sst s4  }
0xd: {  	[smem:$0x3F88] =	sst s5  }
0xe: {  	[smem:$0x3F89] =	sst s6  }
0xf: {  	[smem:$0x3F8A] =	sst s7  }
0x10: {  	[smem:$0x3F8B] =	sst s8  }
0x11: {  	[smem:$0x3F8C] =	sst s9;
	s0 =	simm.s32 @!p0 $0x0  }
0x12: {  	s1 =	sld [smem:$0x3F72];
	s0 =	simm.s32 @p0 $0x1  }
0x13: {  	[smem:$0x3F8D] =	sst s0;
	s0 =	simm.s32 @!p1 $0x0  }
0x14: {  	s2 =	sld [smem:$0x3F71];
	s0 =	simm.s32 @p1 $0x1  }
0x15: {  	[smem:$0x3F8E] =	sst s0;
	s0 =	simm.s32 @!p2 $0x0  }
0x16: {  	s3 =	sld [smem:$0x3FDB];
	s0 =	simm.s32 @p2 $0x1  }
0x17: {  	s4 =	simm.s32 $0x1BF5;
	[smem:$0x3F90] =	sst s0  }
0x18: {  	s0 =	sld [smem:$0x3F73];
	_ =	swait.ge [sflag:s4], $0x0  }
0x19: {  	s7 =	sld [smem:$0x3F74]  }
0x1a: {  	s8 =	sadd.s32 $0xFFFFE003, lr  }
0x1b: {  	s9 =	sadd.s32 $0xFFFFFEF7, lr;
	s5 =	simm.s32 $0xFFFFFFFF;
	p2 =	slt.u32 s8, $0xFFFFF086  }
0x1c: {  	p1 =	slt.u32 s9, $0xF7A;
	s5 =	simm.s32 @!p2 $0x0  }
0x1d: {  	s5 =	simm.s32 @p1 $0x1;
	p0 =	seq.s32 s7, s2  }
0x1e: {  	s7 =	smul.u32 @!p0 $0xF7A, s2;
	p2 =	seq.s32 @!p0 s5, $0x0  }
0x1f: {  	s9 =	smul.u32 $0xF7A, s1;
	s8 =	simm.s32 @!p0 $0x1BF5;
	p2 =	por !p2, p0  }
0x20: {  	[sflag:s8] =	ssyncset.s32 @!p0 $0xFFFFF086;
	s6 =	sadd.s32 @!p0 s3, s7;
	s7 =	simm.s32 @!p0 $0x108  }
0x21: {  	s3 =	sadd.s32 s3, s9;
	s6 =	sadd.s32 @!p0 $0x88, s6;
	s7 =	simm.s32 @p2 $0x1082  }
0x22: {  	[simem:s7], [sflag:s8] =	dma.local @!p0 [hbm:s6], $0xF7A  }
0x23: {  	s9 =	sor.u32 $0xD0000000, s2;
	s6 =	simm.s32 $0x108;
	_ =	swait.ge @!p0 [sflag:s8], $0x0  }
0x24: {  	s3 =	sadd.s32 $0x88, s3;
	s6 =	simm.s32 @!p1 $0x1082;
	[sflag:s4] =	ssyncset.s32 $0xFFFFF086  }
0x25: {  	[simem:s6], [sflag:s4] =	dma.local [hbm:s3], $0xF7A  }
0x26: {  	[smem:$0x3F74] =	sst s1;
	(tag) =	ssettag s2;
	_ =	strace s9  }
0x27: {  	s1 =	sld [smem:$0x3F84]  }
0x28: {  	s2 =	sld [smem:$0x3F85]  }
0x29: {  	s4 =	sld [smem:$0x3F87]  }
0x2a: {  	p0 =	seq.s32 s5, $0x0;
	s5 =	sld [smem:$0x3F88]  }
0x2b: {  	s6 =	sld [smem:$0x3F89]  }
0x2c: {  	s7 =	sld [smem:$0x3F8A]  }
0x2d: {  	s3 =	simm.s32 $0x108;
	s8 =	sld [smem:$0x3F8B]  }
0x2e: {  	s3 =	simm.s32 @!p0 $0x1082;
	s9 =	sld [smem:$0x3F8C]  }
0x2f: {  	lr =	sadd.s32 s0, s3;
	s0 =	sld [smem:$0x3F83]  }
0x30: {  	s3 =	sld [smem:$0x3F86]  }
0x31: {  	[smem:$0x3F8F] =	sst s10  }
0x32: {  	s10 =	sld [smem:$0x3F8D];
	_ =	sdelay $0x3  }
0x33: {  	p0 =	seq.s32 s10, $0x1;
	s10 =	sld [smem:$0x3F8F];
	_ =	sdelay $0x3  }
0x34: {  	[smem:$0x3F8F] =	sst s10  }
0x35: {  	s10 =	sld [smem:$0x3F8E];
	_ =	sdelay $0x3  }
0x36: {  	p1 =	seq.s32 s10, $0x1;
	s10 =	sld [smem:$0x3F8F];
	_ =	sdelay $0x3  }
0x37: {  	[smem:$0x3F8F] =	sst s10  }
0x38: {  	s10 =	sld [smem:$0x3F90]  }
0x39: {  	_ = 	snop;
	(pc) =	sbr.ind lr, $3  }
0x3a: {  	_ = 	snop  }
0x3b: {  	_ = 	snop  }
0x3c: {  	p2 =	seq.s32 s10, $0x1;
	s10 =	sld [smem:$0x3F8F]  }
0x3d: {  	_ =	shalt  }
0x3e: {  	_ =	shalt  }
0x3f: {  	_ =	shalt  }
0x40: {  	_ =	shalt  }
0x41: {  	_ =	shalt  }
0x42: {  	_ =	shalt  }
0x43: {  	_ =	shalt  }
0x44: {  	_ =	shalt  }
0x45: {  	_ =	shalt  }
0x46: {  	_ =	shalt  }
0x47: {  	_ =	shalt  }
0x48: {  	_ =	shalt  }
0x49: {  	_ =	shalt  }
0x4a: {  	_ =	shalt  }
0x4b: {  	_ =	shalt  }
0x4c: {  	_ =	shalt  }
0x4d: {  	_ =	shalt  }
0x4e: {  	_ =	shalt  }
0x4f: {  	_ =	shalt  }
0x50: {  	_ =	shalt  }
0x51: {  	_ =	shalt  }
0x52: {  	_ =	shalt  }
0x53: {  	_ =	shalt  }
0x54: {  	_ =	shalt  }
0x55: {  	_ =	shalt  }
0x56: {  	_ =	shalt  }
0x57: {  	_ =	shalt  }
0x58: {  	_ =	shalt  }
0x59: {  	_ =	shalt  }
0x5a: {  	_ =	shalt  }
0x5b: {  	_ =	shalt  }
0x5c: {  	_ =	shalt  }
0x5d: {  	_ =	shalt  }
0x5e: {  	_ =	shalt  }
0x5f: {  	_ =	shalt  }
0x60: {  	_ =	shalt  }
0x61: {  	_ =	shalt  }
0x62: {  	_ =	shalt  }
0x63: {  	_ =	shalt  }
0x64: {  	_ =	shalt  }
0x65: {  	_ =	shalt  }
0x66: {  	_ =	shalt  }
0x67: {  	_ =	shalt  }
0x68: {  	_ =	shalt  }
0x69: {  	_ =	shalt  }
0x6a: {  	_ =	shalt  }
0x6b: {  	_ =	shalt  }
0x6c: {  	_ =	shalt  }
0x6d: {  	_ =	shalt  }
0x6e: {  	_ =	shalt  }
0x6f: {  	_ =	shalt  }
0x70: {  	_ =	shalt  }
0x71: {  	_ =	shalt  }
0x72: {  	_ =	shalt  }
0x73: {  	_ =	shalt  }
0x74: {  	_ =	shalt  }
0x75: {  	_ =	shalt  }
0x76: {  	_ =	shalt  }
0x77: {  	_ =	shalt  }
0x78: {  	_ =	shalt  }
0x79: {  	_ =	shalt  }
0x7a: {  	_ =	shalt  }
0x7b: {  	_ =	shalt  }
0x7c: {  	_ =	shalt  }
0x7d: {  	_ =	shalt  }
0x7e: {  	_ =	shalt  }
0x7f: {  	_ =	shalt  }
0x80: {  	_ =	shalt  }
0x81: {  	_ =	shalt  }
0x82: {  	_ =	shalt  }
0x83: {  	_ =	shalt  }
0x84: {  	_ =	shalt  }
0x85: {  	_ =	shalt  }
0x86: {  	_ =	shalt  }
0x87: {  	_ =	shalt  }
.Lfunc_end0:
.L_simem_size_0:
called_computation.3_lowered:
.L_overlay_start_0:
0x88: {  	s2 =	sld [smem:$0x3FD9]  }
0x89: {  	s3 =	sld [smem:$0x3FFE];
	_ =	sdelay $0x1  }
0x8a: {  	s1 =	srdreg.scid  }
0x8b: {  	s0 =	sand.u32 $0x1, s1  }
0x8c: {  	s16 =	sshll.u32 s0, $0xA;
	s2 =	sadd.s32 s3, s2  }
0x8d: {  	s2 =	sadd.s32 s2, s16  }
0x8e: {  	[smem:$0x3F9B] =	sst s2  }
0x8f: {  	_ = 	snop  }
0x90: {  	(tm) =	ssettm $0x1  }
0x91: {  	s17 =	sld [smem:$0x3FFB];
	_ =	sdelay $0x3  }
0x92: {  	_ =	strace s17  }
0x93: {  	s2 =	sld [smem:$0x3FFC];
	_ =	sdelay $0x3  }
0x94: {  	_ =	strace s2  }
0x95: {  	s2 =	sld [smem:$0x3FFD];
	_ =	sdelay $0x3  }
0x96: {  	_ =	strace s2  }
0x97: {  	_ =	strace $0x8FFFFFFF  }
0x98: {  	s18 =	sld [smem:$0x3FDB];
	_ =	sdelay $0x1  }
0x99: {  	s19 =	simm.s32 $_scs_section_size  }
0x9a: {  	s4 =	simm.s32 $_size__tile_overlayer_lowered;
	s5 =	simm.s32 $_tile_overlayer_lowered  }
0x9b: {  	s22 =	simm.s32 $0x1BFF;
	s21 =	sshll.u32 s5, $0x1;
	s2 =	sadd.s32 s19, s18  }
0x9c: {  	s6 =	simm.s32 $0x0;
	s20 =	sshll.u32 s4, $0x1;
	s4 =	sadd.s32 s21, s2  }
0x9d: {  	[timem:s6], [sflag:s22] =	dma.local [hbm:s4], s20  }
0x9e: {  	_ =	swait.ge [sflag:s22], s20  }
0x9f: {  	s3 =	ssub.s32 $0x0, s20;
	[sflag:s22] =	ssyncset.done $0x0  }
0xa0: {  	[sflag:s22] =	ssyncadd.s32 s3;
	_ =	sdelay $0x1  }
0xa1: {  	s23 =	simm.s32 $0x1B8B  }
0xa2: {  	_ =	swait.ge [sflag:s23], $0x1  }
0xa3: {  	[sflag:s23] =	ssyncset.done $0x0  }
0xa4: {  	s25 =	simm.s32 $0x1B8E;
	s24 =	sld [smem:$0x3FFE];
	[sflag:s23] =	ssyncadd.s32 $0xFFFFFFFF  }
0xa5: {  	s26 =	simm.s32 $execute0_lowered;
	[smem:$0x3FD2] =	sst s25  }
0xa6: {  	s4 =	sshll.u32 s26, $0x1;
	_ =	strace $0x8000004F;
	[dreg:$0x1] =	wrdreg $0xFFFFFFFF  }
0xa7: {  	s28 =	simm.s32 $_size_execute0_lowered;
	s2 =	sadd.s32 s2, s4;
	[dreg:$0x0] =	wrdreg $0x0  }
0xa8: {  	s4 =	sshll.u32 s28, $0x1;
	[dreg:$0x2] =	wrdreg s2  }
0xa9: {  	[dreg:$0x3] =	wrdreg s4  }
0xaa: {  	[dreg:$0x4] =	wrdreg $0xC0  }
0xab: {  	_ =	task [dreg:s6], $0x5FFFF  }
0xac: {  	[dreg:$0x1] =	wrdreg $0xFFFFFFFF  }
0xad: {  	[dreg:$0x0] =	wrdreg $0x60  }
0xae: {  	[dreg:$0x2] =	wrdreg s24  }
0xaf: {  	[dreg:$0x3] =	wrdreg $0x0  }
0xb0: {  	[dreg:$0x4] =	wrdreg $0x9  }
0xb1: {  	_ =	task.clear_ibuf [dreg:s6], $0x5FFFF;
	_ =	strace $0x9000004F  }
0xb2: {  	s29 =	simm.s32 $0x9;
	_ =	strace $0x80000051  }
0xb3: {  	_ =	swait.ge [sflag:s29], $0x1  }
0xb4: {  	[sflag:s29] =	ssyncadd.s32 $0xFFFFFFFF  }
0xb5: {  	_ =	strace $0x90000051  }
0xb6: {  	_ =	sfence  }
0xb7: {  	s30 =	sld [smem:$0x0];
	_ =	sdelay $0x2  }
0xb8: {  	s31 =	sshll.u32 s1, $0xD;
	s1 =	sshrl.u32 s1, $0x2  }
0xb9: {  	s3 =	sand.u32 $0x4000, s31;
	s1 =	sadd.s32 s1, s30  }
0xba: {  	s0 =	sor.u32 s3, s0;
	s1 =	sshll.u32 s1, $0x11  }
0xbb: {  	s0 =	sor.u32 s1, s0  }
0xbc: {  	s0 =	sadd.s32 $0x8F2B, s0  }
0xbd: {  	[sflag:s0] =	ssyncadd.remote.s32 $0x1  }
0xbe: {  	_ =	sfence.sel $0xFFFF  }
0xbf: {  	[dreg:$0x0] =	wrdreg $0xFFFFFFFF;
	(pc) =	sbr.abs _section_cstart, $3  }
0xc0: {  	[dreg:$0x1] =	wrdreg $0xFFFFFFFF  }
0xc1: {  	_ =	task.clear_ibuf [dreg:s6], $0x2FFFF;
	_ =	strace $0x9FFFFFFF  }
0xc2: {  	(tm) =	ssettm $0x7FFFFFFF  }
0xc3: {  	_ =	shalt  }
tec
execute0_lowered:
.L_overlay_start_1:
0x0: {  	(tag) =	ssettag $0x1  }
0x1: {  	s0 =	rddreg [dreg:$0x0]  }
0x2: {  	s2 =	rddreg [dreg:$0x1];
	s1 =	srdreg.scid  }
0x3: {  	s9 =	stileid.u32;
	s3 =	simm.s32 $0x0;
	s11 =	simm.s32 $0x18700  }
0x4: {  	s12 =	simm.s32 $0x18B00;
	s13 =	simm.s32 $0x80;
	s14 =	simm.s32 $0x18F00  }
0x5: {  	s23 =	simm.s32 $0x18780;
	s24 =	simm.s32 $0x18800;
	s26 =	simm.s32 $0x18880  }
0x6: {  	s28 =	simm.s32 $0x1;
	s29 =	simm.s32 $0x18B80;
	s4 =	smul.u32 $0x3100, s9  }
0x7: {  	s30 =	simm.s32 $0x18C00;
	s31 =	simm.s32 $0x18C80;
	s6 =	smul.u32 $0x30D40, s9  }
0x8: {  	s1 =	sand.u32 $0x1, s1;
	[smem:$0x7FF] =	sst s3;
	s8 =	smul.u32 $0x61C00, s9  }
0x9: {  	s10 =	sadd.s32 $0x3000, s0;
	s17 =	sshll.u32 s9, $0x6;
	s18 =	smul.u32 $0x61A80, s9  }
0xa: {  	s5 =	sshll.u32 s1, $0x1;
	_ =	strace $0x80000050;
	[dreg:$0x8] =	wrdreg s10  }
0xb: {  	s7 =	sshll.u32 s1, $0x4;
	s1 =	ssub.s32 $0x2, s1;
	[dreg:$0x5] =	wrdreg s23  }
0xc: {  	s25 =	sor.u32 $0x1C02, s17;
	s10 =	simm.s32 $0x2;
	[dreg:$0x6] =	wrdreg s24  }
0xd: {  	[dreg:$0x7] =	wrdreg s26;
	s17 =	simm.s32 $0x1A700;
	s23 =	simm.s32 $0x1BF00  }
0xe: {  	s24 =	simm.s32 $0x18A80;
	s26 =	simm.s32 $0x1C700;
	s5 =	sadd.s32 s5, s0  }
0xf: {  	s4 =	sadd.s32 s4, s0;
	s6 =	sor.u32 s7, s6;
	s15 =	sshrl.u32 s1, $0x1  }
0x10: {  	s16 =	sshrl.u32 s8, $0x2;
	s20 =	sshrl.u32 s18, $0x2;
	s18 =	simm.s32 $0x18900  }
0x11: {  	s7 =	simm.s32 $0x18E80;
	s8 =	simm.s32 $0x0;
	[dreg:$0x9] =	wrdreg s25  }
0x12: {  	s6 =	sshrl.u32 s6, $0x3;
	s1 =	ssub.s32 s1, s15;
	s21 =	sadd.s32 $0x1A2A00, s4  }
0x13: {  	s19 =	sadd.s32 s16, s2;
	s4 =	sadd.s32 $0x1D3A00, s4;
	s15 =	simm.s32 $0x19700  }
0x14: {  	s16 =	simm.s32 $0x19F00;
	s0 =	sadd.s32 s6, s0;
	[dreg:$0x3] =	wrdreg s21  }
0x15: {  	s6 =	sadd.s32 $0x204A00, s5;
	s1 =	smax.u32 s1, $0x1;
	[dreg:$0x4] =	wrdreg s4  }
0x16: {  	s22 =	sshrl.u32 s19, $0x3;
	s19 =	simm.s32 $0x1AF00;
	[dreg:$0xb] =	wrdreg s1  }
0x17: {  	s21 =	simm.s32 $0x1B700;
	s0 =	sadd.s32 $0x2C8200, s0;
	[dreg:$0xc] =	wrdreg s22  }
0x18: {  	s4 =	simm.s32 $0x18E00;
	[dreg:$0xa] =	wrdreg s0;
	s0 =	sadd.s32 s20, s2  }
0x19: {  	s22 =	simm.s32 $0x18A00;
	s1 =	simm.s32 $0x18D80;
	s0 =	sshrl.u32 s0, $0x3  }
0x1a: {  	s20 =	simm.s32 $0x18980;
	[dreg:$0xd] =	wrdreg s0;
	s0 =	simm.s32 $0x18D00  }
.LBB2_1:
0x1b: {  	[dreg:$0xe] =	wrdreg s8  }
0x1c: {  	s5 =	rddreg [dreg:$0x8]  }
0x1d: {  	s9 =	rddreg [dreg:$0xc]  }
0x1e: {  	[spmem:s9], [sflag:s25] =	dma.local [hbm:s5], $0x30E0  }
0x1f: {  	_ =	swait.ge [sflag:s10], $0x30E0  }
0x20: {  	[sflag:s10] =	ssyncset.done $0x0  }
0x21: {  	[sflag:s10] =	ssyncadd.s32 $0xFFFFCF20  }
0x22: {  	[bflag:$0x0] =	sbarrier.arrive $0xFFFF  }
0x23: {  	s9 =	rddreg [dreg:$0x4]  }
0x24: {  	s5 =	sadd.s32 $0x0, s9  }
0x25: {  	[tilespmem:s11], [sflag:$0x2] =	stream.linear.gather [hbm4b:s5+s3], $0x400, $0x38;
	[tilespmem:$0x1CF00] =	vst v63  }
0x26: {  	_ =	swait.ge [sflag:s10], $0x400  }
0x27: {  	s25 =	rddreg [dreg:$0x3];
	[sflag:s10] =	ssyncset.done $0x0  }
0x28: {  	[sflag:s10] =	ssyncadd.s32 $0xFFFFFC00;
	s5 =	sadd.s32 $0x0, s25  }
0x29: {  	[tilespmem:s12], [sflag:$0x2] =	stream.linear.gather [hbm4b:s5+s3], $0x400, $0x38;
	[tilespmem:$0x1CF00] =	vst v63  }
0x2a: {  	_ =	swait.ge [sflag:s10], $0x400  }
0x2b: {  	[sflag:s10] =	ssyncset.done $0x0  }
0x2c: {  	[sflag:s10] =	ssyncadd.s32 $0xFFFFFC00  }
0x2d: {  	[tilespmem:s14], [sflag:$0x1] =	stream.indirect.gather [hbm4b:s6+s13], $0x10, s11, s13, $0xb8;
	[tilespmem:$0x1CF00] =	vst v63  }
0x2e: {  	s8 =	rddreg [dreg:$0x5]  }
0x2f: {  	[tilespmem:s15], [sflag:$0x1] =	stream.indirect.gather [hbm4b:s6+s13], $0x10, s8, s13, $0xb8;
	[tilespmem:$0x1CF00] =	vst v63  }
0x30: {  	s9 =	rddreg [dreg:$0x6]  }
0x31: {  	[tilespmem:s16], [sflag:$0x1] =	stream.indirect.gather [hbm4b:s6+s13], $0x10, s9, s13, $0xb8;
	[tilespmem:$0x1CF00] =	vst v63  }
0x32: {  	s25 =	rddreg [dreg:$0x7]  }
0x33: {  	[tilespmem:s17], [sflag:$0x1] =	stream.indirect.gather [hbm4b:s6+s13], $0x10, s25, s13, $0xb8;
	[tilespmem:$0x1CF00] =	vst v63  }
0x34: {  	_ = 	snop  }
0x35: {  	[tilespmem:s19], [sflag:$0x1] =	stream.indirect.gather [hbm4b:s6+s13], $0x10, s18, s13, $0xb8;
	[tilespmem:$0x1CF00] =	vst v63  }
0x36: {  	_ = 	snop  }
0x37: {  	[tilespmem:s21], [sflag:$0x1] =	stream.indirect.gather [hbm4b:s6+s13], $0x10, s20, s13, $0xb8;
	[tilespmem:$0x1CF00] =	vst v63  }
0x38: {  	_ = 	snop  }
0x39: {  	[tilespmem:s23], [sflag:$0x1] =	stream.indirect.gather [hbm4b:s6+s13], $0x10, s22, s13, $0xb8;
	[tilespmem:$0x1CF00] =	vst v63  }
0x3a: {  	_ = 	snop  }
0x3b: {  	[tilespmem:s26], [sflag:$0x1] =	stream.indirect.gather [hbm4b:s6+s13], $0x10, s24, s13, $0xb8;
	[tilespmem:$0x1CF00] =	vst v63  }
0x3c: {  	_ =	swait.ge [sflag:s28], $0x800  }
0x3d: {  	[sflag:s28] =	ssyncset.done $0x0  }
0x3e: {  	[sflag:s28] =	ssyncadd.s32 $0xFFFFF800  }
0x3f: {  	[spmem:s2] =	stream.indirect.scatter.add.f32 [tilespmem:s14], [sflag:$0x2], $0x10, s12, s13, $0xb8;
	[tilespmem:$0x1CF00] =	vst v63  }
0x40: {  	_ =	swait.ge [sflag:s10], $0x800  }
0x41: {  	[sflag:s10] =	ssyncset.done $0x0  }
0x42: {  	[sflag:s10] =	ssyncadd.s32 $0xFFFFF800  }
0x43: {  	_ =	swait.ge [sflag:s28], $0x800  }
0x44: {  	[sflag:s28] =	ssyncset.done $0x0  }
0x45: {  	[sflag:s28] =	ssyncadd.s32 $0xFFFFF800  }
0x46: {  	[spmem:s2] =	stream.indirect.scatter.add.f32 [tilespmem:s15], [sflag:$0x2], $0x10, s29, s13, $0xb8;
	[tilespmem:$0x1CF00] =	vst v63  }
0x47: {  	_ =	swait.ge [sflag:s10], $0x800  }
0x48: {  	[sflag:s10] =	ssyncset.done $0x0  }
0x49: {  	[sflag:s10] =	ssyncadd.s32 $0xFFFFF800  }
0x4a: {  	_ =	swait.ge [sflag:s28], $0x800  }
0x4b: {  	[sflag:s28] =	ssyncset.done $0x0  }
0x4c: {  	[sflag:s28] =	ssyncadd.s32 $0xFFFFF800  }
0x4d: {  	[spmem:s2] =	stream.indirect.scatter.add.f32 [tilespmem:s16], [sflag:$0x2], $0x10, s30, s13, $0xb8;
	[tilespmem:$0x1CF00] =	vst v63  }
0x4e: {  	_ =	swait.ge [sflag:s10], $0x800  }
0x4f: {  	[sflag:s10] =	ssyncset.done $0x0  }
0x50: {  	[sflag:s10] =	ssyncadd.s32 $0xFFFFF800  }
0x51: {  	_ =	swait.ge [sflag:s28], $0x800  }
0x52: {  	[sflag:s28] =	ssyncset.done $0x0  }
0x53: {  	[sflag:s28] =	ssyncadd.s32 $0xFFFFF800  }
0x54: {  	[spmem:s2] =	stream.indirect.scatter.add.f32 [tilespmem:s17], [sflag:$0x2], $0x10, s31, s13, $0xb8;
	[tilespmem:$0x1CF00] =	vst v63  }
0x55: {  	_ =	swait.ge [sflag:s10], $0x800  }
0x56: {  	[sflag:s10] =	ssyncset.done $0x0  }
0x57: {  	[sflag:s10] =	ssyncadd.s32 $0xFFFFF800  }
0x58: {  	_ =	swait.ge [sflag:s28], $0x800  }
0x59: {  	[sflag:s28] =	ssyncset.done $0x0  }
0x5a: {  	[sflag:s28] =	ssyncadd.s32 $0xFFFFF800  }
0x5b: {  	[spmem:s2] =	stream.indirect.scatter.add.f32 [tilespmem:s19], [sflag:$0x2], $0x10, s0, s13, $0xb8;
	[tilespmem:$0x1CF00] =	vst v63  }
0x5c: {  	_ =	swait.ge [sflag:s10], $0x800  }
0x5d: {  	[sflag:s10] =	ssyncset.done $0x0  }
0x5e: {  	[sflag:s10] =	ssyncadd.s32 $0xFFFFF800  }
0x5f: {  	_ =	swait.ge [sflag:s28], $0x800  }
0x60: {  	[sflag:s28] =	ssyncset.done $0x0  }
0x61: {  	[sflag:s28] =	ssyncadd.s32 $0xFFFFF800  }
0x62: {  	[spmem:s2] =	stream.indirect.scatter.add.f32 [tilespmem:s21], [sflag:$0x2], $0x10, s1, s13, $0xb8;
	[tilespmem:$0x1CF00] =	vst v63  }
0x63: {  	_ =	swait.ge [sflag:s10], $0x800  }
0x64: {  	[sflag:s10] =	ssyncset.done $0x0  }
0x65: {  	[sflag:s10] =	ssyncadd.s32 $0xFFFFF800  }
0x66: {  	_ =	swait.ge [sflag:s28], $0x800  }
0x67: {  	[sflag:s28] =	ssyncset.done $0x0  }
0x68: {  	[sflag:s28] =	ssyncadd.s32 $0xFFFFF800  }
0x69: {  	[spmem:s2] =	stream.indirect.scatter.add.f32 [tilespmem:s23], [sflag:$0x2], $0x10, s4, s13, $0xb8;
	[tilespmem:$0x1CF00] =	vst v63  }
0x6a: {  	_ =	swait.ge [sflag:s10], $0x800  }
0x6b: {  	[sflag:s10] =	ssyncset.done $0x0  }
0x6c: {  	[sflag:s10] =	ssyncadd.s32 $0xFFFFF800  }
0x6d: {  	_ =	swait.ge [sflag:s28], $0x800  }
0x6e: {  	[sflag:s28] =	ssyncset.done $0x0  }
0x6f: {  	[sflag:s28] =	ssyncadd.s32 $0xFFFFF800  }
0x70: {  	[spmem:s2] =	stream.indirect.scatter.add.f32 [tilespmem:s26], [sflag:$0x2], $0x10, s7, s13, $0xb8;
	[tilespmem:$0x1CF00] =	vst v63  }
0x71: {  	s9 =	simm.s32 $0x80;
	_ =	swait.ge [sflag:s10], $0x800  }
0x72: {  	s25 =	simm.s32 $0x100;
	s5 =	rddreg [dreg:$0x4];
	[sflag:s10] =	ssyncset.done $0x0  }
.LBB2_2:
0x73: {  	[sflag:s10] =	ssyncadd.s32 $0xFFFFF800;
	s5 =	sadd.s32 s9, s5  }
0x74: {  	[tilespmem:s11], [sflag:$0x2] =	stream.linear.gather [hbm4b:s5+s3], $0x400, $0x38;
	[tilespmem:$0x1CF00] =	vst v63  }
0x75: {  	_ =	swait.ge [sflag:s10], $0x400  }
0x76: {  	s5 =	rddreg [dreg:$0x3];
	[sflag:s10] =	ssyncset.done $0x0  }
0x77: {  	[sflag:s10] =	ssyncadd.s32 $0xFFFFFC00;
	s5 =	sadd.s32 s9, s5  }
0x78: {  	[tilespmem:s12], [sflag:$0x2] =	stream.linear.gather [hbm4b:s5+s3], $0x400, $0x38;
	[tilespmem:$0x1CF00] =	vst v63  }
0x79: {  	_ =	swait.ge [sflag:s10], $0x400  }
0x7a: {  	[sflag:s10] =	ssyncset.done $0x0  }
0x7b: {  	[sflag:s10] =	ssyncadd.s32 $0xFFFFFC00  }
0x7c: {  	[tilespmem:s14], [sflag:$0x1] =	stream.indirect.gather [hbm4b:s6+s13], $0x10, s11, s13, $0xb8;
	[tilespmem:$0x1CF00] =	vst v63  }
0x7d: {  	s8 =	smov.u32 s25;
	s5 =	rddreg [dreg:$0x5]  }
0x7e: {  	[tilespmem:s15], [sflag:$0x1] =	stream.indirect.gather [hbm4b:s6+s13], $0x10, s5, s13, $0xb8;
	[tilespmem:$0x1CF00] =	vst v63  }
0x7f: {  	s9 =	smov.u32 s8;
	s8 =	rddreg [dreg:$0x6]  }
0x80: {  	[tilespmem:s16], [sflag:$0x1] =	stream.indirect.gather [hbm4b:s6+s13], $0x10, s8, s13, $0xb8;
	[tilespmem:$0x1CF00] =	vst v63  }
0x81: {  	s5 =	rddreg [dreg:$0x7]  }
0x82: {  	[tilespmem:s17], [sflag:$0x1] =	stream.indirect.gather [hbm4b:s6+s13], $0x10, s5, s13, $0xb8;
	[tilespmem:$0x1CF00] =	vst v63  }
0x83: {  	_ = 	snop  }
0x84: {  	[tilespmem:s19], [sflag:$0x1] =	stream.indirect.gather [hbm4b:s6+s13], $0x10, s18, s13, $0xb8;
	[tilespmem:$0x1CF00] =	vst v63  }
0x85: {  	_ = 	snop  }
0x86: {  	[tilespmem:s21], [sflag:$0x1] =	stream.indirect.gather [hbm4b:s6+s13], $0x10, s20, s13, $0xb8;
	[tilespmem:$0x1CF00] =	vst v63  }
0x87: {  	_ = 	snop  }
0x88: {  	[tilespmem:s23], [sflag:$0x1] =	stream.indirect.gather [hbm4b:s6+s13], $0x10, s22, s13, $0xb8;
	[tilespmem:$0x1CF00] =	vst v63  }
0x89: {  	_ = 	snop  }
0x8a: {  	[tilespmem:s26], [sflag:$0x1] =	stream.indirect.gather [hbm4b:s6+s13], $0x10, s24, s13, $0xb8;
	[tilespmem:$0x1CF00] =	vst v63  }
0x8b: {  	_ =	swait.ge [sflag:s28], $0x800  }
0x8c: {  	[sflag:s28] =	ssyncset.done $0x0  }
0x8d: {  	[sflag:s28] =	ssyncadd.s32 $0xFFFFF800  }
0x8e: {  	[spmem:s2] =	stream.indirect.scatter.add.f32 [tilespmem:s14], [sflag:$0x2], $0x10, s12, s13, $0xb8;
	[tilespmem:$0x1CF00] =	vst v63  }
0x8f: {  	_ =	swait.ge [sflag:s10], $0x800  }
0x90: {  	[sflag:s10] =	ssyncset.done $0x0  }
0x91: {  	[sflag:s10] =	ssyncadd.s32 $0xFFFFF800  }
0x92: {  	_ =	swait.ge [sflag:s28], $0x800  }
0x93: {  	[sflag:s28] =	ssyncset.done $0x0  }
0x94: {  	[sflag:s28] =	ssyncadd.s32 $0xFFFFF800  }
0x95: {  	[spmem:s2] =	stream.indirect.scatter.add.f32 [tilespmem:s15], [sflag:$0x2], $0x10, s29, s13, $0xb8;
	[tilespmem:$0x1CF00] =	vst v63  }
0x96: {  	_ =	swait.ge [sflag:s10], $0x800  }
0x97: {  	[sflag:s10] =	ssyncset.done $0x0  }
0x98: {  	[sflag:s10] =	ssyncadd.s32 $0xFFFFF800  }
0x99: {  	_ =	swait.ge [sflag:s28], $0x800  }
0x9a: {  	[sflag:s28] =	ssyncset.done $0x0  }
0x9b: {  	[sflag:s28] =	ssyncadd.s32 $0xFFFFF800  }
0x9c: {  	[spmem:s2] =	stream.indirect.scatter.add.f32 [tilespmem:s16], [sflag:$0x2], $0x10, s30, s13, $0xb8;
	[tilespmem:$0x1CF00] =	vst v63  }
0x9d: {  	_ =	swait.ge [sflag:s10], $0x800  }
0x9e: {  	[sflag:s10] =	ssyncset.done $0x0  }
0x9f: {  	[sflag:s10] =	ssyncadd.s32 $0xFFFFF800  }
0xa0: {  	_ =	swait.ge [sflag:s28], $0x800  }
0xa1: {  	[sflag:s28] =	ssyncset.done $0x0  }
0xa2: {  	[sflag:s28] =	ssyncadd.s32 $0xFFFFF800  }
0xa3: {  	[spmem:s2] =	stream.indirect.scatter.add.f32 [tilespmem:s17], [sflag:$0x2], $0x10, s31, s13, $0xb8;
	[tilespmem:$0x1CF00] =	vst v63  }
0xa4: {  	_ =	swait.ge [sflag:s10], $0x800  }
0xa5: {  	[sflag:s10] =	ssyncset.done $0x0  }
0xa6: {  	[sflag:s10] =	ssyncadd.s32 $0xFFFFF800  }
0xa7: {  	_ =	swait.ge [sflag:s28], $0x800  }
0xa8: {  	[sflag:s28] =	ssyncset.done $0x0  }
0xa9: {  	[sflag:s28] =	ssyncadd.s32 $0xFFFFF800  }
0xaa: {  	[spmem:s2] =	stream.indirect.scatter.add.f32 [tilespmem:s19], [sflag:$0x2], $0x10, s0, s13, $0xb8;
	[tilespmem:$0x1CF00] =	vst v63  }
0xab: {  	_ =	swait.ge [sflag:s10], $0x800  }
0xac: {  	[sflag:s10] =	ssyncset.done $0x0  }
0xad: {  	[sflag:s10] =	ssyncadd.s32 $0xFFFFF800  }
0xae: {  	_ =	swait.ge [sflag:s28], $0x800  }
0xaf: {  	[sflag:s28] =	ssyncset.done $0x0  }
0xb0: {  	[sflag:s28] =	ssyncadd.s32 $0xFFFFF800  }
0xb1: {  	[spmem:s2] =	stream.indirect.scatter.add.f32 [tilespmem:s21], [sflag:$0x2], $0x10, s1, s13, $0xb8;
	[tilespmem:$0x1CF00] =	vst v63  }
0xb2: {  	_ =	swait.ge [sflag:s10], $0x800  }
0xb3: {  	[sflag:s10] =	ssyncset.done $0x0  }
0xb4: {  	[sflag:s10] =	ssyncadd.s32 $0xFFFFF800  }
0xb5: {  	_ =	swait.ge [sflag:s28], $0x800  }
0xb6: {  	[sflag:s28] =	ssyncset.done $0x0  }
0xb7: {  	[sflag:s28] =	ssyncadd.s32 $0xFFFFF800  }
0xb8: {  	[spmem:s2] =	stream.indirect.scatter.add.f32 [tilespmem:s23], [sflag:$0x2], $0x10, s4, s13, $0xb8;
	[tilespmem:$0x1CF00] =	vst v63  }
0xb9: {  	_ =	swait.ge [sflag:s10], $0x800  }
0xba: {  	[sflag:s10] =	ssyncset.done $0x0  }
0xbb: {  	[sflag:s10] =	ssyncadd.s32 $0xFFFFF800  }
0xbc: {  	p0 =	sne.s32 s25, $0x3080;
	_ =	swait.ge [sflag:s28], $0x800  }
.Ltmp0:
0xbd: {  	[sflag:s28] =	ssyncset.done $0x0;
	(pc) =	sbr.rel @p0 .LBB2_2-.Ltmp0, $4  }
0xbe: {  	[sflag:s28] =	ssyncadd.s32 $0xFFFFF800  }
0xbf: {  	[spmem:s2] =	stream.indirect.scatter.add.f32 [tilespmem:s26], [sflag:$0x2], $0x10, s7, s13, $0xb8;
	[tilespmem:$0x1CF00] =	vst v63  }
0xc0: {  	_ =	swait.ge [sflag:s10], $0x800  }
0xc1: {  	s25 =	sadd.s32 $0x80, s25;
	s5 =	rddreg [dreg:$0x4];
	[sflag:s10] =	ssyncset.done $0x0  }
0xc2: {  	[sflag:s10] =	ssyncadd.s32 $0xFFFFF800;
	s5 =	sadd.s32 s9, s5  }
0xc3: {  	[tilespmem:s11], [sflag:$0x2] =	stream.linear.gather [hbm4b:s5+s3], $0x400, $0x38;
	[tilespmem:$0x1CF00] =	vst v63  }
0xc4: {  	_ =	swait.ge [sflag:s10], $0x400  }
0xc5: {  	s8 =	rddreg [dreg:$0x3];
	[sflag:s10] =	ssyncset.done $0x0  }
0xc6: {  	[sflag:s10] =	ssyncadd.s32 $0xFFFFFC00;
	s5 =	sadd.s32 s9, s8  }
0xc7: {  	[tilespmem:s12], [sflag:$0x2] =	stream.linear.gather [hbm4b:s5+s3], $0x400, $0x38;
	[tilespmem:$0x1CF00] =	vst v63  }
0xc8: {  	_ =	swait.ge [sflag:s10], $0x400  }
0xc9: {  	[sflag:s10] =	ssyncset.done $0x0  }
0xca: {  	[sflag:s10] =	ssyncadd.s32 $0xFFFFFC00  }
0xcb: {  	[tilespmem:s14], [sflag:$0x1] =	stream.indirect.gather [hbm4b:s6+s13], $0x10, s11, s13, $0xb8;
	[tilespmem:$0x1CF00] =	vst v63  }
0xcc: {  	s9 =	rddreg [dreg:$0x5]  }
0xcd: {  	[tilespmem:s15], [sflag:$0x1] =	stream.indirect.gather [hbm4b:s6+s13], $0x10, s9, s13, $0xb8;
	[tilespmem:$0x1CF00] =	vst v63  }
0xce: {  	s8 =	rddreg [dreg:$0x6]  }
0xcf: {  	[tilespmem:s16], [sflag:$0x1] =	stream.indirect.gather [hbm4b:s6+s13], $0x10, s8, s13, $0xb8;
	[tilespmem:$0x1CF00] =	vst v63  }
0xd0: {  	s25 =	rddreg [dreg:$0x7]  }
0xd1: {  	[tilespmem:s17], [sflag:$0x1] =	stream.indirect.gather [hbm4b:s6+s13], $0x10, s25, s13, $0xb8;
	[tilespmem:$0x1CF00] =	vst v63  }
0xd2: {  	_ = 	snop  }
0xd3: {  	[tilespmem:s19], [sflag:$0x1] =	stream.indirect.gather [hbm4b:s6+s13], $0x10, s18, s13, $0xb8;
	[tilespmem:$0x1CF00] =	vst v63  }
0xd4: {  	_ = 	snop  }
0xd5: {  	[tilespmem:s21], [sflag:$0x1] =	stream.indirect.gather [hbm4b:s6+s13], $0x10, s20, s13, $0xb8;
	[tilespmem:$0x1CF00] =	vst v63  }
0xd6: {  	_ = 	snop  }
0xd7: {  	[tilespmem:s23], [sflag:$0x1] =	stream.indirect.gather [hbm4b:s6+s13], $0x10, s22, s13, $0xb8;
	[tilespmem:$0x1CF00] =	vst v63  }
0xd8: {  	_ = 	snop  }
0xd9: {  	[tilespmem:s26], [sflag:$0x1] =	stream.indirect.gather [hbm4b:s6+s13], $0x10, s24, s13, $0xb8;
	[tilespmem:$0x1CF00] =	vst v63  }
0xda: {  	_ =	swait.ge [sflag:s28], $0x800  }
0xdb: {  	[sflag:s28] =	ssyncset.done $0x0  }
0xdc: {  	[sflag:s28] =	ssyncadd.s32 $0xFFFFF800  }
0xdd: {  	[spmem:s2] =	stream.indirect.scatter.add.f32 [tilespmem:s14], [sflag:$0x2], $0x10, s12, s13, $0xb8;
	[tilespmem:$0x1CF00] =	vst v63  }
0xde: {  	_ =	swait.ge [sflag:s10], $0x800  }
0xdf: {  	[sflag:s10] =	ssyncset.done $0x0  }
0xe0: {  	[sflag:s10] =	ssyncadd.s32 $0xFFFFF800  }
0xe1: {  	_ =	swait.ge [sflag:s28], $0x800  }
0xe2: {  	[sflag:s28] =	ssyncset.done $0x0  }
0xe3: {  	[sflag:s28] =	ssyncadd.s32 $0xFFFFF800  }
0xe4: {  	[spmem:s2] =	stream.indirect.scatter.add.f32 [tilespmem:s15], [sflag:$0x2], $0x10, s29, s13, $0xb8;
	[tilespmem:$0x1CF00] =	vst v63  }
0xe5: {  	_ =	swait.ge [sflag:s10], $0x800  }
0xe6: {  	[sflag:s10] =	ssyncset.done $0x0  }
0xe7: {  	[sflag:s10] =	ssyncadd.s32 $0xFFFFF800  }
0xe8: {  	_ =	swait.ge [sflag:s28], $0x800  }
0xe9: {  	[sflag:s28] =	ssyncset.done $0x0  }
0xea: {  	[sflag:s28] =	ssyncadd.s32 $0xFFFFF800  }
0xeb: {  	[spmem:s2] =	stream.indirect.scatter.add.f32 [tilespmem:s16], [sflag:$0x2], $0x10, s30, s13, $0xb8;
	[tilespmem:$0x1CF00] =	vst v63  }
0xec: {  	_ =	swait.ge [sflag:s10], $0x800  }
0xed: {  	[sflag:s10] =	ssyncset.done $0x0  }
0xee: {  	[sflag:s10] =	ssyncadd.s32 $0xFFFFF800  }
0xef: {  	_ =	swait.ge [sflag:s28], $0x800  }
0xf0: {  	[sflag:s28] =	ssyncset.done $0x0  }
0xf1: {  	[sflag:s28] =	ssyncadd.s32 $0xFFFFF800  }
0xf2: {  	[spmem:s2] =	stream.indirect.scatter.add.f32 [tilespmem:s17], [sflag:$0x2], $0x10, s31, s13, $0xb8;
	[tilespmem:$0x1CF00] =	vst v63  }
0xf3: {  	_ =	swait.ge [sflag:s10], $0x800  }
0xf4: {  	[sflag:s10] =	ssyncset.done $0x0  }
0xf5: {  	[sflag:s10] =	ssyncadd.s32 $0xFFFFF800  }
0xf6: {  	_ =	swait.ge [sflag:s28], $0x800  }
0xf7: {  	[sflag:s28] =	ssyncset.done $0x0  }
0xf8: {  	[sflag:s28] =	ssyncadd.s32 $0xFFFFF800  }
0xf9: {  	[spmem:s2] =	stream.indirect.scatter.add.f32 [tilespmem:s19], [sflag:$0x2], $0x10, s0, s13, $0xb8;
	[tilespmem:$0x1CF00] =	vst v63  }
0xfa: {  	_ =	swait.ge [sflag:s10], $0x800  }
0xfb: {  	[sflag:s10] =	ssyncset.done $0x0  }
0xfc: {  	[sflag:s10] =	ssyncadd.s32 $0xFFFFF800  }
0xfd: {  	_ =	swait.ge [sflag:s28], $0x800  }
0xfe: {  	[sflag:s28] =	ssyncset.done $0x0  }
0xff: {  	[sflag:s28] =	ssyncadd.s32 $0xFFFFF800  }
0x100: {  	[spmem:s2] =	stream.indirect.scatter.add.f32 [tilespmem:s21], [sflag:$0x2], $0x10, s1, s13, $0xb8;
	[tilespmem:$0x1CF00] =	vst v63  }
0x101: {  	_ =	swait.ge [sflag:s10], $0x800  }
0x102: {  	[sflag:s10] =	ssyncset.done $0x0  }
0x103: {  	[sflag:s10] =	ssyncadd.s32 $0xFFFFF800  }
0x104: {  	_ =	swait.ge [sflag:s28], $0x800  }
0x105: {  	[sflag:s28] =	ssyncset.done $0x0  }
0x106: {  	[sflag:s28] =	ssyncadd.s32 $0xFFFFF800  }
0x107: {  	[spmem:s2] =	stream.indirect.scatter.add.f32 [tilespmem:s23], [sflag:$0x2], $0x10, s4, s13, $0xb8;
	[tilespmem:$0x1CF00] =	vst v63  }
0x108: {  	_ =	swait.ge [sflag:s10], $0x800  }
0x109: {  	[sflag:s10] =	ssyncset.done $0x0  }
0x10a: {  	[sflag:s10] =	ssyncadd.s32 $0xFFFFF800  }
0x10b: {  	_ =	swait.ge [sflag:s28], $0x800  }
0x10c: {  	[sflag:s28] =	ssyncset.done $0x0  }
0x10d: {  	[sflag:s28] =	ssyncadd.s32 $0xFFFFF800  }
0x10e: {  	[spmem:s2] =	stream.indirect.scatter.add.f32 [tilespmem:s26], [sflag:$0x2], $0x10, s7, s13, $0xb8;
	[tilespmem:$0x1CF00] =	vst v63  }
0x10f: {  	_ =	swait.ge [sflag:s10], $0x800  }
0x110: {  	[sflag:s10] =	ssyncset.done $0x0  }
0x111: {  	[sflag:s10] =	ssyncadd.s32 $0xFFFFF800  }
0x112: {  	[bflag:$0x0] =	sbarrier.arrive $0xFFFF  }
0x113: {  	s25 =	rddreg [dreg:$0x9]  }
0x114: {  	s5 =	rddreg [dreg:$0xa]  }
0x115: {  	s9 =	simm.s32 $0x4;
	s8 =	rddreg [dreg:$0xd]  }
0x116: {  	[hbm:s5@s9], [sflag:s25] =	dma.strided [spmem:s8@s10], $0x30D4, s28, $0x2   }
0x117: {  	_ =	swait.ge [sflag:s10], $0x30D4  }
0x118: {  	s5 =	rddreg [dreg:$0xe]  }
0x119: {  	s9 =	rddreg [dreg:$0xb];
	s8 =	sadd.s32 $0x1, s5  }
0x11a: {  	p0 =	sne.s32 s8, s9  }
.Ltmp1:
0x11b: {  	_ = 	snop;
	(pc) =	sbr.rel @p0 .LBB2_1-.Ltmp1, $3  }
0x11c: {  	_ =	sdelay $0x1  }
0x11d: {  	[sflag:s10] =	ssyncset.done $0x0  }
0x11e: {  	[sflag:s10] =	ssyncadd.s32 $0xFFFFCF2C  }
0x11f: {  	_ =	sfence.sel $0x180000  }
0x120: {  	[bflag:$0x0] =	sbarrier.arrive $0xFFFF  }
0x121: {  	_ =	strace $0x90000050  }
0x122: {  	s0 =	stileid.u32;
	[bflag:$0x2] =	sbarrier.arrive $0xFFFF  }
0x123: {  	p0 =	sne.s32 s0, $0x0;
	s0 =	rddreg [dreg:$0x2]  }
0x124: {  	s0 =	sadd.s32 @!p0 $0x100000, s0  }
0x125: {  	[sflag:s0] =	ssyncadd.tile.s32 @!p0 $0x1;
	_ =	shalt  }
.Lfunc_end2:
_tile_overlayer_lowered:
.L_overlay_start_2:
0x126: {  	(tag) =	ssettag $0x2  }
0x127: {  	s0 =	rddreg [dreg:$0x0];
	s2 =	stileid.u32  }
0x128: {  	s1 =	rddreg [dreg:$0x1];
	p0 =	sne.s32 s2, $0x0  }
0x129: {  	s3 =	rddreg [dreg:$0x2];
	[bflag:$0x3] =	sbarrier.arrive $0xFFFF;
	s2 =	simm.s32 @!p0 $0x1C02  }
0x12a: {  	[timem:s3], [sflag:s2] =	dma.local @!p0 [hbm:s0], s1  }
0x12b: {  	s0 =	simm.s32 @!p0 $0x2  }
0x12c: {  	_ =	swait.ge @!p0 [sflag:s0], s1  }
0x12d: {  	s1 =	ssub.s32 @!p0 $0x0, s1;
	[sflag:s0] =	ssyncset.done @!p0 $0x0  }
0x12e: {  	[sflag:s0] =	ssyncadd.s32 @!p0 s1  }
0x12f: {  	[bflag:$0x3] =	sbarrier.arrive $0xFFFF  }
0x130: {  	_ =	shalt  }

</sc_bundles>
